<compile_context>
chip_gen: v7x
topology: tpu7x:2x2x1
jax: 0.10.2.dev20260603
libtpu: 0.0.44.dev20260713+nightly
codegen_flags: <defaults>
</compile_context>

<pallas_src>
import functools
import math

import jax
import jax.numpy as jnp
from jax import lax
from jax.experimental import pallas as pl
from jax.experimental.pallas import tpu as pltpu
from jax.experimental.pallas import tpu_sc as plsc

N = 10000
EMB = 128
HD = 64
N_PAD = 10240
NC, NS = 2, 16
C = 80
K = 512
E_SUB = C * K
E_PAD = E_SUB * NS
N_ACC = 10112
ROWS_PER_SUB = N_ACC // NS


def _proj_kernel(x_ref, wkqv_ref, bkqv_ref, watt1_ref, batt1_ref,
                 s_ref, aq_ref):
    wk = watt1_ref[0:HD, :]
    wq = watt1_ref[HD:2 * HD, :]
    w = wkqv_ref[...]
    b = bkqv_ref[...]
    scale = 1.0 / math.sqrt(HD)
    dot = functools.partial(jnp.dot, preferred_element_type=jnp.float32)
    wcat = jnp.concatenate([
        dot(w[:, 128:192] * scale, wk),
        w[:, 256:320],
        dot(w[:, 192:256] * scale, wk),
        w[:, 320:384],
        dot(w[:, 0:64], wq),
        dot(w[:, 64:128], wq),
    ], axis=1)
    b1 = batt1_ref[...]
    bcat = jnp.concatenate([
        dot(b[:, 128:192] * scale, wk),
        b[:, 256:320],
        dot(b[:, 192:256] * scale, wk),
        b[:, 320:384],
        dot(b[:, 0:64], wq) + b1,
        dot(b[:, 64:128], wq) + b1,
    ], axis=1)
    t = dot(x_ref[...], wcat) + bcat
    s_ref[0] = t[:, 0:128]
    s_ref[1] = t[:, 128:256]
    aq_ref[...] = t[:, 256:384]


def _project(x_pad, w_kqv, b_kqv, w_att1, b_att1):
    blk = 512
    grid = (N_PAD // blk,)
    full = lambda shape: pl.BlockSpec(shape, lambda i: tuple(0 for _ in shape))
    return pl.pallas_call(
        _proj_kernel,
        grid=grid,
        in_specs=[
            pl.BlockSpec((blk, EMB), lambda i: (i, 0)),
            full((EMB, 3 * EMB)),
            full((1, 3 * EMB)),
            full((2 * HD, HD)),
            full((1, HD)),
        ],
        out_specs=[
            pl.BlockSpec((NC, blk, EMB), lambda i: (0, i, 0)),
            pl.BlockSpec((blk, EMB), lambda i: (i, 0)),
        ],
        out_shape=[
            jax.ShapeDtypeStruct((NC, N_PAD, EMB), jnp.float32),
            jax.ShapeDtypeStruct((N_PAD, EMB), jnp.float32),
        ],
    )(x_pad, w_kqv, b_kqv, w_att1, b_att1)


def _edge_kernel(s_hbm, aq_hbm, src2_hbm, dst2_hbm, w2_hbm, z_hbm,
                 acc_hbm,
                 src_v, dst_v, s_rows, aq_rows, w2_v,
                 acc_sh, sem_s, sem_q, sem_i):
    cc = lax.axis_index("c")
    sid = lax.axis_index("s")
    row_base = sid * K

    pltpu.sync_copy(z_hbm, acc_sh.at[pl.ds(sid * ROWS_PER_SUB, ROWS_PER_SUB)])
    pltpu.sync_copy(w2_hbm, w2_v)
    plsc.subcore_barrier()

    w2v = [w2_v[pl.ds(16 * j, 16)] for j in range(4)]
    lane = lax.iota(jnp.int32, 16)
    perms = [jnp.bitwise_xor(lane, sh) for sh in (8, 4, 2, 1)]
    tail_base = jnp.where(lane == 1, 1.0, 0.0).astype(jnp.float32)
    aq_off = cc * HD

    def hsum(u):
        for p in perms:
            u = u + u.at[p].get(mode="promise_in_bounds")
        return u

    def fetch_idx(k, s):
        pltpu.async_copy(src2_hbm.at[row_base + k], src_v.at[s], sem_i.at[s])
        pltpu.async_copy(dst2_hbm.at[row_base + k], dst_v.at[s], sem_i.at[s])

    def wait_idx(k, s):
        pltpu.make_async_copy(src2_hbm.at[row_base + k],
                              src_v.at[s], sem_i.at[s]).wait()
        pltpu.make_async_copy(dst2_hbm.at[row_base + k],
                              dst_v.at[s], sem_i.at[s]).wait()

    def gather(s, b):
        pltpu.async_copy(s_hbm.at[cc].at[src_v.at[s]], s_rows.at[b],
                         sem_s.at[b])
        pltpu.async_copy(aq_hbm.at[dst_v.at[s]], aq_rows.at[b], sem_q.at[b])

    def wait_gather(s, b):
        pltpu.make_async_copy(s_hbm.at[cc].at[src_v.at[s]],
                              s_rows.at[b], sem_s.at[b]).wait()
        pltpu.make_async_copy(aq_hbm.at[dst_v.at[s]],
                              aq_rows.at[b], sem_q.at[b]).wait()

    def compute(b):
        @plsc.parallel_loop(0, C, unroll=4)
        def edge_body(e):
            t = [jnp.maximum(s_rows[b, e, pl.ds(16 * j, 16)]
                             + aq_rows[b, e, pl.ds(aq_off + 16 * j, 16)], 0.0)
                 * w2v[j] for j in range(4)]
            wv = jnp.exp(hsum((t[0] + t[1]) + (t[2] + t[3])))
            vv = [s_rows[b, e, pl.ds(64 + 16 * j, 16)] for j in range(4)]
            for j in range(4):
                s_rows[b, e, pl.ds(16 * j, 16)] = vv[j] * wv
            s_rows[b, e, pl.ds(64, 16)] = jnp.where(lane == 0, wv, tail_base)

    for s in range(4):
        fetch_idx(s, s)
    wait_idx(0, 0)
    gather(0, 0)
    wait_idx(1, 1)
    gather(1, 1)

    def quad_body(q, carry):
        k0 = q * 4
        for i in range(4):
            k = k0 + i
            b = i % 2
            wait_gather(i, b)
            compute(b)
            pltpu.sync_copy(s_rows.at[b], acc_sh.at[dst_v.at[i]], add=True)

            @pl.when(k + 2 < K)
            def _():
                wait_idx(k + 2, (i + 2) % 4)
                gather((i + 2) % 4, b)

            @pl.when(k + 4 < K)
            def _():
                fetch_idx(k + 4, i)
        return carry

    lax.fori_loop(0, K // 4, quad_body, 0)
    plsc.subcore_barrier()
    pltpu.sync_copy(acc_sh.at[pl.ds(sid * ROWS_PER_SUB, ROWS_PER_SUB)],
                    acc_hbm.at[cc, pl.ds(sid * ROWS_PER_SUB, ROWS_PER_SUB)])


def _edge_pass(s_tab, aq_tab, src2, dst2, w2t, zrows):
    mesh = plsc.VectorSubcoreMesh(core_axis_name="c", subcore_axis_name="s")
    f = pl.kernel(
        _edge_kernel,
        out_type=jax.ShapeDtypeStruct((NC, N_PAD, EMB), jnp.float32),
        mesh=mesh,
        scratch_types=[
            pltpu.VMEM((4, C), jnp.int32),
            pltpu.VMEM((4, C), jnp.int32),
            pltpu.VMEM((2, C, EMB), jnp.float32),
            pltpu.VMEM((2, C, EMB), jnp.float32),
            pltpu.VMEM((HD,), jnp.float32),
            pltpu.VMEM_SHARED((N_ACC, EMB), jnp.float32),
            pltpu.SemaphoreType.DMA((2,)),
            pltpu.SemaphoreType.DMA((2,)),
            pltpu.SemaphoreType.DMA((4,)),
        ],
    )
    return f(s_tab, aq_tab, src2, dst2, w2t, zrows)


def _out_kernel(acc_ref, x_ref, wout_ref, bout_ref, o_ref):
    a0 = acc_ref[0]
    a1 = acc_ref[1]
    norm = jnp.concatenate([a0[:, 0:64] / (a0[:, 64:65] + 1e-16),
                            a1[:, 0:64] / (a1[:, 64:65] + 1e-16)], axis=1)
    cnt = a0[:, 65:66]
    o = (jnp.dot(norm, wout_ref[...], preferred_element_type=jnp.float32)
         + cnt * bout_ref[...])
    o_ref[...] = jnp.maximum(o, 0.0) + x_ref[...]


def _finish(acc, x_pad, w_out, b_out):
    blk = 512
    grid = (N_PAD // blk,)
    return pl.pallas_call(
        _out_kernel,
        grid=grid,
        in_specs=[
            pl.BlockSpec((NC, blk, EMB), lambda i: (0, i, 0)),
            pl.BlockSpec((blk, EMB), lambda i: (i, 0)),
            pl.BlockSpec((EMB, EMB), lambda i: (0, 0)),
            pl.BlockSpec((1, EMB), lambda i: (0, 0)),
        ],
        out_specs=pl.BlockSpec((blk, EMB), lambda i: (i, 0)),
        out_shape=jax.ShapeDtypeStruct((N_PAD, EMB), jnp.float32),
    )(acc, x_pad, w_out, b_out)


def kernel(x, edge_index, W_kqv, b_kqv, W_att1, b_att1, W_att2, b_att2,
           W_out, b_out):
    n = x.shape[0]
    ei = jnp.concatenate([edge_index, edge_index[::-1]], axis=1)
    mask = ei[0] != ei[1]
    src = jnp.where(mask, ei[0], jnp.zeros((), jnp.int32))
    dst = jnp.where(mask, ei[1], jnp.asarray(n, jnp.int32))
    loops = jnp.arange(n, dtype=jnp.int32)
    src = jnp.concatenate([src, loops])
    dst = jnp.concatenate([dst, loops])
    pad = E_PAD - src.shape[0]
    src = jnp.concatenate([src, jnp.zeros((pad,), jnp.int32)]).reshape(-1, C)
    dst = jnp.concatenate([dst, jnp.full((pad,), n + 1, jnp.int32)]).reshape(-1, C)

    x_pad = jnp.pad(x, ((0, N_PAD - n), (0, 0)))
    w2t = W_att2[:, 0]
    zrows = jnp.zeros((ROWS_PER_SUB, EMB), jnp.float32)

    s_tab, aq_tab = _project(x_pad, W_kqv, b_kqv.reshape(1, -1),
                             W_att1, b_att1.reshape(1, -1))
    acc = _edge_pass(s_tab, aq_tab, src, dst, w2t, zrows)
    out = _finish(acc, x_pad, W_out, b_out.reshape(1, -1))
    return out[:n]

# --- scband reference (transcript-rebuilt; emitter-appended) ---
"""Pipeline reference for scband-meta-gnnno-edge-attr-60765197304213 (READ-ONLY COPY).

The authoritative reference and input builder live on the scoring server;
editing this copy changes nothing except your own understanding.
"""

import jax, jax.numpy as jnp
import numpy as np
import math

N_NODES = 10000
EMB = 128
HEADS = 2
N_EDGES = 320000


def setup_inputs(seed: int = 0) -> dict:
    key = jax.random.key(seed)
    ks = jax.random.split(key, 12)
    x = jax.random.normal(ks[0], (N_NODES, EMB), dtype=jnp.float32)
    edge_index = jax.random.randint(ks[1], (2, N_EDGES), 0, N_NODES, dtype=jnp.int32)
    hd = EMB // HEADS
    s1 = 1.0 / math.sqrt(EMB)
    s2 = 1.0 / math.sqrt(2 * hd)
    s3 = 1.0 / math.sqrt(hd)
    W_kqv = jax.random.uniform(ks[2], (EMB, 3 * EMB), minval=-s1, maxval=s1, dtype=jnp.float32)
    b_kqv = jax.random.uniform(ks[3], (3 * EMB,), minval=-s1, maxval=s1, dtype=jnp.float32)
    W_att1 = jax.random.uniform(ks[4], (2 * hd, hd), minval=-s2, maxval=s2, dtype=jnp.float32)
    b_att1 = jax.random.uniform(ks[5], (hd,), minval=-s2, maxval=s2, dtype=jnp.float32)
    W_att2 = jax.random.uniform(ks[6], (hd, 1), minval=-s3, maxval=s3, dtype=jnp.float32)
    b_att2 = jax.random.uniform(ks[7], (1,), minval=-s3, maxval=s3, dtype=jnp.float32)
    W_out = jax.random.uniform(ks[8], (EMB, EMB), minval=-s1, maxval=s1, dtype=jnp.float32)
    b_out = jax.random.uniform(ks[9], (EMB,), minval=-s1, maxval=s1, dtype=jnp.float32)
    return {"x": x, "edge_index": edge_index, "W_kqv": W_kqv, "b_kqv": b_kqv,
            "W_att1": W_att1, "b_att1": b_att1, "W_att2": W_att2, "b_att2": b_att2,
            "W_out": W_out, "b_out": b_out}


def _layer(x, src, dst, n, W_kqv, b_kqv, W_att1, b_att1, W_att2, b_att2, W_out, b_out):
    emb = x.shape[1]
    H = HEADS
    hd = emb // H
    kqv = x @ W_kqv + b_kqv
    dst_g = jnp.minimum(dst, n - 1)
    xi = kqv[dst_g]
    xj = kqv[src]
    q = xi[:, :emb].reshape(-1, H, hd)
    k = xj[:, emb:2 * emb].reshape(-1, H, hd) / math.sqrt(hd)
    v = xj[:, 2 * emb:3 * emb].reshape(-1, H, hd)
    h = jnp.concatenate([k, q], axis=-1) @ W_att1 + b_att1
    h = jax.nn.relu(h)
    alpha = (h @ W_att2 + b_att2)[..., 0]  # [E, H]
    m = jax.ops.segment_max(alpha, dst, num_segments=n + 1)
    alpha = jnp.exp(alpha - m[dst])
    denom = jax.ops.segment_sum(alpha, dst, num_segments=n + 1)
    alpha = alpha / (denom[dst] + 1e-16)
    attn = (alpha[..., None] * v).reshape(-1, emb)
    attn = attn @ W_out + b_out
    out = jax.ops.segment_sum(attn, dst, num_segments=n + 1)
    return out[:n]


def reference(x, edge_index, W_kqv, b_kqv, W_att1, b_att1, W_att2, b_att2, W_out, b_out):
    n = x.shape[0]
    ei = jnp.concatenate([edge_index, edge_index[::-1]], axis=1)
    mask = ei[0] != ei[1]
    src = jnp.where(mask, ei[0], jnp.zeros((), dtype=ei.dtype))
    dst = jnp.where(mask, ei[1], jnp.asarray(n, dtype=ei.dtype))
    loops = jnp.arange(n, dtype=src.dtype)
    src = jnp.concatenate([src, loops])
    dst = jnp.concatenate([dst, loops])
    x_prev = x
    out = _layer(x, src, dst, n, W_kqv, b_kqv, W_att1, b_att1, W_att2, b_att2, W_out, b_out)
    x = jax.nn.relu(out) + x_prev
    return x

if __name__ == "__main__":
    import jax
    _d = setup_inputs()
    print(jax.jit(kernel)(*tuple(_d.values())))

</pallas_src>

<mosaic_0001>
#map = affine_map<(d0, d1) -> (0, 0, 0)>
#map1 = affine_map<(d0, d1) -> (0, 0)>
#map2 = affine_map<(d0, d1) -> (0)>
module attributes {stable_mosaic.version = 14 : i64} {
  func.func @_edge_kernel(%arg0: i32, %arg1: i32, %arg2: memref<2x10240x128xf32, #tpu.memory_space<hbm>>, %arg3: memref<10240x128xf32, #tpu.memory_space<hbm>>, %arg4: memref<8192x80xi32, #tpu.memory_space<hbm>>, %arg5: memref<8192x80xi32, #tpu.memory_space<hbm>>, %arg6: memref<64xf32, #tpu.memory_space<hbm>>, %arg7: memref<632x128xf32, #tpu.memory_space<hbm>>, %arg8: memref<2x10240x128xf32, #tpu.memory_space<hbm>>, %arg9: memref<4x80xi32, #tpu.memory_space<vmem>>, %arg10: memref<4x80xi32, #tpu.memory_space<vmem>>, %arg11: memref<2x80x128xf32, #tpu.memory_space<vmem>>, %arg12: memref<2x80x128xf32, #tpu.memory_space<vmem>>, %arg13: memref<64xf32, #tpu.memory_space<vmem>>, %arg14: memref<10112x128xf32, #tpu.memory_space<vmem_shared>>, %arg15: memref<2x!tpu.dma_semaphore, #tpu.memory_space<semaphore_mem>>, %arg16: memref<2x!tpu.dma_semaphore, #tpu.memory_space<semaphore_mem>>, %arg17: memref<4x!tpu.dma_semaphore, #tpu.memory_space<semaphore_mem>>) attributes {dimension_semantics = [#tpu.dimension_semantics<core_parallel>, #tpu.dimension_semantics<subcore_parallel>], iteration_bounds = array<i64: 2, 16>, scalar_prefetch = 0 : i64, scratch_operands = 9 : i64, tpu.core_type = #tpu.core_type<sc_vector_subcore>, window_params = [{transform_indices = #map}, {transform_indices = #map1}, {transform_indices = #map1}, {transform_indices = #map1}, {transform_indices = #map2}, {transform_indices = #map1}, {transform_indices = #map}]} {
    %mul3A = arith.constant 512 : i32
    %mul3A_0 = arith.muli %arg1, %mul3A : i32
    %mul3A_1 = arith.constant 632 : i32
    %mul3A_2 = arith.muli %arg1, %mul3A_1 : i32
    "tpu.region"() ({
      %run_scoped3A = tpu.sem_alloc : memref<!tpu.dma_semaphore, #tpu.memory_space<semaphore_mem>>
      %dma_start3A_322 = arith.constant 0 : i32
      %dma_start3A_323 = tpu.memref_slice %arg14[%mul3A_2, %dma_start3A_322] : memref<10112x128xf32, #tpu.memory_space<vmem_shared>> -> memref<632x128xf32, #tpu.memory_space<vmem_shared>>
      tpu.enqueue_dma source(%arg7 : memref<632x128xf32, #tpu.memory_space<hbm>>) target(%dma_start3A_323 : memref<632x128xf32, #tpu.memory_space<vmem_shared>>) target_semaphore(%run_scoped3A : memref<!tpu.dma_semaphore, #tpu.memory_space<semaphore_mem>>)
      %dma_wait3A_324 = arith.constant 0 : i32
      %dma_wait3A_325 = tpu.memref_slice %arg14[%mul3A_2, %dma_wait3A_324] : memref<10112x128xf32, #tpu.memory_space<vmem_shared>> -> memref<632x128xf32, #tpu.memory_space<vmem_shared>>
      tpu.wait_dma2 semaphore(%run_scoped3A : memref<!tpu.dma_semaphore, #tpu.memory_space<semaphore_mem>>) src(%arg7 : memref<632x128xf32, #tpu.memory_space<hbm>>) dst(%dma_wait3A_325 : memref<632x128xf32, #tpu.memory_space<vmem_shared>>)
      tpu.yield
    }) : () -> ()
    "tpu.region"() ({
      %run_scoped3A = tpu.sem_alloc : memref<!tpu.dma_semaphore, #tpu.memory_space<semaphore_mem>>
      tpu.enqueue_dma source(%arg6 : memref<64xf32, #tpu.memory_space<hbm>>) target(%arg13 : memref<64xf32, #tpu.memory_space<vmem>>) target_semaphore(%run_scoped3A : memref<!tpu.dma_semaphore, #tpu.memory_space<semaphore_mem>>)
      tpu.wait_dma2 semaphore(%run_scoped3A : memref<!tpu.dma_semaphore, #tpu.memory_space<semaphore_mem>>) src(%arg6 : memref<64xf32, #tpu.memory_space<hbm>>) dst(%arg13 : memref<64xf32, #tpu.memory_space<vmem>>)
      tpu.yield
    }) : () -> ()
    %barrier3A = arith.constant 0 : index
    tpu.barrier barrier_id(%barrier3A)
    %get3A = arith.constant 0 : index
    %get3A_3 = tpu.vector_load %arg13[%get3A] {strides = array<i32>} : memref<64xf32, #tpu.memory_space<vmem>>, vector<16xf32>,
    %get3A_4 = vector.shape_cast %get3A_3 : vector<16xf32> to vector<16xf32>
    %get3A_5 = arith.constant 16 : index
    %get3A_6 = tpu.vector_load %arg13[%get3A_5] {strides = array<i32>} : memref<64xf32, #tpu.memory_space<vmem>>, vector<16xf32>,
    %get3A_7 = vector.shape_cast %get3A_6 : vector<16xf32> to vector<16xf32>
    %get3A_8 = arith.constant 32 : index
    %get3A_9 = tpu.vector_load %arg13[%get3A_8] {strides = array<i32>} : memref<64xf32, #tpu.memory_space<vmem>>, vector<16xf32>,
    %get3A_10 = vector.shape_cast %get3A_9 : vector<16xf32> to vector<16xf32>
    %get3A_11 = arith.constant 48 : index
    %get3A_12 = tpu.vector_load %arg13[%get3A_11] {strides = array<i32>} : memref<64xf32, #tpu.memory_space<vmem>>, vector<16xf32>,
    %get3A_13 = vector.shape_cast %get3A_12 : vector<16xf32> to vector<16xf32>
    %iota3A = tpu.iota {dimensions = array<i32: 0>} : vector<16xi32>
    %xor3A = arith.constant 8 : i32
    %xor3A_14 = vector.broadcast %xor3A : i32 to vector<16xi32>
    %xor3A_15 = arith.xori %iota3A, %xor3A_14 : vector<16xi32>
    %xor3A_16 = arith.constant 4 : i32
    %xor3A_17 = vector.broadcast %xor3A_16 : i32 to vector<16xi32>
    %xor3A_18 = arith.xori %iota3A, %xor3A_17 : vector<16xi32>
    %xor3A_19 = arith.constant 2 : i32
    %xor3A_20 = vector.broadcast %xor3A_19 : i32 to vector<16xi32>
    %xor3A_21 = arith.xori %iota3A, %xor3A_20 : vector<16xi32>
    %xor3A_22 = arith.constant 1 : i32
    %xor3A_23 = vector.broadcast %xor3A_22 : i32 to vector<16xi32>
    %xor3A_24 = arith.xori %iota3A, %xor3A_23 : vector<16xi32>
    %eq3A = arith.constant 1 : i32
    %eq3A_25 = vector.broadcast %eq3A : i32 to vector<16xi32>
    %eq3A_26 = arith.cmpi eq, %iota3A, %eq3A_25 : vector<16xi32>
    %jit3A = arith.constant 1.000000e+00 : f32
    %jit3A_27 = arith.constant 0.000000e+00 : f32
    %broadcast_in_dim3A = vector.broadcast %jit3A : f32 to vector<16xf32>
    %broadcast_in_dim3A_28 = vector.broadcast %jit3A_27 : f32 to vector<16xf32>
    %select_n3A = arith.select %eq3A_26, %broadcast_in_dim3A, %broadcast_in_dim3A_28 : vector<16xi1>, vector<16xf32>
    %mul3A_29 = arith.constant 64 : i32
    %mul3A_30 = arith.muli %arg0, %mul3A_29 : i32
    %add3A = arith.constant 0 : i32
    %add3A_31 = arith.addi %mul3A_0, %add3A : i32
    %dma_start3A = arith.constant 0 : i32
    %dma_start3A_32 = arith.constant 0 : i32
    %dma_start3A_33 = arith.constant 0 : i32
    %dma_start3A_34 = tpu.memref_slice %arg9[%dma_start3A, %dma_start3A_33] : memref<4x80xi32, #tpu.memory_space<vmem>> -> memref<1x80xi32, #tpu.memory_space<vmem>>
    %dma_start3A_35 = tpu.memref_squeeze %dma_start3A_34 : memref<1x80xi32, #tpu.memory_space<vmem>> -> memref<80xi32, #tpu.memory_space<vmem>>
    %dma_start3A_36 = arith.constant 0 : i32
    %dma_start3A_37 = tpu.memref_slice %arg4[%add3A_31, %dma_start3A_36] : memref<8192x80xi32, #tpu.memory_space<hbm>> -> memref<1x80xi32, #tpu.memory_space<hbm>>
    %dma_start3A_38 = tpu.memref_squeeze %dma_start3A_37 : memref<1x80xi32, #tpu.memory_space<hbm>> -> memref<80xi32, #tpu.memory_space<hbm>>
    %dma_start3A_39 = tpu.memref_slice %arg17[%dma_start3A_32] : memref<4x!tpu.dma_semaphore, #tpu.memory_space<semaphore_mem>> -> memref<1x!tpu.dma_semaphore, #tpu.memory_space<semaphore_mem>>
    %dma_start3A_40 = tpu.memref_squeeze %dma_start3A_39 : memref<1x!tpu.dma_semaphore, #tpu.memory_space<semaphore_mem>> -> memref<!tpu.dma_semaphore, #tpu.memory_space<semaphore_mem>>
    %dma_start3A_41 = arith.constant 0 : i32
    %dma_start3A_42 = tpu.memref_slice %arg9[%dma_start3A, %dma_start3A_41] : memref<4x80xi32, #tpu.memory_space<vmem>> -> memref<1x80xi32, #tpu.memory_space<vmem>>
    %dma_start3A_43 = tpu.memref_squeeze %dma_start3A_42 : memref<1x80xi32, #tpu.memory_space<vmem>> -> memref<80xi32, #tpu.memory_space<vmem>>
    %dma_start3A_44 = arith.constant 0 : i32
    %dma_start3A_45 = tpu.memref_slice %arg4[%add3A_31, %dma_start3A_44] : memref<8192x80xi32, #tpu.memory_space<hbm>> -> memref<1x80xi32, #tpu.memory_space<hbm>>
    %dma_start3A_46 = tpu.memref_squeeze %dma_start3A_45 : memref<1x80xi32, #tpu.memory_space<hbm>> -> memref<80xi32, #tpu.memory_space<hbm>>
    tpu.enqueue_dma source(%dma_start3A_46 : memref<80xi32, #tpu.memory_space<hbm>>) target(%dma_start3A_43 : memref<80xi32, #tpu.memory_space<vmem>>) target_semaphore(%dma_start3A_40 : memref<!tpu.dma_semaphore, #tpu.memory_space<semaphore_mem>>)
    %add3A_47 = arith.constant 0 : i32
    %add3A_48 = arith.addi %mul3A_0, %add3A_47 : i32
    %dma_start3A_49 = arith.constant 0 : i32
    %dma_start3A_50 = arith.constant 0 : i32
    %dma_start3A_51 = arith.constant 0 : i32
    %dma_start3A_52 = tpu.memref_slice %arg10[%dma_start3A_49, %dma_start3A_51] : memref<4x80xi32, #tpu.memory_space<vmem>> -> memref<1x80xi32, #tpu.memory_space<vmem>>
    %dma_start3A_53 = tpu.memref_squeeze %dma_start3A_52 : memref<1x80xi32, #tpu.memory_space<vmem>> -> memref<80xi32, #tpu.memory_space<vmem>>
    %dma_start3A_54 = arith.constant 0 : i32
    %dma_start3A_55 = tpu.memref_slice %arg5[%add3A_48, %dma_start3A_54] : memref<8192x80xi32, #tpu.memory_space<hbm>> -> memref<1x80xi32, #tpu.memory_space<hbm>>
    %dma_start3A_56 = tpu.memref_squeeze %dma_start3A_55 : memref<1x80xi32, #tpu.memory_space<hbm>> -> memref<80xi32, #tpu.memory_space<hbm>>
    %dma_start3A_57 = tpu.memref_slice %arg17[%dma_start3A_50] : memref<4x!tpu.dma_semaphore, #tpu.memory_space<semaphore_mem>> -> memref<1x!tpu.dma_semaphore, #tpu.memory_space<semaphore_mem>>
    %dma_start3A_58 = tpu.memref_squeeze %dma_start3A_57 : memref<1x!tpu.dma_semaphore, #tpu.memory_space<semaphore_mem>> -> memref<!tpu.dma_semaphore, #tpu.memory_space<semaphore_mem>>
    %dma_start3A_59 = arith.constant 0 : i32
    %dma_start3A_60 = tpu.memref_slice %arg10[%dma_start3A_49, %dma_start3A_59] : memref<4x80xi32, #tpu.memory_space<vmem>> -> memref<1x80xi32, #tpu.memory_space<vmem>>
    %dma_start3A_61 = tpu.memref_squeeze %dma_start3A_60 : memref<1x80xi32, #tpu.memory_space<vmem>> -> memref<80xi32, #tpu.memory_space<vmem>>
    %dma_start3A_62 = arith.constant 0 : i32
    %dma_start3A_63 = tpu.memref_slice %arg5[%add3A_48, %dma_start3A_62] : memref<8192x80xi32, #tpu.memory_space<hbm>> -> memref<1x80xi32, #tpu.memory_space<hbm>>
    %dma_start3A_64 = tpu.memref_squeeze %dma_start3A_63 : memref<1x80xi32, #tpu.memory_space<hbm>> -> memref<80xi32, #tpu.memory_space<hbm>>
    tpu.enqueue_dma source(%dma_start3A_64 : memref<80xi32, #tpu.memory_space<hbm>>) target(%dma_start3A_61 : memref<80xi32, #tpu.memory_space<vmem>>) target_semaphore(%dma_start3A_58 : memref<!tpu.dma_semaphore, #tpu.memory_space<semaphore_mem>>)
    %add3A_65 = arith.constant 1 : i32
    %add3A_66 = arith.addi %mul3A_0, %add3A_65 : i32
    %dma_start3A_67 = arith.constant 1 : i32
    %dma_start3A_68 = arith.constant 1 : i32
    %dma_start3A_69 = arith.constant 0 : i32
    %dma_start3A_70 = tpu.memref_slice %arg9[%dma_start3A_67, %dma_start3A_69] : memref<4x80xi32, #tpu.memory_space<vmem>> -> memref<1x80xi32, #tpu.memory_space<vmem>>
    %dma_start3A_71 = tpu.memref_squeeze %dma_start3A_70 : memref<1x80xi32, #tpu.memory_space<vmem>> -> memref<80xi32, #tpu.memory_space<vmem>>
    %dma_start3A_72 = arith.constant 0 : i32
    %dma_start3A_73 = tpu.memref_slice %arg4[%add3A_66, %dma_start3A_72] : memref<8192x80xi32, #tpu.memory_space<hbm>> -> memref<1x80xi32, #tpu.memory_space<hbm>>
    %dma_start3A_74 = tpu.memref_squeeze %dma_start3A_73 : memref<1x80xi32, #tpu.memory_space<hbm>> -> memref<80xi32, #tpu.memory_space<hbm>>
    %dma_start3A_75 = tpu.memref_slice %arg17[%dma_start3A_68] : memref<4x!tpu.dma_semaphore, #tpu.memory_space<semaphore_mem>> -> memref<1x!tpu.dma_semaphore, #tpu.memory_space<semaphore_mem>>
    %dma_start3A_76 = tpu.memref_squeeze %dma_start3A_75 : memref<1x!tpu.dma_semaphore, #tpu.memory_space<semaphore_mem>> -> memref<!tpu.dma_semaphore, #tpu.memory_space<semaphore_mem>>
    %dma_start3A_77 = arith.constant 0 : i32
    %dma_start3A_78 = tpu.memref_slice %arg9[%dma_start3A_67, %dma_start3A_77] : memref<4x80xi32, #tpu.memory_space<vmem>> -> memref<1x80xi32, #tpu.memory_space<vmem>>
    %dma_start3A_79 = tpu.memref_squeeze %dma_start3A_78 : memref<1x80xi32, #tpu.memory_space<vmem>> -> memref<80xi32, #tpu.memory_space<vmem>>
    %dma_start3A_80 = arith.constant 0 : i32
    %dma_start3A_81 = tpu.memref_slice %arg4[%add3A_66, %dma_start3A_80] : memref<8192x80xi32, #tpu.memory_space<hbm>> -> memref<1x80xi32, #tpu.memory_space<hbm>>
    %dma_start3A_82 = tpu.memref_squeeze %dma_start3A_81 : memref<1x80xi32, #tpu.memory_space<hbm>> -> memref<80xi32, #tpu.memory_space<hbm>>
    tpu.enqueue_dma source(%dma_start3A_82 : memref<80xi32, #tpu.memory_space<hbm>>) target(%dma_start3A_79 : memref<80xi32, #tpu.memory_space<vmem>>) target_semaphore(%dma_start3A_76 : memref<!tpu.dma_semaphore, #tpu.memory_space<semaphore_mem>>)
    %add3A_83 = arith.constant 1 : i32
    %add3A_84 = arith.addi %mul3A_0, %add3A_83 : i32
    %dma_start3A_85 = arith.constant 1 : i32
    %dma_start3A_86 = arith.constant 1 : i32
    %dma_start3A_87 = arith.constant 0 : i32
    %dma_start3A_88 = tpu.memref_slice %arg10[%dma_start3A_85, %dma_start3A_87] : memref<4x80xi32, #tpu.memory_space<vmem>> -> memref<1x80xi32, #tpu.memory_space<vmem>>
    %dma_start3A_89 = tpu.memref_squeeze %dma_start3A_88 : memref<1x80xi32, #tpu.memory_space<vmem>> -> memref<80xi32, #tpu.memory_space<vmem>>
    %dma_start3A_90 = arith.constant 0 : i32
    %dma_start3A_91 = tpu.memref_slice %arg5[%add3A_84, %dma_start3A_90] : memref<8192x80xi32, #tpu.memory_space<hbm>> -> memref<1x80xi32, #tpu.memory_space<hbm>>
    %dma_start3A_92 = tpu.memref_squeeze %dma_start3A_91 : memref<1x80xi32, #tpu.memory_space<hbm>> -> memref<80xi32, #tpu.memory_space<hbm>>
    %dma_start3A_93 = tpu.memref_slice %arg17[%dma_start3A_86] : memref<4x!tpu.dma_semaphore, #tpu.memory_space<semaphore_mem>> -> memref<1x!tpu.dma_semaphore, #tpu.memory_space<semaphore_mem>>
    %dma_start3A_94 = tpu.memref_squeeze %dma_start3A_93 : memref<1x!tpu.dma_semaphore, #tpu.memory_space<semaphore_mem>> -> memref<!tpu.dma_semaphore, #tpu.memory_space<semaphore_mem>>
    %dma_start3A_95 = arith.constant 0 : i32
    %dma_start3A_96 = tpu.memref_slice %arg10[%dma_start3A_85, %dma_start3A_95] : memref<4x80xi32, #tpu.memory_space<vmem>> -> memref<1x80xi32, #tpu.memory_space<vmem>>
    %dma_start3A_97 = tpu.memref_squeeze %dma_start3A_96 : memref<1x80xi32, #tpu.memory_space<vmem>> -> memref<80xi32, #tpu.memory_space<vmem>>
    %dma_start3A_98 = arith.constant 0 : i32
    %dma_start3A_99 = tpu.memref_slice %arg5[%add3A_84, %dma_start3A_98] : memref<8192x80xi32, #tpu.memory_space<hbm>> -> memref<1x80xi32, #tpu.memory_space<hbm>>
    %dma_start3A_100 = tpu.memref_squeeze %dma_start3A_99 : memref<1x80xi32, #tpu.memory_space<hbm>> -> memref<80xi32, #tpu.memory_space<hbm>>
    tpu.enqueue_dma source(%dma_start3A_100 : memref<80xi32, #tpu.memory_space<hbm>>) target(%dma_start3A_97 : memref<80xi32, #tpu.memory_space<vmem>>) target_semaphore(%dma_start3A_94 : memref<!tpu.dma_semaphore, #tpu.memory_space<semaphore_mem>>)
    %add3A_101 = arith.constant 2 : i32
    %add3A_102 = arith.addi %mul3A_0, %add3A_101 : i32
    %dma_start3A_103 = arith.constant 2 : i32
    %dma_start3A_104 = arith.constant 2 : i32
    %dma_start3A_105 = arith.constant 0 : i32
    %dma_start3A_106 = tpu.memref_slice %arg9[%dma_start3A_103, %dma_start3A_105] : memref<4x80xi32, #tpu.memory_space<vmem>> -> memref<1x80xi32, #tpu.memory_space<vmem>>
    %dma_start3A_107 = tpu.memref_squeeze %dma_start3A_106 : memref<1x80xi32, #tpu.memory_space<vmem>> -> memref<80xi32, #tpu.memory_space<vmem>>
    %dma_start3A_108 = arith.constant 0 : i32
    %dma_start3A_109 = tpu.memref_slice %arg4[%add3A_102, %dma_start3A_108] : memref<8192x80xi32, #tpu.memory_space<hbm>> -> memref<1x80xi32, #tpu.memory_space<hbm>>
    %dma_start3A_110 = tpu.memref_squeeze %dma_start3A_109 : memref<1x80xi32, #tpu.memory_space<hbm>> -> memref<80xi32, #tpu.memory_space<hbm>>
    %dma_start3A_111 = tpu.memref_slice %arg17[%dma_start3A_104] : memref<4x!tpu.dma_semaphore, #tpu.memory_space<semaphore_mem>> -> memref<1x!tpu.dma_semaphore, #tpu.memory_space<semaphore_mem>>
    %dma_start3A_112 = tpu.memref_squeeze %dma_start3A_111 : memref<1x!tpu.dma_semaphore, #tpu.memory_space<semaphore_mem>> -> memref<!tpu.dma_semaphore, #tpu.memory_space<semaphore_mem>>
    %dma_start3A_113 = arith.constant 0 : i32
    %dma_start3A_114 = tpu.memref_slice %arg9[%dma_start3A_103, %dma_start3A_113] : memref<4x80xi32, #tpu.memory_space<vmem>> -> memref<1x80xi32, #tpu.memory_space<vmem>>
    %dma_start3A_115 = tpu.memref_squeeze %dma_start3A_114 : memref<1x80xi32, #tpu.memory_space<vmem>> -> memref<80xi32, #tpu.memory_space<vmem>>
    %dma_start3A_116 = arith.constant 0 : i32
    %dma_start3A_117 = tpu.memref_slice %arg4[%add3A_102, %dma_start3A_116] : memref<8192x80xi32, #tpu.memory_space<hbm>> -> memref<1x80xi32, #tpu.memory_space<hbm>>
    %dma_start3A_118 = tpu.memref_squeeze %dma_start3A_117 : memref<1x80xi32, #tpu.memory_space<hbm>> -> memref<80xi32, #tpu.memory_space<hbm>>
    tpu.enqueue_dma source(%dma_start3A_118 : memref<80xi32, #tpu.memory_space<hbm>>) target(%dma_start3A_115 : memref<80xi32, #tpu.memory_space<vmem>>) target_semaphore(%dma_start3A_112 : memref<!tpu.dma_semaphore, #tpu.memory_space<semaphore_mem>>)
    %add3A_119 = arith.constant 2 : i32
    %add3A_120 = arith.addi %mul3A_0, %add3A_119 : i32
    %dma_start3A_121 = arith.constant 2 : i32
    %dma_start3A_122 = arith.constant 2 : i32
    %dma_start3A_123 = arith.constant 0 : i32
    %dma_start3A_124 = tpu.memref_slice %arg10[%dma_start3A_121, %dma_start3A_123] : memref<4x80xi32, #tpu.memory_space<vmem>> -> memref<1x80xi32, #tpu.memory_space<vmem>>
    %dma_start3A_125 = tpu.memref_squeeze %dma_start3A_124 : memref<1x80xi32, #tpu.memory_space<vmem>> -> memref<80xi32, #tpu.memory_space<vmem>>
    %dma_start3A_126 = arith.constant 0 : i32
    %dma_start3A_127 = tpu.memref_slice %arg5[%add3A_120, %dma_start3A_126] : memref<8192x80xi32, #tpu.memory_space<hbm>> -> memref<1x80xi32, #tpu.memory_space<hbm>>
    %dma_start3A_128 = tpu.memref_squeeze %dma_start3A_127 : memref<1x80xi32, #tpu.memory_space<hbm>> -> memref<80xi32, #tpu.memory_space<hbm>>
    %dma_start3A_129 = tpu.memref_slice %arg17[%dma_start3A_122] : memref<4x!tpu.dma_semaphore, #tpu.memory_space<semaphore_mem>> -> memref<1x!tpu.dma_semaphore, #tpu.memory_space<semaphore_mem>>
    %dma_start3A_130 = tpu.memref_squeeze %dma_start3A_129 : memref<1x!tpu.dma_semaphore, #tpu.memory_space<semaphore_mem>> -> memref<!tpu.dma_semaphore, #tpu.memory_space<semaphore_mem>>
    %dma_start3A_131 = arith.constant 0 : i32
    %dma_start3A_132 = tpu.memref_slice %arg10[%dma_start3A_121, %dma_start3A_131] : memref<4x80xi32, #tpu.memory_space<vmem>> -> memref<1x80xi32, #tpu.memory_space<vmem>>
    %dma_start3A_133 = tpu.memref_squeeze %dma_start3A_132 : memref<1x80xi32, #tpu.memory_space<vmem>> -> memref<80xi32, #tpu.memory_space<vmem>>
    %dma_start3A_134 = arith.constant 0 : i32
    %dma_start3A_135 = tpu.memref_slice %arg5[%add3A_120, %dma_start3A_134] : memref<8192x80xi32, #tpu.memory_space<hbm>> -> memref<1x80xi32, #tpu.memory_space<hbm>>
    %dma_start3A_136 = tpu.memref_squeeze %dma_start3A_135 : memref<1x80xi32, #tpu.memory_space<hbm>> -> memref<80xi32, #tpu.memory_space<hbm>>
    tpu.enqueue_dma source(%dma_start3A_136 : memref<80xi32, #tpu.memory_space<hbm>>) target(%dma_start3A_133 : memref<80xi32, #tpu.memory_space<vmem>>) target_semaphore(%dma_start3A_130 : memref<!tpu.dma_semaphore, #tpu.memory_space<semaphore_mem>>)
    %add3A_137 = arith.constant 3 : i32
    %add3A_138 = arith.addi %mul3A_0, %add3A_137 : i32
    %dma_start3A_139 = arith.constant 3 : i32
    %dma_start3A_140 = arith.constant 3 : i32
    %dma_start3A_141 = arith.constant 0 : i32
    %dma_start3A_142 = tpu.memref_slice %arg9[%dma_start3A_139, %dma_start3A_141] : memref<4x80xi32, #tpu.memory_space<vmem>> -> memref<1x80xi32, #tpu.memory_space<vmem>>
    %dma_start3A_143 = tpu.memref_squeeze %dma_start3A_142 : memref<1x80xi32, #tpu.memory_space<vmem>> -> memref<80xi32, #tpu.memory_space<vmem>>
    %dma_start3A_144 = arith.constant 0 : i32
    %dma_start3A_145 = tpu.memref_slice %arg4[%add3A_138, %dma_start3A_144] : memref<8192x80xi32, #tpu.memory_space<hbm>> -> memref<1x80xi32, #tpu.memory_space<hbm>>
    %dma_start3A_146 = tpu.memref_squeeze %dma_start3A_145 : memref<1x80xi32, #tpu.memory_space<hbm>> -> memref<80xi32, #tpu.memory_space<hbm>>
    %dma_start3A_147 = tpu.memref_slice %arg17[%dma_start3A_140] : memref<4x!tpu.dma_semaphore, #tpu.memory_space<semaphore_mem>> -> memref<1x!tpu.dma_semaphore, #tpu.memory_space<semaphore_mem>>
    %dma_start3A_148 = tpu.memref_squeeze %dma_start3A_147 : memref<1x!tpu.dma_semaphore, #tpu.memory_space<semaphore_mem>> -> memref<!tpu.dma_semaphore, #tpu.memory_space<semaphore_mem>>
    %dma_start3A_149 = arith.constant 0 : i32
    %dma_start3A_150 = tpu.memref_slice %arg9[%dma_start3A_139, %dma_start3A_149] : memref<4x80xi32, #tpu.memory_space<vmem>> -> memref<1x80xi32, #tpu.memory_space<vmem>>
    %dma_start3A_151 = tpu.memref_squeeze %dma_start3A_150 : memref<1x80xi32, #tpu.memory_space<vmem>> -> memref<80xi32, #tpu.memory_space<vmem>>
    %dma_start3A_152 = arith.constant 0 : i32
    %dma_start3A_153 = tpu.memref_slice %arg4[%add3A_138, %dma_start3A_152] : memref<8192x80xi32, #tpu.memory_space<hbm>> -> memref<1x80xi32, #tpu.memory_space<hbm>>
    %dma_start3A_154 = tpu.memref_squeeze %dma_start3A_153 : memref<1x80xi32, #tpu.memory_space<hbm>> -> memref<80xi32, #tpu.memory_space<hbm>>
    tpu.enqueue_dma source(%dma_start3A_154 : memref<80xi32, #tpu.memory_space<hbm>>) target(%dma_start3A_151 : memref<80xi32, #tpu.memory_space<vmem>>) target_semaphore(%dma_start3A_148 : memref<!tpu.dma_semaphore, #tpu.memory_space<semaphore_mem>>)
    %add3A_155 = arith.constant 3 : i32
    %add3A_156 = arith.addi %mul3A_0, %add3A_155 : i32
    %dma_start3A_157 = arith.constant 3 : i32
    %dma_start3A_158 = arith.constant 3 : i32
    %dma_start3A_159 = arith.constant 0 : i32
    %dma_start3A_160 = tpu.memref_slice %arg10[%dma_start3A_157, %dma_start3A_159] : memref<4x80xi32, #tpu.memory_space<vmem>> -> memref<1x80xi32, #tpu.memory_space<vmem>>
    %dma_start3A_161 = tpu.memref_squeeze %dma_start3A_160 : memref<1x80xi32, #tpu.memory_space<vmem>> -> memref<80xi32, #tpu.memory_space<vmem>>
    %dma_start3A_162 = arith.constant 0 : i32
    %dma_start3A_163 = tpu.memref_slice %arg5[%add3A_156, %dma_start3A_162] : memref<8192x80xi32, #tpu.memory_space<hbm>> -> memref<1x80xi32, #tpu.memory_space<hbm>>
    %dma_start3A_164 = tpu.memref_squeeze %dma_start3A_163 : memref<1x80xi32, #tpu.memory_space<hbm>> -> memref<80xi32, #tpu.memory_space<hbm>>
    %dma_start3A_165 = tpu.memref_slice %arg17[%dma_start3A_158] : memref<4x!tpu.dma_semaphore, #tpu.memory_space<semaphore_mem>> -> memref<1x!tpu.dma_semaphore, #tpu.memory_space<semaphore_mem>>
    %dma_start3A_166 = tpu.memref_squeeze %dma_start3A_165 : memref<1x!tpu.dma_semaphore, #tpu.memory_space<semaphore_mem>> -> memref<!tpu.dma_semaphore, #tpu.memory_space<semaphore_mem>>
    %dma_start3A_167 = arith.constant 0 : i32
    %dma_start3A_168 = tpu.memref_slice %arg10[%dma_start3A_157, %dma_start3A_167] : memref<4x80xi32, #tpu.memory_space<vmem>> -> memref<1x80xi32, #tpu.memory_space<vmem>>
    %dma_start3A_169 = tpu.memref_squeeze %dma_start3A_168 : memref<1x80xi32, #tpu.memory_space<vmem>> -> memref<80xi32, #tpu.memory_space<vmem>>
    %dma_start3A_170 = arith.constant 0 : i32
    %dma_start3A_171 = tpu.memref_slice %arg5[%add3A_156, %dma_start3A_170] : memref<8192x80xi32, #tpu.memory_space<hbm>> -> memref<1x80xi32, #tpu.memory_space<hbm>>
    %dma_start3A_172 = tpu.memref_squeeze %dma_start3A_171 : memref<1x80xi32, #tpu.memory_space<hbm>> -> memref<80xi32, #tpu.memory_space<hbm>>
    tpu.enqueue_dma source(%dma_start3A_172 : memref<80xi32, #tpu.memory_space<hbm>>) target(%dma_start3A_169 : memref<80xi32, #tpu.memory_space<vmem>>) target_semaphore(%dma_start3A_166 : memref<!tpu.dma_semaphore, #tpu.memory_space<semaphore_mem>>)
    %add3A_173 = arith.constant 0 : i32
    %add3A_174 = arith.addi %mul3A_0, %add3A_173 : i32
    %dma_wait3A = arith.constant 0 : i32
    %dma_wait3A_175 = arith.constant 0 : i32
    %dma_wait3A_176 = arith.constant 0 : i32
    %dma_wait3A_177 = tpu.memref_slice %arg9[%dma_wait3A, %dma_wait3A_176] : memref<4x80xi32, #tpu.memory_space<vmem>> -> memref<1x80xi32, #tpu.memory_space<vmem>>
    %dma_wait3A_178 = tpu.memref_squeeze %dma_wait3A_177 : memref<1x80xi32, #tpu.memory_space<vmem>> -> memref<80xi32, #tpu.memory_space<vmem>>
    %dma_wait3A_179 = arith.constant 0 : i32
    %dma_wait3A_180 = tpu.memref_slice %arg4[%add3A_174, %dma_wait3A_179] : memref<8192x80xi32, #tpu.memory_space<hbm>> -> memref<1x80xi32, #tpu.memory_space<hbm>>
    %dma_wait3A_181 = tpu.memref_squeeze %dma_wait3A_180 : memref<1x80xi32, #tpu.memory_space<hbm>> -> memref<80xi32, #tpu.memory_space<hbm>>
    %dma_wait3A_182 = tpu.memref_slice %arg17[%dma_wait3A_175] : memref<4x!tpu.dma_semaphore, #tpu.memory_space<semaphore_mem>> -> memref<1x!tpu.dma_semaphore, #tpu.memory_space<semaphore_mem>>
    %dma_wait3A_183 = tpu.memref_squeeze %dma_wait3A_182 : memref<1x!tpu.dma_semaphore, #tpu.memory_space<semaphore_mem>> -> memref<!tpu.dma_semaphore, #tpu.memory_space<semaphore_mem>>
    %dma_wait3A_184 = arith.constant 0 : i32
    %dma_wait3A_185 = tpu.memref_slice %arg9[%dma_wait3A, %dma_wait3A_184] : memref<4x80xi32, #tpu.memory_space<vmem>> -> memref<1x80xi32, #tpu.memory_space<vmem>>
    %dma_wait3A_186 = tpu.memref_squeeze %dma_wait3A_185 : memref<1x80xi32, #tpu.memory_space<vmem>> -> memref<80xi32, #tpu.memory_space<vmem>>
    %dma_wait3A_187 = arith.constant 0 : i32
    %dma_wait3A_188 = tpu.memref_slice %arg4[%add3A_174, %dma_wait3A_187] : memref<8192x80xi32, #tpu.memory_space<hbm>> -> memref<1x80xi32, #tpu.memory_space<hbm>>
    %dma_wait3A_189 = tpu.memref_squeeze %dma_wait3A_188 : memref<1x80xi32, #tpu.memory_space<hbm>> -> memref<80xi32, #tpu.memory_space<hbm>>
    tpu.wait_dma2 semaphore(%dma_wait3A_183 : memref<!tpu.dma_semaphore, #tpu.memory_space<semaphore_mem>>) src(%dma_wait3A_189 : memref<80xi32, #tpu.memory_space<hbm>>) dst(%dma_wait3A_186 : memref<80xi32, #tpu.memory_space<vmem>>)
    %add3A_190 = arith.constant 0 : i32
    %add3A_191 = arith.addi %mul3A_0, %add3A_190 : i32
    %dma_wait3A_192 = arith.constant 0 : i32
    %dma_wait3A_193 = arith.constant 0 : i32
    %dma_wait3A_194 = arith.constant 0 : i32
    %dma_wait3A_195 = tpu.memref_slice %arg10[%dma_wait3A_192, %dma_wait3A_194] : memref<4x80xi32, #tpu.memory_space<vmem>> -> memref<1x80xi32, #tpu.memory_space<vmem>>
    %dma_wait3A_196 = tpu.memref_squeeze %dma_wait3A_195 : memref<1x80xi32, #tpu.memory_space<vmem>> -> memref<80xi32, #tpu.memory_space<vmem>>
    %dma_wait3A_197 = arith.constant 0 : i32
    %dma_wait3A_198 = tpu.memref_slice %arg5[%add3A_191, %dma_wait3A_197] : memref<8192x80xi32, #tpu.memory_space<hbm>> -> memref<1x80xi32, #tpu.memory_space<hbm>>
    %dma_wait3A_199 = tpu.memref_squeeze %dma_wait3A_198 : memref<1x80xi32, #tpu.memory_space<hbm>> -> memref<80xi32, #tpu.memory_space<hbm>>
    %dma_wait3A_200 = tpu.memref_slice %arg17[%dma_wait3A_193] : memref<4x!tpu.dma_semaphore, #tpu.memory_space<semaphore_mem>> -> memref<1x!tpu.dma_semaphore, #tpu.memory_space<semaphore_mem>>
    %dma_wait3A_201 = tpu.memref_squeeze %dma_wait3A_200 : memref<1x!tpu.dma_semaphore, #tpu.memory_space<semaphore_mem>> -> memref<!tpu.dma_semaphore, #tpu.memory_space<semaphore_mem>>
    %dma_wait3A_202 = arith.constant 0 : i32
    %dma_wait3A_203 = tpu.memref_slice %arg10[%dma_wait3A_192, %dma_wait3A_202] : memref<4x80xi32, #tpu.memory_space<vmem>> -> memref<1x80xi32, #tpu.memory_space<vmem>>
    %dma_wait3A_204 = tpu.memref_squeeze %dma_wait3A_203 : memref<1x80xi32, #tpu.memory_space<vmem>> -> memref<80xi32, #tpu.memory_space<vmem>>
    %dma_wait3A_205 = arith.constant 0 : i32
    %dma_wait3A_206 = tpu.memref_slice %arg5[%add3A_191, %dma_wait3A_205] : memref<8192x80xi32, #tpu.memory_space<hbm>> -> memref<1x80xi32, #tpu.memory_space<hbm>>
    %dma_wait3A_207 = tpu.memref_squeeze %dma_wait3A_206 : memref<1x80xi32, #tpu.memory_space<hbm>> -> memref<80xi32, #tpu.memory_space<hbm>>
    tpu.wait_dma2 semaphore(%dma_wait3A_201 : memref<!tpu.dma_semaphore, #tpu.memory_space<semaphore_mem>>) src(%dma_wait3A_207 : memref<80xi32, #tpu.memory_space<hbm>>) dst(%dma_wait3A_204 : memref<80xi32, #tpu.memory_space<vmem>>)
    %dma_start3A_208 = arith.constant 0 : i32
    %dma_start3A_209 = arith.constant 0 : i32
    %dma_start3A_210 = arith.constant 0 : i32
    %dma_start3A_211 = arith.constant 0 : i32
    %dma_start3A_212 = arith.constant 0 : i32
    %dma_start3A_213 = tpu.memref_slice %arg11[%dma_start3A_209, %dma_start3A_211, %dma_start3A_212] : memref<2x80x128xf32, #tpu.memory_space<vmem>> -> memref<1x80x128xf32, #tpu.memory_space<vmem>>
    %dma_start3A_214 = tpu.memref_squeeze %dma_start3A_213 : memref<1x80x128xf32, #tpu.memory_space<vmem>> -> memref<80x128xf32, #tpu.memory_space<vmem>>
    %dma_start3A_215 = arith.constant 0 : i32
    %dma_start3A_216 = tpu.memref_slice %arg9[%dma_start3A_208, %dma_start3A_215] : memref<4x80xi32, #tpu.memory_space<vmem>> -> memref<1x80xi32, #tpu.memory_space<vmem>>
    %dma_start3A_217 = tpu.memref_squeeze %dma_start3A_216 : memref<1x80xi32, #tpu.memory_space<vmem>> -> memref<80xi32, #tpu.memory_space<vmem>>
    %dma_start3A_218 = arith.constant 0 : i32
    %dma_start3A_219 = arith.constant 0 : i32
    %dma_start3A_220 = tpu.memref_slice %arg2[%arg0, %dma_start3A_218, %dma_start3A_219] : memref<2x10240x128xf32, #tpu.memory_space<hbm>> -> memref<1x10240x128xf32, #tpu.memory_space<hbm>>
    %dma_start3A_221 = tpu.memref_squeeze %dma_start3A_220 : memref<1x10240x128xf32, #tpu.memory_space<hbm>> -> memref<10240x128xf32, #tpu.memory_space<hbm>>
    %dma_start3A_222 = arith.constant 0 : i32
    %dma_start3A_223 = arith.constant 0 : i32
    %dma_start3A_224 = tpu.memref_slice %dma_start3A_221[%dma_start3A_222, %dma_start3A_223] : memref<10240x128xf32, #tpu.memory_space<hbm>> -> memref<10240x128xf32, #tpu.memory_space<hbm>>
    %dma_start3A_225 = tpu.memref_slice %arg15[%dma_start3A_210] : memref<2x!tpu.dma_semaphore, #tpu.memory_space<semaphore_mem>> -> memref<1x!tpu.dma_semaphore, #tpu.memory_space<semaphore_mem>>
    %dma_start3A_226 = tpu.memref_squeeze %dma_start3A_225 : memref<1x!tpu.dma_semaphore, #tpu.memory_space<semaphore_mem>> -> memref<!tpu.dma_semaphore, #tpu.memory_space<semaphore_mem>>
    tpu.enqueue_indirect_dma source(%dma_start3A_224 : memref<10240x128xf32, #tpu.memory_space<hbm>>) target(%dma_start3A_214 : memref<80x128xf32, #tpu.memory_space<vmem>>) offsets(%dma_start3A_217 : memref<80xi32, #tpu.memory_space<vmem>>) semaphore(%dma_start3A_226 : memref<!tpu.dma_semaphore, #tpu.memory_space<semaphore_mem>>)
    %dma_start3A_227 = arith.constant 0 : i32
    %dma_start3A_228 = arith.constant 0 : i32
    %dma_start3A_229 = arith.constant 0 : i32
    %dma_start3A_230 = arith.constant 0 : i32
    %dma_start3A_231 = arith.constant 0 : i32
    %dma_start3A_232 = tpu.memref_slice %arg12[%dma_start3A_228, %dma_start3A_230, %dma_start3A_231] : memref<2x80x128xf32, #tpu.memory_space<vmem>> -> memref<1x80x128xf32, #tpu.memory_space<vmem>>
    %dma_start3A_233 = tpu.memref_squeeze %dma_start3A_232 : memref<1x80x128xf32, #tpu.memory_space<vmem>> -> memref<80x128xf32, #tpu.memory_space<vmem>>
    %dma_start3A_234 = arith.constant 0 : i32
    %dma_start3A_235 = tpu.memref_slice %arg10[%dma_start3A_227, %dma_start3A_234] : memref<4x80xi32, #tpu.memory_space<vmem>> -> memref<1x80xi32, #tpu.memory_space<vmem>>
    %dma_start3A_236 = tpu.memref_squeeze %dma_start3A_235 : memref<1x80xi32, #tpu.memory_space<vmem>> -> memref<80xi32, #tpu.memory_space<vmem>>
    %dma_start3A_237 = arith.constant 0 : i32
    %dma_start3A_238 = arith.constant 0 : i32
    %dma_start3A_239 = tpu.memref_slice %arg3[%dma_start3A_237, %dma_start3A_238] : memref<10240x128xf32, #tpu.memory_space<hbm>> -> memref<10240x128xf32, #tpu.memory_space<hbm>>
    %dma_start3A_240 = tpu.memref_slice %arg16[%dma_start3A_229] : memref<2x!tpu.dma_semaphore, #tpu.memory_space<semaphore_mem>> -> memref<1x!tpu.dma_semaphore, #tpu.memory_space<semaphore_mem>>
    %dma_start3A_241 = tpu.memref_squeeze %dma_start3A_240 : memref<1x!tpu.dma_semaphore, #tpu.memory_space<semaphore_mem>> -> memref<!tpu.dma_semaphore, #tpu.memory_space<semaphore_mem>>
    tpu.enqueue_indirect_dma source(%dma_start3A_239 : memref<10240x128xf32, #tpu.memory_space<hbm>>) target(%dma_start3A_233 : memref<80x128xf32, #tpu.memory_space<vmem>>) offsets(%dma_start3A_236 : memref<80xi32, #tpu.memory_space<vmem>>) semaphore(%dma_start3A_241 : memref<!tpu.dma_semaphore, #tpu.memory_space<semaphore_mem>>)
    %add3A_242 = arith.constant 1 : i32
    %add3A_243 = arith.addi %mul3A_0, %add3A_242 : i32
    %dma_wait3A_244 = arith.constant 1 : i32
    %dma_wait3A_245 = arith.constant 1 : i32
    %dma_wait3A_246 = arith.constant 0 : i32
    %dma_wait3A_247 = tpu.memref_slice %arg9[%dma_wait3A_244, %dma_wait3A_246] : memref<4x80xi32, #tpu.memory_space<vmem>> -> memref<1x80xi32, #tpu.memory_space<vmem>>
    %dma_wait3A_248 = tpu.memref_squeeze %dma_wait3A_247 : memref<1x80xi32, #tpu.memory_space<vmem>> -> memref<80xi32, #tpu.memory_space<vmem>>
    %dma_wait3A_249 = arith.constant 0 : i32
    %dma_wait3A_250 = tpu.memref_slice %arg4[%add3A_243, %dma_wait3A_249] : memref<8192x80xi32, #tpu.memory_space<hbm>> -> memref<1x80xi32, #tpu.memory_space<hbm>>
    %dma_wait3A_251 = tpu.memref_squeeze %dma_wait3A_250 : memref<1x80xi32, #tpu.memory_space<hbm>> -> memref<80xi32, #tpu.memory_space<hbm>>
    %dma_wait3A_252 = tpu.memref_slice %arg17[%dma_wait3A_245] : memref<4x!tpu.dma_semaphore, #tpu.memory_space<semaphore_mem>> -> memref<1x!tpu.dma_semaphore, #tpu.memory_space<semaphore_mem>>
    %dma_wait3A_253 = tpu.memref_squeeze %dma_wait3A_252 : memref<1x!tpu.dma_semaphore, #tpu.memory_space<semaphore_mem>> -> memref<!tpu.dma_semaphore, #tpu.memory_space<semaphore_mem>>
    %dma_wait3A_254 = arith.constant 0 : i32
    %dma_wait3A_255 = tpu.memref_slice %arg9[%dma_wait3A_244, %dma_wait3A_254] : memref<4x80xi32, #tpu.memory_space<vmem>> -> memref<1x80xi32, #tpu.memory_space<vmem>>
    %dma_wait3A_256 = tpu.memref_squeeze %dma_wait3A_255 : memref<1x80xi32, #tpu.memory_space<vmem>> -> memref<80xi32, #tpu.memory_space<vmem>>
    %dma_wait3A_257 = arith.constant 0 : i32
    %dma_wait3A_258 = tpu.memref_slice %arg4[%add3A_243, %dma_wait3A_257] : memref<8192x80xi32, #tpu.memory_space<hbm>> -> memref<1x80xi32, #tpu.memory_space<hbm>>
    %dma_wait3A_259 = tpu.memref_squeeze %dma_wait3A_258 : memref<1x80xi32, #tpu.memory_space<hbm>> -> memref<80xi32, #tpu.memory_space<hbm>>
    tpu.wait_dma2 semaphore(%dma_wait3A_253 : memref<!tpu.dma_semaphore, #tpu.memory_space<semaphore_mem>>) src(%dma_wait3A_259 : memref<80xi32, #tpu.memory_space<hbm>>) dst(%dma_wait3A_256 : memref<80xi32, #tpu.memory_space<vmem>>)
    %add3A_260 = arith.constant 1 : i32
    %add3A_261 = arith.addi %mul3A_0, %add3A_260 : i32
    %dma_wait3A_262 = arith.constant 1 : i32
    %dma_wait3A_263 = arith.constant 1 : i32
    %dma_wait3A_264 = arith.constant 0 : i32
    %dma_wait3A_265 = tpu.memref_slice %arg10[%dma_wait3A_262, %dma_wait3A_264] : memref<4x80xi32, #tpu.memory_space<vmem>> -> memref<1x80xi32, #tpu.memory_space<vmem>>
    %dma_wait3A_266 = tpu.memref_squeeze %dma_wait3A_265 : memref<1x80xi32, #tpu.memory_space<vmem>> -> memref<80xi32, #tpu.memory_space<vmem>>
    %dma_wait3A_267 = arith.constant 0 : i32
    %dma_wait3A_268 = tpu.memref_slice %arg5[%add3A_261, %dma_wait3A_267] : memref<8192x80xi32, #tpu.memory_space<hbm>> -> memref<1x80xi32, #tpu.memory_space<hbm>>
    %dma_wait3A_269 = tpu.memref_squeeze %dma_wait3A_268 : memref<1x80xi32, #tpu.memory_space<hbm>> -> memref<80xi32, #tpu.memory_space<hbm>>
    %dma_wait3A_270 = tpu.memref_slice %arg17[%dma_wait3A_263] : memref<4x!tpu.dma_semaphore, #tpu.memory_space<semaphore_mem>> -> memref<1x!tpu.dma_semaphore, #tpu.memory_space<semaphore_mem>>
    %dma_wait3A_271 = tpu.memref_squeeze %dma_wait3A_270 : memref<1x!tpu.dma_semaphore, #tpu.memory_space<semaphore_mem>> -> memref<!tpu.dma_semaphore, #tpu.memory_space<semaphore_mem>>
    %dma_wait3A_272 = arith.constant 0 : i32
    %dma_wait3A_273 = tpu.memref_slice %arg10[%dma_wait3A_262, %dma_wait3A_272] : memref<4x80xi32, #tpu.memory_space<vmem>> -> memref<1x80xi32, #tpu.memory_space<vmem>>
    %dma_wait3A_274 = tpu.memref_squeeze %dma_wait3A_273 : memref<1x80xi32, #tpu.memory_space<vmem>> -> memref<80xi32, #tpu.memory_space<vmem>>
    %dma_wait3A_275 = arith.constant 0 : i32
    %dma_wait3A_276 = tpu.memref_slice %arg5[%add3A_261, %dma_wait3A_275] : memref<8192x80xi32, #tpu.memory_space<hbm>> -> memref<1x80xi32, #tpu.memory_space<hbm>>
    %dma_wait3A_277 = tpu.memref_squeeze %dma_wait3A_276 : memref<1x80xi32, #tpu.memory_space<hbm>> -> memref<80xi32, #tpu.memory_space<hbm>>
    tpu.wait_dma2 semaphore(%dma_wait3A_271 : memref<!tpu.dma_semaphore, #tpu.memory_space<semaphore_mem>>) src(%dma_wait3A_277 : memref<80xi32, #tpu.memory_space<hbm>>) dst(%dma_wait3A_274 : memref<80xi32, #tpu.memory_space<vmem>>)
    %dma_start3A_278 = arith.constant 1 : i32
    %dma_start3A_279 = arith.constant 1 : i32
    %dma_start3A_280 = arith.constant 1 : i32
    %dma_start3A_281 = arith.constant 0 : i32
    %dma_start3A_282 = arith.constant 0 : i32
    %dma_start3A_283 = tpu.memref_slice %arg11[%dma_start3A_279, %dma_start3A_281, %dma_start3A_282] : memref<2x80x128xf32, #tpu.memory_space<vmem>> -> memref<1x80x128xf32, #tpu.memory_space<vmem>>
    %dma_start3A_284 = tpu.memref_squeeze %dma_start3A_283 : memref<1x80x128xf32, #tpu.memory_space<vmem>> -> memref<80x128xf32, #tpu.memory_space<vmem>>
    %dma_start3A_285 = arith.constant 0 : i32
    %dma_start3A_286 = tpu.memref_slice %arg9[%dma_start3A_278, %dma_start3A_285] : memref<4x80xi32, #tpu.memory_space<vmem>> -> memref<1x80xi32, #tpu.memory_space<vmem>>
    %dma_start3A_287 = tpu.memref_squeeze %dma_start3A_286 : memref<1x80xi32, #tpu.memory_space<vmem>> -> memref<80xi32, #tpu.memory_space<vmem>>
    %dma_start3A_288 = arith.constant 0 : i32
    %dma_start3A_289 = arith.constant 0 : i32
    %dma_start3A_290 = tpu.memref_slice %arg2[%arg0, %dma_start3A_288, %dma_start3A_289] : memref<2x10240x128xf32, #tpu.memory_space<hbm>> -> memref<1x10240x128xf32, #tpu.memory_space<hbm>>
    %dma_start3A_291 = tpu.memref_squeeze %dma_start3A_290 : memref<1x10240x128xf32, #tpu.memory_space<hbm>> -> memref<10240x128xf32, #tpu.memory_space<hbm>>
    %dma_start3A_292 = arith.constant 0 : i32
    %dma_start3A_293 = arith.constant 0 : i32
    %dma_start3A_294 = tpu.memref_slice %dma_start3A_291[%dma_start3A_292, %dma_start3A_293] : memref<10240x128xf32, #tpu.memory_space<hbm>> -> memref<10240x128xf32, #tpu.memory_space<hbm>>
    %dma_start3A_295 = tpu.memref_slice %arg15[%dma_start3A_280] : memref<2x!tpu.dma_semaphore, #tpu.memory_space<semaphore_mem>> -> memref<1x!tpu.dma_semaphore, #tpu.memory_space<semaphore_mem>>
    %dma_start3A_296 = tpu.memref_squeeze %dma_start3A_295 : memref<1x!tpu.dma_semaphore, #tpu.memory_space<semaphore_mem>> -> memref<!tpu.dma_semaphore, #tpu.memory_space<semaphore_mem>>
    tpu.enqueue_indirect_dma source(%dma_start3A_294 : memref<10240x128xf32, #tpu.memory_space<hbm>>) target(%dma_start3A_284 : memref<80x128xf32, #tpu.memory_space<vmem>>) offsets(%dma_start3A_287 : memref<80xi32, #tpu.memory_space<vmem>>) semaphore(%dma_start3A_296 : memref<!tpu.dma_semaphore, #tpu.memory_space<semaphore_mem>>)
    %dma_start3A_297 = arith.constant 1 : i32
    %dma_start3A_298 = arith.constant 1 : i32
    %dma_start3A_299 = arith.constant 1 : i32
    %dma_start3A_300 = arith.constant 0 : i32
    %dma_start3A_301 = arith.constant 0 : i32
    %dma_start3A_302 = tpu.memref_slice %arg12[%dma_start3A_298, %dma_start3A_300, %dma_start3A_301] : memref<2x80x128xf32, #tpu.memory_space<vmem>> -> memref<1x80x128xf32, #tpu.memory_space<vmem>>
    %dma_start3A_303 = tpu.memref_squeeze %dma_start3A_302 : memref<1x80x128xf32, #tpu.memory_space<vmem>> -> memref<80x128xf32, #tpu.memory_space<vmem>>
    %dma_start3A_304 = arith.constant 0 : i32
    %dma_start3A_305 = tpu.memref_slice %arg10[%dma_start3A_297, %dma_start3A_304] : memref<4x80xi32, #tpu.memory_space<vmem>> -> memref<1x80xi32, #tpu.memory_space<vmem>>
    %dma_start3A_306 = tpu.memref_squeeze %dma_start3A_305 : memref<1x80xi32, #tpu.memory_space<vmem>> -> memref<80xi32, #tpu.memory_space<vmem>>
    %dma_start3A_307 = arith.constant 0 : i32
    %dma_start3A_308 = arith.constant 0 : i32
    %dma_start3A_309 = tpu.memref_slice %arg3[%dma_start3A_307, %dma_start3A_308] : memref<10240x128xf32, #tpu.memory_space<hbm>> -> memref<10240x128xf32, #tpu.memory_space<hbm>>
    %dma_start3A_310 = tpu.memref_slice %arg16[%dma_start3A_299] : memref<2x!tpu.dma_semaphore, #tpu.memory_space<semaphore_mem>> -> memref<1x!tpu.dma_semaphore, #tpu.memory_space<semaphore_mem>>
    %dma_start3A_311 = tpu.memref_squeeze %dma_start3A_310 : memref<1x!tpu.dma_semaphore, #tpu.memory_space<semaphore_mem>> -> memref<!tpu.dma_semaphore, #tpu.memory_space<semaphore_mem>>
    tpu.enqueue_indirect_dma source(%dma_start3A_309 : memref<10240x128xf32, #tpu.memory_space<hbm>>) target(%dma_start3A_303 : memref<80x128xf32, #tpu.memory_space<vmem>>) offsets(%dma_start3A_306 : memref<80xi32, #tpu.memory_space<vmem>>) semaphore(%dma_start3A_311 : memref<!tpu.dma_semaphore, #tpu.memory_space<semaphore_mem>>)
    %scan3A = arith.constant 0 : i32
    %scan3A_312 = arith.constant 0 : i32
    %scan3A_313 = arith.constant 128 : i32
    %scan3A_314 = arith.addi %scan3A_312, %scan3A_313 : i32
    %scan3A_315 = arith.constant 1 : i32
    scf.for %scan3A_322 = %scan3A_312 to %scan3A_314 step %scan3A_315  : i32 {
      %mul3A_323 = arith.constant 4 : i32
      %mul3A_324 = arith.muli %scan3A_322, %mul3A_323 : i32
      %add3A_325 = arith.constant 0 : i32
      %add3A_326 = arith.addi %mul3A_324, %add3A_325 : i32
      %dma_wait3A_327 = arith.constant 0 : i32
      %dma_wait3A_328 = arith.constant 0 : i32
      %dma_wait3A_329 = arith.constant 0 : i32
      %dma_wait3A_330 = arith.constant 0 : i32
      %dma_wait3A_331 = arith.constant 0 : i32
      %dma_wait3A_332 = tpu.memref_slice %arg11[%dma_wait3A_328, %dma_wait3A_330, %dma_wait3A_331] : memref<2x80x128xf32, #tpu.memory_space<vmem>> -> memref<1x80x128xf32, #tpu.memory_space<vmem>>
      %dma_wait3A_333 = tpu.memref_squeeze %dma_wait3A_332 : memref<1x80x128xf32, #tpu.memory_space<vmem>> -> memref<80x128xf32, #tpu.memory_space<vmem>>
      %dma_wait3A_334 = arith.constant 0 : i32
      %dma_wait3A_335 = tpu.memref_slice %arg9[%dma_wait3A_327, %dma_wait3A_334] : memref<4x80xi32, #tpu.memory_space<vmem>> -> memref<1x80xi32, #tpu.memory_space<vmem>>
      %dma_wait3A_336 = tpu.memref_squeeze %dma_wait3A_335 : memref<1x80xi32, #tpu.memory_space<vmem>> -> memref<80xi32, #tpu.memory_space<vmem>>
      %dma_wait3A_337 = arith.constant 0 : i32
      %dma_wait3A_338 = arith.constant 0 : i32
      %dma_wait3A_339 = tpu.memref_slice %arg2[%arg0, %dma_wait3A_337, %dma_wait3A_338] : memref<2x10240x128xf32, #tpu.memory_space<hbm>> -> memref<1x10240x128xf32, #tpu.memory_space<hbm>>
      %dma_wait3A_340 = tpu.memref_squeeze %dma_wait3A_339 : memref<1x10240x128xf32, #tpu.memory_space<hbm>> -> memref<10240x128xf32, #tpu.memory_space<hbm>>
      %dma_wait3A_341 = arith.constant 0 : i32
      %dma_wait3A_342 = arith.constant 0 : i32
      %dma_wait3A_343 = tpu.memref_slice %dma_wait3A_340[%dma_wait3A_341, %dma_wait3A_342] : memref<10240x128xf32, #tpu.memory_space<hbm>> -> memref<10240x128xf32, #tpu.memory_space<hbm>>
      %dma_wait3A_344 = tpu.memref_slice %arg15[%dma_wait3A_329] : memref<2x!tpu.dma_semaphore, #tpu.memory_space<semaphore_mem>> -> memref<1x!tpu.dma_semaphore, #tpu.memory_space<semaphore_mem>>
      %dma_wait3A_345 = tpu.memref_squeeze %dma_wait3A_344 : memref<1x!tpu.dma_semaphore, #tpu.memory_space<semaphore_mem>> -> memref<!tpu.dma_semaphore, #tpu.memory_space<semaphore_mem>>
      tpu.wait_indirect_dma semaphore(%dma_wait3A_345 : memref<!tpu.dma_semaphore, #tpu.memory_space<semaphore_mem>>) src(%dma_wait3A_343 : memref<10240x128xf32, #tpu.memory_space<hbm>>) dst(%dma_wait3A_333 : memref<80x128xf32, #tpu.memory_space<vmem>>)
      %dma_wait3A_346 = arith.constant 0 : i32
      %dma_wait3A_347 = arith.constant 0 : i32
      %dma_wait3A_348 = arith.constant 0 : i32
      %dma_wait3A_349 = arith.constant 0 : i32
      %dma_wait3A_350 = arith.constant 0 : i32
      %dma_wait3A_351 = tpu.memref_slice %arg12[%dma_wait3A_347, %dma_wait3A_349, %dma_wait3A_350] : memref<2x80x128xf32, #tpu.memory_space<vmem>> -> memref<1x80x128xf32, #tpu.memory_space<vmem>>
      %dma_wait3A_352 = tpu.memref_squeeze %dma_wait3A_351 : memref<1x80x128xf32, #tpu.memory_space<vmem>> -> memref<80x128xf32, #tpu.memory_space<vmem>>
      %dma_wait3A_353 = arith.constant 0 : i32
      %dma_wait3A_354 = tpu.memref_slice %arg10[%dma_wait3A_346, %dma_wait3A_353] : memref<4x80xi32, #tpu.memory_space<vmem>> -> memref<1x80xi32, #tpu.memory_space<vmem>>
      %dma_wait3A_355 = tpu.memref_squeeze %dma_wait3A_354 : memref<1x80xi32, #tpu.memory_space<vmem>> -> memref<80xi32, #tpu.memory_space<vmem>>
      %dma_wait3A_356 = arith.constant 0 : i32
      %dma_wait3A_357 = arith.constant 0 : i32
      %dma_wait3A_358 = tpu.memref_slice %arg3[%dma_wait3A_356, %dma_wait3A_357] : memref<10240x128xf32, #tpu.memory_space<hbm>> -> memref<10240x128xf32, #tpu.memory_space<hbm>>
      %dma_wait3A_359 = tpu.memref_slice %arg16[%dma_wait3A_348] : memref<2x!tpu.dma_semaphore, #tpu.memory_space<semaphore_mem>> -> memref<1x!tpu.dma_semaphore, #tpu.memory_space<semaphore_mem>>
      %dma_wait3A_360 = tpu.memref_squeeze %dma_wait3A_359 : memref<1x!tpu.dma_semaphore, #tpu.memory_space<semaphore_mem>> -> memref<!tpu.dma_semaphore, #tpu.memory_space<semaphore_mem>>
      tpu.wait_indirect_dma semaphore(%dma_wait3A_360 : memref<!tpu.dma_semaphore, #tpu.memory_space<semaphore_mem>>) src(%dma_wait3A_358 : memref<10240x128xf32, #tpu.memory_space<hbm>>) dst(%dma_wait3A_352 : memref<80x128xf32, #tpu.memory_space<vmem>>)
      %parallel_loop3A = arith.constant 0 : i32
      %parallel_loop3A_361 = arith.constant 80 : i32
      %parallel_loop3A_362 = arith.constant 1 : i32
      scf.for %parallel_loop3A_540 = %parallel_loop3A to %parallel_loop3A_361 step %parallel_loop3A_362  : i32 {
        %parallel_loop3A_541 = arith.constant 0 : i32
        %parallel_loop3A_542 = arith.index_cast %parallel_loop3A_541 : i32 to index
        %parallel_loop3A_543 = arith.index_cast %parallel_loop3A_540 : i32 to index
        %parallel_loop3A_544 = arith.constant 0 : index
        %parallel_loop3A_545 = tpu.vector_load %arg11[%parallel_loop3A_542, %parallel_loop3A_543, %parallel_loop3A_544] {strides = array<i32>} : memref<2x80x128xf32, #tpu.memory_space<vmem>>, vector<1x1x16xf32>,
        %parallel_loop3A_546 = vector.shape_cast %parallel_loop3A_545 : vector<1x1x16xf32> to vector<16xf32>
        %parallel_loop3A_547 = arith.constant 0 : i32
        %parallel_loop3A_548 = arith.addi %mul3A_30, %parallel_loop3A_547 : i32
        %parallel_loop3A_549 = arith.constant 0 : i32
        %parallel_loop3A_550 = arith.index_cast %parallel_loop3A_549 : i32 to index
        %parallel_loop3A_551 = arith.index_cast %parallel_loop3A_540 : i32 to index
        %parallel_loop3A_552 = arith.index_cast %parallel_loop3A_548 : i32 to index
        %parallel_loop3A_553 = tpu.vector_load %arg12[%parallel_loop3A_550, %parallel_loop3A_551, %parallel_loop3A_552] {strides = array<i32>} : memref<2x80x128xf32, #tpu.memory_space<vmem>>, vector<1x1x16xf32>,
        %parallel_loop3A_554 = vector.shape_cast %parallel_loop3A_553 : vector<1x1x16xf32> to vector<16xf32>
        %parallel_loop3A_555 = arith.addf %parallel_loop3A_546, %parallel_loop3A_554 : vector<16xf32>
        %parallel_loop3A_556 = arith.constant 0.000000e+00 : f32
        %parallel_loop3A_557 = vector.broadcast %parallel_loop3A_556 : f32 to vector<16xf32>
        %parallel_loop3A_558 = arith.maximumf %parallel_loop3A_555, %parallel_loop3A_557 : vector<16xf32>
        %parallel_loop3A_559 = arith.mulf %parallel_loop3A_558, %get3A_4 : vector<16xf32>
        %parallel_loop3A_560 = arith.constant 0 : i32
        %parallel_loop3A_561 = arith.index_cast %parallel_loop3A_560 : i32 to index
        %parallel_loop3A_562 = arith.index_cast %parallel_loop3A_540 : i32 to index
        %parallel_loop3A_563 = arith.constant 16 : index
        %parallel_loop3A_564 = tpu.vector_load %arg11[%parallel_loop3A_561, %parallel_loop3A_562, %parallel_loop3A_563] {strides = array<i32>} : memref<2x80x128xf32, #tpu.memory_space<vmem>>, vector<1x1x16xf32>,
        %parallel_loop3A_565 = vector.shape_cast %parallel_loop3A_564 : vector<1x1x16xf32> to vector<16xf32>
        %parallel_loop3A_566 = arith.constant 16 : i32
        %parallel_loop3A_567 = arith.addi %mul3A_30, %parallel_loop3A_566 : i32
        %parallel_loop3A_568 = arith.constant 0 : i32
        %parallel_loop3A_569 = arith.index_cast %parallel_loop3A_568 : i32 to index
        %parallel_loop3A_570 = arith.index_cast %parallel_loop3A_540 : i32 to index
        %parallel_loop3A_571 = arith.index_cast %parallel_loop3A_567 : i32 to index
        %parallel_loop3A_572 = tpu.vector_load %arg12[%parallel_loop3A_569, %parallel_loop3A_570, %parallel_loop3A_571] {strides = array<i32>} : memref<2x80x128xf32, #tpu.memory_space<vmem>>, vector<1x1x16xf32>,
        %parallel_loop3A_573 = vector.shape_cast %parallel_loop3A_572 : vector<1x1x16xf32> to vector<16xf32>
        %parallel_loop3A_574 = arith.addf %parallel_loop3A_565, %parallel_loop3A_573 : vector<16xf32>
        %parallel_loop3A_575 = arith.constant 0.000000e+00 : f32
        %parallel_loop3A_576 = vector.broadcast %parallel_loop3A_575 : f32 to vector<16xf32>
        %parallel_loop3A_577 = arith.maximumf %parallel_loop3A_574, %parallel_loop3A_576 : vector<16xf32>
        %parallel_loop3A_578 = arith.mulf %parallel_loop3A_577, %get3A_7 : vector<16xf32>
        %parallel_loop3A_579 = arith.constant 0 : i32
        %parallel_loop3A_580 = arith.index_cast %parallel_loop3A_579 : i32 to index
        %parallel_loop3A_581 = arith.index_cast %parallel_loop3A_540 : i32 to index
        %parallel_loop3A_582 = arith.constant 32 : index
        %parallel_loop3A_583 = tpu.vector_load %arg11[%parallel_loop3A_580, %parallel_loop3A_581, %parallel_loop3A_582] {strides = array<i32>} : memref<2x80x128xf32, #tpu.memory_space<vmem>>, vector<1x1x16xf32>,
        %parallel_loop3A_584 = vector.shape_cast %parallel_loop3A_583 : vector<1x1x16xf32> to vector<16xf32>
        %parallel_loop3A_585 = arith.constant 32 : i32
        %parallel_loop3A_586 = arith.addi %mul3A_30, %parallel_loop3A_585 : i32
        %parallel_loop3A_587 = arith.constant 0 : i32
        %parallel_loop3A_588 = arith.index_cast %parallel_loop3A_587 : i32 to index
        %parallel_loop3A_589 = arith.index_cast %parallel_loop3A_540 : i32 to index
        %parallel_loop3A_590 = arith.index_cast %parallel_loop3A_586 : i32 to index
        %parallel_loop3A_591 = tpu.vector_load %arg12[%parallel_loop3A_588, %parallel_loop3A_589, %parallel_loop3A_590] {strides = array<i32>} : memref<2x80x128xf32, #tpu.memory_space<vmem>>, vector<1x1x16xf32>,
        %parallel_loop3A_592 = vector.shape_cast %parallel_loop3A_591 : vector<1x1x16xf32> to vector<16xf32>
        %parallel_loop3A_593 = arith.addf %parallel_loop3A_584, %parallel_loop3A_592 : vector<16xf32>
        %parallel_loop3A_594 = arith.constant 0.000000e+00 : f32
        %parallel_loop3A_595 = vector.broadcast %parallel_loop3A_594 : f32 to vector<16xf32>
        %parallel_loop3A_596 = arith.maximumf %parallel_loop3A_593, %parallel_loop3A_595 : vector<16xf32>
        %parallel_loop3A_597 = arith.mulf %parallel_loop3A_596, %get3A_10 : vector<16xf32>
        %parallel_loop3A_598 = arith.constant 0 : i32
        %parallel_loop3A_599 = arith.index_cast %parallel_loop3A_598 : i32 to index
        %parallel_loop3A_600 = arith.index_cast %parallel_loop3A_540 : i32 to index
        %parallel_loop3A_601 = arith.constant 48 : index
        %parallel_loop3A_602 = tpu.vector_load %arg11[%parallel_loop3A_599, %parallel_loop3A_600, %parallel_loop3A_601] {strides = array<i32>} : memref<2x80x128xf32, #tpu.memory_space<vmem>>, vector<1x1x16xf32>,
        %parallel_loop3A_603 = vector.shape_cast %parallel_loop3A_602 : vector<1x1x16xf32> to vector<16xf32>
        %parallel_loop3A_604 = arith.constant 48 : i32
        %parallel_loop3A_605 = arith.addi %mul3A_30, %parallel_loop3A_604 : i32
        %parallel_loop3A_606 = arith.constant 0 : i32
        %parallel_loop3A_607 = arith.index_cast %parallel_loop3A_606 : i32 to index
        %parallel_loop3A_608 = arith.index_cast %parallel_loop3A_540 : i32 to index
        %parallel_loop3A_609 = arith.index_cast %parallel_loop3A_605 : i32 to index
        %parallel_loop3A_610 = tpu.vector_load %arg12[%parallel_loop3A_607, %parallel_loop3A_608, %parallel_loop3A_609] {strides = array<i32>} : memref<2x80x128xf32, #tpu.memory_space<vmem>>, vector<1x1x16xf32>,
        %parallel_loop3A_611 = vector.shape_cast %parallel_loop3A_610 : vector<1x1x16xf32> to vector<16xf32>
        %parallel_loop3A_612 = arith.addf %parallel_loop3A_603, %parallel_loop3A_611 : vector<16xf32>
        %parallel_loop3A_613 = arith.constant 0.000000e+00 : f32
        %parallel_loop3A_614 = vector.broadcast %parallel_loop3A_613 : f32 to vector<16xf32>
        %parallel_loop3A_615 = arith.maximumf %parallel_loop3A_612, %parallel_loop3A_614 : vector<16xf32>
        %parallel_loop3A_616 = arith.mulf %parallel_loop3A_615, %get3A_13 : vector<16xf32>
        %parallel_loop3A_617 = arith.addf %parallel_loop3A_559, %parallel_loop3A_578 : vector<16xf32>
        %parallel_loop3A_618 = arith.addf %parallel_loop3A_597, %parallel_loop3A_616 : vector<16xf32>
        %parallel_loop3A_619 = arith.addf %parallel_loop3A_617, %parallel_loop3A_618 : vector<16xf32>
        %parallel_loop3A_620 = arith.constant 0 : i32
        %parallel_loop3A_621 = vector.broadcast %parallel_loop3A_620 : i32 to vector<16xi32>
        %parallel_loop3A_622 = arith.cmpi slt, %xor3A_15, %parallel_loop3A_621 : vector<16xi32>
        %parallel_loop3A_623 = arith.constant 16 : i32
        %parallel_loop3A_624 = vector.broadcast %parallel_loop3A_623 : i32 to vector<16xi32>
        %parallel_loop3A_625 = arith.addi %xor3A_15, %parallel_loop3A_624 : vector<16xi32>
        %parallel_loop3A_626 = arith.select %parallel_loop3A_622, %parallel_loop3A_625, %xor3A_15 : vector<16xi1>, vector<16xi32>
        %parallel_loop3A_627 = vector.shape_cast %parallel_loop3A_626 : vector<16xi32> to vector<16x1xi32>
        %parallel_loop3A_628 = vector.shape_cast %parallel_loop3A_627 : vector<16x1xi32> to vector<16xi32>
        %parallel_loop3A_629 = tpu.dynamic_gather %parallel_loop3A_619[%parallel_loop3A_628] in [0] : vector<16xf32>, vector<16xi32> -> vector<16xf32>
        %parallel_loop3A_630 = arith.addf %parallel_loop3A_619, %parallel_loop3A_629 : vector<16xf32>
        %parallel_loop3A_631 = arith.constant 0 : i32
        %parallel_loop3A_632 = vector.broadcast %parallel_loop3A_631 : i32 to vector<16xi32>
        %parallel_loop3A_633 = arith.cmpi slt, %xor3A_18, %parallel_loop3A_632 : vector<16xi32>
        %parallel_loop3A_634 = arith.constant 16 : i32
        %parallel_loop3A_635 = vector.broadcast %parallel_loop3A_634 : i32 to vector<16xi32>
        %parallel_loop3A_636 = arith.addi %xor3A_18, %parallel_loop3A_635 : vector<16xi32>
        %parallel_loop3A_637 = arith.select %parallel_loop3A_633, %parallel_loop3A_636, %xor3A_18 : vector<16xi1>, vector<16xi32>
        %parallel_loop3A_638 = vector.shape_cast %parallel_loop3A_637 : vector<16xi32> to vector<16x1xi32>
        %parallel_loop3A_639 = vector.shape_cast %parallel_loop3A_638 : vector<16x1xi32> to vector<16xi32>
        %parallel_loop3A_640 = tpu.dynamic_gather %parallel_loop3A_630[%parallel_loop3A_639] in [0] : vector<16xf32>, vector<16xi32> -> vector<16xf32>
        %parallel_loop3A_641 = arith.addf %parallel_loop3A_630, %parallel_loop3A_640 : vector<16xf32>
        %parallel_loop3A_642 = arith.constant 0 : i32
        %parallel_loop3A_643 = vector.broadcast %parallel_loop3A_642 : i32 to vector<16xi32>
        %parallel_loop3A_644 = arith.cmpi slt, %xor3A_21, %parallel_loop3A_643 : vector<16xi32>
        %parallel_loop3A_645 = arith.constant 16 : i32
        %parallel_loop3A_646 = vector.broadcast %parallel_loop3A_645 : i32 to vector<16xi32>
        %parallel_loop3A_647 = arith.addi %xor3A_21, %parallel_loop3A_646 : vector<16xi32>
        %parallel_loop3A_648 = arith.select %parallel_loop3A_644, %parallel_loop3A_647, %xor3A_21 : vector<16xi1>, vector<16xi32>
        %parallel_loop3A_649 = vector.shape_cast %parallel_loop3A_648 : vector<16xi32> to vector<16x1xi32>
        %parallel_loop3A_650 = vector.shape_cast %parallel_loop3A_649 : vector<16x1xi32> to vector<16xi32>
        %parallel_loop3A_651 = tpu.dynamic_gather %parallel_loop3A_641[%parallel_loop3A_650] in [0] : vector<16xf32>, vector<16xi32> -> vector<16xf32>
        %parallel_loop3A_652 = arith.addf %parallel_loop3A_641, %parallel_loop3A_651 : vector<16xf32>
        %parallel_loop3A_653 = arith.constant 0 : i32
        %parallel_loop3A_654 = vector.broadcast %parallel_loop3A_653 : i32 to vector<16xi32>
        %parallel_loop3A_655 = arith.cmpi slt, %xor3A_24, %parallel_loop3A_654 : vector<16xi32>
        %parallel_loop3A_656 = arith.constant 16 : i32
        %parallel_loop3A_657 = vector.broadcast %parallel_loop3A_656 : i32 to vector<16xi32>
        %parallel_loop3A_658 = arith.addi %xor3A_24, %parallel_loop3A_657 : vector<16xi32>
        %parallel_loop3A_659 = arith.select %parallel_loop3A_655, %parallel_loop3A_658, %xor3A_24 : vector<16xi1>, vector<16xi32>
        %parallel_loop3A_660 = vector.shape_cast %parallel_loop3A_659 : vector<16xi32> to vector<16x1xi32>
        %parallel_loop3A_661 = vector.shape_cast %parallel_loop3A_660 : vector<16x1xi32> to vector<16xi32>
        %parallel_loop3A_662 = tpu.dynamic_gather %parallel_loop3A_652[%parallel_loop3A_661] in [0] : vector<16xf32>, vector<16xi32> -> vector<16xf32>
        %parallel_loop3A_663 = arith.addf %parallel_loop3A_652, %parallel_loop3A_662 : vector<16xf32>
        %parallel_loop3A_664 = math.exp %parallel_loop3A_663 : vector<16xf32>
        %parallel_loop3A_665 = arith.constant 0 : i32
        %parallel_loop3A_666 = arith.index_cast %parallel_loop3A_665 : i32 to index
        %parallel_loop3A_667 = arith.index_cast %parallel_loop3A_540 : i32 to index
        %parallel_loop3A_668 = arith.constant 64 : index
        %parallel_loop3A_669 = tpu.vector_load %arg11[%parallel_loop3A_666, %parallel_loop3A_667, %parallel_loop3A_668] {strides = array<i32>} : memref<2x80x128xf32, #tpu.memory_space<vmem>>, vector<1x1x16xf32>,
        %parallel_loop3A_670 = vector.shape_cast %parallel_loop3A_669 : vector<1x1x16xf32> to vector<16xf32>
        %parallel_loop3A_671 = arith.constant 0 : i32
        %parallel_loop3A_672 = arith.index_cast %parallel_loop3A_671 : i32 to index
        %parallel_loop3A_673 = arith.index_cast %parallel_loop3A_540 : i32 to index
        %parallel_loop3A_674 = arith.constant 80 : index
        %parallel_loop3A_675 = tpu.vector_load %arg11[%parallel_loop3A_672, %parallel_loop3A_673, %parallel_loop3A_674] {strides = array<i32>} : memref<2x80x128xf32, #tpu.memory_space<vmem>>, vector<1x1x16xf32>,
        %parallel_loop3A_676 = vector.shape_cast %parallel_loop3A_675 : vector<1x1x16xf32> to vector<16xf32>
        %parallel_loop3A_677 = arith.constant 0 : i32
        %parallel_loop3A_678 = arith.index_cast %parallel_loop3A_677 : i32 to index
        %parallel_loop3A_679 = arith.index_cast %parallel_loop3A_540 : i32 to index
        %parallel_loop3A_680 = arith.constant 96 : index
        %parallel_loop3A_681 = tpu.vector_load %arg11[%parallel_loop3A_678, %parallel_loop3A_679, %parallel_loop3A_680] {strides = array<i32>} : memref<2x80x128xf32, #tpu.memory_space<vmem>>, vector<1x1x16xf32>,
        %parallel_loop3A_682 = vector.shape_cast %parallel_loop3A_681 : vector<1x1x16xf32> to vector<16xf32>
        %parallel_loop3A_683 = arith.constant 0 : i32
        %parallel_loop3A_684 = arith.index_cast %parallel_loop3A_683 : i32 to index
        %parallel_loop3A_685 = arith.index_cast %parallel_loop3A_540 : i32 to index
        %parallel_loop3A_686 = arith.constant 112 : index
        %parallel_loop3A_687 = tpu.vector_load %arg11[%parallel_loop3A_684, %parallel_loop3A_685, %parallel_loop3A_686] {strides = array<i32>} : memref<2x80x128xf32, #tpu.memory_space<vmem>>, vector<1x1x16xf32>,
        %parallel_loop3A_688 = vector.shape_cast %parallel_loop3A_687 : vector<1x1x16xf32> to vector<16xf32>
        %parallel_loop3A_689 = arith.mulf %parallel_loop3A_670, %parallel_loop3A_664 : vector<16xf32>
        %parallel_loop3A_690 = arith.constant 0 : i32
        %parallel_loop3A_691 = arith.index_cast %parallel_loop3A_690 : i32 to index
        %parallel_loop3A_692 = arith.index_cast %parallel_loop3A_540 : i32 to index
        %parallel_loop3A_693 = arith.constant 0 : index
        %parallel_loop3A_694 = tpu.vector_load %arg11[%parallel_loop3A_691, %parallel_loop3A_692, %parallel_loop3A_693] {strides = array<i32>} : memref<2x80x128xf32, #tpu.memory_space<vmem>>, vector<1x1x16xf32>,
        %parallel_loop3A_695 = vector.shape_cast %parallel_loop3A_694 : vector<1x1x16xf32> to vector<16xf32>
        %parallel_loop3A_696 = vector.shape_cast %parallel_loop3A_689 : vector<16xf32> to vector<1x1x16xf32>
        tpu.vector_store %arg11[%parallel_loop3A_691, %parallel_loop3A_692, %parallel_loop3A_693], %parallel_loop3A_696 {strides = array<i32>} : memref<2x80x128xf32, #tpu.memory_space<vmem>>, vector<1x1x16xf32>,
        %parallel_loop3A_697 = arith.mulf %parallel_loop3A_676, %parallel_loop3A_664 : vector<16xf32>
        %parallel_loop3A_698 = arith.constant 0 : i32
        %parallel_loop3A_699 = arith.index_cast %parallel_loop3A_698 : i32 to index
        %parallel_loop3A_700 = arith.index_cast %parallel_loop3A_540 : i32 to index
        %parallel_loop3A_701 = arith.constant 16 : index
        %parallel_loop3A_702 = tpu.vector_load %arg11[%parallel_loop3A_699, %parallel_loop3A_700, %parallel_loop3A_701] {strides = array<i32>} : memref<2x80x128xf32, #tpu.memory_space<vmem>>, vector<1x1x16xf32>,
        %parallel_loop3A_703 = vector.shape_cast %parallel_loop3A_702 : vector<1x1x16xf32> to vector<16xf32>
        %parallel_loop3A_704 = vector.shape_cast %parallel_loop3A_697 : vector<16xf32> to vector<1x1x16xf32>
        tpu.vector_store %arg11[%parallel_loop3A_699, %parallel_loop3A_700, %parallel_loop3A_701], %parallel_loop3A_704 {strides = array<i32>} : memref<2x80x128xf32, #tpu.memory_space<vmem>>, vector<1x1x16xf32>,
        %parallel_loop3A_705 = arith.mulf %parallel_loop3A_682, %parallel_loop3A_664 : vector<16xf32>
        %parallel_loop3A_706 = arith.constant 0 : i32
        %parallel_loop3A_707 = arith.index_cast %parallel_loop3A_706 : i32 to index
        %parallel_loop3A_708 = arith.index_cast %parallel_loop3A_540 : i32 to index
        %parallel_loop3A_709 = arith.constant 32 : index
        %parallel_loop3A_710 = tpu.vector_load %arg11[%parallel_loop3A_707, %parallel_loop3A_708, %parallel_loop3A_709] {strides = array<i32>} : memref<2x80x128xf32, #tpu.memory_space<vmem>>, vector<1x1x16xf32>,
        %parallel_loop3A_711 = vector.shape_cast %parallel_loop3A_710 : vector<1x1x16xf32> to vector<16xf32>
        %parallel_loop3A_712 = vector.shape_cast %parallel_loop3A_705 : vector<16xf32> to vector<1x1x16xf32>
        tpu.vector_store %arg11[%parallel_loop3A_707, %parallel_loop3A_708, %parallel_loop3A_709], %parallel_loop3A_712 {strides = array<i32>} : memref<2x80x128xf32, #tpu.memory_space<vmem>>, vector<1x1x16xf32>,
        %parallel_loop3A_713 = arith.mulf %parallel_loop3A_688, %parallel_loop3A_664 : vector<16xf32>
        %parallel_loop3A_714 = arith.constant 0 : i32
        %parallel_loop3A_715 = arith.index_cast %parallel_loop3A_714 : i32 to index
        %parallel_loop3A_716 = arith.index_cast %parallel_loop3A_540 : i32 to index
        %parallel_loop3A_717 = arith.constant 48 : index
        %parallel_loop3A_718 = tpu.vector_load %arg11[%parallel_loop3A_715, %parallel_loop3A_716, %parallel_loop3A_717] {strides = array<i32>} : memref<2x80x128xf32, #tpu.memory_space<vmem>>, vector<1x1x16xf32>,
        %parallel_loop3A_719 = vector.shape_cast %parallel_loop3A_718 : vector<1x1x16xf32> to vector<16xf32>
        %parallel_loop3A_720 = vector.shape_cast %parallel_loop3A_713 : vector<16xf32> to vector<1x1x16xf32>
        tpu.vector_store %arg11[%parallel_loop3A_715, %parallel_loop3A_716, %parallel_loop3A_717], %parallel_loop3A_720 {strides = array<i32>} : memref<2x80x128xf32, #tpu.memory_space<vmem>>, vector<1x1x16xf32>,
        %parallel_loop3A_721 = arith.constant 0 : i32
        %parallel_loop3A_722 = vector.broadcast %parallel_loop3A_721 : i32 to vector<16xi32>
        %parallel_loop3A_723 = arith.cmpi eq, %iota3A, %parallel_loop3A_722 : vector<16xi32>
        %parallel_loop3A_724 = arith.select %parallel_loop3A_723, %parallel_loop3A_664, %select_n3A : vector<16xi1>, vector<16xf32>
        %parallel_loop3A_725 = arith.constant 0 : i32
        %parallel_loop3A_726 = arith.index_cast %parallel_loop3A_725 : i32 to index
        %parallel_loop3A_727 = arith.index_cast %parallel_loop3A_540 : i32 to index
        %parallel_loop3A_728 = arith.constant 64 : index
        %parallel_loop3A_729 = tpu.vector_load %arg11[%parallel_loop3A_726, %parallel_loop3A_727, %parallel_loop3A_728] {strides = array<i32>} : memref<2x80x128xf32, #tpu.memory_space<vmem>>, vector<1x1x16xf32>,
        %parallel_loop3A_730 = vector.shape_cast %parallel_loop3A_729 : vector<1x1x16xf32> to vector<16xf32>
        %parallel_loop3A_731 = vector.shape_cast %parallel_loop3A_724 : vector<16xf32> to vector<1x1x16xf32>
        tpu.vector_store %arg11[%parallel_loop3A_726, %parallel_loop3A_727, %parallel_loop3A_728], %parallel_loop3A_731 {strides = array<i32>} : memref<2x80x128xf32, #tpu.memory_space<vmem>>, vector<1x1x16xf32>,
      } {sc.loop_unroll_factor = 4 : i64, sc.parallel_access}
      %run_scoped3A = arith.constant 0 : i32
      %run_scoped3A_363 = arith.constant 0 : i32
      "tpu.region"() ({
        %run_scoped3A_540 = tpu.sem_alloc : memref<!tpu.dma_semaphore, #tpu.memory_space<semaphore_mem>>
        %dma_start3A_541 = arith.constant 0 : i32
        %dma_start3A_542 = arith.constant 0 : i32
        %dma_start3A_543 = tpu.memref_slice %arg11[%run_scoped3A, %dma_start3A_541, %dma_start3A_542] : memref<2x80x128xf32, #tpu.memory_space<vmem>> -> memref<1x80x128xf32, #tpu.memory_space<vmem>>
        %dma_start3A_544 = tpu.memref_squeeze %dma_start3A_543 : memref<1x80x128xf32, #tpu.memory_space<vmem>> -> memref<80x128xf32, #tpu.memory_space<vmem>>
        %dma_start3A_545 = arith.constant 0 : i32
        %dma_start3A_546 = tpu.memref_slice %arg10[%run_scoped3A_363, %dma_start3A_545] : memref<4x80xi32, #tpu.memory_space<vmem>> -> memref<1x80xi32, #tpu.memory_space<vmem>>
        %dma_start3A_547 = tpu.memref_squeeze %dma_start3A_546 : memref<1x80xi32, #tpu.memory_space<vmem>> -> memref<80xi32, #tpu.memory_space<vmem>>
        %dma_start3A_548 = arith.constant 0 : i32
        %dma_start3A_549 = arith.constant 0 : i32
        %dma_start3A_550 = tpu.memref_slice %arg14[%dma_start3A_548, %dma_start3A_549] : memref<10112x128xf32, #tpu.memory_space<vmem_shared>> -> memref<10112x128xf32, #tpu.memory_space<vmem_shared>>
        tpu.enqueue_indirect_dma source(%dma_start3A_544 : memref<80x128xf32, #tpu.memory_space<vmem>>) target(%dma_start3A_550 : memref<10112x128xf32, #tpu.memory_space<vmem_shared>>) offsets(%dma_start3A_547 : memref<80xi32, #tpu.memory_space<vmem>>) semaphore(%run_scoped3A_540 : memref<!tpu.dma_semaphore, #tpu.memory_space<semaphore_mem>>) {add = true}
        %dma_wait3A_551 = arith.constant 0 : i32
        %dma_wait3A_552 = arith.constant 0 : i32
        %dma_wait3A_553 = tpu.memref_slice %arg11[%run_scoped3A, %dma_wait3A_551, %dma_wait3A_552] : memref<2x80x128xf32, #tpu.memory_space<vmem>> -> memref<1x80x128xf32, #tpu.memory_space<vmem>>
        %dma_wait3A_554 = tpu.memref_squeeze %dma_wait3A_553 : memref<1x80x128xf32, #tpu.memory_space<vmem>> -> memref<80x128xf32, #tpu.memory_space<vmem>>
        %dma_wait3A_555 = arith.constant 0 : i32
        %dma_wait3A_556 = tpu.memref_slice %arg10[%run_scoped3A_363, %dma_wait3A_555] : memref<4x80xi32, #tpu.memory_space<vmem>> -> memref<1x80xi32, #tpu.memory_space<vmem>>
        %dma_wait3A_557 = tpu.memref_squeeze %dma_wait3A_556 : memref<1x80xi32, #tpu.memory_space<vmem>> -> memref<80xi32, #tpu.memory_space<vmem>>
        %dma_wait3A_558 = arith.constant 0 : i32
        %dma_wait3A_559 = arith.constant 0 : i32
        %dma_wait3A_560 = tpu.memref_slice %arg14[%dma_wait3A_558, %dma_wait3A_559] : memref<10112x128xf32, #tpu.memory_space<vmem_shared>> -> memref<10112x128xf32, #tpu.memory_space<vmem_shared>>
        tpu.wait_indirect_dma semaphore(%run_scoped3A_540 : memref<!tpu.dma_semaphore, #tpu.memory_space<semaphore_mem>>) src(%dma_wait3A_554 : memref<80x128xf32, #tpu.memory_space<vmem>>) dst(%dma_wait3A_560 : memref<10112x128xf32, #tpu.memory_space<vmem_shared>>)
        tpu.yield
      }) : () -> ()
      %add3A_364 = arith.constant 2 : i32
      %add3A_365 = arith.addi %add3A_326, %add3A_364 : i32
      %lt3A = arith.constant 512 : i32
      %lt3A_366 = arith.cmpi slt, %add3A_365, %lt3A : i32
      %convert_element_type3A = arith.extui %lt3A_366 : i1 to i32
      %cond3A = arith.constant 0 : i32
      %cond3A_367 = arith.cmpi ne, %convert_element_type3A, %cond3A : i32
      scf.if %cond3A_367 {
        %add3A_540 = arith.constant 2 : i32
        %add3A_541 = arith.addi %add3A_326, %add3A_540 : i32
        %add3A_542 = arith.addi %mul3A_0, %add3A_541 : i32
        %dma_wait3A_543 = arith.constant 2 : i32
        %dma_wait3A_544 = arith.constant 2 : i32
        %dma_wait3A_545 = arith.constant 0 : i32
        %dma_wait3A_546 = tpu.memref_slice %arg9[%dma_wait3A_543, %dma_wait3A_545] : memref<4x80xi32, #tpu.memory_space<vmem>> -> memref<1x80xi32, #tpu.memory_space<vmem>>
        %dma_wait3A_547 = tpu.memref_squeeze %dma_wait3A_546 : memref<1x80xi32, #tpu.memory_space<vmem>> -> memref<80xi32, #tpu.memory_space<vmem>>
        %dma_wait3A_548 = arith.constant 0 : i32
        %dma_wait3A_549 = tpu.memref_slice %arg4[%add3A_542, %dma_wait3A_548] : memref<8192x80xi32, #tpu.memory_space<hbm>> -> memref<1x80xi32, #tpu.memory_space<hbm>>
        %dma_wait3A_550 = tpu.memref_squeeze %dma_wait3A_549 : memref<1x80xi32, #tpu.memory_space<hbm>> -> memref<80xi32, #tpu.memory_space<hbm>>
        %dma_wait3A_551 = tpu.memref_slice %arg17[%dma_wait3A_544] : memref<4x!tpu.dma_semaphore, #tpu.memory_space<semaphore_mem>> -> memref<1x!tpu.dma_semaphore, #tpu.memory_space<semaphore_mem>>
        %dma_wait3A_552 = tpu.memref_squeeze %dma_wait3A_551 : memref<1x!tpu.dma_semaphore, #tpu.memory_space<semaphore_mem>> -> memref<!tpu.dma_semaphore, #tpu.memory_space<semaphore_mem>>
        %dma_wait3A_553 = arith.constant 0 : i32
        %dma_wait3A_554 = tpu.memref_slice %arg9[%dma_wait3A_543, %dma_wait3A_553] : memref<4x80xi32, #tpu.memory_space<vmem>> -> memref<1x80xi32, #tpu.memory_space<vmem>>
        %dma_wait3A_555 = tpu.memref_squeeze %dma_wait3A_554 : memref<1x80xi32, #tpu.memory_space<vmem>> -> memref<80xi32, #tpu.memory_space<vmem>>
        %dma_wait3A_556 = arith.constant 0 : i32
        %dma_wait3A_557 = tpu.memref_slice %arg4[%add3A_542, %dma_wait3A_556] : memref<8192x80xi32, #tpu.memory_space<hbm>> -> memref<1x80xi32, #tpu.memory_space<hbm>>
        %dma_wait3A_558 = tpu.memref_squeeze %dma_wait3A_557 : memref<1x80xi32, #tpu.memory_space<hbm>> -> memref<80xi32, #tpu.memory_space<hbm>>
        tpu.wait_dma2 semaphore(%dma_wait3A_552 : memref<!tpu.dma_semaphore, #tpu.memory_space<semaphore_mem>>) src(%dma_wait3A_558 : memref<80xi32, #tpu.memory_space<hbm>>) dst(%dma_wait3A_555 : memref<80xi32, #tpu.memory_space<vmem>>)
        %add3A_559 = arith.addi %mul3A_0, %add3A_541 : i32
        %dma_wait3A_560 = arith.constant 2 : i32
        %dma_wait3A_561 = arith.constant 2 : i32
        %dma_wait3A_562 = arith.constant 0 : i32
        %dma_wait3A_563 = tpu.memref_slice %arg10[%dma_wait3A_560, %dma_wait3A_562] : memref<4x80xi32, #tpu.memory_space<vmem>> -> memref<1x80xi32, #tpu.memory_space<vmem>>
        %dma_wait3A_564 = tpu.memref_squeeze %dma_wait3A_563 : memref<1x80xi32, #tpu.memory_space<vmem>> -> memref<80xi32, #tpu.memory_space<vmem>>
        %dma_wait3A_565 = arith.constant 0 : i32
        %dma_wait3A_566 = tpu.memref_slice %arg5[%add3A_559, %dma_wait3A_565] : memref<8192x80xi32, #tpu.memory_space<hbm>> -> memref<1x80xi32, #tpu.memory_space<hbm>>
        %dma_wait3A_567 = tpu.memref_squeeze %dma_wait3A_566 : memref<1x80xi32, #tpu.memory_space<hbm>> -> memref<80xi32, #tpu.memory_space<hbm>>
        %dma_wait3A_568 = tpu.memref_slice %arg17[%dma_wait3A_561] : memref<4x!tpu.dma_semaphore, #tpu.memory_space<semaphore_mem>> -> memref<1x!tpu.dma_semaphore, #tpu.memory_space<semaphore_mem>>
        %dma_wait3A_569 = tpu.memref_squeeze %dma_wait3A_568 : memref<1x!tpu.dma_semaphore, #tpu.memory_space<semaphore_mem>> -> memref<!tpu.dma_semaphore, #tpu.memory_space<semaphore_mem>>
        %dma_wait3A_570 = arith.constant 0 : i32
        %dma_wait3A_571 = tpu.memref_slice %arg10[%dma_wait3A_560, %dma_wait3A_570] : memref<4x80xi32, #tpu.memory_space<vmem>> -> memref<1x80xi32, #tpu.memory_space<vmem>>
        %dma_wait3A_572 = tpu.memref_squeeze %dma_wait3A_571 : memref<1x80xi32, #tpu.memory_space<vmem>> -> memref<80xi32, #tpu.memory_space<vmem>>
        %dma_wait3A_573 = arith.constant 0 : i32
        %dma_wait3A_574 = tpu.memref_slice %arg5[%add3A_559, %dma_wait3A_573] : memref<8192x80xi32, #tpu.memory_space<hbm>> -> memref<1x80xi32, #tpu.memory_space<hbm>>
        %dma_wait3A_575 = tpu.memref_squeeze %dma_wait3A_574 : memref<1x80xi32, #tpu.memory_space<hbm>> -> memref<80xi32, #tpu.memory_space<hbm>>
        tpu.wait_dma2 semaphore(%dma_wait3A_569 : memref<!tpu.dma_semaphore, #tpu.memory_space<semaphore_mem>>) src(%dma_wait3A_575 : memref<80xi32, #tpu.memory_space<hbm>>) dst(%dma_wait3A_572 : memref<80xi32, #tpu.memory_space<vmem>>)
        %dma_start3A_576 = arith.constant 2 : i32
        %dma_start3A_577 = arith.constant 0 : i32
        %dma_start3A_578 = arith.constant 0 : i32
        %dma_start3A_579 = arith.constant 0 : i32
        %dma_start3A_580 = arith.constant 0 : i32
        %dma_start3A_581 = tpu.memref_slice %arg11[%dma_start3A_577, %dma_start3A_579, %dma_start3A_580] : memref<2x80x128xf32, #tpu.memory_space<vmem>> -> memref<1x80x128xf32, #tpu.memory_space<vmem>>
        %dma_start3A_582 = tpu.memref_squeeze %dma_start3A_581 : memref<1x80x128xf32, #tpu.memory_space<vmem>> -> memref<80x128xf32, #tpu.memory_space<vmem>>
        %dma_start3A_583 = arith.constant 0 : i32
        %dma_start3A_584 = tpu.memref_slice %arg9[%dma_start3A_576, %dma_start3A_583] : memref<4x80xi32, #tpu.memory_space<vmem>> -> memref<1x80xi32, #tpu.memory_space<vmem>>
        %dma_start3A_585 = tpu.memref_squeeze %dma_start3A_584 : memref<1x80xi32, #tpu.memory_space<vmem>> -> memref<80xi32, #tpu.memory_space<vmem>>
        %dma_start3A_586 = arith.constant 0 : i32
        %dma_start3A_587 = arith.constant 0 : i32
        %dma_start3A_588 = tpu.memref_slice %arg2[%arg0, %dma_start3A_586, %dma_start3A_587] : memref<2x10240x128xf32, #tpu.memory_space<hbm>> -> memref<1x10240x128xf32, #tpu.memory_space<hbm>>
        %dma_start3A_589 = tpu.memref_squeeze %dma_start3A_588 : memref<1x10240x128xf32, #tpu.memory_space<hbm>> -> memref<10240x128xf32, #tpu.memory_space<hbm>>
        %dma_start3A_590 = arith.constant 0 : i32
        %dma_start3A_591 = arith.constant 0 : i32
        %dma_start3A_592 = tpu.memref_slice %dma_start3A_589[%dma_start3A_590, %dma_start3A_591] : memref<10240x128xf32, #tpu.memory_space<hbm>> -> memref<10240x128xf32, #tpu.memory_space<hbm>>
        %dma_start3A_593 = tpu.memref_slice %arg15[%dma_start3A_578] : memref<2x!tpu.dma_semaphore, #tpu.memory_space<semaphore_mem>> -> memref<1x!tpu.dma_semaphore, #tpu.memory_space<semaphore_mem>>
        %dma_start3A_594 = tpu.memref_squeeze %dma_start3A_593 : memref<1x!tpu.dma_semaphore, #tpu.memory_space<semaphore_mem>> -> memref<!tpu.dma_semaphore, #tpu.memory_space<semaphore_mem>>
        tpu.enqueue_indirect_dma source(%dma_start3A_592 : memref<10240x128xf32, #tpu.memory_space<hbm>>) target(%dma_start3A_582 : memref<80x128xf32, #tpu.memory_space<vmem>>) offsets(%dma_start3A_585 : memref<80xi32, #tpu.memory_space<vmem>>) semaphore(%dma_start3A_594 : memref<!tpu.dma_semaphore, #tpu.memory_space<semaphore_mem>>)
        %dma_start3A_595 = arith.constant 2 : i32
        %dma_start3A_596 = arith.constant 0 : i32
        %dma_start3A_597 = arith.constant 0 : i32
        %dma_start3A_598 = arith.constant 0 : i32
        %dma_start3A_599 = arith.constant 0 : i32
        %dma_start3A_600 = tpu.memref_slice %arg12[%dma_start3A_596, %dma_start3A_598, %dma_start3A_599] : memref<2x80x128xf32, #tpu.memory_space<vmem>> -> memref<1x80x128xf32, #tpu.memory_space<vmem>>
        %dma_start3A_601 = tpu.memref_squeeze %dma_start3A_600 : memref<1x80x128xf32, #tpu.memory_space<vmem>> -> memref<80x128xf32, #tpu.memory_space<vmem>>
        %dma_start3A_602 = arith.constant 0 : i32
        %dma_start3A_603 = tpu.memref_slice %arg10[%dma_start3A_595, %dma_start3A_602] : memref<4x80xi32, #tpu.memory_space<vmem>> -> memref<1x80xi32, #tpu.memory_space<vmem>>
        %dma_start3A_604 = tpu.memref_squeeze %dma_start3A_603 : memref<1x80xi32, #tpu.memory_space<vmem>> -> memref<80xi32, #tpu.memory_space<vmem>>
        %dma_start3A_605 = arith.constant 0 : i32
        %dma_start3A_606 = arith.constant 0 : i32
        %dma_start3A_607 = tpu.memref_slice %arg3[%dma_start3A_605, %dma_start3A_606] : memref<10240x128xf32, #tpu.memory_space<hbm>> -> memref<10240x128xf32, #tpu.memory_space<hbm>>
        %dma_start3A_608 = tpu.memref_slice %arg16[%dma_start3A_597] : memref<2x!tpu.dma_semaphore, #tpu.memory_space<semaphore_mem>> -> memref<1x!tpu.dma_semaphore, #tpu.memory_space<semaphore_mem>>
        %dma_start3A_609 = tpu.memref_squeeze %dma_start3A_608 : memref<1x!tpu.dma_semaphore, #tpu.memory_space<semaphore_mem>> -> memref<!tpu.dma_semaphore, #tpu.memory_space<semaphore_mem>>
        tpu.enqueue_indirect_dma source(%dma_start3A_607 : memref<10240x128xf32, #tpu.memory_space<hbm>>) target(%dma_start3A_601 : memref<80x128xf32, #tpu.memory_space<vmem>>) offsets(%dma_start3A_604 : memref<80xi32, #tpu.memory_space<vmem>>) semaphore(%dma_start3A_609 : memref<!tpu.dma_semaphore, #tpu.memory_space<semaphore_mem>>)
      } else {
      }
      %add3A_368 = arith.constant 4 : i32
      %add3A_369 = arith.addi %add3A_326, %add3A_368 : i32
      %lt3A_370 = arith.constant 512 : i32
      %lt3A_371 = arith.cmpi slt, %add3A_369, %lt3A_370 : i32
      %convert_element_type3A_372 = arith.extui %lt3A_371 : i1 to i32
      %cond3A_373 = arith.constant 0 : i32
      %cond3A_374 = arith.cmpi ne, %convert_element_type3A_372, %cond3A_373 : i32
      scf.if %cond3A_374 {
        %add3A_540 = arith.constant 4 : i32
        %add3A_541 = arith.addi %add3A_326, %add3A_540 : i32
        %add3A_542 = arith.addi %mul3A_0, %add3A_541 : i32
        %dma_start3A_543 = arith.constant 0 : i32
        %dma_start3A_544 = arith.constant 0 : i32
        %dma_start3A_545 = arith.constant 0 : i32
        %dma_start3A_546 = tpu.memref_slice %arg9[%dma_start3A_543, %dma_start3A_545] : memref<4x80xi32, #tpu.memory_space<vmem>> -> memref<1x80xi32, #tpu.memory_space<vmem>>
        %dma_start3A_547 = tpu.memref_squeeze %dma_start3A_546 : memref<1x80xi32, #tpu.memory_space<vmem>> -> memref<80xi32, #tpu.memory_space<vmem>>
        %dma_start3A_548 = arith.constant 0 : i32
        %dma_start3A_549 = tpu.memref_slice %arg4[%add3A_542, %dma_start3A_548] : memref<8192x80xi32, #tpu.memory_space<hbm>> -> memref<1x80xi32, #tpu.memory_space<hbm>>
        %dma_start3A_550 = tpu.memref_squeeze %dma_start3A_549 : memref<1x80xi32, #tpu.memory_space<hbm>> -> memref<80xi32, #tpu.memory_space<hbm>>
        %dma_start3A_551 = tpu.memref_slice %arg17[%dma_start3A_544] : memref<4x!tpu.dma_semaphore, #tpu.memory_space<semaphore_mem>> -> memref<1x!tpu.dma_semaphore, #tpu.memory_space<semaphore_mem>>
        %dma_start3A_552 = tpu.memref_squeeze %dma_start3A_551 : memref<1x!tpu.dma_semaphore, #tpu.memory_space<semaphore_mem>> -> memref<!tpu.dma_semaphore, #tpu.memory_space<semaphore_mem>>
        %dma_start3A_553 = arith.constant 0 : i32
        %dma_start3A_554 = tpu.memref_slice %arg9[%dma_start3A_543, %dma_start3A_553] : memref<4x80xi32, #tpu.memory_space<vmem>> -> memref<1x80xi32, #tpu.memory_space<vmem>>
        %dma_start3A_555 = tpu.memref_squeeze %dma_start3A_554 : memref<1x80xi32, #tpu.memory_space<vmem>> -> memref<80xi32, #tpu.memory_space<vmem>>
        %dma_start3A_556 = arith.constant 0 : i32
        %dma_start3A_557 = tpu.memref_slice %arg4[%add3A_542, %dma_start3A_556] : memref<8192x80xi32, #tpu.memory_space<hbm>> -> memref<1x80xi32, #tpu.memory_space<hbm>>
        %dma_start3A_558 = tpu.memref_squeeze %dma_start3A_557 : memref<1x80xi32, #tpu.memory_space<hbm>> -> memref<80xi32, #tpu.memory_space<hbm>>
        tpu.enqueue_dma source(%dma_start3A_558 : memref<80xi32, #tpu.memory_space<hbm>>) target(%dma_start3A_555 : memref<80xi32, #tpu.memory_space<vmem>>) target_semaphore(%dma_start3A_552 : memref<!tpu.dma_semaphore, #tpu.memory_space<semaphore_mem>>)
        %add3A_559 = arith.addi %mul3A_0, %add3A_541 : i32
        %dma_start3A_560 = arith.constant 0 : i32
        %dma_start3A_561 = arith.constant 0 : i32
        %dma_start3A_562 = arith.constant 0 : i32
        %dma_start3A_563 = tpu.memref_slice %arg10[%dma_start3A_560, %dma_start3A_562] : memref<4x80xi32, #tpu.memory_space<vmem>> -> memref<1x80xi32, #tpu.memory_space<vmem>>
        %dma_start3A_564 = tpu.memref_squeeze %dma_start3A_563 : memref<1x80xi32, #tpu.memory_space<vmem>> -> memref<80xi32, #tpu.memory_space<vmem>>
        %dma_start3A_565 = arith.constant 0 : i32
        %dma_start3A_566 = tpu.memref_slice %arg5[%add3A_559, %dma_start3A_565] : memref<8192x80xi32, #tpu.memory_space<hbm>> -> memref<1x80xi32, #tpu.memory_space<hbm>>
        %dma_start3A_567 = tpu.memref_squeeze %dma_start3A_566 : memref<1x80xi32, #tpu.memory_space<hbm>> -> memref<80xi32, #tpu.memory_space<hbm>>
        %dma_start3A_568 = tpu.memref_slice %arg17[%dma_start3A_561] : memref<4x!tpu.dma_semaphore, #tpu.memory_space<semaphore_mem>> -> memref<1x!tpu.dma_semaphore, #tpu.memory_space<semaphore_mem>>
        %dma_start3A_569 = tpu.memref_squeeze %dma_start3A_568 : memref<1x!tpu.dma_semaphore, #tpu.memory_space<semaphore_mem>> -> memref<!tpu.dma_semaphore, #tpu.memory_space<semaphore_mem>>
        %dma_start3A_570 = arith.constant 0 : i32
        %dma_start3A_571 = tpu.memref_slice %arg10[%dma_start3A_560, %dma_start3A_570] : memref<4x80xi32, #tpu.memory_space<vmem>> -> memref<1x80xi32, #tpu.memory_space<vmem>>
        %dma_start3A_572 = tpu.memref_squeeze %dma_start3A_571 : memref<1x80xi32, #tpu.memory_space<vmem>> -> memref<80xi32, #tpu.memory_space<vmem>>
        %dma_start3A_573 = arith.constant 0 : i32
        %dma_start3A_574 = tpu.memref_slice %arg5[%add3A_559, %dma_start3A_573] : memref<8192x80xi32, #tpu.memory_space<hbm>> -> memref<1x80xi32, #tpu.memory_space<hbm>>
        %dma_start3A_575 = tpu.memref_squeeze %dma_start3A_574 : memref<1x80xi32, #tpu.memory_space<hbm>> -> memref<80xi32, #tpu.memory_space<hbm>>
        tpu.enqueue_dma source(%dma_start3A_575 : memref<80xi32, #tpu.memory_space<hbm>>) target(%dma_start3A_572 : memref<80xi32, #tpu.memory_space<vmem>>) target_semaphore(%dma_start3A_569 : memref<!tpu.dma_semaphore, #tpu.memory_space<semaphore_mem>>)
      } else {
      }
      %add3A_375 = arith.constant 1 : i32
      %add3A_376 = arith.addi %mul3A_324, %add3A_375 : i32
      %dma_wait3A_377 = arith.constant 1 : i32
      %dma_wait3A_378 = arith.constant 1 : i32
      %dma_wait3A_379 = arith.constant 1 : i32
      %dma_wait3A_380 = arith.constant 0 : i32
      %dma_wait3A_381 = arith.constant 0 : i32
      %dma_wait3A_382 = tpu.memref_slice %arg11[%dma_wait3A_378, %dma_wait3A_380, %dma_wait3A_381] : memref<2x80x128xf32, #tpu.memory_space<vmem>> -> memref<1x80x128xf32, #tpu.memory_space<vmem>>
      %dma_wait3A_383 = tpu.memref_squeeze %dma_wait3A_382 : memref<1x80x128xf32, #tpu.memory_space<vmem>> -> memref<80x128xf32, #tpu.memory_space<vmem>>
      %dma_wait3A_384 = arith.constant 0 : i32
      %dma_wait3A_385 = tpu.memref_slice %arg9[%dma_wait3A_377, %dma_wait3A_384] : memref<4x80xi32, #tpu.memory_space<vmem>> -> memref<1x80xi32, #tpu.memory_space<vmem>>
      %dma_wait3A_386 = tpu.memref_squeeze %dma_wait3A_385 : memref<1x80xi32, #tpu.memory_space<vmem>> -> memref<80xi32, #tpu.memory_space<vmem>>
      %dma_wait3A_387 = arith.constant 0 : i32
      %dma_wait3A_388 = arith.constant 0 : i32
      %dma_wait3A_389 = tpu.memref_slice %arg2[%arg0, %dma_wait3A_387, %dma_wait3A_388] : memref<2x10240x128xf32, #tpu.memory_space<hbm>> -> memref<1x10240x128xf32, #tpu.memory_space<hbm>>
      %dma_wait3A_390 = tpu.memref_squeeze %dma_wait3A_389 : memref<1x10240x128xf32, #tpu.memory_space<hbm>> -> memref<10240x128xf32, #tpu.memory_space<hbm>>
      %dma_wait3A_391 = arith.constant 0 : i32
      %dma_wait3A_392 = arith.constant 0 : i32
      %dma_wait3A_393 = tpu.memref_slice %dma_wait3A_390[%dma_wait3A_391, %dma_wait3A_392] : memref<10240x128xf32, #tpu.memory_space<hbm>> -> memref<10240x128xf32, #tpu.memory_space<hbm>>
      %dma_wait3A_394 = tpu.memref_slice %arg15[%dma_wait3A_379] : memref<2x!tpu.dma_semaphore, #tpu.memory_space<semaphore_mem>> -> memref<1x!tpu.dma_semaphore, #tpu.memory_space<semaphore_mem>>
      %dma_wait3A_395 = tpu.memref_squeeze %dma_wait3A_394 : memref<1x!tpu.dma_semaphore, #tpu.memory_space<semaphore_mem>> -> memref<!tpu.dma_semaphore, #tpu.memory_space<semaphore_mem>>
      tpu.wait_indirect_dma semaphore(%dma_wait3A_395 : memref<!tpu.dma_semaphore, #tpu.memory_space<semaphore_mem>>) src(%dma_wait3A_393 : memref<10240x128xf32, #tpu.memory_space<hbm>>) dst(%dma_wait3A_383 : memref<80x128xf32, #tpu.memory_space<vmem>>)
      %dma_wait3A_396 = arith.constant 1 : i32
      %dma_wait3A_397 = arith.constant 1 : i32
      %dma_wait3A_398 = arith.constant 1 : i32
      %dma_wait3A_399 = arith.constant 0 : i32
      %dma_wait3A_400 = arith.constant 0 : i32
      %dma_wait3A_401 = tpu.memref_slice %arg12[%dma_wait3A_397, %dma_wait3A_399, %dma_wait3A_400] : memref<2x80x128xf32, #tpu.memory_space<vmem>> -> memref<1x80x128xf32, #tpu.memory_space<vmem>>
      %dma_wait3A_402 = tpu.memref_squeeze %dma_wait3A_401 : memref<1x80x128xf32, #tpu.memory_space<vmem>> -> memref<80x128xf32, #tpu.memory_space<vmem>>
      %dma_wait3A_403 = arith.constant 0 : i32
      %dma_wait3A_404 = tpu.memref_slice %arg10[%dma_wait3A_396, %dma_wait3A_403] : memref<4x80xi32, #tpu.memory_space<vmem>> -> memref<1x80xi32, #tpu.memory_space<vmem>>
      %dma_wait3A_405 = tpu.memref_squeeze %dma_wait3A_404 : memref<1x80xi32, #tpu.memory_space<vmem>> -> memref<80xi32, #tpu.memory_space<vmem>>
      %dma_wait3A_406 = arith.constant 0 : i32
      %dma_wait3A_407 = arith.constant 0 : i32
      %dma_wait3A_408 = tpu.memref_slice %arg3[%dma_wait3A_406, %dma_wait3A_407] : memref<10240x128xf32, #tpu.memory_space<hbm>> -> memref<10240x128xf32, #tpu.memory_space<hbm>>
      %dma_wait3A_409 = tpu.memref_slice %arg16[%dma_wait3A_398] : memref<2x!tpu.dma_semaphore, #tpu.memory_space<semaphore_mem>> -> memref<1x!tpu.dma_semaphore, #tpu.memory_space<semaphore_mem>>
      %dma_wait3A_410 = tpu.memref_squeeze %dma_wait3A_409 : memref<1x!tpu.dma_semaphore, #tpu.memory_space<semaphore_mem>> -> memref<!tpu.dma_semaphore, #tpu.memory_space<semaphore_mem>>
      tpu.wait_indirect_dma semaphore(%dma_wait3A_410 : memref<!tpu.dma_semaphore, #tpu.memory_space<semaphore_mem>>) src(%dma_wait3A_408 : memref<10240x128xf32, #tpu.memory_space<hbm>>) dst(%dma_wait3A_402 : memref<80x128xf32, #tpu.memory_space<vmem>>)
      %parallel_loop3A_411 = arith.constant 0 : i32
      %parallel_loop3A_412 = arith.constant 80 : i32
      %parallel_loop3A_413 = arith.constant 1 : i32
      scf.for %parallel_loop3A_540 = %parallel_loop3A_411 to %parallel_loop3A_412 step %parallel_loop3A_413  : i32 {
        %parallel_loop3A_541 = arith.constant 1 : i32
        %parallel_loop3A_542 = arith.index_cast %parallel_loop3A_541 : i32 to index
        %parallel_loop3A_543 = arith.index_cast %parallel_loop3A_540 : i32 to index
        %parallel_loop3A_544 = arith.constant 0 : index
        %parallel_loop3A_545 = tpu.vector_load %arg11[%parallel_loop3A_542, %parallel_loop3A_543, %parallel_loop3A_544] {strides = array<i32>} : memref<2x80x128xf32, #tpu.memory_space<vmem>>, vector<1x1x16xf32>,
        %parallel_loop3A_546 = vector.shape_cast %parallel_loop3A_545 : vector<1x1x16xf32> to vector<16xf32>
        %parallel_loop3A_547 = arith.constant 0 : i32
        %parallel_loop3A_548 = arith.addi %mul3A_30, %parallel_loop3A_547 : i32
        %parallel_loop3A_549 = arith.constant 1 : i32
        %parallel_loop3A_550 = arith.index_cast %parallel_loop3A_549 : i32 to index
        %parallel_loop3A_551 = arith.index_cast %parallel_loop3A_540 : i32 to index
        %parallel_loop3A_552 = arith.index_cast %parallel_loop3A_548 : i32 to index
        %parallel_loop3A_553 = tpu.vector_load %arg12[%parallel_loop3A_550, %parallel_loop3A_551, %parallel_loop3A_552] {strides = array<i32>} : memref<2x80x128xf32, #tpu.memory_space<vmem>>, vector<1x1x16xf32>,
        %parallel_loop3A_554 = vector.shape_cast %parallel_loop3A_553 : vector<1x1x16xf32> to vector<16xf32>
        %parallel_loop3A_555 = arith.addf %parallel_loop3A_546, %parallel_loop3A_554 : vector<16xf32>
        %parallel_loop3A_556 = arith.constant 0.000000e+00 : f32
        %parallel_loop3A_557 = vector.broadcast %parallel_loop3A_556 : f32 to vector<16xf32>
        %parallel_loop3A_558 = arith.maximumf %parallel_loop3A_555, %parallel_loop3A_557 : vector<16xf32>
        %parallel_loop3A_559 = arith.mulf %parallel_loop3A_558, %get3A_4 : vector<16xf32>
        %parallel_loop3A_560 = arith.constant 1 : i32
        %parallel_loop3A_561 = arith.index_cast %parallel_loop3A_560 : i32 to index
        %parallel_loop3A_562 = arith.index_cast %parallel_loop3A_540 : i32 to index
        %parallel_loop3A_563 = arith.constant 16 : index
        %parallel_loop3A_564 = tpu.vector_load %arg11[%parallel_loop3A_561, %parallel_loop3A_562, %parallel_loop3A_563] {strides = array<i32>} : memref<2x80x128xf32, #tpu.memory_space<vmem>>, vector<1x1x16xf32>,
        %parallel_loop3A_565 = vector.shape_cast %parallel_loop3A_564 : vector<1x1x16xf32> to vector<16xf32>
        %parallel_loop3A_566 = arith.constant 16 : i32
        %parallel_loop3A_567 = arith.addi %mul3A_30, %parallel_loop3A_566 : i32
        %parallel_loop3A_568 = arith.constant 1 : i32
        %parallel_loop3A_569 = arith.index_cast %parallel_loop3A_568 : i32 to index
        %parallel_loop3A_570 = arith.index_cast %parallel_loop3A_540 : i32 to index
        %parallel_loop3A_571 = arith.index_cast %parallel_loop3A_567 : i32 to index
        %parallel_loop3A_572 = tpu.vector_load %arg12[%parallel_loop3A_569, %parallel_loop3A_570, %parallel_loop3A_571] {strides = array<i32>} : memref<2x80x128xf32, #tpu.memory_space<vmem>>, vector<1x1x16xf32>,
        %parallel_loop3A_573 = vector.shape_cast %parallel_loop3A_572 : vector<1x1x16xf32> to vector<16xf32>
        %parallel_loop3A_574 = arith.addf %parallel_loop3A_565, %parallel_loop3A_573 : vector<16xf32>
        %parallel_loop3A_575 = arith.constant 0.000000e+00 : f32
        %parallel_loop3A_576 = vector.broadcast %parallel_loop3A_575 : f32 to vector<16xf32>
        %parallel_loop3A_577 = arith.maximumf %parallel_loop3A_574, %parallel_loop3A_576 : vector<16xf32>
        %parallel_loop3A_578 = arith.mulf %parallel_loop3A_577, %get3A_7 : vector<16xf32>
        %parallel_loop3A_579 = arith.constant 1 : i32
        %parallel_loop3A_580 = arith.index_cast %parallel_loop3A_579 : i32 to index
        %parallel_loop3A_581 = arith.index_cast %parallel_loop3A_540 : i32 to index
        %parallel_loop3A_582 = arith.constant 32 : index
        %parallel_loop3A_583 = tpu.vector_load %arg11[%parallel_loop3A_580, %parallel_loop3A_581, %parallel_loop3A_582] {strides = array<i32>} : memref<2x80x128xf32, #tpu.memory_space<vmem>>, vector<1x1x16xf32>,
        %parallel_loop3A_584 = vector.shape_cast %parallel_loop3A_583 : vector<1x1x16xf32> to vector<16xf32>
        %parallel_loop3A_585 = arith.constant 32 : i32
        %parallel_loop3A_586 = arith.addi %mul3A_30, %parallel_loop3A_585 : i32
        %parallel_loop3A_587 = arith.constant 1 : i32
        %parallel_loop3A_588 = arith.index_cast %parallel_loop3A_587 : i32 to index
        %parallel_loop3A_589 = arith.index_cast %parallel_loop3A_540 : i32 to index
        %parallel_loop3A_590 = arith.index_cast %parallel_loop3A_586 : i32 to index
        %parallel_loop3A_591 = tpu.vector_load %arg12[%parallel_loop3A_588, %parallel_loop3A_589, %parallel_loop3A_590] {strides = array<i32>} : memref<2x80x128xf32, #tpu.memory_space<vmem>>, vector<1x1x16xf32>,
        %parallel_loop3A_592 = vector.shape_cast %parallel_loop3A_591 : vector<1x1x16xf32> to vector<16xf32>
        %parallel_loop3A_593 = arith.addf %parallel_loop3A_584, %parallel_loop3A_592 : vector<16xf32>
        %parallel_loop3A_594 = arith.constant 0.000000e+00 : f32
        %parallel_loop3A_595 = vector.broadcast %parallel_loop3A_594 : f32 to vector<16xf32>
        %parallel_loop3A_596 = arith.maximumf %parallel_loop3A_593, %parallel_loop3A_595 : vector<16xf32>
        %parallel_loop3A_597 = arith.mulf %parallel_loop3A_596, %get3A_10 : vector<16xf32>
        %parallel_loop3A_598 = arith.constant 1 : i32
        %parallel_loop3A_599 = arith.index_cast %parallel_loop3A_598 : i32 to index
        %parallel_loop3A_600 = arith.index_cast %parallel_loop3A_540 : i32 to index
        %parallel_loop3A_601 = arith.constant 48 : index
        %parallel_loop3A_602 = tpu.vector_load %arg11[%parallel_loop3A_599, %parallel_loop3A_600, %parallel_loop3A_601] {strides = array<i32>} : memref<2x80x128xf32, #tpu.memory_space<vmem>>, vector<1x1x16xf32>,
        %parallel_loop3A_603 = vector.shape_cast %parallel_loop3A_602 : vector<1x1x16xf32> to vector<16xf32>
        %parallel_loop3A_604 = arith.constant 48 : i32
        %parallel_loop3A_605 = arith.addi %mul3A_30, %parallel_loop3A_604 : i32
        %parallel_loop3A_606 = arith.constant 1 : i32
        %parallel_loop3A_607 = arith.index_cast %parallel_loop3A_606 : i32 to index
        %parallel_loop3A_608 = arith.index_cast %parallel_loop3A_540 : i32 to index
        %parallel_loop3A_609 = arith.index_cast %parallel_loop3A_605 : i32 to index
        %parallel_loop3A_610 = tpu.vector_load %arg12[%parallel_loop3A_607, %parallel_loop3A_608, %parallel_loop3A_609] {strides = array<i32>} : memref<2x80x128xf32, #tpu.memory_space<vmem>>, vector<1x1x16xf32>,
        %parallel_loop3A_611 = vector.shape_cast %parallel_loop3A_610 : vector<1x1x16xf32> to vector<16xf32>
        %parallel_loop3A_612 = arith.addf %parallel_loop3A_603, %parallel_loop3A_611 : vector<16xf32>
        %parallel_loop3A_613 = arith.constant 0.000000e+00 : f32
        %parallel_loop3A_614 = vector.broadcast %parallel_loop3A_613 : f32 to vector<16xf32>
        %parallel_loop3A_615 = arith.maximumf %parallel_loop3A_612, %parallel_loop3A_614 : vector<16xf32>
        %parallel_loop3A_616 = arith.mulf %parallel_loop3A_615, %get3A_13 : vector<16xf32>
        %parallel_loop3A_617 = arith.addf %parallel_loop3A_559, %parallel_loop3A_578 : vector<16xf32>
        %parallel_loop3A_618 = arith.addf %parallel_loop3A_597, %parallel_loop3A_616 : vector<16xf32>
        %parallel_loop3A_619 = arith.addf %parallel_loop3A_617, %parallel_loop3A_618 : vector<16xf32>
        %parallel_loop3A_620 = arith.constant 0 : i32
        %parallel_loop3A_621 = vector.broadcast %parallel_loop3A_620 : i32 to vector<16xi32>
        %parallel_loop3A_622 = arith.cmpi slt, %xor3A_15, %parallel_loop3A_621 : vector<16xi32>
        %parallel_loop3A_623 = arith.constant 16 : i32
        %parallel_loop3A_624 = vector.broadcast %parallel_loop3A_623 : i32 to vector<16xi32>
        %parallel_loop3A_625 = arith.addi %xor3A_15, %parallel_loop3A_624 : vector<16xi32>
        %parallel_loop3A_626 = arith.select %parallel_loop3A_622, %parallel_loop3A_625, %xor3A_15 : vector<16xi1>, vector<16xi32>
        %parallel_loop3A_627 = vector.shape_cast %parallel_loop3A_626 : vector<16xi32> to vector<16x1xi32>
        %parallel_loop3A_628 = vector.shape_cast %parallel_loop3A_627 : vector<16x1xi32> to vector<16xi32>
        %parallel_loop3A_629 = tpu.dynamic_gather %parallel_loop3A_619[%parallel_loop3A_628] in [0] : vector<16xf32>, vector<16xi32> -> vector<16xf32>
        %parallel_loop3A_630 = arith.addf %parallel_loop3A_619, %parallel_loop3A_629 : vector<16xf32>
        %parallel_loop3A_631 = arith.constant 0 : i32
        %parallel_loop3A_632 = vector.broadcast %parallel_loop3A_631 : i32 to vector<16xi32>
        %parallel_loop3A_633 = arith.cmpi slt, %xor3A_18, %parallel_loop3A_632 : vector<16xi32>
        %parallel_loop3A_634 = arith.constant 16 : i32
        %parallel_loop3A_635 = vector.broadcast %parallel_loop3A_634 : i32 to vector<16xi32>
        %parallel_loop3A_636 = arith.addi %xor3A_18, %parallel_loop3A_635 : vector<16xi32>
        %parallel_loop3A_637 = arith.select %parallel_loop3A_633, %parallel_loop3A_636, %xor3A_18 : vector<16xi1>, vector<16xi32>
        %parallel_loop3A_638 = vector.shape_cast %parallel_loop3A_637 : vector<16xi32> to vector<16x1xi32>
        %parallel_loop3A_639 = vector.shape_cast %parallel_loop3A_638 : vector<16x1xi32> to vector<16xi32>
        %parallel_loop3A_640 = tpu.dynamic_gather %parallel_loop3A_630[%parallel_loop3A_639] in [0] : vector<16xf32>, vector<16xi32> -> vector<16xf32>
        %parallel_loop3A_641 = arith.addf %parallel_loop3A_630, %parallel_loop3A_640 : vector<16xf32>
        %parallel_loop3A_642 = arith.constant 0 : i32
        %parallel_loop3A_643 = vector.broadcast %parallel_loop3A_642 : i32 to vector<16xi32>
        %parallel_loop3A_644 = arith.cmpi slt, %xor3A_21, %parallel_loop3A_643 : vector<16xi32>
        %parallel_loop3A_645 = arith.constant 16 : i32
        %parallel_loop3A_646 = vector.broadcast %parallel_loop3A_645 : i32 to vector<16xi32>
        %parallel_loop3A_647 = arith.addi %xor3A_21, %parallel_loop3A_646 : vector<16xi32>
        %parallel_loop3A_648 = arith.select %parallel_loop3A_644, %parallel_loop3A_647, %xor3A_21 : vector<16xi1>, vector<16xi32>
        %parallel_loop3A_649 = vector.shape_cast %parallel_loop3A_648 : vector<16xi32> to vector<16x1xi32>
        %parallel_loop3A_650 = vector.shape_cast %parallel_loop3A_649 : vector<16x1xi32> to vector<16xi32>
        %parallel_loop3A_651 = tpu.dynamic_gather %parallel_loop3A_641[%parallel_loop3A_650] in [0] : vector<16xf32>, vector<16xi32> -> vector<16xf32>
        %parallel_loop3A_652 = arith.addf %parallel_loop3A_641, %parallel_loop3A_651 : vector<16xf32>
        %parallel_loop3A_653 = arith.constant 0 : i32
        %parallel_loop3A_654 = vector.broadcast %parallel_loop3A_653 : i32 to vector<16xi32>
        %parallel_loop3A_655 = arith.cmpi slt, %xor3A_24, %parallel_loop3A_654 : vector<16xi32>
        %parallel_loop3A_656 = arith.constant 16 : i32
        %parallel_loop3A_657 = vector.broadcast %parallel_loop3A_656 : i32 to vector<16xi32>
        %parallel_loop3A_658 = arith.addi %xor3A_24, %parallel_loop3A_657 : vector<16xi32>
        %parallel_loop3A_659 = arith.select %parallel_loop3A_655, %parallel_loop3A_658, %xor3A_24 : vector<16xi1>, vector<16xi32>
        %parallel_loop3A_660 = vector.shape_cast %parallel_loop3A_659 : vector<16xi32> to vector<16x1xi32>
        %parallel_loop3A_661 = vector.shape_cast %parallel_loop3A_660 : vector<16x1xi32> to vector<16xi32>
        %parallel_loop3A_662 = tpu.dynamic_gather %parallel_loop3A_652[%parallel_loop3A_661] in [0] : vector<16xf32>, vector<16xi32> -> vector<16xf32>
        %parallel_loop3A_663 = arith.addf %parallel_loop3A_652, %parallel_loop3A_662 : vector<16xf32>
        %parallel_loop3A_664 = math.exp %parallel_loop3A_663 : vector<16xf32>
        %parallel_loop3A_665 = arith.constant 1 : i32
        %parallel_loop3A_666 = arith.index_cast %parallel_loop3A_665 : i32 to index
        %parallel_loop3A_667 = arith.index_cast %parallel_loop3A_540 : i32 to index
        %parallel_loop3A_668 = arith.constant 64 : index
        %parallel_loop3A_669 = tpu.vector_load %arg11[%parallel_loop3A_666, %parallel_loop3A_667, %parallel_loop3A_668] {strides = array<i32>} : memref<2x80x128xf32, #tpu.memory_space<vmem>>, vector<1x1x16xf32>,
        %parallel_loop3A_670 = vector.shape_cast %parallel_loop3A_669 : vector<1x1x16xf32> to vector<16xf32>
        %parallel_loop3A_671 = arith.constant 1 : i32
        %parallel_loop3A_672 = arith.index_cast %parallel_loop3A_671 : i32 to index
        %parallel_loop3A_673 = arith.index_cast %parallel_loop3A_540 : i32 to index
        %parallel_loop3A_674 = arith.constant 80 : index
        %parallel_loop3A_675 = tpu.vector_load %arg11[%parallel_loop3A_672, %parallel_loop3A_673, %parallel_loop3A_674] {strides = array<i32>} : memref<2x80x128xf32, #tpu.memory_space<vmem>>, vector<1x1x16xf32>,
        %parallel_loop3A_676 = vector.shape_cast %parallel_loop3A_675 : vector<1x1x16xf32> to vector<16xf32>
        %parallel_loop3A_677 = arith.constant 1 : i32
        %parallel_loop3A_678 = arith.index_cast %parallel_loop3A_677 : i32 to index
        %parallel_loop3A_679 = arith.index_cast %parallel_loop3A_540 : i32 to index
        %parallel_loop3A_680 = arith.constant 96 : index
        %parallel_loop3A_681 = tpu.vector_load %arg11[%parallel_loop3A_678, %parallel_loop3A_679, %parallel_loop3A_680] {strides = array<i32>} : memref<2x80x128xf32, #tpu.memory_space<vmem>>, vector<1x1x16xf32>,
        %parallel_loop3A_682 = vector.shape_cast %parallel_loop3A_681 : vector<1x1x16xf32> to vector<16xf32>
        %parallel_loop3A_683 = arith.constant 1 : i32
        %parallel_loop3A_684 = arith.index_cast %parallel_loop3A_683 : i32 to index
        %parallel_loop3A_685 = arith.index_cast %parallel_loop3A_540 : i32 to index
        %parallel_loop3A_686 = arith.constant 112 : index
        %parallel_loop3A_687 = tpu.vector_load %arg11[%parallel_loop3A_684, %parallel_loop3A_685, %parallel_loop3A_686] {strides = array<i32>} : memref<2x80x128xf32, #tpu.memory_space<vmem>>, vector<1x1x16xf32>,
        %parallel_loop3A_688 = vector.shape_cast %parallel_loop3A_687 : vector<1x1x16xf32> to vector<16xf32>
        %parallel_loop3A_689 = arith.mulf %parallel_loop3A_670, %parallel_loop3A_664 : vector<16xf32>
        %parallel_loop3A_690 = arith.constant 1 : i32
        %parallel_loop3A_691 = arith.index_cast %parallel_loop3A_690 : i32 to index
        %parallel_loop3A_692 = arith.index_cast %parallel_loop3A_540 : i32 to index
        %parallel_loop3A_693 = arith.constant 0 : index
        %parallel_loop3A_694 = tpu.vector_load %arg11[%parallel_loop3A_691, %parallel_loop3A_692, %parallel_loop3A_693] {strides = array<i32>} : memref<2x80x128xf32, #tpu.memory_space<vmem>>, vector<1x1x16xf32>,
        %parallel_loop3A_695 = vector.shape_cast %parallel_loop3A_694 : vector<1x1x16xf32> to vector<16xf32>
        %parallel_loop3A_696 = vector.shape_cast %parallel_loop3A_689 : vector<16xf32> to vector<1x1x16xf32>
        tpu.vector_store %arg11[%parallel_loop3A_691, %parallel_loop3A_692, %parallel_loop3A_693], %parallel_loop3A_696 {strides = array<i32>} : memref<2x80x128xf32, #tpu.memory_space<vmem>>, vector<1x1x16xf32>,
        %parallel_loop3A_697 = arith.mulf %parallel_loop3A_676, %parallel_loop3A_664 : vector<16xf32>
        %parallel_loop3A_698 = arith.constant 1 : i32
        %parallel_loop3A_699 = arith.index_cast %parallel_loop3A_698 : i32 to index
        %parallel_loop3A_700 = arith.index_cast %parallel_loop3A_540 : i32 to index
        %parallel_loop3A_701 = arith.constant 16 : index
        %parallel_loop3A_702 = tpu.vector_load %arg11[%parallel_loop3A_699, %parallel_loop3A_700, %parallel_loop3A_701] {strides = array<i32>} : memref<2x80x128xf32, #tpu.memory_space<vmem>>, vector<1x1x16xf32>,
        %parallel_loop3A_703 = vector.shape_cast %parallel_loop3A_702 : vector<1x1x16xf32> to vector<16xf32>
        %parallel_loop3A_704 = vector.shape_cast %parallel_loop3A_697 : vector<16xf32> to vector<1x1x16xf32>
        tpu.vector_store %arg11[%parallel_loop3A_699, %parallel_loop3A_700, %parallel_loop3A_701], %parallel_loop3A_704 {strides = array<i32>} : memref<2x80x128xf32, #tpu.memory_space<vmem>>, vector<1x1x16xf32>,
        %parallel_loop3A_705 = arith.mulf %parallel_loop3A_682, %parallel_loop3A_664 : vector<16xf32>
        %parallel_loop3A_706 = arith.constant 1 : i32
        %parallel_loop3A_707 = arith.index_cast %parallel_loop3A_706 : i32 to index
        %parallel_loop3A_708 = arith.index_cast %parallel_loop3A_540 : i32 to index
        %parallel_loop3A_709 = arith.constant 32 : index
        %parallel_loop3A_710 = tpu.vector_load %arg11[%parallel_loop3A_707, %parallel_loop3A_708, %parallel_loop3A_709] {strides = array<i32>} : memref<2x80x128xf32, #tpu.memory_space<vmem>>, vector<1x1x16xf32>,
        %parallel_loop3A_711 = vector.shape_cast %parallel_loop3A_710 : vector<1x1x16xf32> to vector<16xf32>
        %parallel_loop3A_712 = vector.shape_cast %parallel_loop3A_705 : vector<16xf32> to vector<1x1x16xf32>
        tpu.vector_store %arg11[%parallel_loop3A_707, %parallel_loop3A_708, %parallel_loop3A_709], %parallel_loop3A_712 {strides = array<i32>} : memref<2x80x128xf32, #tpu.memory_space<vmem>>, vector<1x1x16xf32>,
        %parallel_loop3A_713 = arith.mulf %parallel_loop3A_688, %parallel_loop3A_664 : vector<16xf32>
        %parallel_loop3A_714 = arith.constant 1 : i32
        %parallel_loop3A_715 = arith.index_cast %parallel_loop3A_714 : i32 to index
        %parallel_loop3A_716 = arith.index_cast %parallel_loop3A_540 : i32 to index
        %parallel_loop3A_717 = arith.constant 48 : index
        %parallel_loop3A_718 = tpu.vector_load %arg11[%parallel_loop3A_715, %parallel_loop3A_716, %parallel_loop3A_717] {strides = array<i32>} : memref<2x80x128xf32, #tpu.memory_space<vmem>>, vector<1x1x16xf32>,
        %parallel_loop3A_719 = vector.shape_cast %parallel_loop3A_718 : vector<1x1x16xf32> to vector<16xf32>
        %parallel_loop3A_720 = vector.shape_cast %parallel_loop3A_713 : vector<16xf32> to vector<1x1x16xf32>
        tpu.vector_store %arg11[%parallel_loop3A_715, %parallel_loop3A_716, %parallel_loop3A_717], %parallel_loop3A_720 {strides = array<i32>} : memref<2x80x128xf32, #tpu.memory_space<vmem>>, vector<1x1x16xf32>,
        %parallel_loop3A_721 = arith.constant 0 : i32
        %parallel_loop3A_722 = vector.broadcast %parallel_loop3A_721 : i32 to vector<16xi32>
        %parallel_loop3A_723 = arith.cmpi eq, %iota3A, %parallel_loop3A_722 : vector<16xi32>
        %parallel_loop3A_724 = arith.select %parallel_loop3A_723, %parallel_loop3A_664, %select_n3A : vector<16xi1>, vector<16xf32>
        %parallel_loop3A_725 = arith.constant 1 : i32
        %parallel_loop3A_726 = arith.index_cast %parallel_loop3A_725 : i32 to index
        %parallel_loop3A_727 = arith.index_cast %parallel_loop3A_540 : i32 to index
        %parallel_loop3A_728 = arith.constant 64 : index
        %parallel_loop3A_729 = tpu.vector_load %arg11[%parallel_loop3A_726, %parallel_loop3A_727, %parallel_loop3A_728] {strides = array<i32>} : memref<2x80x128xf32, #tpu.memory_space<vmem>>, vector<1x1x16xf32>,
        %parallel_loop3A_730 = vector.shape_cast %parallel_loop3A_729 : vector<1x1x16xf32> to vector<16xf32>
        %parallel_loop3A_731 = vector.shape_cast %parallel_loop3A_724 : vector<16xf32> to vector<1x1x16xf32>
        tpu.vector_store %arg11[%parallel_loop3A_726, %parallel_loop3A_727, %parallel_loop3A_728], %parallel_loop3A_731 {strides = array<i32>} : memref<2x80x128xf32, #tpu.memory_space<vmem>>, vector<1x1x16xf32>,
      } {sc.loop_unroll_factor = 4 : i64, sc.parallel_access}
      %run_scoped3A_414 = arith.constant 1 : i32
      %run_scoped3A_415 = arith.constant 1 : i32
      "tpu.region"() ({
        %run_scoped3A_540 = tpu.sem_alloc : memref<!tpu.dma_semaphore, #tpu.memory_space<semaphore_mem>>
        %dma_start3A_541 = arith.constant 0 : i32
        %dma_start3A_542 = arith.constant 0 : i32
        %dma_start3A_543 = tpu.memref_slice %arg11[%run_scoped3A_414, %dma_start3A_541, %dma_start3A_542] : memref<2x80x128xf32, #tpu.memory_space<vmem>> -> memref<1x80x128xf32, #tpu.memory_space<vmem>>
        %dma_start3A_544 = tpu.memref_squeeze %dma_start3A_543 : memref<1x80x128xf32, #tpu.memory_space<vmem>> -> memref<80x128xf32, #tpu.memory_space<vmem>>
        %dma_start3A_545 = arith.constant 0 : i32
        %dma_start3A_546 = tpu.memref_slice %arg10[%run_scoped3A_415, %dma_start3A_545] : memref<4x80xi32, #tpu.memory_space<vmem>> -> memref<1x80xi32, #tpu.memory_space<vmem>>
        %dma_start3A_547 = tpu.memref_squeeze %dma_start3A_546 : memref<1x80xi32, #tpu.memory_space<vmem>> -> memref<80xi32, #tpu.memory_space<vmem>>
        %dma_start3A_548 = arith.constant 0 : i32
        %dma_start3A_549 = arith.constant 0 : i32
        %dma_start3A_550 = tpu.memref_slice %arg14[%dma_start3A_548, %dma_start3A_549] : memref<10112x128xf32, #tpu.memory_space<vmem_shared>> -> memref<10112x128xf32, #tpu.memory_space<vmem_shared>>
        tpu.enqueue_indirect_dma source(%dma_start3A_544 : memref<80x128xf32, #tpu.memory_space<vmem>>) target(%dma_start3A_550 : memref<10112x128xf32, #tpu.memory_space<vmem_shared>>) offsets(%dma_start3A_547 : memref<80xi32, #tpu.memory_space<vmem>>) semaphore(%run_scoped3A_540 : memref<!tpu.dma_semaphore, #tpu.memory_space<semaphore_mem>>) {add = true}
        %dma_wait3A_551 = arith.constant 0 : i32
        %dma_wait3A_552 = arith.constant 0 : i32
        %dma_wait3A_553 = tpu.memref_slice %arg11[%run_scoped3A_414, %dma_wait3A_551, %dma_wait3A_552] : memref<2x80x128xf32, #tpu.memory_space<vmem>> -> memref<1x80x128xf32, #tpu.memory_space<vmem>>
        %dma_wait3A_554 = tpu.memref_squeeze %dma_wait3A_553 : memref<1x80x128xf32, #tpu.memory_space<vmem>> -> memref<80x128xf32, #tpu.memory_space<vmem>>
        %dma_wait3A_555 = arith.constant 0 : i32
        %dma_wait3A_556 = tpu.memref_slice %arg10[%run_scoped3A_415, %dma_wait3A_555] : memref<4x80xi32, #tpu.memory_space<vmem>> -> memref<1x80xi32, #tpu.memory_space<vmem>>
        %dma_wait3A_557 = tpu.memref_squeeze %dma_wait3A_556 : memref<1x80xi32, #tpu.memory_space<vmem>> -> memref<80xi32, #tpu.memory_space<vmem>>
        %dma_wait3A_558 = arith.constant 0 : i32
        %dma_wait3A_559 = arith.constant 0 : i32
        %dma_wait3A_560 = tpu.memref_slice %arg14[%dma_wait3A_558, %dma_wait3A_559] : memref<10112x128xf32, #tpu.memory_space<vmem_shared>> -> memref<10112x128xf32, #tpu.memory_space<vmem_shared>>
        tpu.wait_indirect_dma semaphore(%run_scoped3A_540 : memref<!tpu.dma_semaphore, #tpu.memory_space<semaphore_mem>>) src(%dma_wait3A_554 : memref<80x128xf32, #tpu.memory_space<vmem>>) dst(%dma_wait3A_560 : memref<10112x128xf32, #tpu.memory_space<vmem_shared>>)
        tpu.yield
      }) : () -> ()
      %add3A_416 = arith.constant 2 : i32
      %add3A_417 = arith.addi %add3A_376, %add3A_416 : i32
      %lt3A_418 = arith.constant 512 : i32
      %lt3A_419 = arith.cmpi slt, %add3A_417, %lt3A_418 : i32
      %convert_element_type3A_420 = arith.extui %lt3A_419 : i1 to i32
      %cond3A_421 = arith.constant 0 : i32
      %cond3A_422 = arith.cmpi ne, %convert_element_type3A_420, %cond3A_421 : i32
      scf.if %cond3A_422 {
        %add3A_540 = arith.constant 2 : i32
        %add3A_541 = arith.addi %add3A_376, %add3A_540 : i32
        %add3A_542 = arith.addi %mul3A_0, %add3A_541 : i32
        %dma_wait3A_543 = arith.constant 3 : i32
        %dma_wait3A_544 = arith.constant 3 : i32
        %dma_wait3A_545 = arith.constant 0 : i32
        %dma_wait3A_546 = tpu.memref_slice %arg9[%dma_wait3A_543, %dma_wait3A_545] : memref<4x80xi32, #tpu.memory_space<vmem>> -> memref<1x80xi32, #tpu.memory_space<vmem>>
        %dma_wait3A_547 = tpu.memref_squeeze %dma_wait3A_546 : memref<1x80xi32, #tpu.memory_space<vmem>> -> memref<80xi32, #tpu.memory_space<vmem>>
        %dma_wait3A_548 = arith.constant 0 : i32
        %dma_wait3A_549 = tpu.memref_slice %arg4[%add3A_542, %dma_wait3A_548] : memref<8192x80xi32, #tpu.memory_space<hbm>> -> memref<1x80xi32, #tpu.memory_space<hbm>>
        %dma_wait3A_550 = tpu.memref_squeeze %dma_wait3A_549 : memref<1x80xi32, #tpu.memory_space<hbm>> -> memref<80xi32, #tpu.memory_space<hbm>>
        %dma_wait3A_551 = tpu.memref_slice %arg17[%dma_wait3A_544] : memref<4x!tpu.dma_semaphore, #tpu.memory_space<semaphore_mem>> -> memref<1x!tpu.dma_semaphore, #tpu.memory_space<semaphore_mem>>
        %dma_wait3A_552 = tpu.memref_squeeze %dma_wait3A_551 : memref<1x!tpu.dma_semaphore, #tpu.memory_space<semaphore_mem>> -> memref<!tpu.dma_semaphore, #tpu.memory_space<semaphore_mem>>
        %dma_wait3A_553 = arith.constant 0 : i32
        %dma_wait3A_554 = tpu.memref_slice %arg9[%dma_wait3A_543, %dma_wait3A_553] : memref<4x80xi32, #tpu.memory_space<vmem>> -> memref<1x80xi32, #tpu.memory_space<vmem>>
        %dma_wait3A_555 = tpu.memref_squeeze %dma_wait3A_554 : memref<1x80xi32, #tpu.memory_space<vmem>> -> memref<80xi32, #tpu.memory_space<vmem>>
        %dma_wait3A_556 = arith.constant 0 : i32
        %dma_wait3A_557 = tpu.memref_slice %arg4[%add3A_542, %dma_wait3A_556] : memref<8192x80xi32, #tpu.memory_space<hbm>> -> memref<1x80xi32, #tpu.memory_space<hbm>>
        %dma_wait3A_558 = tpu.memref_squeeze %dma_wait3A_557 : memref<1x80xi32, #tpu.memory_space<hbm>> -> memref<80xi32, #tpu.memory_space<hbm>>
        tpu.wait_dma2 semaphore(%dma_wait3A_552 : memref<!tpu.dma_semaphore, #tpu.memory_space<semaphore_mem>>) src(%dma_wait3A_558 : memref<80xi32, #tpu.memory_space<hbm>>) dst(%dma_wait3A_555 : memref<80xi32, #tpu.memory_space<vmem>>)
        %add3A_559 = arith.addi %mul3A_0, %add3A_541 : i32
        %dma_wait3A_560 = arith.constant 3 : i32
        %dma_wait3A_561 = arith.constant 3 : i32
        %dma_wait3A_562 = arith.constant 0 : i32
        %dma_wait3A_563 = tpu.memref_slice %arg10[%dma_wait3A_560, %dma_wait3A_562] : memref<4x80xi32, #tpu.memory_space<vmem>> -> memref<1x80xi32, #tpu.memory_space<vmem>>
        %dma_wait3A_564 = tpu.memref_squeeze %dma_wait3A_563 : memref<1x80xi32, #tpu.memory_space<vmem>> -> memref<80xi32, #tpu.memory_space<vmem>>
        %dma_wait3A_565 = arith.constant 0 : i32
        %dma_wait3A_566 = tpu.memref_slice %arg5[%add3A_559, %dma_wait3A_565] : memref<8192x80xi32, #tpu.memory_space<hbm>> -> memref<1x80xi32, #tpu.memory_space<hbm>>
        %dma_wait3A_567 = tpu.memref_squeeze %dma_wait3A_566 : memref<1x80xi32, #tpu.memory_space<hbm>> -> memref<80xi32, #tpu.memory_space<hbm>>
        %dma_wait3A_568 = tpu.memref_slice %arg17[%dma_wait3A_561] : memref<4x!tpu.dma_semaphore, #tpu.memory_space<semaphore_mem>> -> memref<1x!tpu.dma_semaphore, #tpu.memory_space<semaphore_mem>>
        %dma_wait3A_569 = tpu.memref_squeeze %dma_wait3A_568 : memref<1x!tpu.dma_semaphore, #tpu.memory_space<semaphore_mem>> -> memref<!tpu.dma_semaphore, #tpu.memory_space<semaphore_mem>>
        %dma_wait3A_570 = arith.constant 0 : i32
        %dma_wait3A_571 = tpu.memref_slice %arg10[%dma_wait3A_560, %dma_wait3A_570] : memref<4x80xi32, #tpu.memory_space<vmem>> -> memref<1x80xi32, #tpu.memory_space<vmem>>
        %dma_wait3A_572 = tpu.memref_squeeze %dma_wait3A_571 : memref<1x80xi32, #tpu.memory_space<vmem>> -> memref<80xi32, #tpu.memory_space<vmem>>
        %dma_wait3A_573 = arith.constant 0 : i32
        %dma_wait3A_574 = tpu.memref_slice %arg5[%add3A_559, %dma_wait3A_573] : memref<8192x80xi32, #tpu.memory_space<hbm>> -> memref<1x80xi32, #tpu.memory_space<hbm>>
        %dma_wait3A_575 = tpu.memref_squeeze %dma_wait3A_574 : memref<1x80xi32, #tpu.memory_space<hbm>> -> memref<80xi32, #tpu.memory_space<hbm>>
        tpu.wait_dma2 semaphore(%dma_wait3A_569 : memref<!tpu.dma_semaphore, #tpu.memory_space<semaphore_mem>>) src(%dma_wait3A_575 : memref<80xi32, #tpu.memory_space<hbm>>) dst(%dma_wait3A_572 : memref<80xi32, #tpu.memory_space<vmem>>)
        %dma_start3A_576 = arith.constant 3 : i32
        %dma_start3A_577 = arith.constant 1 : i32
        %dma_start3A_578 = arith.constant 1 : i32
        %dma_start3A_579 = arith.constant 0 : i32
        %dma_start3A_580 = arith.constant 0 : i32
        %dma_start3A_581 = tpu.memref_slice %arg11[%dma_start3A_577, %dma_start3A_579, %dma_start3A_580] : memref<2x80x128xf32, #tpu.memory_space<vmem>> -> memref<1x80x128xf32, #tpu.memory_space<vmem>>
        %dma_start3A_582 = tpu.memref_squeeze %dma_start3A_581 : memref<1x80x128xf32, #tpu.memory_space<vmem>> -> memref<80x128xf32, #tpu.memory_space<vmem>>
        %dma_start3A_583 = arith.constant 0 : i32
        %dma_start3A_584 = tpu.memref_slice %arg9[%dma_start3A_576, %dma_start3A_583] : memref<4x80xi32, #tpu.memory_space<vmem>> -> memref<1x80xi32, #tpu.memory_space<vmem>>
        %dma_start3A_585 = tpu.memref_squeeze %dma_start3A_584 : memref<1x80xi32, #tpu.memory_space<vmem>> -> memref<80xi32, #tpu.memory_space<vmem>>
        %dma_start3A_586 = arith.constant 0 : i32
        %dma_start3A_587 = arith.constant 0 : i32
        %dma_start3A_588 = tpu.memref_slice %arg2[%arg0, %dma_start3A_586, %dma_start3A_587] : memref<2x10240x128xf32, #tpu.memory_space<hbm>> -> memref<1x10240x128xf32, #tpu.memory_space<hbm>>
        %dma_start3A_589 = tpu.memref_squeeze %dma_start3A_588 : memref<1x10240x128xf32, #tpu.memory_space<hbm>> -> memref<10240x128xf32, #tpu.memory_space<hbm>>
        %dma_start3A_590 = arith.constant 0 : i32
        %dma_start3A_591 = arith.constant 0 : i32
        %dma_start3A_592 = tpu.memref_slice %dma_start3A_589[%dma_start3A_590, %dma_start3A_591] : memref<10240x128xf32, #tpu.memory_space<hbm>> -> memref<10240x128xf32, #tpu.memory_space<hbm>>
        %dma_start3A_593 = tpu.memref_slice %arg15[%dma_start3A_578] : memref<2x!tpu.dma_semaphore, #tpu.memory_space<semaphore_mem>> -> memref<1x!tpu.dma_semaphore, #tpu.memory_space<semaphore_mem>>
        %dma_start3A_594 = tpu.memref_squeeze %dma_start3A_593 : memref<1x!tpu.dma_semaphore, #tpu.memory_space<semaphore_mem>> -> memref<!tpu.dma_semaphore, #tpu.memory_space<semaphore_mem>>
        tpu.enqueue_indirect_dma source(%dma_start3A_592 : memref<10240x128xf32, #tpu.memory_space<hbm>>) target(%dma_start3A_582 : memref<80x128xf32, #tpu.memory_space<vmem>>) offsets(%dma_start3A_585 : memref<80xi32, #tpu.memory_space<vmem>>) semaphore(%dma_start3A_594 : memref<!tpu.dma_semaphore, #tpu.memory_space<semaphore_mem>>)
        %dma_start3A_595 = arith.constant 3 : i32
        %dma_start3A_596 = arith.constant 1 : i32
        %dma_start3A_597 = arith.constant 1 : i32
        %dma_start3A_598 = arith.constant 0 : i32
        %dma_start3A_599 = arith.constant 0 : i32
        %dma_start3A_600 = tpu.memref_slice %arg12[%dma_start3A_596, %dma_start3A_598, %dma_start3A_599] : memref<2x80x128xf32, #tpu.memory_space<vmem>> -> memref<1x80x128xf32, #tpu.memory_space<vmem>>
        %dma_start3A_601 = tpu.memref_squeeze %dma_start3A_600 : memref<1x80x128xf32, #tpu.memory_space<vmem>> -> memref<80x128xf32, #tpu.memory_space<vmem>>
        %dma_start3A_602 = arith.constant 0 : i32
        %dma_start3A_603 = tpu.memref_slice %arg10[%dma_start3A_595, %dma_start3A_602] : memref<4x80xi32, #tpu.memory_space<vmem>> -> memref<1x80xi32, #tpu.memory_space<vmem>>
        %dma_start3A_604 = tpu.memref_squeeze %dma_start3A_603 : memref<1x80xi32, #tpu.memory_space<vmem>> -> memref<80xi32, #tpu.memory_space<vmem>>
        %dma_start3A_605 = arith.constant 0 : i32
        %dma_start3A_606 = arith.constant 0 : i32
        %dma_start3A_607 = tpu.memref_slice %arg3[%dma_start3A_605, %dma_start3A_606] : memref<10240x128xf32, #tpu.memory_space<hbm>> -> memref<10240x128xf32, #tpu.memory_space<hbm>>
        %dma_start3A_608 = tpu.memref_slice %arg16[%dma_start3A_597] : memref<2x!tpu.dma_semaphore, #tpu.memory_space<semaphore_mem>> -> memref<1x!tpu.dma_semaphore, #tpu.memory_space<semaphore_mem>>
        %dma_start3A_609 = tpu.memref_squeeze %dma_start3A_608 : memref<1x!tpu.dma_semaphore, #tpu.memory_space<semaphore_mem>> -> memref<!tpu.dma_semaphore, #tpu.memory_space<semaphore_mem>>
        tpu.enqueue_indirect_dma source(%dma_start3A_607 : memref<10240x128xf32, #tpu.memory_space<hbm>>) target(%dma_start3A_601 : memref<80x128xf32, #tpu.memory_space<vmem>>) offsets(%dma_start3A_604 : memref<80xi32, #tpu.memory_space<vmem>>) semaphore(%dma_start3A_609 : memref<!tpu.dma_semaphore, #tpu.memory_space<semaphore_mem>>)
      } else {
      }
      %add3A_423 = arith.constant 4 : i32
      %add3A_424 = arith.addi %add3A_376, %add3A_423 : i32
      %lt3A_425 = arith.constant 512 : i32
      %lt3A_426 = arith.cmpi slt, %add3A_424, %lt3A_425 : i32
      %convert_element_type3A_427 = arith.extui %lt3A_426 : i1 to i32
      %cond3A_428 = arith.constant 0 : i32
      %cond3A_429 = arith.cmpi ne, %convert_element_type3A_427, %cond3A_428 : i32
      scf.if %cond3A_429 {
        %add3A_540 = arith.constant 4 : i32
        %add3A_541 = arith.addi %add3A_376, %add3A_540 : i32
        %add3A_542 = arith.addi %mul3A_0, %add3A_541 : i32
        %dma_start3A_543 = arith.constant 1 : i32
        %dma_start3A_544 = arith.constant 1 : i32
        %dma_start3A_545 = arith.constant 0 : i32
        %dma_start3A_546 = tpu.memref_slice %arg9[%dma_start3A_543, %dma_start3A_545] : memref<4x80xi32, #tpu.memory_space<vmem>> -> memref<1x80xi32, #tpu.memory_space<vmem>>
        %dma_start3A_547 = tpu.memref_squeeze %dma_start3A_546 : memref<1x80xi32, #tpu.memory_space<vmem>> -> memref<80xi32, #tpu.memory_space<vmem>>
        %dma_start3A_548 = arith.constant 0 : i32
        %dma_start3A_549 = tpu.memref_slice %arg4[%add3A_542, %dma_start3A_548] : memref<8192x80xi32, #tpu.memory_space<hbm>> -> memref<1x80xi32, #tpu.memory_space<hbm>>
        %dma_start3A_550 = tpu.memref_squeeze %dma_start3A_549 : memref<1x80xi32, #tpu.memory_space<hbm>> -> memref<80xi32, #tpu.memory_space<hbm>>
        %dma_start3A_551 = tpu.memref_slice %arg17[%dma_start3A_544] : memref<4x!tpu.dma_semaphore, #tpu.memory_space<semaphore_mem>> -> memref<1x!tpu.dma_semaphore, #tpu.memory_space<semaphore_mem>>
        %dma_start3A_552 = tpu.memref_squeeze %dma_start3A_551 : memref<1x!tpu.dma_semaphore, #tpu.memory_space<semaphore_mem>> -> memref<!tpu.dma_semaphore, #tpu.memory_space<semaphore_mem>>
        %dma_start3A_553 = arith.constant 0 : i32
        %dma_start3A_554 = tpu.memref_slice %arg9[%dma_start3A_543, %dma_start3A_553] : memref<4x80xi32, #tpu.memory_space<vmem>> -> memref<1x80xi32, #tpu.memory_space<vmem>>
        %dma_start3A_555 = tpu.memref_squeeze %dma_start3A_554 : memref<1x80xi32, #tpu.memory_space<vmem>> -> memref<80xi32, #tpu.memory_space<vmem>>
        %dma_start3A_556 = arith.constant 0 : i32
        %dma_start3A_557 = tpu.memref_slice %arg4[%add3A_542, %dma_start3A_556] : memref<8192x80xi32, #tpu.memory_space<hbm>> -> memref<1x80xi32, #tpu.memory_space<hbm>>
        %dma_start3A_558 = tpu.memref_squeeze %dma_start3A_557 : memref<1x80xi32, #tpu.memory_space<hbm>> -> memref<80xi32, #tpu.memory_space<hbm>>
        tpu.enqueue_dma source(%dma_start3A_558 : memref<80xi32, #tpu.memory_space<hbm>>) target(%dma_start3A_555 : memref<80xi32, #tpu.memory_space<vmem>>) target_semaphore(%dma_start3A_552 : memref<!tpu.dma_semaphore, #tpu.memory_space<semaphore_mem>>)
        %add3A_559 = arith.addi %mul3A_0, %add3A_541 : i32
        %dma_start3A_560 = arith.constant 1 : i32
        %dma_start3A_561 = arith.constant 1 : i32
        %dma_start3A_562 = arith.constant 0 : i32
        %dma_start3A_563 = tpu.memref_slice %arg10[%dma_start3A_560, %dma_start3A_562] : memref<4x80xi32, #tpu.memory_space<vmem>> -> memref<1x80xi32, #tpu.memory_space<vmem>>
        %dma_start3A_564 = tpu.memref_squeeze %dma_start3A_563 : memref<1x80xi32, #tpu.memory_space<vmem>> -> memref<80xi32, #tpu.memory_space<vmem>>
        %dma_start3A_565 = arith.constant 0 : i32
        %dma_start3A_566 = tpu.memref_slice %arg5[%add3A_559, %dma_start3A_565] : memref<8192x80xi32, #tpu.memory_space<hbm>> -> memref<1x80xi32, #tpu.memory_space<hbm>>
        %dma_start3A_567 = tpu.memref_squeeze %dma_start3A_566 : memref<1x80xi32, #tpu.memory_space<hbm>> -> memref<80xi32, #tpu.memory_space<hbm>>
        %dma_start3A_568 = tpu.memref_slice %arg17[%dma_start3A_561] : memref<4x!tpu.dma_semaphore, #tpu.memory_space<semaphore_mem>> -> memref<1x!tpu.dma_semaphore, #tpu.memory_space<semaphore_mem>>
        %dma_start3A_569 = tpu.memref_squeeze %dma_start3A_568 : memref<1x!tpu.dma_semaphore, #tpu.memory_space<semaphore_mem>> -> memref<!tpu.dma_semaphore, #tpu.memory_space<semaphore_mem>>
        %dma_start3A_570 = arith.constant 0 : i32
        %dma_start3A_571 = tpu.memref_slice %arg10[%dma_start3A_560, %dma_start3A_570] : memref<4x80xi32, #tpu.memory_space<vmem>> -> memref<1x80xi32, #tpu.memory_space<vmem>>
        %dma_start3A_572 = tpu.memref_squeeze %dma_start3A_571 : memref<1x80xi32, #tpu.memory_space<vmem>> -> memref<80xi32, #tpu.memory_space<vmem>>
        %dma_start3A_573 = arith.constant 0 : i32
        %dma_start3A_574 = tpu.memref_slice %arg5[%add3A_559, %dma_start3A_573] : memref<8192x80xi32, #tpu.memory_space<hbm>> -> memref<1x80xi32, #tpu.memory_space<hbm>>
        %dma_start3A_575 = tpu.memref_squeeze %dma_start3A_574 : memref<1x80xi32, #tpu.memory_space<hbm>> -> memref<80xi32, #tpu.memory_space<hbm>>
        tpu.enqueue_dma source(%dma_start3A_575 : memref<80xi32, #tpu.memory_space<hbm>>) target(%dma_start3A_572 : memref<80xi32, #tpu.memory_space<vmem>>) target_semaphore(%dma_start3A_569 : memref<!tpu.dma_semaphore, #tpu.memory_space<semaphore_mem>>)
      } else {
      }
      %add3A_430 = arith.constant 2 : i32
      %add3A_431 = arith.addi %mul3A_324, %add3A_430 : i32
      %dma_wait3A_432 = arith.constant 2 : i32
      %dma_wait3A_433 = arith.constant 0 : i32
      %dma_wait3A_434 = arith.constant 0 : i32
      %dma_wait3A_435 = arith.constant 0 : i32
      %dma_wait3A_436 = arith.constant 0 : i32
      %dma_wait3A_437 = tpu.memref_slice %arg11[%dma_wait3A_433, %dma_wait3A_435, %dma_wait3A_436] : memref<2x80x128xf32, #tpu.memory_space<vmem>> -> memref<1x80x128xf32, #tpu.memory_space<vmem>>
      %dma_wait3A_438 = tpu.memref_squeeze %dma_wait3A_437 : memref<1x80x128xf32, #tpu.memory_space<vmem>> -> memref<80x128xf32, #tpu.memory_space<vmem>>
      %dma_wait3A_439 = arith.constant 0 : i32
      %dma_wait3A_440 = tpu.memref_slice %arg9[%dma_wait3A_432, %dma_wait3A_439] : memref<4x80xi32, #tpu.memory_space<vmem>> -> memref<1x80xi32, #tpu.memory_space<vmem>>
      %dma_wait3A_441 = tpu.memref_squeeze %dma_wait3A_440 : memref<1x80xi32, #tpu.memory_space<vmem>> -> memref<80xi32, #tpu.memory_space<vmem>>
      %dma_wait3A_442 = arith.constant 0 : i32
      %dma_wait3A_443 = arith.constant 0 : i32
      %dma_wait3A_444 = tpu.memref_slice %arg2[%arg0, %dma_wait3A_442, %dma_wait3A_443] : memref<2x10240x128xf32, #tpu.memory_space<hbm>> -> memref<1x10240x128xf32, #tpu.memory_space<hbm>>
      %dma_wait3A_445 = tpu.memref_squeeze %dma_wait3A_444 : memref<1x10240x128xf32, #tpu.memory_space<hbm>> -> memref<10240x128xf32, #tpu.memory_space<hbm>>
      %dma_wait3A_446 = arith.constant 0 : i32
      %dma_wait3A_447 = arith.constant 0 : i32
      %dma_wait3A_448 = tpu.memref_slice %dma_wait3A_445[%dma_wait3A_446, %dma_wait3A_447] : memref<10240x128xf32, #tpu.memory_space<hbm>> -> memref<10240x128xf32, #tpu.memory_space<hbm>>
      %dma_wait3A_449 = tpu.memref_slice %arg15[%dma_wait3A_434] : memref<2x!tpu.dma_semaphore, #tpu.memory_space<semaphore_mem>> -> memref<1x!tpu.dma_semaphore, #tpu.memory_space<semaphore_mem>>
      %dma_wait3A_450 = tpu.memref_squeeze %dma_wait3A_449 : memref<1x!tpu.dma_semaphore, #tpu.memory_space<semaphore_mem>> -> memref<!tpu.dma_semaphore, #tpu.memory_space<semaphore_mem>>
      tpu.wait_indirect_dma semaphore(%dma_wait3A_450 : memref<!tpu.dma_semaphore, #tpu.memory_space<semaphore_mem>>) src(%dma_wait3A_448 : memref<10240x128xf32, #tpu.memory_space<hbm>>) dst(%dma_wait3A_438 : memref<80x128xf32, #tpu.memory_space<vmem>>)
      %dma_wait3A_451 = arith.constant 2 : i32
      %dma_wait3A_452 = arith.constant 0 : i32
      %dma_wait3A_453 = arith.constant 0 : i32
      %dma_wait3A_454 = arith.constant 0 : i32
      %dma_wait3A_455 = arith.constant 0 : i32
      %dma_wait3A_456 = tpu.memref_slice %arg12[%dma_wait3A_452, %dma_wait3A_454, %dma_wait3A_455] : memref<2x80x128xf32, #tpu.memory_space<vmem>> -> memref<1x80x128xf32, #tpu.memory_space<vmem>>
      %dma_wait3A_457 = tpu.memref_squeeze %dma_wait3A_456 : memref<1x80x128xf32, #tpu.memory_space<vmem>> -> memref<80x128xf32, #tpu.memory_space<vmem>>
      %dma_wait3A_458 = arith.constant 0 : i32
      %dma_wait3A_459 = tpu.memref_slice %arg10[%dma_wait3A_451, %dma_wait3A_458] : memref<4x80xi32, #tpu.memory_space<vmem>> -> memref<1x80xi32, #tpu.memory_space<vmem>>
      %dma_wait3A_460 = tpu.memref_squeeze %dma_wait3A_459 : memref<1x80xi32, #tpu.memory_space<vmem>> -> memref<80xi32, #tpu.memory_space<vmem>>
      %dma_wait3A_461 = arith.constant 0 : i32
      %dma_wait3A_462 = arith.constant 0 : i32
      %dma_wait3A_463 = tpu.memref_slice %arg3[%dma_wait3A_461, %dma_wait3A_462] : memref<10240x128xf32, #tpu.memory_space<hbm>> -> memref<10240x128xf32, #tpu.memory_space<hbm>>
      %dma_wait3A_464 = tpu.memref_slice %arg16[%dma_wait3A_453] : memref<2x!tpu.dma_semaphore, #tpu.memory_space<semaphore_mem>> -> memref<1x!tpu.dma_semaphore, #tpu.memory_space<semaphore_mem>>
      %dma_wait3A_465 = tpu.memref_squeeze %dma_wait3A_464 : memref<1x!tpu.dma_semaphore, #tpu.memory_space<semaphore_mem>> -> memref<!tpu.dma_semaphore, #tpu.memory_space<semaphore_mem>>
      tpu.wait_indirect_dma semaphore(%dma_wait3A_465 : memref<!tpu.dma_semaphore, #tpu.memory_space<semaphore_mem>>) src(%dma_wait3A_463 : memref<10240x128xf32, #tpu.memory_space<hbm>>) dst(%dma_wait3A_457 : memref<80x128xf32, #tpu.memory_space<vmem>>)
      %parallel_loop3A_466 = arith.constant 0 : i32
      %parallel_loop3A_467 = arith.constant 80 : i32
      %parallel_loop3A_468 = arith.constant 1 : i32
      scf.for %parallel_loop3A_540 = %parallel_loop3A_466 to %parallel_loop3A_467 step %parallel_loop3A_468  : i32 {
        %parallel_loop3A_541 = arith.constant 0 : i32
        %parallel_loop3A_542 = arith.index_cast %parallel_loop3A_541 : i32 to index
        %parallel_loop3A_543 = arith.index_cast %parallel_loop3A_540 : i32 to index
        %parallel_loop3A_544 = arith.constant 0 : index
        %parallel_loop3A_545 = tpu.vector_load %arg11[%parallel_loop3A_542, %parallel_loop3A_543, %parallel_loop3A_544] {strides = array<i32>} : memref<2x80x128xf32, #tpu.memory_space<vmem>>, vector<1x1x16xf32>,
        %parallel_loop3A_546 = vector.shape_cast %parallel_loop3A_545 : vector<1x1x16xf32> to vector<16xf32>
        %parallel_loop3A_547 = arith.constant 0 : i32
        %parallel_loop3A_548 = arith.addi %mul3A_30, %parallel_loop3A_547 : i32
        %parallel_loop3A_549 = arith.constant 0 : i32
        %parallel_loop3A_550 = arith.index_cast %parallel_loop3A_549 : i32 to index
        %parallel_loop3A_551 = arith.index_cast %parallel_loop3A_540 : i32 to index
        %parallel_loop3A_552 = arith.index_cast %parallel_loop3A_548 : i32 to index
        %parallel_loop3A_553 = tpu.vector_load %arg12[%parallel_loop3A_550, %parallel_loop3A_551, %parallel_loop3A_552] {strides = array<i32>} : memref<2x80x128xf32, #tpu.memory_space<vmem>>, vector<1x1x16xf32>,
        %parallel_loop3A_554 = vector.shape_cast %parallel_loop3A_553 : vector<1x1x16xf32> to vector<16xf32>
        %parallel_loop3A_555 = arith.addf %parallel_loop3A_546, %parallel_loop3A_554 : vector<16xf32>
        %parallel_loop3A_556 = arith.constant 0.000000e+00 : f32
        %parallel_loop3A_557 = vector.broadcast %parallel_loop3A_556 : f32 to vector<16xf32>
        %parallel_loop3A_558 = arith.maximumf %parallel_loop3A_555, %parallel_loop3A_557 : vector<16xf32>
        %parallel_loop3A_559 = arith.mulf %parallel_loop3A_558, %get3A_4 : vector<16xf32>
        %parallel_loop3A_560 = arith.constant 0 : i32
        %parallel_loop3A_561 = arith.index_cast %parallel_loop3A_560 : i32 to index
        %parallel_loop3A_562 = arith.index_cast %parallel_loop3A_540 : i32 to index
        %parallel_loop3A_563 = arith.constant 16 : index
        %parallel_loop3A_564 = tpu.vector_load %arg11[%parallel_loop3A_561, %parallel_loop3A_562, %parallel_loop3A_563] {strides = array<i32>} : memref<2x80x128xf32, #tpu.memory_space<vmem>>, vector<1x1x16xf32>,
        %parallel_loop3A_565 = vector.shape_cast %parallel_loop3A_564 : vector<1x1x16xf32> to vector<16xf32>
        %parallel_loop3A_566 = arith.constant 16 : i32
        %parallel_loop3A_567 = arith.addi %mul3A_30, %parallel_loop3A_566 : i32
        %parallel_loop3A_568 = arith.constant 0 : i32
        %parallel_loop3A_569 = arith.index_cast %parallel_loop3A_568 : i32 to index
        %parallel_loop3A_570 = arith.index_cast %parallel_loop3A_540 : i32 to index
        %parallel_loop3A_571 = arith.index_cast %parallel_loop3A_567 : i32 to index
        %parallel_loop3A_572 = tpu.vector_load %arg12[%parallel_loop3A_569, %parallel_loop3A_570, %parallel_loop3A_571] {strides = array<i32>} : memref<2x80x128xf32, #tpu.memory_space<vmem>>, vector<1x1x16xf32>,
        %parallel_loop3A_573 = vector.shape_cast %parallel_loop3A_572 : vector<1x1x16xf32> to vector<16xf32>
        %parallel_loop3A_574 = arith.addf %parallel_loop3A_565, %parallel_loop3A_573 : vector<16xf32>
        %parallel_loop3A_575 = arith.constant 0.000000e+00 : f32
        %parallel_loop3A_576 = vector.broadcast %parallel_loop3A_575 : f32 to vector<16xf32>
        %parallel_loop3A_577 = arith.maximumf %parallel_loop3A_574, %parallel_loop3A_576 : vector<16xf32>
        %parallel_loop3A_578 = arith.mulf %parallel_loop3A_577, %get3A_7 : vector<16xf32>
        %parallel_loop3A_579 = arith.constant 0 : i32
        %parallel_loop3A_580 = arith.index_cast %parallel_loop3A_579 : i32 to index
        %parallel_loop3A_581 = arith.index_cast %parallel_loop3A_540 : i32 to index
        %parallel_loop3A_582 = arith.constant 32 : index
        %parallel_loop3A_583 = tpu.vector_load %arg11[%parallel_loop3A_580, %parallel_loop3A_581, %parallel_loop3A_582] {strides = array<i32>} : memref<2x80x128xf32, #tpu.memory_space<vmem>>, vector<1x1x16xf32>,
        %parallel_loop3A_584 = vector.shape_cast %parallel_loop3A_583 : vector<1x1x16xf32> to vector<16xf32>
        %parallel_loop3A_585 = arith.constant 32 : i32
        %parallel_loop3A_586 = arith.addi %mul3A_30, %parallel_loop3A_585 : i32
        %parallel_loop3A_587 = arith.constant 0 : i32
        %parallel_loop3A_588 = arith.index_cast %parallel_loop3A_587 : i32 to index
        %parallel_loop3A_589 = arith.index_cast %parallel_loop3A_540 : i32 to index
        %parallel_loop3A_590 = arith.index_cast %parallel_loop3A_586 : i32 to index
        %parallel_loop3A_591 = tpu.vector_load %arg12[%parallel_loop3A_588, %parallel_loop3A_589, %parallel_loop3A_590] {strides = array<i32>} : memref<2x80x128xf32, #tpu.memory_space<vmem>>, vector<1x1x16xf32>,
        %parallel_loop3A_592 = vector.shape_cast %parallel_loop3A_591 : vector<1x1x16xf32> to vector<16xf32>
        %parallel_loop3A_593 = arith.addf %parallel_loop3A_584, %parallel_loop3A_592 : vector<16xf32>
        %parallel_loop3A_594 = arith.constant 0.000000e+00 : f32
        %parallel_loop3A_595 = vector.broadcast %parallel_loop3A_594 : f32 to vector<16xf32>
        %parallel_loop3A_596 = arith.maximumf %parallel_loop3A_593, %parallel_loop3A_595 : vector<16xf32>
        %parallel_loop3A_597 = arith.mulf %parallel_loop3A_596, %get3A_10 : vector<16xf32>
        %parallel_loop3A_598 = arith.constant 0 : i32
        %parallel_loop3A_599 = arith.index_cast %parallel_loop3A_598 : i32 to index
        %parallel_loop3A_600 = arith.index_cast %parallel_loop3A_540 : i32 to index
        %parallel_loop3A_601 = arith.constant 48 : index
        %parallel_loop3A_602 = tpu.vector_load %arg11[%parallel_loop3A_599, %parallel_loop3A_600, %parallel_loop3A_601] {strides = array<i32>} : memref<2x80x128xf32, #tpu.memory_space<vmem>>, vector<1x1x16xf32>,
        %parallel_loop3A_603 = vector.shape_cast %parallel_loop3A_602 : vector<1x1x16xf32> to vector<16xf32>
        %parallel_loop3A_604 = arith.constant 48 : i32
        %parallel_loop3A_605 = arith.addi %mul3A_30, %parallel_loop3A_604 : i32
        %parallel_loop3A_606 = arith.constant 0 : i32
        %parallel_loop3A_607 = arith.index_cast %parallel_loop3A_606 : i32 to index
        %parallel_loop3A_608 = arith.index_cast %parallel_loop3A_540 : i32 to index
        %parallel_loop3A_609 = arith.index_cast %parallel_loop3A_605 : i32 to index
        %parallel_loop3A_610 = tpu.vector_load %arg12[%parallel_loop3A_607, %parallel_loop3A_608, %parallel_loop3A_609] {strides = array<i32>} : memref<2x80x128xf32, #tpu.memory_space<vmem>>, vector<1x1x16xf32>,
        %parallel_loop3A_611 = vector.shape_cast %parallel_loop3A_610 : vector<1x1x16xf32> to vector<16xf32>
        %parallel_loop3A_612 = arith.addf %parallel_loop3A_603, %parallel_loop3A_611 : vector<16xf32>
        %parallel_loop3A_613 = arith.constant 0.000000e+00 : f32
        %parallel_loop3A_614 = vector.broadcast %parallel_loop3A_613 : f32 to vector<16xf32>
        %parallel_loop3A_615 = arith.maximumf %parallel_loop3A_612, %parallel_loop3A_614 : vector<16xf32>
        %parallel_loop3A_616 = arith.mulf %parallel_loop3A_615, %get3A_13 : vector<16xf32>
        %parallel_loop3A_617 = arith.addf %parallel_loop3A_559, %parallel_loop3A_578 : vector<16xf32>
        %parallel_loop3A_618 = arith.addf %parallel_loop3A_597, %parallel_loop3A_616 : vector<16xf32>
        %parallel_loop3A_619 = arith.addf %parallel_loop3A_617, %parallel_loop3A_618 : vector<16xf32>
        %parallel_loop3A_620 = arith.constant 0 : i32
        %parallel_loop3A_621 = vector.broadcast %parallel_loop3A_620 : i32 to vector<16xi32>
        %parallel_loop3A_622 = arith.cmpi slt, %xor3A_15, %parallel_loop3A_621 : vector<16xi32>
        %parallel_loop3A_623 = arith.constant 16 : i32
        %parallel_loop3A_624 = vector.broadcast %parallel_loop3A_623 : i32 to vector<16xi32>
        %parallel_loop3A_625 = arith.addi %xor3A_15, %parallel_loop3A_624 : vector<16xi32>
        %parallel_loop3A_626 = arith.select %parallel_loop3A_622, %parallel_loop3A_625, %xor3A_15 : vector<16xi1>, vector<16xi32>
        %parallel_loop3A_627 = vector.shape_cast %parallel_loop3A_626 : vector<16xi32> to vector<16x1xi32>
        %parallel_loop3A_628 = vector.shape_cast %parallel_loop3A_627 : vector<16x1xi32> to vector<16xi32>
        %parallel_loop3A_629 = tpu.dynamic_gather %parallel_loop3A_619[%parallel_loop3A_628] in [0] : vector<16xf32>, vector<16xi32> -> vector<16xf32>
        %parallel_loop3A_630 = arith.addf %parallel_loop3A_619, %parallel_loop3A_629 : vector<16xf32>
        %parallel_loop3A_631 = arith.constant 0 : i32
        %parallel_loop3A_632 = vector.broadcast %parallel_loop3A_631 : i32 to vector<16xi32>
        %parallel_loop3A_633 = arith.cmpi slt, %xor3A_18, %parallel_loop3A_632 : vector<16xi32>
        %parallel_loop3A_634 = arith.constant 16 : i32
        %parallel_loop3A_635 = vector.broadcast %parallel_loop3A_634 : i32 to vector<16xi32>
        %parallel_loop3A_636 = arith.addi %xor3A_18, %parallel_loop3A_635 : vector<16xi32>
        %parallel_loop3A_637 = arith.select %parallel_loop3A_633, %parallel_loop3A_636, %xor3A_18 : vector<16xi1>, vector<16xi32>
        %parallel_loop3A_638 = vector.shape_cast %parallel_loop3A_637 : vector<16xi32> to vector<16x1xi32>
        %parallel_loop3A_639 = vector.shape_cast %parallel_loop3A_638 : vector<16x1xi32> to vector<16xi32>
        %parallel_loop3A_640 = tpu.dynamic_gather %parallel_loop3A_630[%parallel_loop3A_639] in [0] : vector<16xf32>, vector<16xi32> -> vector<16xf32>
        %parallel_loop3A_641 = arith.addf %parallel_loop3A_630, %parallel_loop3A_640 : vector<16xf32>
        %parallel_loop3A_642 = arith.constant 0 : i32
        %parallel_loop3A_643 = vector.broadcast %parallel_loop3A_642 : i32 to vector<16xi32>
        %parallel_loop3A_644 = arith.cmpi slt, %xor3A_21, %parallel_loop3A_643 : vector<16xi32>
        %parallel_loop3A_645 = arith.constant 16 : i32
        %parallel_loop3A_646 = vector.broadcast %parallel_loop3A_645 : i32 to vector<16xi32>
        %parallel_loop3A_647 = arith.addi %xor3A_21, %parallel_loop3A_646 : vector<16xi32>
        %parallel_loop3A_648 = arith.select %parallel_loop3A_644, %parallel_loop3A_647, %xor3A_21 : vector<16xi1>, vector<16xi32>
        %parallel_loop3A_649 = vector.shape_cast %parallel_loop3A_648 : vector<16xi32> to vector<16x1xi32>
        %parallel_loop3A_650 = vector.shape_cast %parallel_loop3A_649 : vector<16x1xi32> to vector<16xi32>
        %parallel_loop3A_651 = tpu.dynamic_gather %parallel_loop3A_641[%parallel_loop3A_650] in [0] : vector<16xf32>, vector<16xi32> -> vector<16xf32>
        %parallel_loop3A_652 = arith.addf %parallel_loop3A_641, %parallel_loop3A_651 : vector<16xf32>
        %parallel_loop3A_653 = arith.constant 0 : i32
        %parallel_loop3A_654 = vector.broadcast %parallel_loop3A_653 : i32 to vector<16xi32>
        %parallel_loop3A_655 = arith.cmpi slt, %xor3A_24, %parallel_loop3A_654 : vector<16xi32>
        %parallel_loop3A_656 = arith.constant 16 : i32
        %parallel_loop3A_657 = vector.broadcast %parallel_loop3A_656 : i32 to vector<16xi32>
        %parallel_loop3A_658 = arith.addi %xor3A_24, %parallel_loop3A_657 : vector<16xi32>
        %parallel_loop3A_659 = arith.select %parallel_loop3A_655, %parallel_loop3A_658, %xor3A_24 : vector<16xi1>, vector<16xi32>
        %parallel_loop3A_660 = vector.shape_cast %parallel_loop3A_659 : vector<16xi32> to vector<16x1xi32>
        %parallel_loop3A_661 = vector.shape_cast %parallel_loop3A_660 : vector<16x1xi32> to vector<16xi32>
        %parallel_loop3A_662 = tpu.dynamic_gather %parallel_loop3A_652[%parallel_loop3A_661] in [0] : vector<16xf32>, vector<16xi32> -> vector<16xf32>
        %parallel_loop3A_663 = arith.addf %parallel_loop3A_652, %parallel_loop3A_662 : vector<16xf32>
        %parallel_loop3A_664 = math.exp %parallel_loop3A_663 : vector<16xf32>
        %parallel_loop3A_665 = arith.constant 0 : i32
        %parallel_loop3A_666 = arith.index_cast %parallel_loop3A_665 : i32 to index
        %parallel_loop3A_667 = arith.index_cast %parallel_loop3A_540 : i32 to index
        %parallel_loop3A_668 = arith.constant 64 : index
        %parallel_loop3A_669 = tpu.vector_load %arg11[%parallel_loop3A_666, %parallel_loop3A_667, %parallel_loop3A_668] {strides = array<i32>} : memref<2x80x128xf32, #tpu.memory_space<vmem>>, vector<1x1x16xf32>,
        %parallel_loop3A_670 = vector.shape_cast %parallel_loop3A_669 : vector<1x1x16xf32> to vector<16xf32>
        %parallel_loop3A_671 = arith.constant 0 : i32
        %parallel_loop3A_672 = arith.index_cast %parallel_loop3A_671 : i32 to index
        %parallel_loop3A_673 = arith.index_cast %parallel_loop3A_540 : i32 to index
        %parallel_loop3A_674 = arith.constant 80 : index
        %parallel_loop3A_675 = tpu.vector_load %arg11[%parallel_loop3A_672, %parallel_loop3A_673, %parallel_loop3A_674] {strides = array<i32>} : memref<2x80x128xf32, #tpu.memory_space<vmem>>, vector<1x1x16xf32>,
        %parallel_loop3A_676 = vector.shape_cast %parallel_loop3A_675 : vector<1x1x16xf32> to vector<16xf32>
        %parallel_loop3A_677 = arith.constant 0 : i32
        %parallel_loop3A_678 = arith.index_cast %parallel_loop3A_677 : i32 to index
        %parallel_loop3A_679 = arith.index_cast %parallel_loop3A_540 : i32 to index
        %parallel_loop3A_680 = arith.constant 96 : index
        %parallel_loop3A_681 = tpu.vector_load %arg11[%parallel_loop3A_678, %parallel_loop3A_679, %parallel_loop3A_680] {strides = array<i32>} : memref<2x80x128xf32, #tpu.memory_space<vmem>>, vector<1x1x16xf32>,
        %parallel_loop3A_682 = vector.shape_cast %parallel_loop3A_681 : vector<1x1x16xf32> to vector<16xf32>
        %parallel_loop3A_683 = arith.constant 0 : i32
        %parallel_loop3A_684 = arith.index_cast %parallel_loop3A_683 : i32 to index
        %parallel_loop3A_685 = arith.index_cast %parallel_loop3A_540 : i32 to index
        %parallel_loop3A_686 = arith.constant 112 : index
        %parallel_loop3A_687 = tpu.vector_load %arg11[%parallel_loop3A_684, %parallel_loop3A_685, %parallel_loop3A_686] {strides = array<i32>} : memref<2x80x128xf32, #tpu.memory_space<vmem>>, vector<1x1x16xf32>,
        %parallel_loop3A_688 = vector.shape_cast %parallel_loop3A_687 : vector<1x1x16xf32> to vector<16xf32>
        %parallel_loop3A_689 = arith.mulf %parallel_loop3A_670, %parallel_loop3A_664 : vector<16xf32>
        %parallel_loop3A_690 = arith.constant 0 : i32
        %parallel_loop3A_691 = arith.index_cast %parallel_loop3A_690 : i32 to index
        %parallel_loop3A_692 = arith.index_cast %parallel_loop3A_540 : i32 to index
        %parallel_loop3A_693 = arith.constant 0 : index
        %parallel_loop3A_694 = tpu.vector_load %arg11[%parallel_loop3A_691, %parallel_loop3A_692, %parallel_loop3A_693] {strides = array<i32>} : memref<2x80x128xf32, #tpu.memory_space<vmem>>, vector<1x1x16xf32>,
        %parallel_loop3A_695 = vector.shape_cast %parallel_loop3A_694 : vector<1x1x16xf32> to vector<16xf32>
        %parallel_loop3A_696 = vector.shape_cast %parallel_loop3A_689 : vector<16xf32> to vector<1x1x16xf32>
        tpu.vector_store %arg11[%parallel_loop3A_691, %parallel_loop3A_692, %parallel_loop3A_693], %parallel_loop3A_696 {strides = array<i32>} : memref<2x80x128xf32, #tpu.memory_space<vmem>>, vector<1x1x16xf32>,
        %parallel_loop3A_697 = arith.mulf %parallel_loop3A_676, %parallel_loop3A_664 : vector<16xf32>
        %parallel_loop3A_698 = arith.constant 0 : i32
        %parallel_loop3A_699 = arith.index_cast %parallel_loop3A_698 : i32 to index
        %parallel_loop3A_700 = arith.index_cast %parallel_loop3A_540 : i32 to index
        %parallel_loop3A_701 = arith.constant 16 : index
        %parallel_loop3A_702 = tpu.vector_load %arg11[%parallel_loop3A_699, %parallel_loop3A_700, %parallel_loop3A_701] {strides = array<i32>} : memref<2x80x128xf32, #tpu.memory_space<vmem>>, vector<1x1x16xf32>,
        %parallel_loop3A_703 = vector.shape_cast %parallel_loop3A_702 : vector<1x1x16xf32> to vector<16xf32>
        %parallel_loop3A_704 = vector.shape_cast %parallel_loop3A_697 : vector<16xf32> to vector<1x1x16xf32>
        tpu.vector_store %arg11[%parallel_loop3A_699, %parallel_loop3A_700, %parallel_loop3A_701], %parallel_loop3A_704 {strides = array<i32>} : memref<2x80x128xf32, #tpu.memory_space<vmem>>, vector<1x1x16xf32>,
        %parallel_loop3A_705 = arith.mulf %parallel_loop3A_682, %parallel_loop3A_664 : vector<16xf32>
        %parallel_loop3A_706 = arith.constant 0 : i32
        %parallel_loop3A_707 = arith.index_cast %parallel_loop3A_706 : i32 to index
        %parallel_loop3A_708 = arith.index_cast %parallel_loop3A_540 : i32 to index
        %parallel_loop3A_709 = arith.constant 32 : index
        %parallel_loop3A_710 = tpu.vector_load %arg11[%parallel_loop3A_707, %parallel_loop3A_708, %parallel_loop3A_709] {strides = array<i32>} : memref<2x80x128xf32, #tpu.memory_space<vmem>>, vector<1x1x16xf32>,
        %parallel_loop3A_711 = vector.shape_cast %parallel_loop3A_710 : vector<1x1x16xf32> to vector<16xf32>
        %parallel_loop3A_712 = vector.shape_cast %parallel_loop3A_705 : vector<16xf32> to vector<1x1x16xf32>
        tpu.vector_store %arg11[%parallel_loop3A_707, %parallel_loop3A_708, %parallel_loop3A_709], %parallel_loop3A_712 {strides = array<i32>} : memref<2x80x128xf32, #tpu.memory_space<vmem>>, vector<1x1x16xf32>,
        %parallel_loop3A_713 = arith.mulf %parallel_loop3A_688, %parallel_loop3A_664 : vector<16xf32>
        %parallel_loop3A_714 = arith.constant 0 : i32
        %parallel_loop3A_715 = arith.index_cast %parallel_loop3A_714 : i32 to index
        %parallel_loop3A_716 = arith.index_cast %parallel_loop3A_540 : i32 to index
        %parallel_loop3A_717 = arith.constant 48 : index
        %parallel_loop3A_718 = tpu.vector_load %arg11[%parallel_loop3A_715, %parallel_loop3A_716, %parallel_loop3A_717] {strides = array<i32>} : memref<2x80x128xf32, #tpu.memory_space<vmem>>, vector<1x1x16xf32>,
        %parallel_loop3A_719 = vector.shape_cast %parallel_loop3A_718 : vector<1x1x16xf32> to vector<16xf32>
        %parallel_loop3A_720 = vector.shape_cast %parallel_loop3A_713 : vector<16xf32> to vector<1x1x16xf32>
        tpu.vector_store %arg11[%parallel_loop3A_715, %parallel_loop3A_716, %parallel_loop3A_717], %parallel_loop3A_720 {strides = array<i32>} : memref<2x80x128xf32, #tpu.memory_space<vmem>>, vector<1x1x16xf32>,
        %parallel_loop3A_721 = arith.constant 0 : i32
        %parallel_loop3A_722 = vector.broadcast %parallel_loop3A_721 : i32 to vector<16xi32>
        %parallel_loop3A_723 = arith.cmpi eq, %iota3A, %parallel_loop3A_722 : vector<16xi32>
        %parallel_loop3A_724 = arith.select %parallel_loop3A_723, %parallel_loop3A_664, %select_n3A : vector<16xi1>, vector<16xf32>
        %parallel_loop3A_725 = arith.constant 0 : i32
        %parallel_loop3A_726 = arith.index_cast %parallel_loop3A_725 : i32 to index
        %parallel_loop3A_727 = arith.index_cast %parallel_loop3A_540 : i32 to index
        %parallel_loop3A_728 = arith.constant 64 : index
        %parallel_loop3A_729 = tpu.vector_load %arg11[%parallel_loop3A_726, %parallel_loop3A_727, %parallel_loop3A_728] {strides = array<i32>} : memref<2x80x128xf32, #tpu.memory_space<vmem>>, vector<1x1x16xf32>,
        %parallel_loop3A_730 = vector.shape_cast %parallel_loop3A_729 : vector<1x1x16xf32> to vector<16xf32>
        %parallel_loop3A_731 = vector.shape_cast %parallel_loop3A_724 : vector<16xf32> to vector<1x1x16xf32>
        tpu.vector_store %arg11[%parallel_loop3A_726, %parallel_loop3A_727, %parallel_loop3A_728], %parallel_loop3A_731 {strides = array<i32>} : memref<2x80x128xf32, #tpu.memory_space<vmem>>, vector<1x1x16xf32>,
      } {sc.loop_unroll_factor = 4 : i64, sc.parallel_access}
      %run_scoped3A_469 = arith.constant 0 : i32
      %run_scoped3A_470 = arith.constant 2 : i32
      "tpu.region"() ({
        %run_scoped3A_540 = tpu.sem_alloc : memref<!tpu.dma_semaphore, #tpu.memory_space<semaphore_mem>>
        %dma_start3A_541 = arith.constant 0 : i32
        %dma_start3A_542 = arith.constant 0 : i32
        %dma_start3A_543 = tpu.memref_slice %arg11[%run_scoped3A_469, %dma_start3A_541, %dma_start3A_542] : memref<2x80x128xf32, #tpu.memory_space<vmem>> -> memref<1x80x128xf32, #tpu.memory_space<vmem>>
        %dma_start3A_544 = tpu.memref_squeeze %dma_start3A_543 : memref<1x80x128xf32, #tpu.memory_space<vmem>> -> memref<80x128xf32, #tpu.memory_space<vmem>>
        %dma_start3A_545 = arith.constant 0 : i32
        %dma_start3A_546 = tpu.memref_slice %arg10[%run_scoped3A_470, %dma_start3A_545] : memref<4x80xi32, #tpu.memory_space<vmem>> -> memref<1x80xi32, #tpu.memory_space<vmem>>
        %dma_start3A_547 = tpu.memref_squeeze %dma_start3A_546 : memref<1x80xi32, #tpu.memory_space<vmem>> -> memref<80xi32, #tpu.memory_space<vmem>>
        %dma_start3A_548 = arith.constant 0 : i32
        %dma_start3A_549 = arith.constant 0 : i32
        %dma_start3A_550 = tpu.memref_slice %arg14[%dma_start3A_548, %dma_start3A_549] : memref<10112x128xf32, #tpu.memory_space<vmem_shared>> -> memref<10112x128xf32, #tpu.memory_space<vmem_shared>>
        tpu.enqueue_indirect_dma source(%dma_start3A_544 : memref<80x128xf32, #tpu.memory_space<vmem>>) target(%dma_start3A_550 : memref<10112x128xf32, #tpu.memory_space<vmem_shared>>) offsets(%dma_start3A_547 : memref<80xi32, #tpu.memory_space<vmem>>) semaphore(%run_scoped3A_540 : memref<!tpu.dma_semaphore, #tpu.memory_space<semaphore_mem>>) {add = true}
        %dma_wait3A_551 = arith.constant 0 : i32
        %dma_wait3A_552 = arith.constant 0 : i32
        %dma_wait3A_553 = tpu.memref_slice %arg11[%run_scoped3A_469, %dma_wait3A_551, %dma_wait3A_552] : memref<2x80x128xf32, #tpu.memory_space<vmem>> -> memref<1x80x128xf32, #tpu.memory_space<vmem>>
        %dma_wait3A_554 = tpu.memref_squeeze %dma_wait3A_553 : memref<1x80x128xf32, #tpu.memory_space<vmem>> -> memref<80x128xf32, #tpu.memory_space<vmem>>
        %dma_wait3A_555 = arith.constant 0 : i32
        %dma_wait3A_556 = tpu.memref_slice %arg10[%run_scoped3A_470, %dma_wait3A_555] : memref<4x80xi32, #tpu.memory_space<vmem>> -> memref<1x80xi32, #tpu.memory_space<vmem>>
        %dma_wait3A_557 = tpu.memref_squeeze %dma_wait3A_556 : memref<1x80xi32, #tpu.memory_space<vmem>> -> memref<80xi32, #tpu.memory_space<vmem>>
        %dma_wait3A_558 = arith.constant 0 : i32
        %dma_wait3A_559 = arith.constant 0 : i32
        %dma_wait3A_560 = tpu.memref_slice %arg14[%dma_wait3A_558, %dma_wait3A_559] : memref<10112x128xf32, #tpu.memory_space<vmem_shared>> -> memref<10112x128xf32, #tpu.memory_space<vmem_shared>>
        tpu.wait_indirect_dma semaphore(%run_scoped3A_540 : memref<!tpu.dma_semaphore, #tpu.memory_space<semaphore_mem>>) src(%dma_wait3A_554 : memref<80x128xf32, #tpu.memory_space<vmem>>) dst(%dma_wait3A_560 : memref<10112x128xf32, #tpu.memory_space<vmem_shared>>)
        tpu.yield
      }) : () -> ()
      %add3A_471 = arith.constant 2 : i32
      %add3A_472 = arith.addi %add3A_431, %add3A_471 : i32
      %lt3A_473 = arith.constant 512 : i32
      %lt3A_474 = arith.cmpi slt, %add3A_472, %lt3A_473 : i32
      %convert_element_type3A_475 = arith.extui %lt3A_474 : i1 to i32
      %cond3A_476 = arith.constant 0 : i32
      %cond3A_477 = arith.cmpi ne, %convert_element_type3A_475, %cond3A_476 : i32
      scf.if %cond3A_477 {
        %add3A_540 = arith.constant 2 : i32
        %add3A_541 = arith.addi %add3A_431, %add3A_540 : i32
        %add3A_542 = arith.addi %mul3A_0, %add3A_541 : i32
        %dma_wait3A_543 = arith.constant 0 : i32
        %dma_wait3A_544 = arith.constant 0 : i32
        %dma_wait3A_545 = arith.constant 0 : i32
        %dma_wait3A_546 = tpu.memref_slice %arg9[%dma_wait3A_543, %dma_wait3A_545] : memref<4x80xi32, #tpu.memory_space<vmem>> -> memref<1x80xi32, #tpu.memory_space<vmem>>
        %dma_wait3A_547 = tpu.memref_squeeze %dma_wait3A_546 : memref<1x80xi32, #tpu.memory_space<vmem>> -> memref<80xi32, #tpu.memory_space<vmem>>
        %dma_wait3A_548 = arith.constant 0 : i32
        %dma_wait3A_549 = tpu.memref_slice %arg4[%add3A_542, %dma_wait3A_548] : memref<8192x80xi32, #tpu.memory_space<hbm>> -> memref<1x80xi32, #tpu.memory_space<hbm>>
        %dma_wait3A_550 = tpu.memref_squeeze %dma_wait3A_549 : memref<1x80xi32, #tpu.memory_space<hbm>> -> memref<80xi32, #tpu.memory_space<hbm>>
        %dma_wait3A_551 = tpu.memref_slice %arg17[%dma_wait3A_544] : memref<4x!tpu.dma_semaphore, #tpu.memory_space<semaphore_mem>> -> memref<1x!tpu.dma_semaphore, #tpu.memory_space<semaphore_mem>>
        %dma_wait3A_552 = tpu.memref_squeeze %dma_wait3A_551 : memref<1x!tpu.dma_semaphore, #tpu.memory_space<semaphore_mem>> -> memref<!tpu.dma_semaphore, #tpu.memory_space<semaphore_mem>>
        %dma_wait3A_553 = arith.constant 0 : i32
        %dma_wait3A_554 = tpu.memref_slice %arg9[%dma_wait3A_543, %dma_wait3A_553] : memref<4x80xi32, #tpu.memory_space<vmem>> -> memref<1x80xi32, #tpu.memory_space<vmem>>
        %dma_wait3A_555 = tpu.memref_squeeze %dma_wait3A_554 : memref<1x80xi32, #tpu.memory_space<vmem>> -> memref<80xi32, #tpu.memory_space<vmem>>
        %dma_wait3A_556 = arith.constant 0 : i32
        %dma_wait3A_557 = tpu.memref_slice %arg4[%add3A_542, %dma_wait3A_556] : memref<8192x80xi32, #tpu.memory_space<hbm>> -> memref<1x80xi32, #tpu.memory_space<hbm>>
        %dma_wait3A_558 = tpu.memref_squeeze %dma_wait3A_557 : memref<1x80xi32, #tpu.memory_space<hbm>> -> memref<80xi32, #tpu.memory_space<hbm>>
        tpu.wait_dma2 semaphore(%dma_wait3A_552 : memref<!tpu.dma_semaphore, #tpu.memory_space<semaphore_mem>>) src(%dma_wait3A_558 : memref<80xi32, #tpu.memory_space<hbm>>) dst(%dma_wait3A_555 : memref<80xi32, #tpu.memory_space<vmem>>)
        %add3A_559 = arith.addi %mul3A_0, %add3A_541 : i32
        %dma_wait3A_560 = arith.constant 0 : i32
        %dma_wait3A_561 = arith.constant 0 : i32
        %dma_wait3A_562 = arith.constant 0 : i32
        %dma_wait3A_563 = tpu.memref_slice %arg10[%dma_wait3A_560, %dma_wait3A_562] : memref<4x80xi32, #tpu.memory_space<vmem>> -> memref<1x80xi32, #tpu.memory_space<vmem>>
        %dma_wait3A_564 = tpu.memref_squeeze %dma_wait3A_563 : memref<1x80xi32, #tpu.memory_space<vmem>> -> memref<80xi32, #tpu.memory_space<vmem>>
        %dma_wait3A_565 = arith.constant 0 : i32
        %dma_wait3A_566 = tpu.memref_slice %arg5[%add3A_559, %dma_wait3A_565] : memref<8192x80xi32, #tpu.memory_space<hbm>> -> memref<1x80xi32, #tpu.memory_space<hbm>>
        %dma_wait3A_567 = tpu.memref_squeeze %dma_wait3A_566 : memref<1x80xi32, #tpu.memory_space<hbm>> -> memref<80xi32, #tpu.memory_space<hbm>>
        %dma_wait3A_568 = tpu.memref_slice %arg17[%dma_wait3A_561] : memref<4x!tpu.dma_semaphore, #tpu.memory_space<semaphore_mem>> -> memref<1x!tpu.dma_semaphore, #tpu.memory_space<semaphore_mem>>
        %dma_wait3A_569 = tpu.memref_squeeze %dma_wait3A_568 : memref<1x!tpu.dma_semaphore, #tpu.memory_space<semaphore_mem>> -> memref<!tpu.dma_semaphore, #tpu.memory_space<semaphore_mem>>
        %dma_wait3A_570 = arith.constant 0 : i32
        %dma_wait3A_571 = tpu.memref_slice %arg10[%dma_wait3A_560, %dma_wait3A_570] : memref<4x80xi32, #tpu.memory_space<vmem>> -> memref<1x80xi32, #tpu.memory_space<vmem>>
        %dma_wait3A_572 = tpu.memref_squeeze %dma_wait3A_571 : memref<1x80xi32, #tpu.memory_space<vmem>> -> memref<80xi32, #tpu.memory_space<vmem>>
        %dma_wait3A_573 = arith.constant 0 : i32
        %dma_wait3A_574 = tpu.memref_slice %arg5[%add3A_559, %dma_wait3A_573] : memref<8192x80xi32, #tpu.memory_space<hbm>> -> memref<1x80xi32, #tpu.memory_space<hbm>>
        %dma_wait3A_575 = tpu.memref_squeeze %dma_wait3A_574 : memref<1x80xi32, #tpu.memory_space<hbm>> -> memref<80xi32, #tpu.memory_space<hbm>>
        tpu.wait_dma2 semaphore(%dma_wait3A_569 : memref<!tpu.dma_semaphore, #tpu.memory_space<semaphore_mem>>) src(%dma_wait3A_575 : memref<80xi32, #tpu.memory_space<hbm>>) dst(%dma_wait3A_572 : memref<80xi32, #tpu.memory_space<vmem>>)
        %dma_start3A_576 = arith.constant 0 : i32
        %dma_start3A_577 = arith.constant 0 : i32
        %dma_start3A_578 = arith.constant 0 : i32
        %dma_start3A_579 = arith.constant 0 : i32
        %dma_start3A_580 = arith.constant 0 : i32
        %dma_start3A_581 = tpu.memref_slice %arg11[%dma_start3A_577, %dma_start3A_579, %dma_start3A_580] : memref<2x80x128xf32, #tpu.memory_space<vmem>> -> memref<1x80x128xf32, #tpu.memory_space<vmem>>
        %dma_start3A_582 = tpu.memref_squeeze %dma_start3A_581 : memref<1x80x128xf32, #tpu.memory_space<vmem>> -> memref<80x128xf32, #tpu.memory_space<vmem>>
        %dma_start3A_583 = arith.constant 0 : i32
        %dma_start3A_584 = tpu.memref_slice %arg9[%dma_start3A_576, %dma_start3A_583] : memref<4x80xi32, #tpu.memory_space<vmem>> -> memref<1x80xi32, #tpu.memory_space<vmem>>
        %dma_start3A_585 = tpu.memref_squeeze %dma_start3A_584 : memref<1x80xi32, #tpu.memory_space<vmem>> -> memref<80xi32, #tpu.memory_space<vmem>>
        %dma_start3A_586 = arith.constant 0 : i32
        %dma_start3A_587 = arith.constant 0 : i32
        %dma_start3A_588 = tpu.memref_slice %arg2[%arg0, %dma_start3A_586, %dma_start3A_587] : memref<2x10240x128xf32, #tpu.memory_space<hbm>> -> memref<1x10240x128xf32, #tpu.memory_space<hbm>>
        %dma_start3A_589 = tpu.memref_squeeze %dma_start3A_588 : memref<1x10240x128xf32, #tpu.memory_space<hbm>> -> memref<10240x128xf32, #tpu.memory_space<hbm>>
        %dma_start3A_590 = arith.constant 0 : i32
        %dma_start3A_591 = arith.constant 0 : i32
        %dma_start3A_592 = tpu.memref_slice %dma_start3A_589[%dma_start3A_590, %dma_start3A_591] : memref<10240x128xf32, #tpu.memory_space<hbm>> -> memref<10240x128xf32, #tpu.memory_space<hbm>>
        %dma_start3A_593 = tpu.memref_slice %arg15[%dma_start3A_578] : memref<2x!tpu.dma_semaphore, #tpu.memory_space<semaphore_mem>> -> memref<1x!tpu.dma_semaphore, #tpu.memory_space<semaphore_mem>>
        %dma_start3A_594 = tpu.memref_squeeze %dma_start3A_593 : memref<1x!tpu.dma_semaphore, #tpu.memory_space<semaphore_mem>> -> memref<!tpu.dma_semaphore, #tpu.memory_space<semaphore_mem>>
        tpu.enqueue_indirect_dma source(%dma_start3A_592 : memref<10240x128xf32, #tpu.memory_space<hbm>>) target(%dma_start3A_582 : memref<80x128xf32, #tpu.memory_space<vmem>>) offsets(%dma_start3A_585 : memref<80xi32, #tpu.memory_space<vmem>>) semaphore(%dma_start3A_594 : memref<!tpu.dma_semaphore, #tpu.memory_space<semaphore_mem>>)
        %dma_start3A_595 = arith.constant 0 : i32
        %dma_start3A_596 = arith.constant 0 : i32
        %dma_start3A_597 = arith.constant 0 : i32
        %dma_start3A_598 = arith.constant 0 : i32
        %dma_start3A_599 = arith.constant 0 : i32
        %dma_start3A_600 = tpu.memref_slice %arg12[%dma_start3A_596, %dma_start3A_598, %dma_start3A_599] : memref<2x80x128xf32, #tpu.memory_space<vmem>> -> memref<1x80x128xf32, #tpu.memory_space<vmem>>
        %dma_start3A_601 = tpu.memref_squeeze %dma_start3A_600 : memref<1x80x128xf32, #tpu.memory_space<vmem>> -> memref<80x128xf32, #tpu.memory_space<vmem>>
        %dma_start3A_602 = arith.constant 0 : i32
        %dma_start3A_603 = tpu.memref_slice %arg10[%dma_start3A_595, %dma_start3A_602] : memref<4x80xi32, #tpu.memory_space<vmem>> -> memref<1x80xi32, #tpu.memory_space<vmem>>
        %dma_start3A_604 = tpu.memref_squeeze %dma_start3A_603 : memref<1x80xi32, #tpu.memory_space<vmem>> -> memref<80xi32, #tpu.memory_space<vmem>>
        %dma_start3A_605 = arith.constant 0 : i32
        %dma_start3A_606 = arith.constant 0 : i32
        %dma_start3A_607 = tpu.memref_slice %arg3[%dma_start3A_605, %dma_start3A_606] : memref<10240x128xf32, #tpu.memory_space<hbm>> -> memref<10240x128xf32, #tpu.memory_space<hbm>>
        %dma_start3A_608 = tpu.memref_slice %arg16[%dma_start3A_597] : memref<2x!tpu.dma_semaphore, #tpu.memory_space<semaphore_mem>> -> memref<1x!tpu.dma_semaphore, #tpu.memory_space<semaphore_mem>>
        %dma_start3A_609 = tpu.memref_squeeze %dma_start3A_608 : memref<1x!tpu.dma_semaphore, #tpu.memory_space<semaphore_mem>> -> memref<!tpu.dma_semaphore, #tpu.memory_space<semaphore_mem>>
        tpu.enqueue_indirect_dma source(%dma_start3A_607 : memref<10240x128xf32, #tpu.memory_space<hbm>>) target(%dma_start3A_601 : memref<80x128xf32, #tpu.memory_space<vmem>>) offsets(%dma_start3A_604 : memref<80xi32, #tpu.memory_space<vmem>>) semaphore(%dma_start3A_609 : memref<!tpu.dma_semaphore, #tpu.memory_space<semaphore_mem>>)
      } else {
      }
      %add3A_478 = arith.constant 4 : i32
      %add3A_479 = arith.addi %add3A_431, %add3A_478 : i32
      %lt3A_480 = arith.constant 512 : i32
      %lt3A_481 = arith.cmpi slt, %add3A_479, %lt3A_480 : i32
      %convert_element_type3A_482 = arith.extui %lt3A_481 : i1 to i32
      %cond3A_483 = arith.constant 0 : i32
      %cond3A_484 = arith.cmpi ne, %convert_element_type3A_482, %cond3A_483 : i32
      scf.if %cond3A_484 {
        %add3A_540 = arith.constant 4 : i32
        %add3A_541 = arith.addi %add3A_431, %add3A_540 : i32
        %add3A_542 = arith.addi %mul3A_0, %add3A_541 : i32
        %dma_start3A_543 = arith.constant 2 : i32
        %dma_start3A_544 = arith.constant 2 : i32
        %dma_start3A_545 = arith.constant 0 : i32
        %dma_start3A_546 = tpu.memref_slice %arg9[%dma_start3A_543, %dma_start3A_545] : memref<4x80xi32, #tpu.memory_space<vmem>> -> memref<1x80xi32, #tpu.memory_space<vmem>>
        %dma_start3A_547 = tpu.memref_squeeze %dma_start3A_546 : memref<1x80xi32, #tpu.memory_space<vmem>> -> memref<80xi32, #tpu.memory_space<vmem>>
        %dma_start3A_548 = arith.constant 0 : i32
        %dma_start3A_549 = tpu.memref_slice %arg4[%add3A_542, %dma_start3A_548] : memref<8192x80xi32, #tpu.memory_space<hbm>> -> memref<1x80xi32, #tpu.memory_space<hbm>>
        %dma_start3A_550 = tpu.memref_squeeze %dma_start3A_549 : memref<1x80xi32, #tpu.memory_space<hbm>> -> memref<80xi32, #tpu.memory_space<hbm>>
        %dma_start3A_551 = tpu.memref_slice %arg17[%dma_start3A_544] : memref<4x!tpu.dma_semaphore, #tpu.memory_space<semaphore_mem>> -> memref<1x!tpu.dma_semaphore, #tpu.memory_space<semaphore_mem>>
        %dma_start3A_552 = tpu.memref_squeeze %dma_start3A_551 : memref<1x!tpu.dma_semaphore, #tpu.memory_space<semaphore_mem>> -> memref<!tpu.dma_semaphore, #tpu.memory_space<semaphore_mem>>
        %dma_start3A_553 = arith.constant 0 : i32
        %dma_start3A_554 = tpu.memref_slice %arg9[%dma_start3A_543, %dma_start3A_553] : memref<4x80xi32, #tpu.memory_space<vmem>> -> memref<1x80xi32, #tpu.memory_space<vmem>>
        %dma_start3A_555 = tpu.memref_squeeze %dma_start3A_554 : memref<1x80xi32, #tpu.memory_space<vmem>> -> memref<80xi32, #tpu.memory_space<vmem>>
        %dma_start3A_556 = arith.constant 0 : i32
        %dma_start3A_557 = tpu.memref_slice %arg4[%add3A_542, %dma_start3A_556] : memref<8192x80xi32, #tpu.memory_space<hbm>> -> memref<1x80xi32, #tpu.memory_space<hbm>>
        %dma_start3A_558 = tpu.memref_squeeze %dma_start3A_557 : memref<1x80xi32, #tpu.memory_space<hbm>> -> memref<80xi32, #tpu.memory_space<hbm>>
        tpu.enqueue_dma source(%dma_start3A_558 : memref<80xi32, #tpu.memory_space<hbm>>) target(%dma_start3A_555 : memref<80xi32, #tpu.memory_space<vmem>>) target_semaphore(%dma_start3A_552 : memref<!tpu.dma_semaphore, #tpu.memory_space<semaphore_mem>>)
        %add3A_559 = arith.addi %mul3A_0, %add3A_541 : i32
        %dma_start3A_560 = arith.constant 2 : i32
        %dma_start3A_561 = arith.constant 2 : i32
        %dma_start3A_562 = arith.constant 0 : i32
        %dma_start3A_563 = tpu.memref_slice %arg10[%dma_start3A_560, %dma_start3A_562] : memref<4x80xi32, #tpu.memory_space<vmem>> -> memref<1x80xi32, #tpu.memory_space<vmem>>
        %dma_start3A_564 = tpu.memref_squeeze %dma_start3A_563 : memref<1x80xi32, #tpu.memory_space<vmem>> -> memref<80xi32, #tpu.memory_space<vmem>>
        %dma_start3A_565 = arith.constant 0 : i32
        %dma_start3A_566 = tpu.memref_slice %arg5[%add3A_559, %dma_start3A_565] : memref<8192x80xi32, #tpu.memory_space<hbm>> -> memref<1x80xi32, #tpu.memory_space<hbm>>
        %dma_start3A_567 = tpu.memref_squeeze %dma_start3A_566 : memref<1x80xi32, #tpu.memory_space<hbm>> -> memref<80xi32, #tpu.memory_space<hbm>>
        %dma_start3A_568 = tpu.memref_slice %arg17[%dma_start3A_561] : memref<4x!tpu.dma_semaphore, #tpu.memory_space<semaphore_mem>> -> memref<1x!tpu.dma_semaphore, #tpu.memory_space<semaphore_mem>>
        %dma_start3A_569 = tpu.memref_squeeze %dma_start3A_568 : memref<1x!tpu.dma_semaphore, #tpu.memory_space<semaphore_mem>> -> memref<!tpu.dma_semaphore, #tpu.memory_space<semaphore_mem>>
        %dma_start3A_570 = arith.constant 0 : i32
        %dma_start3A_571 = tpu.memref_slice %arg10[%dma_start3A_560, %dma_start3A_570] : memref<4x80xi32, #tpu.memory_space<vmem>> -> memref<1x80xi32, #tpu.memory_space<vmem>>
        %dma_start3A_572 = tpu.memref_squeeze %dma_start3A_571 : memref<1x80xi32, #tpu.memory_space<vmem>> -> memref<80xi32, #tpu.memory_space<vmem>>
        %dma_start3A_573 = arith.constant 0 : i32
        %dma_start3A_574 = tpu.memref_slice %arg5[%add3A_559, %dma_start3A_573] : memref<8192x80xi32, #tpu.memory_space<hbm>> -> memref<1x80xi32, #tpu.memory_space<hbm>>
        %dma_start3A_575 = tpu.memref_squeeze %dma_start3A_574 : memref<1x80xi32, #tpu.memory_space<hbm>> -> memref<80xi32, #tpu.memory_space<hbm>>
        tpu.enqueue_dma source(%dma_start3A_575 : memref<80xi32, #tpu.memory_space<hbm>>) target(%dma_start3A_572 : memref<80xi32, #tpu.memory_space<vmem>>) target_semaphore(%dma_start3A_569 : memref<!tpu.dma_semaphore, #tpu.memory_space<semaphore_mem>>)
      } else {
      }
      %add3A_485 = arith.constant 3 : i32
      %add3A_486 = arith.addi %mul3A_324, %add3A_485 : i32
      %dma_wait3A_487 = arith.constant 3 : i32
      %dma_wait3A_488 = arith.constant 1 : i32
      %dma_wait3A_489 = arith.constant 1 : i32
      %dma_wait3A_490 = arith.constant 0 : i32
      %dma_wait3A_491 = arith.constant 0 : i32
      %dma_wait3A_492 = tpu.memref_slice %arg11[%dma_wait3A_488, %dma_wait3A_490, %dma_wait3A_491] : memref<2x80x128xf32, #tpu.memory_space<vmem>> -> memref<1x80x128xf32, #tpu.memory_space<vmem>>
      %dma_wait3A_493 = tpu.memref_squeeze %dma_wait3A_492 : memref<1x80x128xf32, #tpu.memory_space<vmem>> -> memref<80x128xf32, #tpu.memory_space<vmem>>
      %dma_wait3A_494 = arith.constant 0 : i32
      %dma_wait3A_495 = tpu.memref_slice %arg9[%dma_wait3A_487, %dma_wait3A_494] : memref<4x80xi32, #tpu.memory_space<vmem>> -> memref<1x80xi32, #tpu.memory_space<vmem>>
      %dma_wait3A_496 = tpu.memref_squeeze %dma_wait3A_495 : memref<1x80xi32, #tpu.memory_space<vmem>> -> memref<80xi32, #tpu.memory_space<vmem>>
      %dma_wait3A_497 = arith.constant 0 : i32
      %dma_wait3A_498 = arith.constant 0 : i32
      %dma_wait3A_499 = tpu.memref_slice %arg2[%arg0, %dma_wait3A_497, %dma_wait3A_498] : memref<2x10240x128xf32, #tpu.memory_space<hbm>> -> memref<1x10240x128xf32, #tpu.memory_space<hbm>>
      %dma_wait3A_500 = tpu.memref_squeeze %dma_wait3A_499 : memref<1x10240x128xf32, #tpu.memory_space<hbm>> -> memref<10240x128xf32, #tpu.memory_space<hbm>>
      %dma_wait3A_501 = arith.constant 0 : i32
      %dma_wait3A_502 = arith.constant 0 : i32
      %dma_wait3A_503 = tpu.memref_slice %dma_wait3A_500[%dma_wait3A_501, %dma_wait3A_502] : memref<10240x128xf32, #tpu.memory_space<hbm>> -> memref<10240x128xf32, #tpu.memory_space<hbm>>
      %dma_wait3A_504 = tpu.memref_slice %arg15[%dma_wait3A_489] : memref<2x!tpu.dma_semaphore, #tpu.memory_space<semaphore_mem>> -> memref<1x!tpu.dma_semaphore, #tpu.memory_space<semaphore_mem>>
      %dma_wait3A_505 = tpu.memref_squeeze %dma_wait3A_504 : memref<1x!tpu.dma_semaphore, #tpu.memory_space<semaphore_mem>> -> memref<!tpu.dma_semaphore, #tpu.memory_space<semaphore_mem>>
      tpu.wait_indirect_dma semaphore(%dma_wait3A_505 : memref<!tpu.dma_semaphore, #tpu.memory_space<semaphore_mem>>) src(%dma_wait3A_503 : memref<10240x128xf32, #tpu.memory_space<hbm>>) dst(%dma_wait3A_493 : memref<80x128xf32, #tpu.memory_space<vmem>>)
      %dma_wait3A_506 = arith.constant 3 : i32
      %dma_wait3A_507 = arith.constant 1 : i32
      %dma_wait3A_508 = arith.constant 1 : i32
      %dma_wait3A_509 = arith.constant 0 : i32
      %dma_wait3A_510 = arith.constant 0 : i32
      %dma_wait3A_511 = tpu.memref_slice %arg12[%dma_wait3A_507, %dma_wait3A_509, %dma_wait3A_510] : memref<2x80x128xf32, #tpu.memory_space<vmem>> -> memref<1x80x128xf32, #tpu.memory_space<vmem>>
      %dma_wait3A_512 = tpu.memref_squeeze %dma_wait3A_511 : memref<1x80x128xf32, #tpu.memory_space<vmem>> -> memref<80x128xf32, #tpu.memory_space<vmem>>
      %dma_wait3A_513 = arith.constant 0 : i32
      %dma_wait3A_514 = tpu.memref_slice %arg10[%dma_wait3A_506, %dma_wait3A_513] : memref<4x80xi32, #tpu.memory_space<vmem>> -> memref<1x80xi32, #tpu.memory_space<vmem>>
      %dma_wait3A_515 = tpu.memref_squeeze %dma_wait3A_514 : memref<1x80xi32, #tpu.memory_space<vmem>> -> memref<80xi32, #tpu.memory_space<vmem>>
      %dma_wait3A_516 = arith.constant 0 : i32
      %dma_wait3A_517 = arith.constant 0 : i32
      %dma_wait3A_518 = tpu.memref_slice %arg3[%dma_wait3A_516, %dma_wait3A_517] : memref<10240x128xf32, #tpu.memory_space<hbm>> -> memref<10240x128xf32, #tpu.memory_space<hbm>>
      %dma_wait3A_519 = tpu.memref_slice %arg16[%dma_wait3A_508] : memref<2x!tpu.dma_semaphore, #tpu.memory_space<semaphore_mem>> -> memref<1x!tpu.dma_semaphore, #tpu.memory_space<semaphore_mem>>
      %dma_wait3A_520 = tpu.memref_squeeze %dma_wait3A_519 : memref<1x!tpu.dma_semaphore, #tpu.memory_space<semaphore_mem>> -> memref<!tpu.dma_semaphore, #tpu.memory_space<semaphore_mem>>
      tpu.wait_indirect_dma semaphore(%dma_wait3A_520 : memref<!tpu.dma_semaphore, #tpu.memory_space<semaphore_mem>>) src(%dma_wait3A_518 : memref<10240x128xf32, #tpu.memory_space<hbm>>) dst(%dma_wait3A_512 : memref<80x128xf32, #tpu.memory_space<vmem>>)
      %parallel_loop3A_521 = arith.constant 0 : i32
      %parallel_loop3A_522 = arith.constant 80 : i32
      %parallel_loop3A_523 = arith.constant 1 : i32
      scf.for %parallel_loop3A_540 = %parallel_loop3A_521 to %parallel_loop3A_522 step %parallel_loop3A_523  : i32 {
        %parallel_loop3A_541 = arith.constant 1 : i32
        %parallel_loop3A_542 = arith.index_cast %parallel_loop3A_541 : i32 to index
        %parallel_loop3A_543 = arith.index_cast %parallel_loop3A_540 : i32 to index
        %parallel_loop3A_544 = arith.constant 0 : index
        %parallel_loop3A_545 = tpu.vector_load %arg11[%parallel_loop3A_542, %parallel_loop3A_543, %parallel_loop3A_544] {strides = array<i32>} : memref<2x80x128xf32, #tpu.memory_space<vmem>>, vector<1x1x16xf32>,
        %parallel_loop3A_546 = vector.shape_cast %parallel_loop3A_545 : vector<1x1x16xf32> to vector<16xf32>
        %parallel_loop3A_547 = arith.constant 0 : i32
        %parallel_loop3A_548 = arith.addi %mul3A_30, %parallel_loop3A_547 : i32
        %parallel_loop3A_549 = arith.constant 1 : i32
        %parallel_loop3A_550 = arith.index_cast %parallel_loop3A_549 : i32 to index
        %parallel_loop3A_551 = arith.index_cast %parallel_loop3A_540 : i32 to index
        %parallel_loop3A_552 = arith.index_cast %parallel_loop3A_548 : i32 to index
        %parallel_loop3A_553 = tpu.vector_load %arg12[%parallel_loop3A_550, %parallel_loop3A_551, %parallel_loop3A_552] {strides = array<i32>} : memref<2x80x128xf32, #tpu.memory_space<vmem>>, vector<1x1x16xf32>,
        %parallel_loop3A_554 = vector.shape_cast %parallel_loop3A_553 : vector<1x1x16xf32> to vector<16xf32>
        %parallel_loop3A_555 = arith.addf %parallel_loop3A_546, %parallel_loop3A_554 : vector<16xf32>
        %parallel_loop3A_556 = arith.constant 0.000000e+00 : f32
        %parallel_loop3A_557 = vector.broadcast %parallel_loop3A_556 : f32 to vector<16xf32>
        %parallel_loop3A_558 = arith.maximumf %parallel_loop3A_555, %parallel_loop3A_557 : vector<16xf32>
        %parallel_loop3A_559 = arith.mulf %parallel_loop3A_558, %get3A_4 : vector<16xf32>
        %parallel_loop3A_560 = arith.constant 1 : i32
        %parallel_loop3A_561 = arith.index_cast %parallel_loop3A_560 : i32 to index
        %parallel_loop3A_562 = arith.index_cast %parallel_loop3A_540 : i32 to index
        %parallel_loop3A_563 = arith.constant 16 : index
        %parallel_loop3A_564 = tpu.vector_load %arg11[%parallel_loop3A_561, %parallel_loop3A_562, %parallel_loop3A_563] {strides = array<i32>} : memref<2x80x128xf32, #tpu.memory_space<vmem>>, vector<1x1x16xf32>,
        %parallel_loop3A_565 = vector.shape_cast %parallel_loop3A_564 : vector<1x1x16xf32> to vector<16xf32>
        %parallel_loop3A_566 = arith.constant 16 : i32
        %parallel_loop3A_567 = arith.addi %mul3A_30, %parallel_loop3A_566 : i32
        %parallel_loop3A_568 = arith.constant 1 : i32
        %parallel_loop3A_569 = arith.index_cast %parallel_loop3A_568 : i32 to index
        %parallel_loop3A_570 = arith.index_cast %parallel_loop3A_540 : i32 to index
        %parallel_loop3A_571 = arith.index_cast %parallel_loop3A_567 : i32 to index
        %parallel_loop3A_572 = tpu.vector_load %arg12[%parallel_loop3A_569, %parallel_loop3A_570, %parallel_loop3A_571] {strides = array<i32>} : memref<2x80x128xf32, #tpu.memory_space<vmem>>, vector<1x1x16xf32>,
        %parallel_loop3A_573 = vector.shape_cast %parallel_loop3A_572 : vector<1x1x16xf32> to vector<16xf32>
        %parallel_loop3A_574 = arith.addf %parallel_loop3A_565, %parallel_loop3A_573 : vector<16xf32>
        %parallel_loop3A_575 = arith.constant 0.000000e+00 : f32
        %parallel_loop3A_576 = vector.broadcast %parallel_loop3A_575 : f32 to vector<16xf32>
        %parallel_loop3A_577 = arith.maximumf %parallel_loop3A_574, %parallel_loop3A_576 : vector<16xf32>
        %parallel_loop3A_578 = arith.mulf %parallel_loop3A_577, %get3A_7 : vector<16xf32>
        %parallel_loop3A_579 = arith.constant 1 : i32
        %parallel_loop3A_580 = arith.index_cast %parallel_loop3A_579 : i32 to index
        %parallel_loop3A_581 = arith.index_cast %parallel_loop3A_540 : i32 to index
        %parallel_loop3A_582 = arith.constant 32 : index
        %parallel_loop3A_583 = tpu.vector_load %arg11[%parallel_loop3A_580, %parallel_loop3A_581, %parallel_loop3A_582] {strides = array<i32>} : memref<2x80x128xf32, #tpu.memory_space<vmem>>, vector<1x1x16xf32>,
        %parallel_loop3A_584 = vector.shape_cast %parallel_loop3A_583 : vector<1x1x16xf32> to vector<16xf32>
        %parallel_loop3A_585 = arith.constant 32 : i32
        %parallel_loop3A_586 = arith.addi %mul3A_30, %parallel_loop3A_585 : i32
        %parallel_loop3A_587 = arith.constant 1 : i32
        %parallel_loop3A_588 = arith.index_cast %parallel_loop3A_587 : i32 to index
        %parallel_loop3A_589 = arith.index_cast %parallel_loop3A_540 : i32 to index
        %parallel_loop3A_590 = arith.index_cast %parallel_loop3A_586 : i32 to index
        %parallel_loop3A_591 = tpu.vector_load %arg12[%parallel_loop3A_588, %parallel_loop3A_589, %parallel_loop3A_590] {strides = array<i32>} : memref<2x80x128xf32, #tpu.memory_space<vmem>>, vector<1x1x16xf32>,
        %parallel_loop3A_592 = vector.shape_cast %parallel_loop3A_591 : vector<1x1x16xf32> to vector<16xf32>
        %parallel_loop3A_593 = arith.addf %parallel_loop3A_584, %parallel_loop3A_592 : vector<16xf32>
        %parallel_loop3A_594 = arith.constant 0.000000e+00 : f32
        %parallel_loop3A_595 = vector.broadcast %parallel_loop3A_594 : f32 to vector<16xf32>
        %parallel_loop3A_596 = arith.maximumf %parallel_loop3A_593, %parallel_loop3A_595 : vector<16xf32>
        %parallel_loop3A_597 = arith.mulf %parallel_loop3A_596, %get3A_10 : vector<16xf32>
        %parallel_loop3A_598 = arith.constant 1 : i32
        %parallel_loop3A_599 = arith.index_cast %parallel_loop3A_598 : i32 to index
        %parallel_loop3A_600 = arith.index_cast %parallel_loop3A_540 : i32 to index
        %parallel_loop3A_601 = arith.constant 48 : index
        %parallel_loop3A_602 = tpu.vector_load %arg11[%parallel_loop3A_599, %parallel_loop3A_600, %parallel_loop3A_601] {strides = array<i32>} : memref<2x80x128xf32, #tpu.memory_space<vmem>>, vector<1x1x16xf32>,
        %parallel_loop3A_603 = vector.shape_cast %parallel_loop3A_602 : vector<1x1x16xf32> to vector<16xf32>
        %parallel_loop3A_604 = arith.constant 48 : i32
        %parallel_loop3A_605 = arith.addi %mul3A_30, %parallel_loop3A_604 : i32
        %parallel_loop3A_606 = arith.constant 1 : i32
        %parallel_loop3A_607 = arith.index_cast %parallel_loop3A_606 : i32 to index
        %parallel_loop3A_608 = arith.index_cast %parallel_loop3A_540 : i32 to index
        %parallel_loop3A_609 = arith.index_cast %parallel_loop3A_605 : i32 to index
        %parallel_loop3A_610 = tpu.vector_load %arg12[%parallel_loop3A_607, %parallel_loop3A_608, %parallel_loop3A_609] {strides = array<i32>} : memref<2x80x128xf32, #tpu.memory_space<vmem>>, vector<1x1x16xf32>,
        %parallel_loop3A_611 = vector.shape_cast %parallel_loop3A_610 : vector<1x1x16xf32> to vector<16xf32>
        %parallel_loop3A_612 = arith.addf %parallel_loop3A_603, %parallel_loop3A_611 : vector<16xf32>
        %parallel_loop3A_613 = arith.constant 0.000000e+00 : f32
        %parallel_loop3A_614 = vector.broadcast %parallel_loop3A_613 : f32 to vector<16xf32>
        %parallel_loop3A_615 = arith.maximumf %parallel_loop3A_612, %parallel_loop3A_614 : vector<16xf32>
        %parallel_loop3A_616 = arith.mulf %parallel_loop3A_615, %get3A_13 : vector<16xf32>
        %parallel_loop3A_617 = arith.addf %parallel_loop3A_559, %parallel_loop3A_578 : vector<16xf32>
        %parallel_loop3A_618 = arith.addf %parallel_loop3A_597, %parallel_loop3A_616 : vector<16xf32>
        %parallel_loop3A_619 = arith.addf %parallel_loop3A_617, %parallel_loop3A_618 : vector<16xf32>
        %parallel_loop3A_620 = arith.constant 0 : i32
        %parallel_loop3A_621 = vector.broadcast %parallel_loop3A_620 : i32 to vector<16xi32>
        %parallel_loop3A_622 = arith.cmpi slt, %xor3A_15, %parallel_loop3A_621 : vector<16xi32>
        %parallel_loop3A_623 = arith.constant 16 : i32
        %parallel_loop3A_624 = vector.broadcast %parallel_loop3A_623 : i32 to vector<16xi32>
        %parallel_loop3A_625 = arith.addi %xor3A_15, %parallel_loop3A_624 : vector<16xi32>
        %parallel_loop3A_626 = arith.select %parallel_loop3A_622, %parallel_loop3A_625, %xor3A_15 : vector<16xi1>, vector<16xi32>
        %parallel_loop3A_627 = vector.shape_cast %parallel_loop3A_626 : vector<16xi32> to vector<16x1xi32>
        %parallel_loop3A_628 = vector.shape_cast %parallel_loop3A_627 : vector<16x1xi32> to vector<16xi32>
        %parallel_loop3A_629 = tpu.dynamic_gather %parallel_loop3A_619[%parallel_loop3A_628] in [0] : vector<16xf32>, vector<16xi32> -> vector<16xf32>
        %parallel_loop3A_630 = arith.addf %parallel_loop3A_619, %parallel_loop3A_629 : vector<16xf32>
        %parallel_loop3A_631 = arith.constant 0 : i32
        %parallel_loop3A_632 = vector.broadcast %parallel_loop3A_631 : i32 to vector<16xi32>
        %parallel_loop3A_633 = arith.cmpi slt, %xor3A_18, %parallel_loop3A_632 : vector<16xi32>
        %parallel_loop3A_634 = arith.constant 16 : i32
        %parallel_loop3A_635 = vector.broadcast %parallel_loop3A_634 : i32 to vector<16xi32>
        %parallel_loop3A_636 = arith.addi %xor3A_18, %parallel_loop3A_635 : vector<16xi32>
        %parallel_loop3A_637 = arith.select %parallel_loop3A_633, %parallel_loop3A_636, %xor3A_18 : vector<16xi1>, vector<16xi32>
        %parallel_loop3A_638 = vector.shape_cast %parallel_loop3A_637 : vector<16xi32> to vector<16x1xi32>
        %parallel_loop3A_639 = vector.shape_cast %parallel_loop3A_638 : vector<16x1xi32> to vector<16xi32>
        %parallel_loop3A_640 = tpu.dynamic_gather %parallel_loop3A_630[%parallel_loop3A_639] in [0] : vector<16xf32>, vector<16xi32> -> vector<16xf32>
        %parallel_loop3A_641 = arith.addf %parallel_loop3A_630, %parallel_loop3A_640 : vector<16xf32>
        %parallel_loop3A_642 = arith.constant 0 : i32
        %parallel_loop3A_643 = vector.broadcast %parallel_loop3A_642 : i32 to vector<16xi32>
        %parallel_loop3A_644 = arith.cmpi slt, %xor3A_21, %parallel_loop3A_643 : vector<16xi32>
        %parallel_loop3A_645 = arith.constant 16 : i32
        %parallel_loop3A_646 = vector.broadcast %parallel_loop3A_645 : i32 to vector<16xi32>
        %parallel_loop3A_647 = arith.addi %xor3A_21, %parallel_loop3A_646 : vector<16xi32>
        %parallel_loop3A_648 = arith.select %parallel_loop3A_644, %parallel_loop3A_647, %xor3A_21 : vector<16xi1>, vector<16xi32>
        %parallel_loop3A_649 = vector.shape_cast %parallel_loop3A_648 : vector<16xi32> to vector<16x1xi32>
        %parallel_loop3A_650 = vector.shape_cast %parallel_loop3A_649 : vector<16x1xi32> to vector<16xi32>
        %parallel_loop3A_651 = tpu.dynamic_gather %parallel_loop3A_641[%parallel_loop3A_650] in [0] : vector<16xf32>, vector<16xi32> -> vector<16xf32>
        %parallel_loop3A_652 = arith.addf %parallel_loop3A_641, %parallel_loop3A_651 : vector<16xf32>
        %parallel_loop3A_653 = arith.constant 0 : i32
        %parallel_loop3A_654 = vector.broadcast %parallel_loop3A_653 : i32 to vector<16xi32>
        %parallel_loop3A_655 = arith.cmpi slt, %xor3A_24, %parallel_loop3A_654 : vector<16xi32>
        %parallel_loop3A_656 = arith.constant 16 : i32
        %parallel_loop3A_657 = vector.broadcast %parallel_loop3A_656 : i32 to vector<16xi32>
        %parallel_loop3A_658 = arith.addi %xor3A_24, %parallel_loop3A_657 : vector<16xi32>
        %parallel_loop3A_659 = arith.select %parallel_loop3A_655, %parallel_loop3A_658, %xor3A_24 : vector<16xi1>, vector<16xi32>
        %parallel_loop3A_660 = vector.shape_cast %parallel_loop3A_659 : vector<16xi32> to vector<16x1xi32>
        %parallel_loop3A_661 = vector.shape_cast %parallel_loop3A_660 : vector<16x1xi32> to vector<16xi32>
        %parallel_loop3A_662 = tpu.dynamic_gather %parallel_loop3A_652[%parallel_loop3A_661] in [0] : vector<16xf32>, vector<16xi32> -> vector<16xf32>
        %parallel_loop3A_663 = arith.addf %parallel_loop3A_652, %parallel_loop3A_662 : vector<16xf32>
        %parallel_loop3A_664 = math.exp %parallel_loop3A_663 : vector<16xf32>
        %parallel_loop3A_665 = arith.constant 1 : i32
        %parallel_loop3A_666 = arith.index_cast %parallel_loop3A_665 : i32 to index
        %parallel_loop3A_667 = arith.index_cast %parallel_loop3A_540 : i32 to index
        %parallel_loop3A_668 = arith.constant 64 : index
        %parallel_loop3A_669 = tpu.vector_load %arg11[%parallel_loop3A_666, %parallel_loop3A_667, %parallel_loop3A_668] {strides = array<i32>} : memref<2x80x128xf32, #tpu.memory_space<vmem>>, vector<1x1x16xf32>,
        %parallel_loop3A_670 = vector.shape_cast %parallel_loop3A_669 : vector<1x1x16xf32> to vector<16xf32>
        %parallel_loop3A_671 = arith.constant 1 : i32
        %parallel_loop3A_672 = arith.index_cast %parallel_loop3A_671 : i32 to index
        %parallel_loop3A_673 = arith.index_cast %parallel_loop3A_540 : i32 to index
        %parallel_loop3A_674 = arith.constant 80 : index
        %parallel_loop3A_675 = tpu.vector_load %arg11[%parallel_loop3A_672, %parallel_loop3A_673, %parallel_loop3A_674] {strides = array<i32>} : memref<2x80x128xf32, #tpu.memory_space<vmem>>, vector<1x1x16xf32>,
        %parallel_loop3A_676 = vector.shape_cast %parallel_loop3A_675 : vector<1x1x16xf32> to vector<16xf32>
        %parallel_loop3A_677 = arith.constant 1 : i32
        %parallel_loop3A_678 = arith.index_cast %parallel_loop3A_677 : i32 to index
        %parallel_loop3A_679 = arith.index_cast %parallel_loop3A_540 : i32 to index
        %parallel_loop3A_680 = arith.constant 96 : index
        %parallel_loop3A_681 = tpu.vector_load %arg11[%parallel_loop3A_678, %parallel_loop3A_679, %parallel_loop3A_680] {strides = array<i32>} : memref<2x80x128xf32, #tpu.memory_space<vmem>>, vector<1x1x16xf32>,
        %parallel_loop3A_682 = vector.shape_cast %parallel_loop3A_681 : vector<1x1x16xf32> to vector<16xf32>
        %parallel_loop3A_683 = arith.constant 1 : i32
        %parallel_loop3A_684 = arith.index_cast %parallel_loop3A_683 : i32 to index
        %parallel_loop3A_685 = arith.index_cast %parallel_loop3A_540 : i32 to index
        %parallel_loop3A_686 = arith.constant 112 : index
        %parallel_loop3A_687 = tpu.vector_load %arg11[%parallel_loop3A_684, %parallel_loop3A_685, %parallel_loop3A_686] {strides = array<i32>} : memref<2x80x128xf32, #tpu.memory_space<vmem>>, vector<1x1x16xf32>,
        %parallel_loop3A_688 = vector.shape_cast %parallel_loop3A_687 : vector<1x1x16xf32> to vector<16xf32>
        %parallel_loop3A_689 = arith.mulf %parallel_loop3A_670, %parallel_loop3A_664 : vector<16xf32>
        %parallel_loop3A_690 = arith.constant 1 : i32
        %parallel_loop3A_691 = arith.index_cast %parallel_loop3A_690 : i32 to index
        %parallel_loop3A_692 = arith.index_cast %parallel_loop3A_540 : i32 to index
        %parallel_loop3A_693 = arith.constant 0 : index
        %parallel_loop3A_694 = tpu.vector_load %arg11[%parallel_loop3A_691, %parallel_loop3A_692, %parallel_loop3A_693] {strides = array<i32>} : memref<2x80x128xf32, #tpu.memory_space<vmem>>, vector<1x1x16xf32>,
        %parallel_loop3A_695 = vector.shape_cast %parallel_loop3A_694 : vector<1x1x16xf32> to vector<16xf32>
        %parallel_loop3A_696 = vector.shape_cast %parallel_loop3A_689 : vector<16xf32> to vector<1x1x16xf32>
        tpu.vector_store %arg11[%parallel_loop3A_691, %parallel_loop3A_692, %parallel_loop3A_693], %parallel_loop3A_696 {strides = array<i32>} : memref<2x80x128xf32, #tpu.memory_space<vmem>>, vector<1x1x16xf32>,
        %parallel_loop3A_697 = arith.mulf %parallel_loop3A_676, %parallel_loop3A_664 : vector<16xf32>
        %parallel_loop3A_698 = arith.constant 1 : i32
        %parallel_loop3A_699 = arith.index_cast %parallel_loop3A_698 : i32 to index
        %parallel_loop3A_700 = arith.index_cast %parallel_loop3A_540 : i32 to index
        %parallel_loop3A_701 = arith.constant 16 : index
        %parallel_loop3A_702 = tpu.vector_load %arg11[%parallel_loop3A_699, %parallel_loop3A_700, %parallel_loop3A_701] {strides = array<i32>} : memref<2x80x128xf32, #tpu.memory_space<vmem>>, vector<1x1x16xf32>,
        %parallel_loop3A_703 = vector.shape_cast %parallel_loop3A_702 : vector<1x1x16xf32> to vector<16xf32>
        %parallel_loop3A_704 = vector.shape_cast %parallel_loop3A_697 : vector<16xf32> to vector<1x1x16xf32>
        tpu.vector_store %arg11[%parallel_loop3A_699, %parallel_loop3A_700, %parallel_loop3A_701], %parallel_loop3A_704 {strides = array<i32>} : memref<2x80x128xf32, #tpu.memory_space<vmem>>, vector<1x1x16xf32>,
        %parallel_loop3A_705 = arith.mulf %parallel_loop3A_682, %parallel_loop3A_664 : vector<16xf32>
        %parallel_loop3A_706 = arith.constant 1 : i32
        %parallel_loop3A_707 = arith.index_cast %parallel_loop3A_706 : i32 to index
        %parallel_loop3A_708 = arith.index_cast %parallel_loop3A_540 : i32 to index
        %parallel_loop3A_709 = arith.constant 32 : index
        %parallel_loop3A_710 = tpu.vector_load %arg11[%parallel_loop3A_707, %parallel_loop3A_708, %parallel_loop3A_709] {strides = array<i32>} : memref<2x80x128xf32, #tpu.memory_space<vmem>>, vector<1x1x16xf32>,
        %parallel_loop3A_711 = vector.shape_cast %parallel_loop3A_710 : vector<1x1x16xf32> to vector<16xf32>
        %parallel_loop3A_712 = vector.shape_cast %parallel_loop3A_705 : vector<16xf32> to vector<1x1x16xf32>
        tpu.vector_store %arg11[%parallel_loop3A_707, %parallel_loop3A_708, %parallel_loop3A_709], %parallel_loop3A_712 {strides = array<i32>} : memref<2x80x128xf32, #tpu.memory_space<vmem>>, vector<1x1x16xf32>,
        %parallel_loop3A_713 = arith.mulf %parallel_loop3A_688, %parallel_loop3A_664 : vector<16xf32>
        %parallel_loop3A_714 = arith.constant 1 : i32
        %parallel_loop3A_715 = arith.index_cast %parallel_loop3A_714 : i32 to index
        %parallel_loop3A_716 = arith.index_cast %parallel_loop3A_540 : i32 to index
        %parallel_loop3A_717 = arith.constant 48 : index
        %parallel_loop3A_718 = tpu.vector_load %arg11[%parallel_loop3A_715, %parallel_loop3A_716, %parallel_loop3A_717] {strides = array<i32>} : memref<2x80x128xf32, #tpu.memory_space<vmem>>, vector<1x1x16xf32>,
        %parallel_loop3A_719 = vector.shape_cast %parallel_loop3A_718 : vector<1x1x16xf32> to vector<16xf32>
        %parallel_loop3A_720 = vector.shape_cast %parallel_loop3A_713 : vector<16xf32> to vector<1x1x16xf32>
        tpu.vector_store %arg11[%parallel_loop3A_715, %parallel_loop3A_716, %parallel_loop3A_717], %parallel_loop3A_720 {strides = array<i32>} : memref<2x80x128xf32, #tpu.memory_space<vmem>>, vector<1x1x16xf32>,
        %parallel_loop3A_721 = arith.constant 0 : i32
        %parallel_loop3A_722 = vector.broadcast %parallel_loop3A_721 : i32 to vector<16xi32>
        %parallel_loop3A_723 = arith.cmpi eq, %iota3A, %parallel_loop3A_722 : vector<16xi32>
        %parallel_loop3A_724 = arith.select %parallel_loop3A_723, %parallel_loop3A_664, %select_n3A : vector<16xi1>, vector<16xf32>
        %parallel_loop3A_725 = arith.constant 1 : i32
        %parallel_loop3A_726 = arith.index_cast %parallel_loop3A_725 : i32 to index
        %parallel_loop3A_727 = arith.index_cast %parallel_loop3A_540 : i32 to index
        %parallel_loop3A_728 = arith.constant 64 : index
        %parallel_loop3A_729 = tpu.vector_load %arg11[%parallel_loop3A_726, %parallel_loop3A_727, %parallel_loop3A_728] {strides = array<i32>} : memref<2x80x128xf32, #tpu.memory_space<vmem>>, vector<1x1x16xf32>,
        %parallel_loop3A_730 = vector.shape_cast %parallel_loop3A_729 : vector<1x1x16xf32> to vector<16xf32>
        %parallel_loop3A_731 = vector.shape_cast %parallel_loop3A_724 : vector<16xf32> to vector<1x1x16xf32>
        tpu.vector_store %arg11[%parallel_loop3A_726, %parallel_loop3A_727, %parallel_loop3A_728], %parallel_loop3A_731 {strides = array<i32>} : memref<2x80x128xf32, #tpu.memory_space<vmem>>, vector<1x1x16xf32>,
      } {sc.loop_unroll_factor = 4 : i64, sc.parallel_access}
      %run_scoped3A_524 = arith.constant 1 : i32
      %run_scoped3A_525 = arith.constant 3 : i32
      "tpu.region"() ({
        %run_scoped3A_540 = tpu.sem_alloc : memref<!tpu.dma_semaphore, #tpu.memory_space<semaphore_mem>>
        %dma_start3A_541 = arith.constant 0 : i32
        %dma_start3A_542 = arith.constant 0 : i32
        %dma_start3A_543 = tpu.memref_slice %arg11[%run_scoped3A_524, %dma_start3A_541, %dma_start3A_542] : memref<2x80x128xf32, #tpu.memory_space<vmem>> -> memref<1x80x128xf32, #tpu.memory_space<vmem>>
        %dma_start3A_544 = tpu.memref_squeeze %dma_start3A_543 : memref<1x80x128xf32, #tpu.memory_space<vmem>> -> memref<80x128xf32, #tpu.memory_space<vmem>>
        %dma_start3A_545 = arith.constant 0 : i32
        %dma_start3A_546 = tpu.memref_slice %arg10[%run_scoped3A_525, %dma_start3A_545] : memref<4x80xi32, #tpu.memory_space<vmem>> -> memref<1x80xi32, #tpu.memory_space<vmem>>
        %dma_start3A_547 = tpu.memref_squeeze %dma_start3A_546 : memref<1x80xi32, #tpu.memory_space<vmem>> -> memref<80xi32, #tpu.memory_space<vmem>>
        %dma_start3A_548 = arith.constant 0 : i32
        %dma_start3A_549 = arith.constant 0 : i32
        %dma_start3A_550 = tpu.memref_slice %arg14[%dma_start3A_548, %dma_start3A_549] : memref<10112x128xf32, #tpu.memory_space<vmem_shared>> -> memref<10112x128xf32, #tpu.memory_space<vmem_shared>>
        tpu.enqueue_indirect_dma source(%dma_start3A_544 : memref<80x128xf32, #tpu.memory_space<vmem>>) target(%dma_start3A_550 : memref<10112x128xf32, #tpu.memory_space<vmem_shared>>) offsets(%dma_start3A_547 : memref<80xi32, #tpu.memory_space<vmem>>) semaphore(%run_scoped3A_540 : memref<!tpu.dma_semaphore, #tpu.memory_space<semaphore_mem>>) {add = true}
        %dma_wait3A_551 = arith.constant 0 : i32
        %dma_wait3A_552 = arith.constant 0 : i32
        %dma_wait3A_553 = tpu.memref_slice %arg11[%run_scoped3A_524, %dma_wait3A_551, %dma_wait3A_552] : memref<2x80x128xf32, #tpu.memory_space<vmem>> -> memref<1x80x128xf32, #tpu.memory_space<vmem>>
        %dma_wait3A_554 = tpu.memref_squeeze %dma_wait3A_553 : memref<1x80x128xf32, #tpu.memory_space<vmem>> -> memref<80x128xf32, #tpu.memory_space<vmem>>
        %dma_wait3A_555 = arith.constant 0 : i32
        %dma_wait3A_556 = tpu.memref_slice %arg10[%run_scoped3A_525, %dma_wait3A_555] : memref<4x80xi32, #tpu.memory_space<vmem>> -> memref<1x80xi32, #tpu.memory_space<vmem>>
        %dma_wait3A_557 = tpu.memref_squeeze %dma_wait3A_556 : memref<1x80xi32, #tpu.memory_space<vmem>> -> memref<80xi32, #tpu.memory_space<vmem>>
        %dma_wait3A_558 = arith.constant 0 : i32
        %dma_wait3A_559 = arith.constant 0 : i32
        %dma_wait3A_560 = tpu.memref_slice %arg14[%dma_wait3A_558, %dma_wait3A_559] : memref<10112x128xf32, #tpu.memory_space<vmem_shared>> -> memref<10112x128xf32, #tpu.memory_space<vmem_shared>>
        tpu.wait_indirect_dma semaphore(%run_scoped3A_540 : memref<!tpu.dma_semaphore, #tpu.memory_space<semaphore_mem>>) src(%dma_wait3A_554 : memref<80x128xf32, #tpu.memory_space<vmem>>) dst(%dma_wait3A_560 : memref<10112x128xf32, #tpu.memory_space<vmem_shared>>)
        tpu.yield
      }) : () -> ()
      %add3A_526 = arith.constant 2 : i32
      %add3A_527 = arith.addi %add3A_486, %add3A_526 : i32
      %lt3A_528 = arith.constant 512 : i32
      %lt3A_529 = arith.cmpi slt, %add3A_527, %lt3A_528 : i32
      %convert_element_type3A_530 = arith.extui %lt3A_529 : i1 to i32
      %cond3A_531 = arith.constant 0 : i32
      %cond3A_532 = arith.cmpi ne, %convert_element_type3A_530, %cond3A_531 : i32
      scf.if %cond3A_532 {
        %add3A_540 = arith.constant 2 : i32
        %add3A_541 = arith.addi %add3A_486, %add3A_540 : i32
        %add3A_542 = arith.addi %mul3A_0, %add3A_541 : i32
        %dma_wait3A_543 = arith.constant 1 : i32
        %dma_wait3A_544 = arith.constant 1 : i32
        %dma_wait3A_545 = arith.constant 0 : i32
        %dma_wait3A_546 = tpu.memref_slice %arg9[%dma_wait3A_543, %dma_wait3A_545] : memref<4x80xi32, #tpu.memory_space<vmem>> -> memref<1x80xi32, #tpu.memory_space<vmem>>
        %dma_wait3A_547 = tpu.memref_squeeze %dma_wait3A_546 : memref<1x80xi32, #tpu.memory_space<vmem>> -> memref<80xi32, #tpu.memory_space<vmem>>
        %dma_wait3A_548 = arith.constant 0 : i32
        %dma_wait3A_549 = tpu.memref_slice %arg4[%add3A_542, %dma_wait3A_548] : memref<8192x80xi32, #tpu.memory_space<hbm>> -> memref<1x80xi32, #tpu.memory_space<hbm>>
        %dma_wait3A_550 = tpu.memref_squeeze %dma_wait3A_549 : memref<1x80xi32, #tpu.memory_space<hbm>> -> memref<80xi32, #tpu.memory_space<hbm>>
        %dma_wait3A_551 = tpu.memref_slice %arg17[%dma_wait3A_544] : memref<4x!tpu.dma_semaphore, #tpu.memory_space<semaphore_mem>> -> memref<1x!tpu.dma_semaphore, #tpu.memory_space<semaphore_mem>>
        %dma_wait3A_552 = tpu.memref_squeeze %dma_wait3A_551 : memref<1x!tpu.dma_semaphore, #tpu.memory_space<semaphore_mem>> -> memref<!tpu.dma_semaphore, #tpu.memory_space<semaphore_mem>>
        %dma_wait3A_553 = arith.constant 0 : i32
        %dma_wait3A_554 = tpu.memref_slice %arg9[%dma_wait3A_543, %dma_wait3A_553] : memref<4x80xi32, #tpu.memory_space<vmem>> -> memref<1x80xi32, #tpu.memory_space<vmem>>
        %dma_wait3A_555 = tpu.memref_squeeze %dma_wait3A_554 : memref<1x80xi32, #tpu.memory_space<vmem>> -> memref<80xi32, #tpu.memory_space<vmem>>
        %dma_wait3A_556 = arith.constant 0 : i32
        %dma_wait3A_557 = tpu.memref_slice %arg4[%add3A_542, %dma_wait3A_556] : memref<8192x80xi32, #tpu.memory_space<hbm>> -> memref<1x80xi32, #tpu.memory_space<hbm>>
        %dma_wait3A_558 = tpu.memref_squeeze %dma_wait3A_557 : memref<1x80xi32, #tpu.memory_space<hbm>> -> memref<80xi32, #tpu.memory_space<hbm>>
        tpu.wait_dma2 semaphore(%dma_wait3A_552 : memref<!tpu.dma_semaphore, #tpu.memory_space<semaphore_mem>>) src(%dma_wait3A_558 : memref<80xi32, #tpu.memory_space<hbm>>) dst(%dma_wait3A_555 : memref<80xi32, #tpu.memory_space<vmem>>)
        %add3A_559 = arith.addi %mul3A_0, %add3A_541 : i32
        %dma_wait3A_560 = arith.constant 1 : i32
        %dma_wait3A_561 = arith.constant 1 : i32
        %dma_wait3A_562 = arith.constant 0 : i32
        %dma_wait3A_563 = tpu.memref_slice %arg10[%dma_wait3A_560, %dma_wait3A_562] : memref<4x80xi32, #tpu.memory_space<vmem>> -> memref<1x80xi32, #tpu.memory_space<vmem>>
        %dma_wait3A_564 = tpu.memref_squeeze %dma_wait3A_563 : memref<1x80xi32, #tpu.memory_space<vmem>> -> memref<80xi32, #tpu.memory_space<vmem>>
        %dma_wait3A_565 = arith.constant 0 : i32
        %dma_wait3A_566 = tpu.memref_slice %arg5[%add3A_559, %dma_wait3A_565] : memref<8192x80xi32, #tpu.memory_space<hbm>> -> memref<1x80xi32, #tpu.memory_space<hbm>>
        %dma_wait3A_567 = tpu.memref_squeeze %dma_wait3A_566 : memref<1x80xi32, #tpu.memory_space<hbm>> -> memref<80xi32, #tpu.memory_space<hbm>>
        %dma_wait3A_568 = tpu.memref_slice %arg17[%dma_wait3A_561] : memref<4x!tpu.dma_semaphore, #tpu.memory_space<semaphore_mem>> -> memref<1x!tpu.dma_semaphore, #tpu.memory_space<semaphore_mem>>
        %dma_wait3A_569 = tpu.memref_squeeze %dma_wait3A_568 : memref<1x!tpu.dma_semaphore, #tpu.memory_space<semaphore_mem>> -> memref<!tpu.dma_semaphore, #tpu.memory_space<semaphore_mem>>
        %dma_wait3A_570 = arith.constant 0 : i32
        %dma_wait3A_571 = tpu.memref_slice %arg10[%dma_wait3A_560, %dma_wait3A_570] : memref<4x80xi32, #tpu.memory_space<vmem>> -> memref<1x80xi32, #tpu.memory_space<vmem>>
        %dma_wait3A_572 = tpu.memref_squeeze %dma_wait3A_571 : memref<1x80xi32, #tpu.memory_space<vmem>> -> memref<80xi32, #tpu.memory_space<vmem>>
        %dma_wait3A_573 = arith.constant 0 : i32
        %dma_wait3A_574 = tpu.memref_slice %arg5[%add3A_559, %dma_wait3A_573] : memref<8192x80xi32, #tpu.memory_space<hbm>> -> memref<1x80xi32, #tpu.memory_space<hbm>>
        %dma_wait3A_575 = tpu.memref_squeeze %dma_wait3A_574 : memref<1x80xi32, #tpu.memory_space<hbm>> -> memref<80xi32, #tpu.memory_space<hbm>>
        tpu.wait_dma2 semaphore(%dma_wait3A_569 : memref<!tpu.dma_semaphore, #tpu.memory_space<semaphore_mem>>) src(%dma_wait3A_575 : memref<80xi32, #tpu.memory_space<hbm>>) dst(%dma_wait3A_572 : memref<80xi32, #tpu.memory_space<vmem>>)
        %dma_start3A_576 = arith.constant 1 : i32
        %dma_start3A_577 = arith.constant 1 : i32
        %dma_start3A_578 = arith.constant 1 : i32
        %dma_start3A_579 = arith.constant 0 : i32
        %dma_start3A_580 = arith.constant 0 : i32
        %dma_start3A_581 = tpu.memref_slice %arg11[%dma_start3A_577, %dma_start3A_579, %dma_start3A_580] : memref<2x80x128xf32, #tpu.memory_space<vmem>> -> memref<1x80x128xf32, #tpu.memory_space<vmem>>
        %dma_start3A_582 = tpu.memref_squeeze %dma_start3A_581 : memref<1x80x128xf32, #tpu.memory_space<vmem>> -> memref<80x128xf32, #tpu.memory_space<vmem>>
        %dma_start3A_583 = arith.constant 0 : i32
        %dma_start3A_584 = tpu.memref_slice %arg9[%dma_start3A_576, %dma_start3A_583] : memref<4x80xi32, #tpu.memory_space<vmem>> -> memref<1x80xi32, #tpu.memory_space<vmem>>
        %dma_start3A_585 = tpu.memref_squeeze %dma_start3A_584 : memref<1x80xi32, #tpu.memory_space<vmem>> -> memref<80xi32, #tpu.memory_space<vmem>>
        %dma_start3A_586 = arith.constant 0 : i32
        %dma_start3A_587 = arith.constant 0 : i32
        %dma_start3A_588 = tpu.memref_slice %arg2[%arg0, %dma_start3A_586, %dma_start3A_587] : memref<2x10240x128xf32, #tpu.memory_space<hbm>> -> memref<1x10240x128xf32, #tpu.memory_space<hbm>>
        %dma_start3A_589 = tpu.memref_squeeze %dma_start3A_588 : memref<1x10240x128xf32, #tpu.memory_space<hbm>> -> memref<10240x128xf32, #tpu.memory_space<hbm>>
        %dma_start3A_590 = arith.constant 0 : i32
        %dma_start3A_591 = arith.constant 0 : i32
        %dma_start3A_592 = tpu.memref_slice %dma_start3A_589[%dma_start3A_590, %dma_start3A_591] : memref<10240x128xf32, #tpu.memory_space<hbm>> -> memref<10240x128xf32, #tpu.memory_space<hbm>>
        %dma_start3A_593 = tpu.memref_slice %arg15[%dma_start3A_578] : memref<2x!tpu.dma_semaphore, #tpu.memory_space<semaphore_mem>> -> memref<1x!tpu.dma_semaphore, #tpu.memory_space<semaphore_mem>>
        %dma_start3A_594 = tpu.memref_squeeze %dma_start3A_593 : memref<1x!tpu.dma_semaphore, #tpu.memory_space<semaphore_mem>> -> memref<!tpu.dma_semaphore, #tpu.memory_space<semaphore_mem>>
        tpu.enqueue_indirect_dma source(%dma_start3A_592 : memref<10240x128xf32, #tpu.memory_space<hbm>>) target(%dma_start3A_582 : memref<80x128xf32, #tpu.memory_space<vmem>>) offsets(%dma_start3A_585 : memref<80xi32, #tpu.memory_space<vmem>>) semaphore(%dma_start3A_594 : memref<!tpu.dma_semaphore, #tpu.memory_space<semaphore_mem>>)
        %dma_start3A_595 = arith.constant 1 : i32
        %dma_start3A_596 = arith.constant 1 : i32
        %dma_start3A_597 = arith.constant 1 : i32
        %dma_start3A_598 = arith.constant 0 : i32
        %dma_start3A_599 = arith.constant 0 : i32
        %dma_start3A_600 = tpu.memref_slice %arg12[%dma_start3A_596, %dma_start3A_598, %dma_start3A_599] : memref<2x80x128xf32, #tpu.memory_space<vmem>> -> memref<1x80x128xf32, #tpu.memory_space<vmem>>
        %dma_start3A_601 = tpu.memref_squeeze %dma_start3A_600 : memref<1x80x128xf32, #tpu.memory_space<vmem>> -> memref<80x128xf32, #tpu.memory_space<vmem>>
        %dma_start3A_602 = arith.constant 0 : i32
        %dma_start3A_603 = tpu.memref_slice %arg10[%dma_start3A_595, %dma_start3A_602] : memref<4x80xi32, #tpu.memory_space<vmem>> -> memref<1x80xi32, #tpu.memory_space<vmem>>
        %dma_start3A_604 = tpu.memref_squeeze %dma_start3A_603 : memref<1x80xi32, #tpu.memory_space<vmem>> -> memref<80xi32, #tpu.memory_space<vmem>>
        %dma_start3A_605 = arith.constant 0 : i32
        %dma_start3A_606 = arith.constant 0 : i32
        %dma_start3A_607 = tpu.memref_slice %arg3[%dma_start3A_605, %dma_start3A_606] : memref<10240x128xf32, #tpu.memory_space<hbm>> -> memref<10240x128xf32, #tpu.memory_space<hbm>>
        %dma_start3A_608 = tpu.memref_slice %arg16[%dma_start3A_597] : memref<2x!tpu.dma_semaphore, #tpu.memory_space<semaphore_mem>> -> memref<1x!tpu.dma_semaphore, #tpu.memory_space<semaphore_mem>>
        %dma_start3A_609 = tpu.memref_squeeze %dma_start3A_608 : memref<1x!tpu.dma_semaphore, #tpu.memory_space<semaphore_mem>> -> memref<!tpu.dma_semaphore, #tpu.memory_space<semaphore_mem>>
        tpu.enqueue_indirect_dma source(%dma_start3A_607 : memref<10240x128xf32, #tpu.memory_space<hbm>>) target(%dma_start3A_601 : memref<80x128xf32, #tpu.memory_space<vmem>>) offsets(%dma_start3A_604 : memref<80xi32, #tpu.memory_space<vmem>>) semaphore(%dma_start3A_609 : memref<!tpu.dma_semaphore, #tpu.memory_space<semaphore_mem>>)
      } else {
      }
      %add3A_533 = arith.constant 4 : i32
      %add3A_534 = arith.addi %add3A_486, %add3A_533 : i32
      %lt3A_535 = arith.constant 512 : i32
      %lt3A_536 = arith.cmpi slt, %add3A_534, %lt3A_535 : i32
      %convert_element_type3A_537 = arith.extui %lt3A_536 : i1 to i32
      %cond3A_538 = arith.constant 0 : i32
      %cond3A_539 = arith.cmpi ne, %convert_element_type3A_537, %cond3A_538 : i32
      scf.if %cond3A_539 {
        %add3A_540 = arith.constant 4 : i32
        %add3A_541 = arith.addi %add3A_486, %add3A_540 : i32
        %add3A_542 = arith.addi %mul3A_0, %add3A_541 : i32
        %dma_start3A_543 = arith.constant 3 : i32
        %dma_start3A_544 = arith.constant 3 : i32
        %dma_start3A_545 = arith.constant 0 : i32
        %dma_start3A_546 = tpu.memref_slice %arg9[%dma_start3A_543, %dma_start3A_545] : memref<4x80xi32, #tpu.memory_space<vmem>> -> memref<1x80xi32, #tpu.memory_space<vmem>>
        %dma_start3A_547 = tpu.memref_squeeze %dma_start3A_546 : memref<1x80xi32, #tpu.memory_space<vmem>> -> memref<80xi32, #tpu.memory_space<vmem>>
        %dma_start3A_548 = arith.constant 0 : i32
        %dma_start3A_549 = tpu.memref_slice %arg4[%add3A_542, %dma_start3A_548] : memref<8192x80xi32, #tpu.memory_space<hbm>> -> memref<1x80xi32, #tpu.memory_space<hbm>>
        %dma_start3A_550 = tpu.memref_squeeze %dma_start3A_549 : memref<1x80xi32, #tpu.memory_space<hbm>> -> memref<80xi32, #tpu.memory_space<hbm>>
        %dma_start3A_551 = tpu.memref_slice %arg17[%dma_start3A_544] : memref<4x!tpu.dma_semaphore, #tpu.memory_space<semaphore_mem>> -> memref<1x!tpu.dma_semaphore, #tpu.memory_space<semaphore_mem>>
        %dma_start3A_552 = tpu.memref_squeeze %dma_start3A_551 : memref<1x!tpu.dma_semaphore, #tpu.memory_space<semaphore_mem>> -> memref<!tpu.dma_semaphore, #tpu.memory_space<semaphore_mem>>
        %dma_start3A_553 = arith.constant 0 : i32
        %dma_start3A_554 = tpu.memref_slice %arg9[%dma_start3A_543, %dma_start3A_553] : memref<4x80xi32, #tpu.memory_space<vmem>> -> memref<1x80xi32, #tpu.memory_space<vmem>>
        %dma_start3A_555 = tpu.memref_squeeze %dma_start3A_554 : memref<1x80xi32, #tpu.memory_space<vmem>> -> memref<80xi32, #tpu.memory_space<vmem>>
        %dma_start3A_556 = arith.constant 0 : i32
        %dma_start3A_557 = tpu.memref_slice %arg4[%add3A_542, %dma_start3A_556] : memref<8192x80xi32, #tpu.memory_space<hbm>> -> memref<1x80xi32, #tpu.memory_space<hbm>>
        %dma_start3A_558 = tpu.memref_squeeze %dma_start3A_557 : memref<1x80xi32, #tpu.memory_space<hbm>> -> memref<80xi32, #tpu.memory_space<hbm>>
        tpu.enqueue_dma source(%dma_start3A_558 : memref<80xi32, #tpu.memory_space<hbm>>) target(%dma_start3A_555 : memref<80xi32, #tpu.memory_space<vmem>>) target_semaphore(%dma_start3A_552 : memref<!tpu.dma_semaphore, #tpu.memory_space<semaphore_mem>>)
        %add3A_559 = arith.addi %mul3A_0, %add3A_541 : i32
        %dma_start3A_560 = arith.constant 3 : i32
        %dma_start3A_561 = arith.constant 3 : i32
        %dma_start3A_562 = arith.constant 0 : i32
        %dma_start3A_563 = tpu.memref_slice %arg10[%dma_start3A_560, %dma_start3A_562] : memref<4x80xi32, #tpu.memory_space<vmem>> -> memref<1x80xi32, #tpu.memory_space<vmem>>
        %dma_start3A_564 = tpu.memref_squeeze %dma_start3A_563 : memref<1x80xi32, #tpu.memory_space<vmem>> -> memref<80xi32, #tpu.memory_space<vmem>>
        %dma_start3A_565 = arith.constant 0 : i32
        %dma_start3A_566 = tpu.memref_slice %arg5[%add3A_559, %dma_start3A_565] : memref<8192x80xi32, #tpu.memory_space<hbm>> -> memref<1x80xi32, #tpu.memory_space<hbm>>
        %dma_start3A_567 = tpu.memref_squeeze %dma_start3A_566 : memref<1x80xi32, #tpu.memory_space<hbm>> -> memref<80xi32, #tpu.memory_space<hbm>>
        %dma_start3A_568 = tpu.memref_slice %arg17[%dma_start3A_561] : memref<4x!tpu.dma_semaphore, #tpu.memory_space<semaphore_mem>> -> memref<1x!tpu.dma_semaphore, #tpu.memory_space<semaphore_mem>>
        %dma_start3A_569 = tpu.memref_squeeze %dma_start3A_568 : memref<1x!tpu.dma_semaphore, #tpu.memory_space<semaphore_mem>> -> memref<!tpu.dma_semaphore, #tpu.memory_space<semaphore_mem>>
        %dma_start3A_570 = arith.constant 0 : i32
        %dma_start3A_571 = tpu.memref_slice %arg10[%dma_start3A_560, %dma_start3A_570] : memref<4x80xi32, #tpu.memory_space<vmem>> -> memref<1x80xi32, #tpu.memory_space<vmem>>
        %dma_start3A_572 = tpu.memref_squeeze %dma_start3A_571 : memref<1x80xi32, #tpu.memory_space<vmem>> -> memref<80xi32, #tpu.memory_space<vmem>>
        %dma_start3A_573 = arith.constant 0 : i32
        %dma_start3A_574 = tpu.memref_slice %arg5[%add3A_559, %dma_start3A_573] : memref<8192x80xi32, #tpu.memory_space<hbm>> -> memref<1x80xi32, #tpu.memory_space<hbm>>
        %dma_start3A_575 = tpu.memref_squeeze %dma_start3A_574 : memref<1x80xi32, #tpu.memory_space<hbm>> -> memref<80xi32, #tpu.memory_space<hbm>>
        tpu.enqueue_dma source(%dma_start3A_575 : memref<80xi32, #tpu.memory_space<hbm>>) target(%dma_start3A_572 : memref<80xi32, #tpu.memory_space<vmem>>) target_semaphore(%dma_start3A_569 : memref<!tpu.dma_semaphore, #tpu.memory_space<semaphore_mem>>)
      } else {
      }
    }
    %scan3A_316 = arith.constant 128 : i32
    %barrier3A_317 = arith.constant 0 : index
    tpu.barrier barrier_id(%barrier3A_317)
    %mul3A_318 = arith.constant 632 : i32
    %mul3A_319 = arith.muli %arg1, %mul3A_318 : i32
    %mul3A_320 = arith.constant 632 : i32
    %mul3A_321 = arith.muli %arg1, %mul3A_320 : i32
    "tpu.region"() ({
      %run_scoped3A = tpu.sem_alloc : memref<!tpu.dma_semaphore, #tpu.memory_space<semaphore_mem>>
      %dma_start3A_322 = arith.constant 0 : i32
      %dma_start3A_323 = tpu.memref_slice %arg8[%arg0, %mul3A_321, %dma_start3A_322] : memref<2x10240x128xf32, #tpu.memory_space<hbm>> -> memref<1x632x128xf32, #tpu.memory_space<hbm>>
      %dma_start3A_324 = tpu.memref_squeeze %dma_start3A_323 : memref<1x632x128xf32, #tpu.memory_space<hbm>> -> memref<632x128xf32, #tpu.memory_space<hbm>>
      %dma_start3A_325 = arith.constant 0 : i32
      %dma_start3A_326 = tpu.memref_slice %arg14[%mul3A_319, %dma_start3A_325] : memref<10112x128xf32, #tpu.memory_space<vmem_shared>> -> memref<632x128xf32, #tpu.memory_space<vmem_shared>>
      tpu.enqueue_dma source(%dma_start3A_326 : memref<632x128xf32, #tpu.memory_space<vmem_shared>>) target(%dma_start3A_324 : memref<632x128xf32, #tpu.memory_space<hbm>>) target_semaphore(%run_scoped3A : memref<!tpu.dma_semaphore, #tpu.memory_space<semaphore_mem>>)
      %dma_wait3A_327 = arith.constant 0 : i32
      %dma_wait3A_328 = tpu.memref_slice %arg8[%arg0, %mul3A_321, %dma_wait3A_327] : memref<2x10240x128xf32, #tpu.memory_space<hbm>> -> memref<1x632x128xf32, #tpu.memory_space<hbm>>
      %dma_wait3A_329 = tpu.memref_squeeze %dma_wait3A_328 : memref<1x632x128xf32, #tpu.memory_space<hbm>> -> memref<632x128xf32, #tpu.memory_space<hbm>>
      %dma_wait3A_330 = arith.constant 0 : i32
      %dma_wait3A_331 = tpu.memref_slice %arg14[%mul3A_319, %dma_wait3A_330] : memref<10112x128xf32, #tpu.memory_space<vmem_shared>> -> memref<632x128xf32, #tpu.memory_space<vmem_shared>>
      tpu.wait_dma2 semaphore(%run_scoped3A : memref<!tpu.dma_semaphore, #tpu.memory_space<semaphore_mem>>) src(%dma_wait3A_331 : memref<632x128xf32, #tpu.memory_space<vmem_shared>>) dst(%dma_wait3A_329 : memref<632x128xf32, #tpu.memory_space<hbm>>)
      tpu.yield
    }) : () -> ()
    return
  }
}

module attributes {stable_mosaic.version = 14 : i64} {
  func.func @_proj_kernel(%arg0: i32, %arg1: memref<512x128xf32, #tpu.memory_space<vmem>>, %arg2: memref<128x384xf32, #tpu.memory_space<vmem>>, %arg3: memref<1x384xf32, #tpu.memory_space<vmem>>, %arg4: memref<128x64xf32, #tpu.memory_space<vmem>>, %arg5: memref<1x64xf32, #tpu.memory_space<vmem>>, %arg6: memref<2x512x128xf32, #tpu.memory_space<vmem>>, %arg7: memref<512x128xf32, #tpu.memory_space<vmem>>) attributes {dimension_semantics = [#tpu.dimension_semantics<arbitrary>], iteration_bounds = array<i64: 20>, scalar_prefetch = 0 : i64, scratch_operands = 0 : i64, tpu.core_type = #tpu.core_type<tc>, window_params = [{transform_indices = @transform_0, window_bounds = array<i64: 512, 128>}, {pipeline_mode = #tpu.pipeline_mode<synchronous>, transform_indices = @transform_1, window_bounds = array<i64: 128, 384>}, {pipeline_mode = #tpu.pipeline_mode<synchronous>, transform_indices = @transform_2, window_bounds = array<i64: 1, 384>}, {pipeline_mode = #tpu.pipeline_mode<synchronous>, transform_indices = @transform_3, window_bounds = array<i64: 128, 64>}, {pipeline_mode = #tpu.pipeline_mode<synchronous>, transform_indices = @transform_4, window_bounds = array<i64: 1, 64>}, {transform_indices = @transform_5, window_bounds = array<i64: 2, 512, 128>}, {transform_indices = @transform_6, window_bounds = array<i64: 512, 128>}]} {
    %get3A = arith.constant 0 : index
    %get3A_0 = arith.constant 0 : index
    %get3A_1 = vector.load %arg4[%get3A, %get3A_0] : memref<128x64xf32, #tpu.memory_space<vmem>>, vector<64x64xf32>
    %get3A_2 = arith.constant 64 : index
    %get3A_3 = arith.constant 0 : index
    %get3A_4 = vector.load %arg4[%get3A_2, %get3A_3] : memref<128x64xf32, #tpu.memory_space<vmem>>, vector<64x64xf32>
    %get3A_5 = arith.constant 0 : index
    %get3A_6 = arith.constant 0 : index
    %get3A_7 = vector.load %arg2[%get3A_5, %get3A_6] : memref<128x384xf32, #tpu.memory_space<vmem>>, vector<128x384xf32>
    %get3A_8 = arith.constant 0 : index
    %get3A_9 = arith.constant 0 : index
    %get3A_10 = vector.load %arg3[%get3A_8, %get3A_9] : memref<1x384xf32, #tpu.memory_space<vmem>>, vector<1x384xf32>
    %slice3A = vector.extract_strided_slice %get3A_7 {offsets = [0, 128], sizes = [128, 64], strides = [1, 1]} : vector<128x384xf32> to vector<128x64xf32>
    %mul3A = arith.constant 1.250000e-01 : f32
    %mul3A_11 = vector.broadcast %mul3A : f32 to vector<128x64xf32>
    %mul3A_12 = arith.mulf %slice3A, %mul3A_11 : vector<128x64xf32>
    %dot_general3A = arith.constant dense<0.000000e+00> : vector<128x64xf32>
    %dot_general3A_13 = tpu.matmul %mul3A_12, %get3A_1, %dot_general3A {dimension_numbers = #tpu.dot_dimension_numbers<[1], [0], [0], [1], [0, 0, 1, 1], [], []>, transpose_lhs_hint = false} : vector<128x64xf32>, vector<64x64xf32>, vector<128x64xf32> -> vector<128x64xf32>
    %slice3A_14 = vector.extract_strided_slice %get3A_7 {offsets = [0, 256], sizes = [128, 64], strides = [1, 1]} : vector<128x384xf32> to vector<128x64xf32>
    %slice3A_15 = vector.extract_strided_slice %get3A_7 {offsets = [0, 192], sizes = [128, 64], strides = [1, 1]} : vector<128x384xf32> to vector<128x64xf32>
    %mul3A_16 = arith.constant 1.250000e-01 : f32
    %mul3A_17 = vector.broadcast %mul3A_16 : f32 to vector<128x64xf32>
    %mul3A_18 = arith.mulf %slice3A_15, %mul3A_17 : vector<128x64xf32>
    %dot_general3A_19 = arith.constant dense<0.000000e+00> : vector<128x64xf32>
    %dot_general3A_20 = tpu.matmul %mul3A_18, %get3A_1, %dot_general3A_19 {dimension_numbers = #tpu.dot_dimension_numbers<[1], [0], [0], [1], [0, 0, 1, 1], [], []>, transpose_lhs_hint = false} : vector<128x64xf32>, vector<64x64xf32>, vector<128x64xf32> -> vector<128x64xf32>
    %slice3A_21 = vector.extract_strided_slice %get3A_7 {offsets = [0, 320], sizes = [128, 64], strides = [1, 1]} : vector<128x384xf32> to vector<128x64xf32>
    %slice3A_22 = vector.extract_strided_slice %get3A_7 {offsets = [0, 0], sizes = [128, 64], strides = [1, 1]} : vector<128x384xf32> to vector<128x64xf32>
    %dot_general3A_23 = arith.constant dense<0.000000e+00> : vector<128x64xf32>
    %dot_general3A_24 = tpu.matmul %slice3A_22, %get3A_4, %dot_general3A_23 {dimension_numbers = #tpu.dot_dimension_numbers<[1], [0], [0], [1], [0, 0, 1, 1], [], []>, transpose_lhs_hint = false} : vector<128x64xf32>, vector<64x64xf32>, vector<128x64xf32> -> vector<128x64xf32>
    %slice3A_25 = vector.extract_strided_slice %get3A_7 {offsets = [0, 64], sizes = [128, 64], strides = [1, 1]} : vector<128x384xf32> to vector<128x64xf32>
    %dot_general3A_26 = arith.constant dense<0.000000e+00> : vector<128x64xf32>
    %dot_general3A_27 = tpu.matmul %slice3A_25, %get3A_4, %dot_general3A_26 {dimension_numbers = #tpu.dot_dimension_numbers<[1], [0], [0], [1], [0, 0, 1, 1], [], []>, transpose_lhs_hint = false} : vector<128x64xf32>, vector<64x64xf32>, vector<128x64xf32> -> vector<128x64xf32>
    %concatenate3A = tpu.concatenate %dot_general3A_13, %slice3A_14, %dot_general3A_20, %slice3A_21, %dot_general3A_24, %dot_general3A_27 in 1 : vector<128x64xf32>, vector<128x64xf32>, vector<128x64xf32>, vector<128x64xf32>, vector<128x64xf32>, vector<128x64xf32> -> vector<128x384xf32>
    %get3A_28 = arith.constant 0 : index
    %get3A_29 = arith.constant 0 : index
    %get3A_30 = vector.load %arg5[%get3A_28, %get3A_29] : memref<1x64xf32, #tpu.memory_space<vmem>>, vector<1x64xf32>
    %slice3A_31 = vector.extract_strided_slice %get3A_10 {offsets = [0, 128], sizes = [1, 64], strides = [1, 1]} : vector<1x384xf32> to vector<1x64xf32>
    %mul3A_32 = arith.constant 1.250000e-01 : f32
    %mul3A_33 = vector.broadcast %mul3A_32 : f32 to vector<1x64xf32>
    %mul3A_34 = arith.mulf %slice3A_31, %mul3A_33 : vector<1x64xf32>
    %dot_general3A_35 = arith.constant dense<0.000000e+00> : vector<1x64xf32>
    %dot_general3A_36 = tpu.matmul %mul3A_34, %get3A_1, %dot_general3A_35 {dimension_numbers = #tpu.dot_dimension_numbers<[1], [0], [0], [1], [0, 0, 1, 1], [], []>, transpose_lhs_hint = false} : vector<1x64xf32>, vector<64x64xf32>, vector<1x64xf32> -> vector<1x64xf32>
    %slice3A_37 = vector.extract_strided_slice %get3A_10 {offsets = [0, 256], sizes = [1, 64], strides = [1, 1]} : vector<1x384xf32> to vector<1x64xf32>
    %slice3A_38 = vector.extract_strided_slice %get3A_10 {offsets = [0, 192], sizes = [1, 64], strides = [1, 1]} : vector<1x384xf32> to vector<1x64xf32>
    %mul3A_39 = arith.constant 1.250000e-01 : f32
    %mul3A_40 = vector.broadcast %mul3A_39 : f32 to vector<1x64xf32>
    %mul3A_41 = arith.mulf %slice3A_38, %mul3A_40 : vector<1x64xf32>
    %dot_general3A_42 = arith.constant dense<0.000000e+00> : vector<1x64xf32>
    %dot_general3A_43 = tpu.matmul %mul3A_41, %get3A_1, %dot_general3A_42 {dimension_numbers = #tpu.dot_dimension_numbers<[1], [0], [0], [1], [0, 0, 1, 1], [], []>, transpose_lhs_hint = false} : vector<1x64xf32>, vector<64x64xf32>, vector<1x64xf32> -> vector<1x64xf32>
    %slice3A_44 = vector.extract_strided_slice %get3A_10 {offsets = [0, 320], sizes = [1, 64], strides = [1, 1]} : vector<1x384xf32> to vector<1x64xf32>
    %slice3A_45 = vector.extract_strided_slice %get3A_10 {offsets = [0, 0], sizes = [1, 64], strides = [1, 1]} : vector<1x384xf32> to vector<1x64xf32>
    %dot_general3A_46 = arith.constant dense<0.000000e+00> : vector<1x64xf32>
    %dot_general3A_47 = tpu.matmul %slice3A_45, %get3A_4, %dot_general3A_46 {dimension_numbers = #tpu.dot_dimension_numbers<[1], [0], [0], [1], [0, 0, 1, 1], [], []>, transpose_lhs_hint = false} : vector<1x64xf32>, vector<64x64xf32>, vector<1x64xf32> -> vector<1x64xf32>
    %add3A = arith.addf %dot_general3A_47, %get3A_30 : vector<1x64xf32>
    %slice3A_48 = vector.extract_strided_slice %get3A_10 {offsets = [0, 64], sizes = [1, 64], strides = [1, 1]} : vector<1x384xf32> to vector<1x64xf32>
    %dot_general3A_49 = arith.constant dense<0.000000e+00> : vector<1x64xf32>
    %dot_general3A_50 = tpu.matmul %slice3A_48, %get3A_4, %dot_general3A_49 {dimension_numbers = #tpu.dot_dimension_numbers<[1], [0], [0], [1], [0, 0, 1, 1], [], []>, transpose_lhs_hint = false} : vector<1x64xf32>, vector<64x64xf32>, vector<1x64xf32> -> vector<1x64xf32>
    %add3A_51 = arith.addf %dot_general3A_50, %get3A_30 : vector<1x64xf32>
    %concatenate3A_52 = tpu.concatenate %dot_general3A_36, %slice3A_37, %dot_general3A_43, %slice3A_44, %add3A, %add3A_51 in 1 : vector<1x64xf32>, vector<1x64xf32>, vector<1x64xf32>, vector<1x64xf32>, vector<1x64xf32>, vector<1x64xf32> -> vector<1x384xf32>
    %get3A_53 = arith.constant 0 : index
    %get3A_54 = arith.constant 0 : index
    %get3A_55 = vector.load %arg1[%get3A_53, %get3A_54] : memref<512x128xf32, #tpu.memory_space<vmem>>, vector<512x128xf32>
    %dot_general3A_56 = arith.constant dense<0.000000e+00> : vector<512x384xf32>
    %dot_general3A_57 = tpu.matmul %get3A_55, %concatenate3A, %dot_general3A_56 {dimension_numbers = #tpu.dot_dimension_numbers<[1], [0], [0], [1], [0, 0, 1, 1], [], []>, transpose_lhs_hint = false} : vector<512x128xf32>, vector<128x384xf32>, vector<512x384xf32> -> vector<512x384xf32>
    %add3A_58 = vector.broadcast %concatenate3A_52 : vector<1x384xf32> to vector<512x384xf32>
    %add3A_59 = arith.addf %dot_general3A_57, %add3A_58 : vector<512x384xf32>
    %slice3A_60 = vector.extract_strided_slice %add3A_59 {offsets = [0, 0], sizes = [512, 128], strides = [1, 1]} : vector<512x384xf32> to vector<512x128xf32>
    %swap3A = arith.constant 0 : index
    %swap3A_61 = arith.constant 0 : index
    %swap3A_62 = arith.constant 0 : index
    %swap3A_63 = vector.load %arg6[%swap3A, %swap3A_61, %swap3A_62] : memref<2x512x128xf32, #tpu.memory_space<vmem>>, vector<1x512x128xf32>
    %swap3A_64 = vector.shape_cast %swap3A_63 : vector<1x512x128xf32> to vector<512x128xf32>
    %swap3A_65 = vector.shape_cast %slice3A_60 : vector<512x128xf32> to vector<1x512x128xf32>
    tpu.vector_store %arg6[%swap3A, %swap3A_61, %swap3A_62], %swap3A_65 {strides = array<i32>} : memref<2x512x128xf32, #tpu.memory_space<vmem>>, vector<1x512x128xf32>,
    %slice3A_66 = vector.extract_strided_slice %add3A_59 {offsets = [0, 128], sizes = [512, 128], strides = [1, 1]} : vector<512x384xf32> to vector<512x128xf32>
    %swap3A_67 = arith.constant 1 : index
    %swap3A_68 = arith.constant 0 : index
    %swap3A_69 = arith.constant 0 : index
    %swap3A_70 = vector.load %arg6[%swap3A_67, %swap3A_68, %swap3A_69] : memref<2x512x128xf32, #tpu.memory_space<vmem>>, vector<1x512x128xf32>
    %swap3A_71 = vector.shape_cast %swap3A_70 : vector<1x512x128xf32> to vector<512x128xf32>
    %swap3A_72 = vector.shape_cast %slice3A_66 : vector<512x128xf32> to vector<1x512x128xf32>
    tpu.vector_store %arg6[%swap3A_67, %swap3A_68, %swap3A_69], %swap3A_72 {strides = array<i32>} : memref<2x512x128xf32, #tpu.memory_space<vmem>>, vector<1x512x128xf32>,
    %slice3A_73 = vector.extract_strided_slice %add3A_59 {offsets = [0, 256], sizes = [512, 128], strides = [1, 1]} : vector<512x384xf32> to vector<512x128xf32>
    %swap3A_74 = arith.constant 0 : index
    %swap3A_75 = arith.constant 0 : index
    %swap3A_76 = vector.load %arg7[%swap3A_74, %swap3A_75] : memref<512x128xf32, #tpu.memory_space<vmem>>, vector<512x128xf32>
    tpu.vector_store %arg7[%swap3A_74, %swap3A_75], %slice3A_73 {strides = array<i32>} : memref<512x128xf32, #tpu.memory_space<vmem>>, vector<512x128xf32>,
    return
  }
  func.func @transform_0(%arg0: i32) -> (i32, i32) {
    %c0_i32 = arith.constant 0 : i32
    %c0_i32_0 = arith.constant 0 : i32
    return %arg0, %c0_i32 : i32, i32
  }
  func.func @transform_1(%arg0: i32) -> (i32, i32) {
    %c0_i32 = arith.constant 0 : i32
    %c0_i32_0 = arith.constant 0 : i32
    %c0_i32_1 = arith.constant 0 : i32
    return %c0_i32, %c0_i32_0 : i32, i32
  }
  func.func @transform_2(%arg0: i32) -> (i32, i32) {
    %c0_i32 = arith.constant 0 : i32
    %c0_i32_0 = arith.constant 0 : i32
    %c0_i32_1 = arith.constant 0 : i32
    return %c0_i32, %c0_i32_0 : i32, i32
  }
  func.func @transform_3(%arg0: i32) -> (i32, i32) {
    %c0_i32 = arith.constant 0 : i32
    %c0_i32_0 = arith.constant 0 : i32
    %c0_i32_1 = arith.constant 0 : i32
    return %c0_i32, %c0_i32_0 : i32, i32
  }
  func.func @transform_4(%arg0: i32) -> (i32, i32) {
    %c0_i32 = arith.constant 0 : i32
    %c0_i32_0 = arith.constant 0 : i32
    %c0_i32_1 = arith.constant 0 : i32
    return %c0_i32, %c0_i32_0 : i32, i32
  }
  func.func @transform_5(%arg0: i32) -> (i32, i32, i32) {
    %c0_i32 = arith.constant 0 : i32
    %c0_i32_0 = arith.constant 0 : i32
    %c0_i32_1 = arith.constant 0 : i32
    return %c0_i32, %arg0, %c0_i32_0 : i32, i32, i32
  }
  func.func @transform_6(%arg0: i32) -> (i32, i32) {
    %c0_i32 = arith.constant 0 : i32
    %c0_i32_0 = arith.constant 0 : i32
    return %arg0, %c0_i32 : i32, i32
  }
}

module attributes {stable_mosaic.version = 14 : i64} {
  func.func @_out_kernel(%arg0: i32, %arg1: memref<2x512x128xf32, #tpu.memory_space<vmem>>, %arg2: memref<512x128xf32, #tpu.memory_space<vmem>>, %arg3: memref<128x128xf32, #tpu.memory_space<vmem>>, %arg4: memref<1x128xf32, #tpu.memory_space<vmem>>, %arg5: memref<512x128xf32, #tpu.memory_space<vmem>>) attributes {dimension_semantics = [#tpu.dimension_semantics<arbitrary>], iteration_bounds = array<i64: 20>, scalar_prefetch = 0 : i64, scratch_operands = 0 : i64, tpu.core_type = #tpu.core_type<tc>, window_params = [{transform_indices = @transform_0, window_bounds = array<i64: 2, 512, 128>}, {transform_indices = @transform_1, window_bounds = array<i64: 512, 128>}, {pipeline_mode = #tpu.pipeline_mode<synchronous>, transform_indices = @transform_2, window_bounds = array<i64: 128, 128>}, {pipeline_mode = #tpu.pipeline_mode<synchronous>, transform_indices = @transform_3, window_bounds = array<i64: 1, 128>}, {transform_indices = @transform_4, window_bounds = array<i64: 512, 128>}]} {
    %get3A = arith.constant 0 : index
    %get3A_0 = arith.constant 0 : index
    %get3A_1 = arith.constant 0 : index
    %get3A_2 = vector.load %arg1[%get3A, %get3A_0, %get3A_1] : memref<2x512x128xf32, #tpu.memory_space<vmem>>, vector<1x512x128xf32>
    %get3A_3 = vector.shape_cast %get3A_2 : vector<1x512x128xf32> to vector<512x128xf32>
    %get3A_4 = arith.constant 1 : index
    %get3A_5 = arith.constant 0 : index
    %get3A_6 = arith.constant 0 : index
    %get3A_7 = vector.load %arg1[%get3A_4, %get3A_5, %get3A_6] : memref<2x512x128xf32, #tpu.memory_space<vmem>>, vector<1x512x128xf32>
    %get3A_8 = vector.shape_cast %get3A_7 : vector<1x512x128xf32> to vector<512x128xf32>
    %slice3A = vector.extract_strided_slice %get3A_3 {offsets = [0, 0], sizes = [512, 64], strides = [1, 1]} : vector<512x128xf32> to vector<512x64xf32>
    %slice3A_9 = vector.extract_strided_slice %get3A_3 {offsets = [0, 64], sizes = [512, 1], strides = [1, 1]} : vector<512x128xf32> to vector<512x1xf32>
    %add3A = arith.constant 1.000000e-16 : f32
    %add3A_10 = vector.broadcast %add3A : f32 to vector<512x1xf32>
    %add3A_11 = arith.addf %slice3A_9, %add3A_10 : vector<512x1xf32>
    %div3A = vector.broadcast %add3A_11 : vector<512x1xf32> to vector<512x64xf32>
    %div3A_12 = arith.divf %slice3A, %div3A : vector<512x64xf32>
    %slice3A_13 = vector.extract_strided_slice %get3A_8 {offsets = [0, 0], sizes = [512, 64], strides = [1, 1]} : vector<512x128xf32> to vector<512x64xf32>
    %slice3A_14 = vector.extract_strided_slice %get3A_8 {offsets = [0, 64], sizes = [512, 1], strides = [1, 1]} : vector<512x128xf32> to vector<512x1xf32>
    %add3A_15 = arith.constant 1.000000e-16 : f32
    %add3A_16 = vector.broadcast %add3A_15 : f32 to vector<512x1xf32>
    %add3A_17 = arith.addf %slice3A_14, %add3A_16 : vector<512x1xf32>
    %div3A_18 = vector.broadcast %add3A_17 : vector<512x1xf32> to vector<512x64xf32>
    %div3A_19 = arith.divf %slice3A_13, %div3A_18 : vector<512x64xf32>
    %concatenate3A = tpu.concatenate %div3A_12, %div3A_19 in 1 : vector<512x64xf32>, vector<512x64xf32> -> vector<512x128xf32>
    %slice3A_20 = vector.extract_strided_slice %get3A_3 {offsets = [0, 65], sizes = [512, 1], strides = [1, 1]} : vector<512x128xf32> to vector<512x1xf32>
    %get3A_21 = arith.constant 0 : index
    %get3A_22 = arith.constant 0 : index
    %get3A_23 = vector.load %arg3[%get3A_21, %get3A_22] : memref<128x128xf32, #tpu.memory_space<vmem>>, vector<128x128xf32>
    %dot_general3A = arith.constant dense<0.000000e+00> : vector<512x128xf32>
    %dot_general3A_24 = tpu.matmul %concatenate3A, %get3A_23, %dot_general3A {dimension_numbers = #tpu.dot_dimension_numbers<[1], [0], [0], [1], [0, 0, 1, 1], [], []>, transpose_lhs_hint = false} : vector<512x128xf32>, vector<128x128xf32>, vector<512x128xf32> -> vector<512x128xf32>
    %get3A_25 = arith.constant 0 : index
    %get3A_26 = arith.constant 0 : index
    %get3A_27 = vector.load %arg4[%get3A_25, %get3A_26] : memref<1x128xf32, #tpu.memory_space<vmem>>, vector<1x128xf32>
    %mul3A = vector.broadcast %slice3A_20 : vector<512x1xf32> to vector<512x128xf32>
    %mul3A_28 = vector.broadcast %get3A_27 : vector<1x128xf32> to vector<512x128xf32>
    %mul3A_29 = arith.mulf %mul3A, %mul3A_28 : vector<512x128xf32>
    %add3A_30 = arith.addf %dot_general3A_24, %mul3A_29 : vector<512x128xf32>
    %max3A = arith.constant 0.000000e+00 : f32
    %max3A_31 = vector.broadcast %max3A : f32 to vector<512x128xf32>
    %max3A_32 = arith.maximumf %add3A_30, %max3A_31 : vector<512x128xf32>
    %get3A_33 = arith.constant 0 : index
    %get3A_34 = arith.constant 0 : index
    %get3A_35 = vector.load %arg2[%get3A_33, %get3A_34] : memref<512x128xf32, #tpu.memory_space<vmem>>, vector<512x128xf32>
    %add3A_36 = arith.addf %max3A_32, %get3A_35 : vector<512x128xf32>
    %swap3A = arith.constant 0 : index
    %swap3A_37 = arith.constant 0 : index
    %swap3A_38 = vector.load %arg5[%swap3A, %swap3A_37] : memref<512x128xf32, #tpu.memory_space<vmem>>, vector<512x128xf32>
    tpu.vector_store %arg5[%swap3A, %swap3A_37], %add3A_36 {strides = array<i32>} : memref<512x128xf32, #tpu.memory_space<vmem>>, vector<512x128xf32>,
    return
  }
  func.func @transform_0(%arg0: i32) -> (i32, i32, i32) {
    %c0_i32 = arith.constant 0 : i32
    %c0_i32_0 = arith.constant 0 : i32
    %c0_i32_1 = arith.constant 0 : i32
    return %c0_i32, %arg0, %c0_i32_0 : i32, i32, i32
  }
  func.func @transform_1(%arg0: i32) -> (i32, i32) {
    %c0_i32 = arith.constant 0 : i32
    %c0_i32_0 = arith.constant 0 : i32
    return %arg0, %c0_i32 : i32, i32
  }
  func.func @transform_2(%arg0: i32) -> (i32, i32) {
    %c0_i32 = arith.constant 0 : i32
    %c0_i32_0 = arith.constant 0 : i32
    %c0_i32_1 = arith.constant 0 : i32
    return %c0_i32, %c0_i32_0 : i32, i32
  }
  func.func @transform_3(%arg0: i32) -> (i32, i32) {
    %c0_i32 = arith.constant 0 : i32
    %c0_i32_0 = arith.constant 0 : i32
    %c0_i32_1 = arith.constant 0 : i32
    return %c0_i32, %c0_i32_0 : i32, i32
  }
  func.func @transform_4(%arg0: i32) -> (i32, i32) {
    %c0_i32 = arith.constant 0 : i32
    %c0_i32_0 = arith.constant 0 : i32
    return %arg0, %c0_i32 : i32, i32
  }
}

</mosaic_0001>

<sc_bundles>
// kernel: kernel.5.cloned.1.call-start
scs
__scs_entry_jumppad:
0x0: {  	(pc) =	sbr.rel $0x88, $3  }
0x1: {  	(tag) =	ssettag $0x0;
	lr =	simm.s32 $0x1  }
0x2: {  	[smem:$0x3F98] =	sst lr;
	_ =	strace $0xD0000000  }
0x3: {  	_ = 	snop  }
0x4: {  	_ = 	snop  }
0x5: {  	_ = 	snop  }
0x6: {  	_ = 	snop  }
0x7: {  	_ = 	snop  }
__scs_overlays_trampoline_lowered:
0x8: {  	[smem:$0x3FA7] =	sst s0  }
0x9: {  	[smem:$0x3FA8] =	sst s1  }
0xa: {  	[smem:$0x3FA9] =	sst s2  }
0xb: {  	[smem:$0x3FAA] =	sst s3  }
0xc: {  	[smem:$0x3FAB] =	sst s4  }
0xd: {  	[smem:$0x3FAC] =	sst s5  }
0xe: {  	[smem:$0x3FAD] =	sst s6  }
0xf: {  	[smem:$0x3FAE] =	sst s7  }
0x10: {  	[smem:$0x3FAF] =	sst s8  }
0x11: {  	[smem:$0x3FB0] =	sst s9;
	s0 =	simm.s32 @!p0 $0x0  }
0x12: {  	s1 =	sld [smem:$0x3F96];
	s0 =	simm.s32 @p0 $0x1  }
0x13: {  	[smem:$0x3FB1] =	sst s0;
	s0 =	simm.s32 @!p1 $0x0  }
0x14: {  	s2 =	sld [smem:$0x3F95];
	s0 =	simm.s32 @p1 $0x1  }
0x15: {  	[smem:$0x3FB2] =	sst s0;
	s0 =	simm.s32 @!p2 $0x0  }
0x16: {  	s3 =	sld [smem:$0x3FDB];
	s0 =	simm.s32 @p2 $0x1  }
0x17: {  	s4 =	simm.s32 $0x1BF5;
	[smem:$0x3FB4] =	sst s0  }
0x18: {  	s0 =	sld [smem:$0x3F97];
	_ =	swait.ge [sflag:s4], $0x0  }
0x19: {  	s7 =	sld [smem:$0x3F98]  }
0x1a: {  	s8 =	sadd.s32 $0xFFFFE003, lr  }
0x1b: {  	s9 =	sadd.s32 $0xFFFFFEF7, lr;
	s5 =	simm.s32 $0xFFFFFFFF;
	p2 =	slt.u32 s8, $0xFFFFF086  }
0x1c: {  	p1 =	slt.u32 s9, $0xF7A;
	s5 =	simm.s32 @!p2 $0x0  }
0x1d: {  	s5 =	simm.s32 @p1 $0x1;
	p0 =	seq.s32 s7, s2  }
0x1e: {  	s7 =	smul.u32 @!p0 $0xF7A, s2;
	p2 =	seq.s32 @!p0 s5, $0x0  }
0x1f: {  	s9 =	smul.u32 $0xF7A, s1;
	s8 =	simm.s32 @!p0 $0x1BF5;
	p2 =	por !p2, p0  }
0x20: {  	[sflag:s8] =	ssyncset.s32 @!p0 $0xFFFFF086;
	s6 =	sadd.s32 @!p0 s3, s7;
	s7 =	simm.s32 @!p0 $0x108  }
0x21: {  	s3 =	sadd.s32 s3, s9;
	s6 =	sadd.s32 @!p0 $0x88, s6;
	s7 =	simm.s32 @p2 $0x1082  }
0x22: {  	[simem:s7], [sflag:s8] =	dma.local @!p0 [hbm:s6], $0xF7A  }
0x23: {  	s9 =	sor.u32 $0xD0000000, s2;
	s6 =	simm.s32 $0x108;
	_ =	swait.ge @!p0 [sflag:s8], $0x0  }
0x24: {  	s3 =	sadd.s32 $0x88, s3;
	s6 =	simm.s32 @!p1 $0x1082;
	[sflag:s4] =	ssyncset.s32 $0xFFFFF086  }
0x25: {  	[simem:s6], [sflag:s4] =	dma.local [hbm:s3], $0xF7A  }
0x26: {  	[smem:$0x3F98] =	sst s1;
	(tag) =	ssettag s2;
	_ =	strace s9  }
0x27: {  	s1 =	sld [smem:$0x3FA8]  }
0x28: {  	s2 =	sld [smem:$0x3FA9]  }
0x29: {  	s4 =	sld [smem:$0x3FAB]  }
0x2a: {  	p0 =	seq.s32 s5, $0x0;
	s5 =	sld [smem:$0x3FAC]  }
0x2b: {  	s6 =	sld [smem:$0x3FAD]  }
0x2c: {  	s7 =	sld [smem:$0x3FAE]  }
0x2d: {  	s3 =	simm.s32 $0x108;
	s8 =	sld [smem:$0x3FAF]  }
0x2e: {  	s3 =	simm.s32 @!p0 $0x1082;
	s9 =	sld [smem:$0x3FB0]  }
0x2f: {  	lr =	sadd.s32 s0, s3;
	s0 =	sld [smem:$0x3FA7]  }
0x30: {  	s3 =	sld [smem:$0x3FAA]  }
0x31: {  	[smem:$0x3FB3] =	sst s10  }
0x32: {  	s10 =	sld [smem:$0x3FB1];
	_ =	sdelay $0x3  }
0x33: {  	p0 =	seq.s32 s10, $0x1;
	s10 =	sld [smem:$0x3FB3];
	_ =	sdelay $0x3  }
0x34: {  	[smem:$0x3FB3] =	sst s10  }
0x35: {  	s10 =	sld [smem:$0x3FB2];
	_ =	sdelay $0x3  }
0x36: {  	p1 =	seq.s32 s10, $0x1;
	s10 =	sld [smem:$0x3FB3];
	_ =	sdelay $0x3  }
0x37: {  	[smem:$0x3FB3] =	sst s10  }
0x38: {  	s10 =	sld [smem:$0x3FB4]  }
0x39: {  	_ = 	snop;
	(pc) =	sbr.ind lr, $3  }
0x3a: {  	_ = 	snop  }
0x3b: {  	_ = 	snop  }
0x3c: {  	p2 =	seq.s32 s10, $0x1;
	s10 =	sld [smem:$0x3FB3]  }
0x3d: {  	_ =	shalt  }
0x3e: {  	_ =	shalt  }
0x3f: {  	_ =	shalt  }
0x40: {  	_ =	shalt  }
0x41: {  	_ =	shalt  }
0x42: {  	_ =	shalt  }
0x43: {  	_ =	shalt  }
0x44: {  	_ =	shalt  }
0x45: {  	_ =	shalt  }
0x46: {  	_ =	shalt  }
0x47: {  	_ =	shalt  }
0x48: {  	_ =	shalt  }
0x49: {  	_ =	shalt  }
0x4a: {  	_ =	shalt  }
0x4b: {  	_ =	shalt  }
0x4c: {  	_ =	shalt  }
0x4d: {  	_ =	shalt  }
0x4e: {  	_ =	shalt  }
0x4f: {  	_ =	shalt  }
0x50: {  	_ =	shalt  }
0x51: {  	_ =	shalt  }
0x52: {  	_ =	shalt  }
0x53: {  	_ =	shalt  }
0x54: {  	_ =	shalt  }
0x55: {  	_ =	shalt  }
0x56: {  	_ =	shalt  }
0x57: {  	_ =	shalt  }
0x58: {  	_ =	shalt  }
0x59: {  	_ =	shalt  }
0x5a: {  	_ =	shalt  }
0x5b: {  	_ =	shalt  }
0x5c: {  	_ =	shalt  }
0x5d: {  	_ =	shalt  }
0x5e: {  	_ =	shalt  }
0x5f: {  	_ =	shalt  }
0x60: {  	_ =	shalt  }
0x61: {  	_ =	shalt  }
0x62: {  	_ =	shalt  }
0x63: {  	_ =	shalt  }
0x64: {  	_ =	shalt  }
0x65: {  	_ =	shalt  }
0x66: {  	_ =	shalt  }
0x67: {  	_ =	shalt  }
0x68: {  	_ =	shalt  }
0x69: {  	_ =	shalt  }
0x6a: {  	_ =	shalt  }
0x6b: {  	_ =	shalt  }
0x6c: {  	_ =	shalt  }
0x6d: {  	_ =	shalt  }
0x6e: {  	_ =	shalt  }
0x6f: {  	_ =	shalt  }
0x70: {  	_ =	shalt  }
0x71: {  	_ =	shalt  }
0x72: {  	_ =	shalt  }
0x73: {  	_ =	shalt  }
0x74: {  	_ =	shalt  }
0x75: {  	_ =	shalt  }
0x76: {  	_ =	shalt  }
0x77: {  	_ =	shalt  }
0x78: {  	_ =	shalt  }
0x79: {  	_ =	shalt  }
0x7a: {  	_ =	shalt  }
0x7b: {  	_ =	shalt  }
0x7c: {  	_ =	shalt  }
0x7d: {  	_ =	shalt  }
0x7e: {  	_ =	shalt  }
0x7f: {  	_ =	shalt  }
0x80: {  	_ =	shalt  }
0x81: {  	_ =	shalt  }
0x82: {  	_ =	shalt  }
0x83: {  	_ =	shalt  }
0x84: {  	_ =	shalt  }
0x85: {  	_ =	shalt  }
0x86: {  	_ =	shalt  }
0x87: {  	_ =	shalt  }
.Lfunc_end0:
.L_simem_size_0:
called_computation_lowered:
.L_overlay_start_0:
0x88: {  	s2 =	sld [smem:$0x3FD9]  }
0x89: {  	s3 =	sld [smem:$0x3FFE];
	_ =	sdelay $0x1  }
0x8a: {  	s1 =	srdreg.scid  }
0x8b: {  	s0 =	sand.u32 $0x1, s1  }
0x8c: {  	s17 =	sshll.u32 s0, $0xA;
	s2 =	sadd.s32 s3, s2  }
0x8d: {  	s2 =	sadd.s32 s2, s17  }
0x8e: {  	[smem:$0x3FBF] =	sst s2  }
0x8f: {  	_ = 	snop  }
0x90: {  	s2 =	sld [smem:$0x3FC3]  }
0x91: {  	s18 =	sld [smem:$0x3FD0];
	(tm) =	ssettm $0x1  }
0x92: {  	s4 =	sld [smem:$0x3FFB];
	_ =	sdelay $0x3  }
0x93: {  	_ =	strace s4  }
0x94: {  	s4 =	sld [smem:$0x3FFC];
	_ =	sdelay $0x3  }
0x95: {  	_ =	strace s4  }
0x96: {  	s4 =	sld [smem:$0x3FFD];
	_ =	sdelay $0x3  }
0x97: {  	_ =	strace s4  }
0x98: {  	_ =	strace $0x8FFFFFFF  }
0x99: {  	s19 =	sld [smem:$0x3FDB];
	_ =	sdelay $0x1  }
0x9a: {  	s5 =	simm.s32 $_scs_section_size  }
0x9b: {  	s6 =	simm.s32 $_size__tile_overlayer_lowered;
	s7 =	simm.s32 $_tile_overlayer_lowered  }
0x9c: {  	s22 =	simm.s32 $0x1BFF;
	s21 =	sshll.u32 s7, $0x1;
	s4 =	sadd.s32 s5, s19  }
0x9d: {  	s8 =	simm.s32 $0x0;
	s20 =	sshll.u32 s6, $0x1;
	s6 =	sadd.s32 s21, s4  }
0x9e: {  	[timem:s8], [sflag:s22] =	dma.local [hbm:s6], s20  }
0x9f: {  	_ =	swait.ge [sflag:s22], s20  }
0xa0: {  	s5 =	ssub.s32 $0x0, s20;
	[sflag:s22] =	ssyncset.done $0x0  }
0xa1: {  	[sflag:s22] =	ssyncadd.s32 s5;
	_ =	sdelay $0x1  }
0xa2: {  	s23 =	simm.s32 $0x1B8B  }
0xa3: {  	_ =	swait.ge [sflag:s23], $0x1  }
0xa4: {  	[sflag:s23] =	ssyncset.done $0x0  }
0xa5: {  	s25 =	simm.s32 $0x1B8E;
	s24 =	sld [smem:$0x3FFE];
	[sflag:s23] =	ssyncadd.s32 $0xFFFFFFFF  }
0xa6: {  	s26 =	simm.s32 $execute0_lowered;
	[smem:$0x3FD2] =	sst s25  }
0xa7: {  	s6 =	sshll.u32 s26, $0x1;
	_ =	strace $0x80000046;
	[dreg:$0x1] =	wrdreg $0xFFFFFFFF  }
0xa8: {  	s28 =	simm.s32 $_size_execute0_lowered;
	s4 =	sadd.s32 s4, s6;
	[dreg:$0x0] =	wrdreg $0x0  }
0xa9: {  	s6 =	sshll.u32 s28, $0x1;
	[dreg:$0x2] =	wrdreg s4  }
0xaa: {  	[dreg:$0x3] =	wrdreg s6  }
0xab: {  	[dreg:$0x4] =	wrdreg $0xC0  }
0xac: {  	_ =	task [dreg:s8], $0x5FFFF  }
0xad: {  	[dreg:$0x1] =	wrdreg $0xFFFFFFFF  }
0xae: {  	[dreg:$0x0] =	wrdreg $0x60  }
0xaf: {  	[dreg:$0x2] =	wrdreg s24  }
0xb0: {  	[dreg:$0x3] =	wrdreg s18  }
0xb1: {  	[dreg:$0x4] =	wrdreg s2  }
0xb2: {  	[dreg:$0x5] =	wrdreg $0xA4800  }
0xb3: {  	[dreg:$0x6] =	wrdreg $0x9  }
0xb4: {  	_ =	task.clear_ibuf [dreg:s8], $0x7FFFF;
	_ =	strace $0x90000046  }
0xb5: {  	s29 =	simm.s32 $0x9;
	_ =	strace $0x80000048  }
0xb6: {  	_ =	swait.ge [sflag:s29], $0x1  }
0xb7: {  	[sflag:s29] =	ssyncadd.s32 $0xFFFFFFFF  }
0xb8: {  	_ =	strace $0x90000048  }
0xb9: {  	_ =	sfence  }
0xba: {  	s30 =	sld [smem:$0x0];
	_ =	sdelay $0x2  }
0xbb: {  	s31 =	sshll.u32 s1, $0xD;
	s1 =	sshrl.u32 s1, $0x2  }
0xbc: {  	s3 =	sand.u32 $0x4000, s31;
	s1 =	sadd.s32 s1, s30  }
0xbd: {  	s0 =	sor.u32 s3, s0;
	s1 =	sshll.u32 s1, $0x11  }
0xbe: {  	s0 =	sor.u32 s1, s0  }
0xbf: {  	s0 =	sadd.s32 $0x8F2B, s0  }
0xc0: {  	[sflag:s0] =	ssyncadd.remote.s32 $0x1  }
0xc1: {  	_ =	sfence.sel $0xFFFF  }
0xc2: {  	[dreg:$0x0] =	wrdreg $0xFFFFFFFF;
	(pc) =	sbr.abs _section_cstart, $3  }
0xc3: {  	[dreg:$0x1] =	wrdreg $0xFFFFFFFF  }
0xc4: {  	_ =	task.clear_ibuf [dreg:s8], $0x2FFFF;
	_ =	strace $0x9FFFFFFF  }
0xc5: {  	(tm) =	ssettm $0x7FFFFFFF  }
tec
execute0_lowered:
.L_overlay_start_1:
0x0: {  	(tag) =	ssettag $0x1  }
0x1: {  	s0 =	rddreg [dreg:$0x0]  }
0x2: {  	s1 =	rddreg [dreg:$0x1]  }
0x3: {  	s2 =	srdreg.scid;
	s3 =	rddreg [dreg:$0x3];
	s5 =	simm.s32 $0x0  }
0x4: {  	s12 =	stileid.u32;
	s30 =	simm.s32 $0x280;
	s2 =	sand.u32 $0x1, s2  }
0x5: {  	[smem:$0x7FF] =	sst s5;
	s8 =	smul.u32 $0x13C00, s12;
	s7 =	sadd.s32 $0x2200, s0  }
0x6: {  	s9 =	sadd.s32 $0x9A200, s0;
	s11 =	smul.u32 $0x4F000, s12;
	s17 =	sshll.u32 s12, $0x6  }
0x7: {  	s4 =	smul.u32 $0x140000, s2;
	_ =	strace $0x80000047;
	[dreg:$0x5] =	wrdreg s9  }
0x8: {  	s13 =	ssub.s32 $0x2, s2;
	s9 =	sshll.u32 s12, $0x9;
	s12 =	sshll.u32 s12, $0xD  }
0x9: {  	s23 =	sor.u32 $0x1C09, s17;
	s2 =	sshll.u32 s2, $0x6;
	s17 =	simm.s32 $0x3  }
0xa: {  	s14 =	sshrl.u32 s13, $0x1;
	s16 =	sshrl.u32 s11, $0x2;
	s18 =	sor.u32 $0x10, s12  }
0xb: {  	s19 =	sadd.s32 s1, s12;
	s20 =	sadd.s32 s7, s12;
	s22 =	sor.u32 $0x20, s12  }
0xc: {  	s24 =	sor.u32 $0x30, s12;
	s28 =	sor.u32 $0x7DB0, s2;
	s12 =	simm.s32 $0x0  }
0xd: {  	[dreg:$0x7] =	wrdreg s23;
	s6 =	sshrl.u32 s4, $0x3;
	s4 =	sadd.s32 s8, s4  }
0xe: {  	v0 =	vimm.s32 $0xBA98FEDC;
	v1 =	vimm.s32 $0x32107654;
	s15 =	ssub.s32 s13, s14;
	s8 =	sadd.s32 s16, s3;
	[dreg:$0x8] =	wrdreg s19  }
0xf: {  	v0 =	vunpack.c.l.s4.s8 v0;
	v1 =	vunpack.c.l.s4.s8 v1;
	[dreg:$0x9] =	wrdreg s20;
	s21 =	sadd.s32 s1, s18;
	s25 =	sadd.s32 s1, s22  }
0x10: {  	s26 =	sadd.s32 s1, s24;
	s29 =	sadd.s32 s7, s24;
	s13 =	simm.s32 $0x6  }
0x11: {  	v2 =	vimm.s32 $0xFEDCBA98;
	v0 =	vunpack.c.0.s8.s32 v0;
	v1 =	vunpack.c.0.s8.s32 v1;
	s14 =	simm.s32 $0x2C00;
	s16 =	simm.s32 $0x1;
	[dreg:$0x6] =	wrdreg s8  }
0x12: {  	v3 =	vimm.s32 $0x76543210;
	v4 =	vimm.s32 $0xDCFE98BA;
	v5 =	vimm.s32 $0xEFCDAB89;
	s19 =	simm.s32 $0x2;
	s24 =	simm.s32 $0x8;
	[dreg:$0xa] =	wrdreg s21  }
0x13: {  	s10 =	sadd.s32 s6, s0;
	s6 =	sadd.s32 $0x72200, s0;
	[dreg:$0xc] =	wrdreg s25;
	v1 =	vcombine.low v1, v0;
	v0 =	vunpack.c.l.s4.s8 v4;
	v4 =	vimm.s32 $0x54761032  }
0x14: {  	v6 =	vimm.s32 $0x67452301;
	v2 =	vunpack.c.l.s4.s8 v2;
	s4 =	sshrl.u32 s4, $0x3;
	s8 =	sadd.s32 s7, s18;
	[dreg:$0xe] =	wrdreg s26;
	v4 =	vunpack.c.l.s4.s8 v4  }
0x15: {  	v3 =	vunpack.c.l.s4.s8 v3;
	v5 =	vunpack.c.l.s4.s8 v5;
	v6 =	vunpack.c.l.s4.s8 v6;
	[dreg:$0xf] =	wrdreg s29;
	s31 =	smax.u32 s15, $0x1;
	s25 =	simm.s32 $0x9  }
0x16: {  	v2 =	vunpack.c.0.s8.s32 v2;
	s15 =	simm.s32 $0x7C00;
	s18 =	simm.s32 $0x7;
	s21 =	simm.s32 $0x4;
	v0 =	vunpack.c.0.s8.s32 v0;
	v4 =	vunpack.c.0.s8.s32 v4  }
.Ltmp0:
0x17: {  	v3 =	vunpack.c.0.s8.s32 v3;
	v5 =	vunpack.c.0.s8.s32 v5;
	v6 =	vunpack.c.0.s8.s32 v6;
	s0 =	sadd.s32 s4, s0;
	[dreg:$0xb] =	wrdreg s8;
	(pc) =	sbr.rel .LBB2_1-.Ltmp0, $4  }
0x18: {  	s8 =	sadd.s32 s7, s22;
	s20 =	sadd.s32 $0x22200, s10;
	s22 =	sor.u32 $0x5500, s2;
	v4 =	vcombine.low v4, v0;
	v0 =	vand.u32 $0xF, v2  }
0x19: {  	vm0 =	vcmask $0x704;
	[dreg:$0x11] =	wrdreg s31;
	s4 =	simm.s32 $0x180;
	s2 =	simm.s32 $0x380;
	v0 =	vcombine.low v0, v3;
	v3 =	vcombine.low v6, v5  }
0x1a: {  	s10 =	simm.s32 $0x400;
	[dreg:$0xd] =	wrdreg s8;
	s0 =	sadd.s32 $0x9CA00, s0;
	v1 =	vand.u32 $0xF, v1;
	v2 =	vand.u32 $0xF, v4;
	v4 =	vimm.f32 $0.0e+00  }
0x1b: {  	s8 =	simm.s32 $0x50;
	[dreg:$0x10] =	wrdreg s0;
	s0 =	simm.s32 $0x300;
	v3 =	vand.u32 $0xF, v3;
	v4 =	vsel vm0, $0x3F800000, v4;
	vm0 =	vmmov $0x1  }
.LBB2_12:
0x1c: {  	[bflag:$0x0] =	sbarrier.arrive $0xFFFF  }
0x1d: {  	s23 =	rddreg [dreg:$0x7]  }
0x1e: {  	s11 =	rddreg [dreg:$0x10]  }
0x1f: {  	s12 =	rddreg [dreg:$0x13]  }
0x20: {  	[hbm:s11], [sflag:s23] =	dma.local [spmem:s12], $0x2780  }
0x21: {  	_ =	swait.ge [sflag:s25], $0x2780  }
0x22: {  	s29 =	rddreg [dreg:$0x12]  }
0x23: {  	s31 =	rddreg [dreg:$0x11];
	s12 =	sadd.s32 $0x1, s29  }
0x24: {  	p0 =	sne.s32 s12, s31  }
.Ltmp1:
0x25: {  	_ = 	snop;
	(pc) =	sbr.rel @!p0 .LBB2_13-.Ltmp1, $3  }
0x26: {  	_ =	sdelay $0x1  }
0x27: {  	[sflag:s25] =	ssyncset.done $0x0  }
0x28: {  	[sflag:s25] =	ssyncadd.s32 $0xFFFFD880  }
.LBB2_1:
0x29: {  	[dreg:$0x12] =	wrdreg s12  }
0x2a: {  	s11 =	rddreg [dreg:$0x6]  }
0x2b: {  	s26 =	rddreg [dreg:$0x5];
	s11 =	sshrl.u32 s11, $0x3  }
0x2c: {  	[dreg:$0x13] =	wrdreg s11  }
0x2d: {  	[spmem:s11], [sflag:s23] =	dma.local [hbm:s26], $0x2780  }
0x2e: {  	_ =	swait.ge [sflag:s25], $0x2780  }
0x2f: {  	[sflag:s25] =	ssyncset.done $0x0  }
0x30: {  	[sflag:s25] =	ssyncadd.s32 $0xFFFFD880  }
0x31: {  	s31 =	simm.s32 $0xA400;
	s29 =	rddreg [dreg:$0x2]  }
0x32: {  	[tilespmem:s31], [sflag:$0x9] =	stream.linear.gather [hbm4b:s29+s5], $0x80, $0x38;
	[tilespmem:$0x1E080] =	vst v63  }
0x33: {  	_ =	swait.ge [sflag:s25], $0x80  }
0x34: {  	[sflag:s25] =	ssyncset.done $0x0  }
0x35: {  	[sflag:s25] =	ssyncadd.s32 $0xFFFFFF80  }
0x36: {  	[bflag:$0x0] =	sbarrier.arrive $0xFFFF  }
0x37: {  	v5 =	vld [tilespmem:$0xA400]  }
0x38: {  	v6 =	vld [tilespmem:$0xA410]  }
0x39: {  	v7 =	vld [tilespmem:$0xA420];
	s12 =	rddreg [dreg:$0x8]  }
0x3a: {  	v8 =	vld [tilespmem:$0xA430];
	[tilespmem:s5], [sflag:$0x5] =	stream.linear.gather [hbm4b:s12+s5], $0x80, $0x38  }
0x3b: {  	s23 =	rddreg [dreg:$0x9];
	s12 =	simm.s32 $0x200  }
0x3c: {  	[tilespmem:s12], [sflag:$0x5] =	stream.linear.gather [hbm4b:s23+s5], $0x80, $0x38;
	[tilespmem:$0x1E080] =	vst v63  }
0x3d: {  	s26 =	rddreg [dreg:$0xa];
	s23 =	simm.s32 $0x80  }
0x3e: {  	[tilespmem:s23], [sflag:$0x6] =	stream.linear.gather [hbm4b:s26+s5], $0x80, $0x38;
	[tilespmem:$0x1E080] =	vst v63  }
0x3f: {  	s29 =	rddreg [dreg:$0xb]  }
0x40: {  	[tilespmem:s30], [sflag:$0x6] =	stream.linear.gather [hbm4b:s29+s5], $0x80, $0x38;
	[tilespmem:$0x1E080] =	vst v63  }
0x41: {  	s31 =	rddreg [dreg:$0xc];
	s26 =	simm.s32 $0x100  }
0x42: {  	[tilespmem:s26], [sflag:$0x7] =	stream.linear.gather [hbm4b:s31+s5], $0x80, $0x38;
	[tilespmem:$0x1E080] =	vst v63  }
0x43: {  	s29 =	rddreg [dreg:$0xd]  }
0x44: {  	[tilespmem:s0], [sflag:$0x7] =	stream.linear.gather [hbm4b:s29+s5], $0x80, $0x38;
	[tilespmem:$0x1E080] =	vst v63  }
0x45: {  	s31 =	rddreg [dreg:$0xe]  }
0x46: {  	[tilespmem:s4], [sflag:$0x8] =	stream.linear.gather [hbm4b:s31+s5], $0x80, $0x38;
	[tilespmem:$0x1E080] =	vst v63  }
0x47: {  	s26 =	rddreg [dreg:$0xf];
	s29 =	simm.s32 $0x5  }
0x48: {  	[tilespmem:s2], [sflag:$0x8] =	stream.linear.gather [hbm4b:s26+s5], $0x80, $0x38;
	[tilespmem:$0x1E080] =	vst v63  }
0x49: {  	_ =	swait.ge [sflag:s29], $0x80  }
0x4a: {  	[sflag:s29] =	ssyncset.done $0x0  }
0x4b: {  	[sflag:s29] =	ssyncadd.s32 $0xFFFFFF80  }
0x4c: {  	_ =	swait.ge [sflag:s29], $0x80  }
0x4d: {  	[sflag:s29] =	ssyncset.done $0x0  }
0x4e: {  	[sflag:s29] =	ssyncadd.s32 $0xFFFFFF80  }
0x4f: {  	[tilespmem:s10], [sflag:$0x1] =	stream.indirect.gather [hbm4b:s20+s8], $0x80, s5, s8, $0xb8;
	[tilespmem:$0x1E080] =	vst v63  }
0x50: {  	s31 =	simm.s32 $0x5400  }
0x51: {  	[tilespmem:s31], [sflag:$0x3] =	stream.indirect.gather [hbm4b:s6+s8], $0x80, s12, s8, $0xb8;
	[tilespmem:$0x1E080] =	vst v63  }
0x52: {  	_ =	swait.ge [sflag:s13], $0x80  }
0x53: {  	[sflag:s13] =	ssyncset.done $0x0  }
0x54: {  	[sflag:s13] =	ssyncadd.s32 $0xFFFFFF80  }
0x55: {  	_ =	swait.ge [sflag:s13], $0x80  }
0x56: {  	[sflag:s13] =	ssyncset.done $0x0  }
0x57: {  	[sflag:s13] =	ssyncadd.s32 $0xFFFFFF80  }
0x58: {  	[tilespmem:s14], [sflag:$0x2] =	stream.indirect.gather [hbm4b:s20+s8], $0x80, s23, s8, $0xb8;
	[tilespmem:$0x1E080] =	vst v63  }
0x59: {  	s26 =	simm.s32 $0x0  }
0x5a: {  	[tilespmem:s15], [sflag:$0x4] =	stream.indirect.gather [hbm4b:s6+s8], $0x80, s30, s8, $0xb8;
	[tilespmem:$0x1E080] =	vst v63  }
.LBB2_2:
0x5b: {  	_ =	swait.ge [sflag:s16], $0x2800  }
0x5c: {  	[sflag:s16] =	ssyncset.done $0x0  }
0x5d: {  	[sflag:s16] =	ssyncadd.s32 $0xFFFFD800  }
0x5e: {  	_ =	swait.ge [sflag:s17], $0x2800  }
0x5f: {  	[sflag:s17] =	ssyncset.done $0x0  }
0x60: {  	s11 =	simm.s32 $0x500;
	[sflag:s17] =	ssyncadd.s32 $0xFFFFD800  }
0x61: {  	v9 =	vld [tilespmem:s11+$0x80]  }
0x62: {  	v10 =	vld [tilespmem:s22+$0x80]  }
0x63: {  	v11 =	vld [tilespmem:s11+$0x90]  }
0x64: {  	v12 =	vld [tilespmem:s22+$0x90]  }
0x65: {  	v13 =	vld [tilespmem:s11+$0xA0]  }
0x66: {  	v14 =	vld [tilespmem:s22+$0xA0]  }
0x67: {  	v15 =	vld [tilespmem:s11+$0xB0]  }
0x68: {  	v16 =	vld [tilespmem:s22+$0xB0]  }
0x69: {  	v17 =	vld [tilespmem:s22+$0xFFFFFF00]  }
0x6a: {  	v18 =	vld [tilespmem:s11+$0xFFFFFF10]  }
0x6b: {  	v19 =	vld [tilespmem:s22+$0xFFFFFF10]  }
0x6c: {  	v20 =	vld [tilespmem:s11+$0xFFFFFF20]  }
0x6d: {  	v21 =	vld [tilespmem:s22+$0xFFFFFF20]  }
0x6e: {  	v22 =	vld [tilespmem:s11+$0xFFFFFF90]  }
0x6f: {  	v23 =	vld [tilespmem:s22+$0xFFFFFF90];
	v9 =	vadd.f32 v10, v9  }
0x70: {  	v24 =	vld [tilespmem:s11+$0xFFFFFFA0];
	v11 =	vadd.f32 v12, v11;
	v12 =	vadd.f32 v14, v13  }
0x71: {  	v26 =	vld [tilespmem:s22+$0x0];
	v14 =	vadd.f32 v16, v15  }
0x72: {  	v27 =	vld [tilespmem:s11+$0xFFFFFF00];
	v9 =	vmax.f32 v9, $0.0e+00;
	v11 =	vmax.f32 v11, $0.0e+00;
	v12 =	vmax.f32 v12, $0.0e+00  }
0x73: {  	v10 =	vld [tilespmem:s11+$0xFFFFFF30];
	v14 =	vmax.f32 v14, $0.0e+00;
	v9 =	vmul.f32 v9, v5;
	v11 =	vmul.f32 v11, v6  }
0x74: {  	v13 =	vld [tilespmem:s22+$0xFFFFFF30];
	v12 =	vmul.f32 v12, v7;
	v14 =	vmul.f32 v14, v8  }
0x75: {  	v15 =	vld [tilespmem:s11+$0xFFFFFF80]  }
0x76: {  	v16 =	vld [tilespmem:s22+$0xFFFFFF80];
	v9 =	vadd.f32 v11, v9;
	v11 =	vadd.f32 v14, v12  }
0x77: {  	v12 =	vld [tilespmem:s22+$0xFFFFFFA0]  }
0x78: {  	v14 =	vld [tilespmem:s11+$0xFFFFFFB0];
	v9 =	vadd.f32 v11, v9  }
0x79: {  	v18 =	vadd.f32 v19, v18;
	v11 =	vld [tilespmem:s22+$0xFFFFFFB0]  }
0x7a: {  	v19 =	vld [tilespmem:s11+$0x0];
	v25 =	vperm.xlane v9, v0  }
0x7b: {  	v18 =	vmax.f32 v18, $0.0e+00;
	v15 =	vadd.f32 v16, v15;
	v16 =	vadd.f32 v23, v22;
	v22 =	vld [tilespmem:s11+$0x10]  }
0x7c: {  	v23 =	vmul.f32 v18, v6;
	v18 =	vadd.f32 v21, v20;
	v20 =	vld [tilespmem:s22+$0x10];
	v9 =	vadd.f32 v9, v25  }
0x7d: {  	v10 =	vadd.f32 v13, v10;
	v13 =	vmax.f32 v15, $0.0e+00;
	v15 =	vmax.f32 v16, $0.0e+00;
	v16 =	vld [tilespmem:s11+$0x20]  }
0x7e: {  	v12 =	vadd.f32 v12, v24;
	v24 =	vld [tilespmem:s11+$0x30];
	v11 =	vadd.f32 v11, v14;
	v21 =	vperm.xlane v9, v1  }
0x7f: {  	v17 =	vadd.f32 v17, v27;
	v13 =	vmul.f32 v13, v5;
	v15 =	vmul.f32 v15, v6;
	v14 =	vld [tilespmem:s22+$0x20]  }
0x80: {  	v12 =	vmax.f32 v12, $0.0e+00;
	v11 =	vmax.f32 v11, $0.0e+00;
	v9 =	vadd.f32 v9, v21;
	v21 =	vld [tilespmem:s22+$0x30]  }
0x81: {  	v25 =	vmax.f32 v10, $0.0e+00;
	v10 =	vmul.f32 v12, v7;
	v11 =	vmul.f32 v11, v8  }
0x82: {  	v18 =	vmax.f32 v18, $0.0e+00;
	v13 =	vadd.f32 v15, v13;
	v15 =	vadd.f32 v26, v19  }
0x83: {  	v26 =	vmul.f32 v18, v7;
	v18 =	vadd.f32 v20, v22;
	v20 =	vadd.f32 v11, v10  }
0x84: {  	v19 =	vperm.xlane v9, v2;
	v14 =	vadd.f32 v14, v16  }
0x85: {  	v17 =	vmax.f32 v17, $0.0e+00;
	v13 =	vadd.f32 v20, v13;
	v20 =	vadd.f32 v21, v24  }
0x86: {  	v27 =	vmul.f32 v17, v5;
	v22 =	vadd.f32 v9, v19  }
0x87: {  	v14 =	vmax.f32 v14, $0.0e+00;
	v21 =	vperm.xlane v13, v0;
	v24 =	vmax.f32 v20, $0.0e+00  }
0x88: {  	v17 =	vld [tilespmem:s11+$0xFFFFFFF0];
	v14 =	vmul.f32 v14, v7;
	v24 =	vmul.f32 v24, v8  }
0x89: {  	v25 =	vmul.f32 v25, v8;
	v12 =	vld [tilespmem:s11+$0xFFFFFF40];
	v21 =	vadd.f32 v13, v21;
	v13 =	vperm.xlane v22, v3  }
0x8a: {  	v15 =	vmax.f32 v15, $0.0e+00;
	v11 =	vld [tilespmem:s11+$0xFFFFFF50];
	v14 =	vadd.f32 v24, v14  }
0x8b: {  	v10 =	vld [tilespmem:s11+$0xFFFFFF60];
	v24 =	vadd.f32 v25, v26;
	v25 =	vperm.xlane v21, v1;
	v22 =	vadd.f32 v22, v13  }
0x8c: {  	v15 =	vmul.f32 v15, v5;
	v16 =	vmax.f32 v18, $0.0e+00;
	v18 =	vld [tilespmem:s11+$0xFFFFFFC0]  }
0x8d: {  	v16 =	vmul.f32 v16, v6;
	v9 =	vld [tilespmem:s11+$0xFFFFFF70];
	v21 =	vadd.f32 v21, v25;
	v25 =	vmul.f32 $1.442695020e+00, v22  }
0x8e: {  	v19 =	vld [tilespmem:s11+$0xFFFFFFD0]  }
0x8f: {  	v28 =	vadd.f32 v16, v15;
	v16 =	vld [tilespmem:s11+$0x40];
	(erf) = vpow2.f32 v25  }
0x90: {  	v15 =	vld [tilespmem:s11+$0x50]  }
0x91: {  	v23 =	vadd.f32 v23, v27;
	v20 =	vld [tilespmem:s11+$0xFFFFFFE0]  }
0x92: {  	v13 =	vld [tilespmem:s11+$0x60];
	v26 =	vadd.f32 v14, v28  }
0x93: {  	v27 =	vadd.f32 v24, v23;
	v14 =	vld [tilespmem:s11+$0x70]  }
0x94: {  	v24 =	vld [tilespmem:s11+$0xF0];
	v22 =	vperm.xlane v26, v0  }
0x95: {  	v23 =	vld [tilespmem:s11+$0xC0];
	v28 =	vperm.xlane v27, v0;
	v29 =	vperm.xlane v21, v2  }
0x96: {  	v26 =	vadd.f32 v26, v22;
	v22 =	vld [tilespmem:s11+$0xD0]  }
0x97: {  	s29 =	simm.s32 $0x0;
	s31 =	simm.s32 $0x700;
	s12 =	smov.u32 s22;
	v27 =	vadd.f32 v27, v28;
	v25 =	vadd.f32 v21, v29;
	v21 =	vld [tilespmem:s11+$0xE0]  }
.LBB2_3:
0x98: {  	v28 =	vld [tilespmem:s31+$0x80];
	v29 =	vperm.xlane v26, v1;
	s12 =	sadd.s32 $0x200, s12;
	v30 =	vpop (erf)  }
0x99: {  	v31 =	vld [tilespmem:s12+$0x80];
	v32 =	vperm.xlane v27, v1;
	v24 =	vmul.f32 v30, v24;
	v33 =	vsel vm0, v30, v4  }
0x9a: {  	v35 =	vperm.xlane v25, v3;
	v34 =	vld [tilespmem:s31+$0x90];
	v26 =	vadd.f32 v26, v29;
	v23 =	vmul.f32 v30, v23;
	[tilespmem:s11+$0xC0] =	vst v33  }
0x9b: {  	v29 =	vld [tilespmem:s12+$0x90];
	v27 =	vadd.f32 v27, v32;
	v22 =	vmul.f32 v30, v22;
	[tilespmem:s11+$0xB0] =	vst v24  }
0x9c: {  	v25 =	vadd.f32 v25, v35;
	v24 =	vld [tilespmem:s31+$0xA0];
	v32 =	vperm.xlane v26, v2;
	[tilespmem:s11+$0x80] =	vst v23;
	v21 =	vmul.f32 v30, v21  }
0x9d: {  	v23 =	vld [tilespmem:s12+$0xA0];
	v30 =	vperm.xlane v27, v2;
	[tilespmem:s11+$0x90] =	vst v22  }
0x9e: {  	v25 =	vmul.f32 $1.442695020e+00, v25;
	v22 =	vld [tilespmem:s31+$0xB0];
	v26 =	vadd.f32 v26, v32;
	[tilespmem:s11+$0xA0] =	vst v21  }
0x9f: {  	s29 =	sadd.s32 $0x4, s29;
	v32 =	vld [tilespmem:s12+$0xB0];
	v27 =	vadd.f32 v27, v30  }
0xa0: {  	p0 =	slt.u32 s29, $0x4C;
	v21 =	vld [tilespmem:s12+$0xFFFFFF00];
	v30 =	vperm.xlane v26, v3;
	(erf) = vpow2.f32 v25  }
0xa1: {  	v25 =	vld [tilespmem:s31+$0xFFFFFF10];
	v33 =	vperm.xlane v27, v3  }
0xa2: {  	v28 =	vadd.f32 v31, v28;
	v35 =	vld [tilespmem:s12+$0xFFFFFF10];
	v26 =	vadd.f32 v26, v30  }
0xa3: {  	v29 =	vadd.f32 v29, v34;
	v23 =	vadd.f32 v23, v24;
	v30 =	vld [tilespmem:s31+$0xFFFFFF20]  }
0xa4: {  	v27 =	vadd.f32 v27, v33;
	v24 =	vld [tilespmem:s12+$0xFFFFFF20];
	v22 =	vadd.f32 v32, v22;
	v26 =	vmul.f32 $1.442695020e+00, v26  }
0xa5: {  	v28 =	vmax.f32 v28, $0.0e+00;
	v29 =	vmax.f32 v29, $0.0e+00;
	v23 =	vmax.f32 v23, $0.0e+00;
	v31 =	vld [tilespmem:s31+$0xFFFFFF30]  }
0xa6: {  	v28 =	vmul.f32 v28, v5;
	v36 =	vmul.f32 v29, v6;
	v32 =	vld [tilespmem:s12+$0xFFFFFF30];
	v22 =	vmax.f32 v22, $0.0e+00  }
0xa7: {  	v23 =	vmul.f32 v23, v7;
	v25 =	vadd.f32 v35, v25;
	v33 =	vld [tilespmem:s31+$0xFFFFFF80];
	v22 =	vmul.f32 v22, v8  }
0xa8: {  	v27 =	vmul.f32 $1.442695020e+00, v27;
	v34 =	vld [tilespmem:s12+$0xFFFFFF80];
	(erf) = vpow2.f32 v26  }
0xa9: {  	v28 =	vadd.f32 v36, v28;
	v25 =	vmax.f32 v25, $0.0e+00;
	v26 =	vld [tilespmem:s31+$0xFFFFFF90];
	v23 =	vadd.f32 v22, v23;
	v29 =	vpop (erf)  }
0xaa: {  	v24 =	vadd.f32 v24, v30;
	v22 =	vmul.f32 v25, v6;
	v25 =	vld [tilespmem:s12+$0xFFFFFF90];
	(erf) = vpow2.f32 v27  }
0xab: {  	v18 =	vmul.f32 v29, v18;
	v27 =	vadd.f32 v32, v31;
	v30 =	vld [tilespmem:s31+$0xFFFFFFA0];
	v23 =	vadd.f32 v23, v28  }
0xac: {  	v19 =	vmul.f32 v29, v19;
	v20 =	vmul.f32 v29, v20;
	v24 =	vmax.f32 v24, $0.0e+00;
	v28 =	vld [tilespmem:s12+$0xFFFFFFA0]  }
0xad: {  	v27 =	vmax.f32 v27, $0.0e+00;
	v31 =	vadd.f32 v34, v33;
	v32 =	vld [tilespmem:s31+$0xFFFFFFB0];
	v33 =	vperm.xlane v23, v0;
	[tilespmem:s11+$0xFFFFFF80] =	vst v18  }
0xae: {  	v18 =	vmul.f32 v24, v7;
	v24 =	vmul.f32 v27, v8;
	v27 =	vld [tilespmem:s12+$0xFFFFFFB0];
	[tilespmem:s11+$0xFFFFFF90] =	vst v19;
	v19 =	vsel vm0, v29, v4  }
0xaf: {  	v31 =	vmax.f32 v31, $0.0e+00;
	v25 =	vadd.f32 v25, v26;
	v26 =	vld [tilespmem:s31+$0x0];
	v23 =	vadd.f32 v23, v33;
	[tilespmem:s11+$0xFFFFFFA0] =	vst v20  }
0xb0: {  	v34 =	vmul.f32 v29, v17;
	v24 =	vadd.f32 v24, v18;
	v18 =	vmul.f32 v31, v5;
	v20 =	vld [tilespmem:s12+$0x0];
	[tilespmem:s11+$0xFFFFFFC0] =	vst v19  }
0xb1: {  	v19 =	vmax.f32 v25, $0.0e+00;
	v25 =	vadd.f32 v28, v30;
	v28 =	vld [tilespmem:s31+$0x10];
	v29 =	vperm.xlane v23, v1;
	v30 =	vpop (erf)  }
0xb2: {  	v19 =	vmul.f32 v19, v6;
	v31 =	vld [tilespmem:s12+$0x10];
	[tilespmem:s11+$0xFFFFFFB0] =	vst v34;
	v16 =	vmul.f32 v30, v16;
	v33 =	vsel vm0, v30, v4  }
0xb3: {  	v25 =	vmax.f32 v25, $0.0e+00;
	v27 =	vadd.f32 v27, v32;
	v32 =	vld [tilespmem:s31+$0x20];
	v23 =	vadd.f32 v23, v29;
	[tilespmem:s11+$0x40] =	vst v33;
	v17 =	vpop (erf)  }
0xb4: {  	v25 =	vmul.f32 v25, v7;
	v18 =	vadd.f32 v19, v18;
	v19 =	vld [tilespmem:s12+$0x20];
	v12 =	vmul.f32 v17, v12;
	[tilespmem:s11+$0x0] =	vst v16  }
0xb5: {  	v16 =	vmax.f32 v27, $0.0e+00;
	v20 =	vadd.f32 v20, v26;
	v26 =	vld [tilespmem:s31+$0x30];
	v27 =	vperm.xlane v23, v2  }
0xb6: {  	v11 =	vmul.f32 v17, v11;
	v16 =	vmul.f32 v16, v8;
	v29 =	vld [tilespmem:s12+$0x30];
	[tilespmem:s11+$0xFFFFFF00] =	vst v12;
	v12 =	vsel vm0, v17, v4  }
0xb7: {  	v33 =	vld [tilespmem:s31+$0xFFFFFF00];
	v20 =	vmax.f32 v20, $0.0e+00;
	v28 =	vadd.f32 v31, v28;
	v23 =	vadd.f32 v23, v27;
	[tilespmem:s11+$0xFFFFFF40] =	vst v12  }
0xb8: {  	v12 =	vld [tilespmem:s31+$0xFFFFFF40];
	v16 =	vadd.f32 v16, v25;
	v20 =	vmul.f32 v20, v5;
	[tilespmem:s11+$0xFFFFFF10] =	vst v11;
	v25 =	vmul.f32 v17, v10  }
0xb9: {  	v11 =	vld [tilespmem:s31+$0xFFFFFF50];
	v27 =	vmax.f32 v28, $0.0e+00;
	v19 =	vadd.f32 v19, v32;
	v28 =	vperm.xlane v23, v3  }
0xba: {  	v17 =	vmul.f32 v17, v9;
	v10 =	vld [tilespmem:s31+$0xFFFFFF60];
	v16 =	vadd.f32 v16, v18;
	v27 =	vmul.f32 v27, v6;
	[tilespmem:s11+$0xFFFFFF20] =	vst v25  }
0xbb: {  	v9 =	vld [tilespmem:s31+$0xFFFFFF70];
	v19 =	vmax.f32 v19, $0.0e+00;
	v25 =	vadd.f32 v29, v26;
	v23 =	vadd.f32 v23, v28  }
0xbc: {  	v21 =	vadd.f32 v21, v33;
	v18 =	vld [tilespmem:s31+$0xFFFFFFC0];
	v26 =	vmul.f32 v19, v7;
	v27 =	vadd.f32 v27, v20;
	[tilespmem:s11+$0xFFFFFF30] =	vst v17  }
0xbd: {  	v17 =	vperm.xlane v16, v0;
	v19 =	vld [tilespmem:s31+$0xFFFFFFD0];
	v25 =	vmax.f32 v25, $0.0e+00;
	v23 =	vmul.f32 $1.442695020e+00, v23  }
0xbe: {  	v15 =	vmul.f32 v30, v15;
	v21 =	vmax.f32 v21, $0.0e+00;
	v20 =	vld [tilespmem:s31+$0xFFFFFFE0];
	v25 =	vmul.f32 v25, v8  }
0xbf: {  	v28 =	vadd.f32 v16, v17;
	v21 =	vmul.f32 v21, v5;
	v17 =	vld [tilespmem:s31+$0xFFFFFFF0];
	(erf) = vpow2.f32 v23  }
0xc0: {  	v23 =	vadd.f32 v25, v26;
	v16 =	vld [tilespmem:s31+$0x40];
	[tilespmem:s11+$0x10] =	vst v15;
	v25 =	vmul.f32 v30, v13;
	v26 =	vmul.f32 v30, v14  }
0xc1: {  	v14 =	vadd.f32 v22, v21;
	v21 =	vperm.xlane v28, v1;
	v15 =	vld [tilespmem:s31+$0x50]  }
0xc2: {  	v22 =	vadd.f32 v23, v27;
	v13 =	vld [tilespmem:s31+$0x60];
	[tilespmem:s11+$0x20] =	vst v25  }
.Ltmp2:
0xc3: {  	v25 =	vadd.f32 v24, v14;
	v21 =	vadd.f32 v28, v21;
	v14 =	vld [tilespmem:s31+$0x70];
	[tilespmem:s11+$0x30] =	vst v26;
	s11 =	smov.u32 s31;
	(pc) =	sbr.rel @p0 .LBB2_3-.Ltmp2, $4  }
0xc4: {  	v26 =	vperm.xlane v22, v0;
	v24 =	vld [tilespmem:s31+$0xF0]  }
0xc5: {  	v27 =	vperm.xlane v25, v0;
	v28 =	vperm.xlane v21, v2;
	v23 =	vld [tilespmem:s31+$0xC0]  }
0xc6: {  	v26 =	vadd.f32 v22, v26;
	v22 =	vld [tilespmem:s31+$0xD0]  }
0xc7: {  	s31 =	sadd.s32 $0x200, s31;
	v27 =	vadd.f32 v25, v27;
	v25 =	vadd.f32 v21, v28;
	v21 =	vld [tilespmem:s11+$0xE0]  }
0xc8: {  	v28 =	vperm.xlane v26, v1  }
0xc9: {  	v29 =	vperm.xlane v27, v1  }
0xca: {  	v30 =	vperm.xlane v25, v3;
	v26 =	vadd.f32 v26, v28  }
0xcb: {  	v27 =	vadd.f32 v27, v29  }
0xcc: {  	v25 =	vadd.f32 v25, v30;
	v28 =	vperm.xlane v26, v2  }
0xcd: {  	v29 =	vperm.xlane v27, v2  }
0xce: {  	v25 =	vmul.f32 $1.442695020e+00, v25;
	v26 =	vadd.f32 v26, v28  }
0xcf: {  	v27 =	vadd.f32 v27, v29  }
0xd0: {  	(erf) = vpow2.f32 v25;
	v28 =	vperm.xlane v26, v3  }
0xd1: {  	v25 =	vperm.xlane v27, v3  }
0xd2: {  	v26 =	vadd.f32 v26, v28  }
0xd3: {  	v25 =	vadd.f32 v27, v25  }
0xd4: {  	v27 =	vpop (erf);
	v26 =	vmul.f32 $1.442695020e+00, v26  }
0xd5: {  	v24 =	vmul.f32 v27, v24;
	v25 =	vmul.f32 $1.442695020e+00, v25  }
0xd6: {  	v28 =	vsel vm0, v27, v4;
	(erf) = vpow2.f32 v26  }
0xd7: {  	v23 =	vmul.f32 v27, v23;
	[tilespmem:s11+$0xC0] =	vst v28;
	(erf) = vpow2.f32 v25  }
0xd8: {  	v22 =	vmul.f32 v27, v22;
	[tilespmem:s11+$0xB0] =	vst v24  }
0xd9: {  	v21 =	vmul.f32 v27, v21;
	[tilespmem:s11+$0x80] =	vst v23;
	v24 =	vpop (erf)  }
0xda: {  	[tilespmem:s11+$0x90] =	vst v22;
	v18 =	vmul.f32 v24, v18  }
0xdb: {  	[tilespmem:s11+$0xA0] =	vst v21;
	v19 =	vmul.f32 v24, v19  }
0xdc: {  	v20 =	vmul.f32 v24, v20;
	[tilespmem:s11+$0xFFFFFF80] =	vst v18;
	v18 =	vsel vm0, v24, v4  }
0xdd: {  	[tilespmem:s11+$0xFFFFFF90] =	vst v19  }
0xde: {  	v17 =	vmul.f32 v24, v17;
	[tilespmem:s11+$0xFFFFFFA0] =	vst v20  }
0xdf: {  	[tilespmem:s11+$0xFFFFFFC0] =	vst v18;
	v18 =	vpop (erf)  }
0xe0: {  	[tilespmem:s11+$0xFFFFFFB0] =	vst v17;
	v16 =	vmul.f32 v18, v16;
	v17 =	vsel vm0, v18, v4;
	v19 =	vpop (erf)  }
0xe1: {  	[tilespmem:s11+$0x40] =	vst v17;
	v12 =	vmul.f32 v19, v12  }
0xe2: {  	v11 =	vmul.f32 v19, v11;
	[tilespmem:s11+$0x0] =	vst v16  }
0xe3: {  	v10 =	vmul.f32 v19, v10;
	[tilespmem:s11+$0xFFFFFF00] =	vst v12  }
0xe4: {  	v9 =	vmul.f32 v19, v9;
	[tilespmem:s11+$0xFFFFFF10] =	vst v11  }
0xe5: {  	[tilespmem:s11+$0xFFFFFF20] =	vst v10  }
0xe6: {  	v12 =	vsel vm0, v19, v4;
	v10 =	vmul.f32 v18, v15;
	[tilespmem:s11+$0xFFFFFF30] =	vst v9  }
0xe7: {  	v9 =	vmul.f32 v18, v13;
	[tilespmem:s11+$0xFFFFFF40] =	vst v12  }
0xe8: {  	[tilespmem:s11+$0x10] =	vst v10;
	v10 =	vmul.f32 v18, v14  }
0xe9: {  	[tilespmem:s11+$0x20] =	vst v9  }
0xea: {  	s23 =	simm.s32 $0x200;
	[tilespmem:s11+$0x30] =	vst v10  }
0xeb: {  	[spmem:s3] =	stream.indirect.scatter.add.f32 [tilespmem:s10], [sflag:$0x9], $0x80, s23, s8, $0xb8;
	[tilespmem:$0x1E080] =	vst v63  }
0xec: {  	_ =	swait.ge [sflag:s25], $0x2800  }
0xed: {  	[sflag:s25] =	ssyncset.done $0x0  }
0xee: {  	[sflag:s25] =	ssyncadd.s32 $0xFFFFD800  }
0xef: {  	_ =	swait.ge [sflag:s18], $0x80  }
0xf0: {  	[sflag:s18] =	ssyncset.done $0x0  }
0xf1: {  	[sflag:s18] =	ssyncadd.s32 $0xFFFFFF80  }
0xf2: {  	_ =	swait.ge [sflag:s18], $0x80  }
0xf3: {  	s12 =	simm.s32 $0x100;
	[sflag:s18] =	ssyncset.done $0x0  }
0xf4: {  	p0 =	seq.s32 s26, $0x7F;
	s11 =	sshll.u32 s26, $0x2;
	[sflag:s18] =	ssyncadd.s32 $0xFFFFFF80  }
0xf5: {  	[tilespmem:s10], [sflag:$0x1] =	stream.indirect.gather [hbm4b:s20+s8], $0x80, s12, s8, $0xb8;
	[tilespmem:$0x1E080] =	vst v63  }
0xf6: {  	s23 =	simm.s32 $0x5400;
	s12 =	sadd.s32 @!p0 $0x4, s11  }
0xf7: {  	[tilespmem:s23], [sflag:$0x3] =	stream.indirect.gather [hbm4b:s6+s8], $0x80, s0, s8, $0xb8;
	[tilespmem:$0x1E080] =	vst v63  }
0xf8: {  	s23 =	sadd.s32 @!p0 s9, s12  }
0xf9: {  	s12 =	sshll.u32 @!p0 s12, $0x4;
	s23 =	sshll.u32 @!p0 s23, $0x4  }
0xfa: {  	s12 =	sand.u32 @!p0 $0x40, s12;
	s23 =	sand.u32 @!p0 $0x3FF80, s23  }
0xfb: {  	s12 =	sor.u32 @!p0 s12, s23  }
0xfc: {  	s29 =	simm.s32 @!p0 $0x0;
	s23 =	sadd.s32 @!p0 s1, s12  }
0xfd: {  	[tilespmem:s29], [sflag:$0x5] =	stream.linear.gather @!p0 [hbm4b:s23+s29], $0x80, $0x38;
	[tilespmem:$0x1E080] =	vst v63  }
0xfe: {  	s12 =	sadd.s32 @!p0 s7, s12;
	s23 =	simm.s32 @!p0 $0x200  }
0xff: {  	[tilespmem:s23], [sflag:$0x5] =	stream.linear.gather @!p0 [hbm4b:s12+s29], $0x80, $0x38;
	[tilespmem:$0x1E080] =	vst v63  }
0x100: {  	_ =	swait.ge [sflag:s19], $0x2800  }
0x101: {  	[sflag:s19] =	ssyncset.done $0x0  }
0x102: {  	[sflag:s19] =	ssyncadd.s32 $0xFFFFD800  }
0x103: {  	_ =	swait.ge [sflag:s21], $0x2800  }
0x104: {  	[sflag:s21] =	ssyncset.done $0x0  }
0x105: {  	s29 =	simm.s32 $0x2C00;
	[sflag:s21] =	ssyncadd.s32 $0xFFFFD800  }
0x106: {  	v9 =	vld [tilespmem:s29+$0x180]  }
0x107: {  	v10 =	vld [tilespmem:s28+$0xFFFFFFD0]  }
0x108: {  	v11 =	vld [tilespmem:s29+$0x190]  }
0x109: {  	v12 =	vld [tilespmem:s28+$0xFFFFFFE0]  }
0x10a: {  	v13 =	vld [tilespmem:s29+$0x1A0]  }
0x10b: {  	v14 =	vld [tilespmem:s28+$0xFFFFFFF0]  }
0x10c: {  	v15 =	vld [tilespmem:s29+$0x1B0]  }
0x10d: {  	v16 =	vld [tilespmem:s28+$0x0]  }
0x10e: {  	v17 =	vld [tilespmem:s28+$0xFFFFFE50]  }
0x10f: {  	v18 =	vld [tilespmem:s29+$0x10]  }
0x110: {  	v19 =	vld [tilespmem:s28+$0xFFFFFE60]  }
0x111: {  	v20 =	vld [tilespmem:s29+$0x20]  }
0x112: {  	v21 =	vld [tilespmem:s28+$0xFFFFFE70]  }
0x113: {  	v22 =	vld [tilespmem:s29+$0x90]  }
0x114: {  	v23 =	vld [tilespmem:s28+$0xFFFFFEE0];
	v9 =	vadd.f32 v10, v9  }
0x115: {  	v24 =	vld [tilespmem:s29+$0xA0];
	v11 =	vadd.f32 v12, v11;
	v12 =	vadd.f32 v14, v13  }
0x116: {  	v26 =	vld [tilespmem:s28+$0xFFFFFF50];
	v14 =	vadd.f32 v16, v15  }
0x117: {  	v27 =	vld [tilespmem:s29+$0x0];
	v9 =	vmax.f32 v9, $0.0e+00;
	v11 =	vmax.f32 v11, $0.0e+00;
	v12 =	vmax.f32 v12, $0.0e+00  }
0x118: {  	v10 =	vld [tilespmem:s29+$0x30];
	v14 =	vmax.f32 v14, $0.0e+00;
	v9 =	vmul.f32 v9, v5;
	v11 =	vmul.f32 v11, v6  }
0x119: {  	v13 =	vld [tilespmem:s28+$0xFFFFFE80];
	v12 =	vmul.f32 v12, v7;
	v14 =	vmul.f32 v14, v8  }
0x11a: {  	v15 =	vld [tilespmem:s29+$0x80]  }
0x11b: {  	v16 =	vld [tilespmem:s28+$0xFFFFFED0];
	v9 =	vadd.f32 v11, v9;
	v11 =	vadd.f32 v14, v12  }
0x11c: {  	v12 =	vld [tilespmem:s28+$0xFFFFFEF0]  }
0x11d: {  	v14 =	vld [tilespmem:s29+$0xB0];
	v9 =	vadd.f32 v11, v9  }
0x11e: {  	v18 =	vadd.f32 v19, v18;
	v11 =	vld [tilespmem:s28+$0xFFFFFF00]  }
0x11f: {  	v19 =	vld [tilespmem:s29+$0x100];
	v25 =	vperm.xlane v9, v0  }
0x120: {  	v18 =	vmax.f32 v18, $0.0e+00;
	v15 =	vadd.f32 v16, v15;
	v16 =	vadd.f32 v23, v22;
	v22 =	vld [tilespmem:s29+$0x110]  }
0x121: {  	v23 =	vmul.f32 v18, v6;
	v18 =	vadd.f32 v21, v20;
	v20 =	vld [tilespmem:s28+$0xFFFFFF60];
	v9 =	vadd.f32 v9, v25  }
0x122: {  	v10 =	vadd.f32 v13, v10;
	v13 =	vmax.f32 v15, $0.0e+00;
	v15 =	vmax.f32 v16, $0.0e+00;
	v16 =	vld [tilespmem:s29+$0x120]  }
0x123: {  	v12 =	vadd.f32 v12, v24;
	v24 =	vld [tilespmem:s29+$0x130];
	v11 =	vadd.f32 v11, v14;
	v21 =	vperm.xlane v9, v1  }
0x124: {  	v17 =	vadd.f32 v17, v27;
	v13 =	vmul.f32 v13, v5;
	v15 =	vmul.f32 v15, v6;
	v14 =	vld [tilespmem:s28+$0xFFFFFF70]  }
0x125: {  	v12 =	vmax.f32 v12, $0.0e+00;
	v11 =	vmax.f32 v11, $0.0e+00;
	v9 =	vadd.f32 v9, v21;
	v21 =	vld [tilespmem:s28+$0xFFFFFF80]  }
0x126: {  	v25 =	vmax.f32 v10, $0.0e+00;
	v10 =	vmul.f32 v12, v7;
	v11 =	vmul.f32 v11, v8  }
0x127: {  	v18 =	vmax.f32 v18, $0.0e+00;
	v13 =	vadd.f32 v15, v13;
	v15 =	vadd.f32 v26, v19  }
0x128: {  	v26 =	vmul.f32 v18, v7;
	v18 =	vadd.f32 v20, v22;
	v20 =	vadd.f32 v11, v10  }
0x129: {  	v19 =	vperm.xlane v9, v2;
	v14 =	vadd.f32 v14, v16  }
0x12a: {  	v17 =	vmax.f32 v17, $0.0e+00;
	v13 =	vadd.f32 v20, v13;
	v20 =	vadd.f32 v21, v24  }
0x12b: {  	v27 =	vmul.f32 v17, v5;
	v22 =	vadd.f32 v9, v19  }
0x12c: {  	v14 =	vmax.f32 v14, $0.0e+00;
	v21 =	vperm.xlane v13, v0;
	v24 =	vmax.f32 v20, $0.0e+00  }
0x12d: {  	v17 =	vld [tilespmem:s29+$0xF0];
	v14 =	vmul.f32 v14, v7;
	v24 =	vmul.f32 v24, v8  }
0x12e: {  	v25 =	vmul.f32 v25, v8;
	v12 =	vld [tilespmem:s29+$0x40];
	v21 =	vadd.f32 v13, v21;
	v13 =	vperm.xlane v22, v3  }
0x12f: {  	v15 =	vmax.f32 v15, $0.0e+00;
	v11 =	vld [tilespmem:s29+$0x50];
	v14 =	vadd.f32 v24, v14  }
0x130: {  	v10 =	vld [tilespmem:s29+$0x60];
	v24 =	vadd.f32 v25, v26;
	v25 =	vperm.xlane v21, v1;
	v22 =	vadd.f32 v22, v13  }
0x131: {  	v15 =	vmul.f32 v15, v5;
	v16 =	vmax.f32 v18, $0.0e+00;
	v18 =	vld [tilespmem:s29+$0xC0]  }
0x132: {  	v16 =	vmul.f32 v16, v6;
	v9 =	vld [tilespmem:s29+$0x70];
	v21 =	vadd.f32 v21, v25;
	v25 =	vmul.f32 $1.442695020e+00, v22  }
0x133: {  	v19 =	vld [tilespmem:s29+$0xD0]  }
0x134: {  	v28 =	vadd.f32 v16, v15;
	v16 =	vld [tilespmem:s29+$0x140];
	(erf) = vpow2.f32 v25  }
0x135: {  	v15 =	vld [tilespmem:s29+$0x150]  }
0x136: {  	v23 =	vadd.f32 v23, v27;
	v20 =	vld [tilespmem:s29+$0xE0]  }
0x137: {  	v13 =	vld [tilespmem:s29+$0x160];
	v26 =	vadd.f32 v14, v28  }
0x138: {  	v27 =	vadd.f32 v24, v23;
	v14 =	vld [tilespmem:s29+$0x170]  }
0x139: {  	v24 =	vld [tilespmem:s29+$0x1F0];
	v22 =	vperm.xlane v26, v0  }
0x13a: {  	v23 =	vld [tilespmem:s29+$0x1C0];
	v28 =	vperm.xlane v27, v0;
	v29 =	vperm.xlane v21, v2  }
0x13b: {  	v26 =	vadd.f32 v26, v22;
	v22 =	vld [tilespmem:s29+$0x1D0]  }
0x13c: {  	s31 =	simm.s32 $0x0;
	s12 =	simm.s32 $0x2E00;
	s23 =	smov.u32 s28;
	v27 =	vadd.f32 v27, v28;
	v25 =	vadd.f32 v21, v29;
	v21 =	vld [tilespmem:s29+$0x1E0]  }
.LBB2_5:
0x13d: {  	v28 =	vld [tilespmem:s12+$0x180];
	v29 =	vperm.xlane v26, v1;
	s23 =	sadd.s32 $0x200, s23;
	v30 =	vpop (erf)  }
0x13e: {  	v31 =	vld [tilespmem:s23+$0xFFFFFFD0];
	v32 =	vperm.xlane v27, v1;
	v24 =	vmul.f32 v30, v24;
	v33 =	vsel vm0, v30, v4  }
0x13f: {  	v35 =	vperm.xlane v25, v3;
	v34 =	vld [tilespmem:s12+$0x190];
	v26 =	vadd.f32 v26, v29;
	v23 =	vmul.f32 v30, v23;
	[tilespmem:s29+$0x1C0] =	vst v33  }
0x140: {  	v29 =	vld [tilespmem:s23+$0xFFFFFFE0];
	v27 =	vadd.f32 v27, v32;
	v22 =	vmul.f32 v30, v22;
	[tilespmem:s29+$0x1B0] =	vst v24  }
0x141: {  	v25 =	vadd.f32 v25, v35;
	v24 =	vld [tilespmem:s12+$0x1A0];
	v32 =	vperm.xlane v26, v2;
	[tilespmem:s29+$0x180] =	vst v23;
	v21 =	vmul.f32 v30, v21  }
0x142: {  	v23 =	vld [tilespmem:s23+$0xFFFFFFF0];
	v30 =	vperm.xlane v27, v2;
	[tilespmem:s29+$0x190] =	vst v22  }
0x143: {  	v25 =	vmul.f32 $1.442695020e+00, v25;
	v22 =	vld [tilespmem:s12+$0x1B0];
	v26 =	vadd.f32 v26, v32;
	[tilespmem:s29+$0x1A0] =	vst v21  }
0x144: {  	s31 =	sadd.s32 $0x4, s31;
	v32 =	vld [tilespmem:s23+$0x0];
	v27 =	vadd.f32 v27, v30  }
0x145: {  	p1 =	slt.u32 s31, $0x4C;
	v21 =	vld [tilespmem:s23+$0xFFFFFE50];
	v30 =	vperm.xlane v26, v3;
	(erf) = vpow2.f32 v25  }
0x146: {  	v25 =	vld [tilespmem:s12+$0x10];
	v33 =	vperm.xlane v27, v3  }
0x147: {  	v28 =	vadd.f32 v31, v28;
	v35 =	vld [tilespmem:s23+$0xFFFFFE60];
	v26 =	vadd.f32 v26, v30  }
0x148: {  	v29 =	vadd.f32 v29, v34;
	v23 =	vadd.f32 v23, v24;
	v30 =	vld [tilespmem:s12+$0x20]  }
0x149: {  	v27 =	vadd.f32 v27, v33;
	v24 =	vld [tilespmem:s23+$0xFFFFFE70];
	v22 =	vadd.f32 v32, v22;
	v26 =	vmul.f32 $1.442695020e+00, v26  }
0x14a: {  	v28 =	vmax.f32 v28, $0.0e+00;
	v29 =	vmax.f32 v29, $0.0e+00;
	v23 =	vmax.f32 v23, $0.0e+00;
	v31 =	vld [tilespmem:s12+$0x30]  }
0x14b: {  	v28 =	vmul.f32 v28, v5;
	v36 =	vmul.f32 v29, v6;
	v32 =	vld [tilespmem:s23+$0xFFFFFE80];
	v22 =	vmax.f32 v22, $0.0e+00  }
0x14c: {  	v23 =	vmul.f32 v23, v7;
	v25 =	vadd.f32 v35, v25;
	v33 =	vld [tilespmem:s12+$0x80];
	v22 =	vmul.f32 v22, v8  }
0x14d: {  	v27 =	vmul.f32 $1.442695020e+00, v27;
	v34 =	vld [tilespmem:s23+$0xFFFFFED0];
	(erf) = vpow2.f32 v26  }
0x14e: {  	v28 =	vadd.f32 v36, v28;
	v25 =	vmax.f32 v25, $0.0e+00;
	v26 =	vld [tilespmem:s12+$0x90];
	v23 =	vadd.f32 v22, v23;
	v29 =	vpop (erf)  }
0x14f: {  	v24 =	vadd.f32 v24, v30;
	v22 =	vmul.f32 v25, v6;
	v25 =	vld [tilespmem:s23+$0xFFFFFEE0];
	(erf) = vpow2.f32 v27  }
0x150: {  	v18 =	vmul.f32 v29, v18;
	v27 =	vadd.f32 v32, v31;
	v30 =	vld [tilespmem:s12+$0xA0];
	v23 =	vadd.f32 v23, v28  }
0x151: {  	v19 =	vmul.f32 v29, v19;
	v20 =	vmul.f32 v29, v20;
	v24 =	vmax.f32 v24, $0.0e+00;
	v28 =	vld [tilespmem:s23+$0xFFFFFEF0]  }
0x152: {  	v27 =	vmax.f32 v27, $0.0e+00;
	v31 =	vadd.f32 v34, v33;
	v32 =	vld [tilespmem:s12+$0xB0];
	v33 =	vperm.xlane v23, v0;
	[tilespmem:s29+$0x80] =	vst v18  }
0x153: {  	v18 =	vmul.f32 v24, v7;
	v24 =	vmul.f32 v27, v8;
	v27 =	vld [tilespmem:s23+$0xFFFFFF00];
	[tilespmem:s29+$0x90] =	vst v19;
	v19 =	vsel vm0, v29, v4  }
0x154: {  	v31 =	vmax.f32 v31, $0.0e+00;
	v25 =	vadd.f32 v25, v26;
	v26 =	vld [tilespmem:s12+$0x100];
	v23 =	vadd.f32 v23, v33;
	[tilespmem:s29+$0xA0] =	vst v20  }
0x155: {  	v34 =	vmul.f32 v29, v17;
	v24 =	vadd.f32 v24, v18;
	v18 =	vmul.f32 v31, v5;
	v20 =	vld [tilespmem:s23+$0xFFFFFF50];
	[tilespmem:s29+$0xC0] =	vst v19  }
0x156: {  	v19 =	vmax.f32 v25, $0.0e+00;
	v25 =	vadd.f32 v28, v30;
	v28 =	vld [tilespmem:s12+$0x110];
	v29 =	vperm.xlane v23, v1;
	v30 =	vpop (erf)  }
0x157: {  	v19 =	vmul.f32 v19, v6;
	v31 =	vld [tilespmem:s23+$0xFFFFFF60];
	[tilespmem:s29+$0xB0] =	vst v34;
	v16 =	vmul.f32 v30, v16;
	v33 =	vsel vm0, v30, v4  }
0x158: {  	v25 =	vmax.f32 v25, $0.0e+00;
	v27 =	vadd.f32 v27, v32;
	v32 =	vld [tilespmem:s12+$0x120];
	v23 =	vadd.f32 v23, v29;
	[tilespmem:s29+$0x140] =	vst v33;
	v17 =	vpop (erf)  }
0x159: {  	v25 =	vmul.f32 v25, v7;
	v18 =	vadd.f32 v19, v18;
	v19 =	vld [tilespmem:s23+$0xFFFFFF70];
	v12 =	vmul.f32 v17, v12;
	[tilespmem:s29+$0x100] =	vst v16  }
0x15a: {  	v16 =	vmax.f32 v27, $0.0e+00;
	v20 =	vadd.f32 v20, v26;
	v26 =	vld [tilespmem:s12+$0x130];
	v27 =	vperm.xlane v23, v2  }
0x15b: {  	v11 =	vmul.f32 v17, v11;
	v16 =	vmul.f32 v16, v8;
	v29 =	vld [tilespmem:s23+$0xFFFFFF80];
	[tilespmem:s29+$0x0] =	vst v12;
	v12 =	vsel vm0, v17, v4  }
0x15c: {  	v33 =	vld [tilespmem:s12+$0x0];
	v20 =	vmax.f32 v20, $0.0e+00;
	v28 =	vadd.f32 v31, v28;
	v23 =	vadd.f32 v23, v27;
	[tilespmem:s29+$0x40] =	vst v12  }
0x15d: {  	v12 =	vld [tilespmem:s12+$0x40];
	v16 =	vadd.f32 v16, v25;
	v20 =	vmul.f32 v20, v5;
	[tilespmem:s29+$0x10] =	vst v11;
	v25 =	vmul.f32 v17, v10  }
0x15e: {  	v11 =	vld [tilespmem:s12+$0x50];
	v27 =	vmax.f32 v28, $0.0e+00;
	v19 =	vadd.f32 v19, v32;
	v28 =	vperm.xlane v23, v3  }
0x15f: {  	v17 =	vmul.f32 v17, v9;
	v10 =	vld [tilespmem:s12+$0x60];
	v16 =	vadd.f32 v16, v18;
	v27 =	vmul.f32 v27, v6;
	[tilespmem:s29+$0x20] =	vst v25  }
0x160: {  	v9 =	vld [tilespmem:s12+$0x70];
	v19 =	vmax.f32 v19, $0.0e+00;
	v25 =	vadd.f32 v29, v26;
	v23 =	vadd.f32 v23, v28  }
0x161: {  	v21 =	vadd.f32 v21, v33;
	v18 =	vld [tilespmem:s12+$0xC0];
	v26 =	vmul.f32 v19, v7;
	v27 =	vadd.f32 v27, v20;
	[tilespmem:s29+$0x30] =	vst v17  }
0x162: {  	v17 =	vperm.xlane v16, v0;
	v19 =	vld [tilespmem:s12+$0xD0];
	v25 =	vmax.f32 v25, $0.0e+00;
	v23 =	vmul.f32 $1.442695020e+00, v23  }
0x163: {  	v15 =	vmul.f32 v30, v15;
	v21 =	vmax.f32 v21, $0.0e+00;
	v20 =	vld [tilespmem:s12+$0xE0];
	v25 =	vmul.f32 v25, v8  }
0x164: {  	v28 =	vadd.f32 v16, v17;
	v21 =	vmul.f32 v21, v5;
	v17 =	vld [tilespmem:s12+$0xF0];
	(erf) = vpow2.f32 v23  }
0x165: {  	v23 =	vadd.f32 v25, v26;
	v16 =	vld [tilespmem:s12+$0x140];
	[tilespmem:s29+$0x110] =	vst v15;
	v25 =	vmul.f32 v30, v13;
	v26 =	vmul.f32 v30, v14  }
0x166: {  	v14 =	vadd.f32 v22, v21;
	v21 =	vperm.xlane v28, v1;
	v15 =	vld [tilespmem:s12+$0x150]  }
0x167: {  	v22 =	vadd.f32 v23, v27;
	v13 =	vld [tilespmem:s12+$0x160];
	[tilespmem:s29+$0x120] =	vst v25  }
.Ltmp3:
0x168: {  	v25 =	vadd.f32 v24, v14;
	v21 =	vadd.f32 v28, v21;
	v14 =	vld [tilespmem:s12+$0x170];
	[tilespmem:s29+$0x130] =	vst v26;
	s29 =	smov.u32 s12;
	(pc) =	sbr.rel @p1 .LBB2_5-.Ltmp3, $4  }
0x169: {  	v26 =	vperm.xlane v22, v0;
	v24 =	vld [tilespmem:s12+$0x1F0]  }
0x16a: {  	v27 =	vperm.xlane v25, v0;
	v28 =	vperm.xlane v21, v2;
	v23 =	vld [tilespmem:s12+$0x1C0]  }
0x16b: {  	v26 =	vadd.f32 v22, v26;
	v22 =	vld [tilespmem:s12+$0x1D0]  }
0x16c: {  	s12 =	sadd.s32 $0x200, s12;
	v27 =	vadd.f32 v25, v27;
	v25 =	vadd.f32 v21, v28;
	v21 =	vld [tilespmem:s29+$0x1E0]  }
0x16d: {  	v28 =	vperm.xlane v26, v1  }
0x16e: {  	v29 =	vperm.xlane v27, v1  }
0x16f: {  	v30 =	vperm.xlane v25, v3;
	v26 =	vadd.f32 v26, v28  }
0x170: {  	v27 =	vadd.f32 v27, v29  }
0x171: {  	v25 =	vadd.f32 v25, v30;
	v28 =	vperm.xlane v26, v2  }
0x172: {  	v29 =	vperm.xlane v27, v2  }
0x173: {  	v25 =	vmul.f32 $1.442695020e+00, v25;
	v26 =	vadd.f32 v26, v28  }
0x174: {  	v27 =	vadd.f32 v27, v29  }
0x175: {  	(erf) = vpow2.f32 v25;
	v28 =	vperm.xlane v26, v3  }
0x176: {  	v25 =	vperm.xlane v27, v3  }
0x177: {  	v26 =	vadd.f32 v26, v28  }
0x178: {  	v25 =	vadd.f32 v27, v25  }
0x179: {  	v27 =	vpop (erf);
	v26 =	vmul.f32 $1.442695020e+00, v26  }
0x17a: {  	v24 =	vmul.f32 v27, v24;
	v25 =	vmul.f32 $1.442695020e+00, v25  }
0x17b: {  	v28 =	vsel vm0, v27, v4;
	(erf) = vpow2.f32 v26  }
0x17c: {  	v23 =	vmul.f32 v27, v23;
	[tilespmem:s29+$0x1C0] =	vst v28;
	(erf) = vpow2.f32 v25  }
0x17d: {  	v22 =	vmul.f32 v27, v22;
	[tilespmem:s29+$0x1B0] =	vst v24  }
0x17e: {  	v21 =	vmul.f32 v27, v21;
	[tilespmem:s29+$0x180] =	vst v23;
	v24 =	vpop (erf)  }
0x17f: {  	[tilespmem:s29+$0x190] =	vst v22;
	v18 =	vmul.f32 v24, v18  }
0x180: {  	[tilespmem:s29+$0x1A0] =	vst v21;
	v19 =	vmul.f32 v24, v19  }
0x181: {  	v20 =	vmul.f32 v24, v20;
	[tilespmem:s29+$0x80] =	vst v18;
	v18 =	vsel vm0, v24, v4  }
0x182: {  	[tilespmem:s29+$0x90] =	vst v19  }
0x183: {  	v17 =	vmul.f32 v24, v17;
	[tilespmem:s29+$0xA0] =	vst v20  }
0x184: {  	[tilespmem:s29+$0xC0] =	vst v18;
	v18 =	vpop (erf)  }
0x185: {  	[tilespmem:s29+$0xB0] =	vst v17;
	v16 =	vmul.f32 v18, v16;
	v17 =	vsel vm0, v18, v4;
	v19 =	vpop (erf)  }
0x186: {  	[tilespmem:s29+$0x140] =	vst v17;
	v12 =	vmul.f32 v19, v12  }
0x187: {  	v11 =	vmul.f32 v19, v11;
	[tilespmem:s29+$0x100] =	vst v16  }
0x188: {  	v10 =	vmul.f32 v19, v10;
	[tilespmem:s29+$0x0] =	vst v12  }
0x189: {  	v9 =	vmul.f32 v19, v9;
	[tilespmem:s29+$0x10] =	vst v11  }
0x18a: {  	[tilespmem:s29+$0x20] =	vst v10  }
0x18b: {  	v12 =	vsel vm0, v19, v4;
	v10 =	vmul.f32 v18, v15;
	[tilespmem:s29+$0x30] =	vst v9  }
0x18c: {  	v9 =	vmul.f32 v18, v13;
	[tilespmem:s29+$0x40] =	vst v12  }
0x18d: {  	[tilespmem:s29+$0x110] =	vst v10;
	v10 =	vmul.f32 v18, v14  }
0x18e: {  	[tilespmem:s29+$0x120] =	vst v9  }
0x18f: {  	[tilespmem:s29+$0x130] =	vst v10  }
0x190: {  	[spmem:s3] =	stream.indirect.scatter.add.f32 [tilespmem:s14], [sflag:$0x9], $0x80, s30, s8, $0xb8;
	[tilespmem:$0x1E080] =	vst v63  }
0x191: {  	_ =	swait.ge [sflag:s25], $0x2800  }
0x192: {  	[sflag:s25] =	ssyncset.done $0x0  }
0x193: {  	[sflag:s25] =	ssyncadd.s32 $0xFFFFD800  }
0x194: {  	_ =	swait.ge [sflag:s24], $0x80  }
0x195: {  	[sflag:s24] =	ssyncset.done $0x0  }
0x196: {  	s12 =	sadd.s32 @!p0 $0x5, s11;
	[sflag:s24] =	ssyncadd.s32 $0xFFFFFF80  }
0x197: {  	s23 =	sadd.s32 @!p0 s9, s12;
	_ =	swait.ge [sflag:s24], $0x80  }
0x198: {  	s12 =	sshll.u32 @!p0 s12, $0x4;
	s23 =	sshll.u32 @!p0 s23, $0x4;
	[sflag:s24] =	ssyncset.done $0x0  }
0x199: {  	s12 =	sand.u32 @!p0 $0x50, s12;
	s23 =	sand.u32 @!p0 $0x3FF80, s23;
	[sflag:s24] =	ssyncadd.s32 $0xFFFFFF80  }
0x19a: {  	[tilespmem:s14], [sflag:$0x2] =	stream.indirect.gather [hbm4b:s20+s8], $0x80, s4, s8, $0xb8;
	[tilespmem:$0x1E080] =	vst v63  }
0x19b: {  	s12 =	sor.u32 @!p0 s12, s23  }
0x19c: {  	[tilespmem:s15], [sflag:$0x4] =	stream.indirect.gather [hbm4b:s6+s8], $0x80, s2, s8, $0xb8;
	[tilespmem:$0x1E080] =	vst v63  }
0x19d: {  	s31 =	simm.s32 @!p0 $0x80;
	s23 =	sadd.s32 @!p0 s1, s12;
	s29 =	simm.s32 @!p0 $0x0  }
0x19e: {  	[tilespmem:s31], [sflag:$0x6] =	stream.linear.gather @!p0 [hbm4b:s23+s29], $0x80, $0x38;
	[tilespmem:$0x1E080] =	vst v63  }
0x19f: {  	s12 =	sadd.s32 @!p0 s7, s12;
	s23 =	simm.s32 @!p0 $0x280  }
0x1a0: {  	[tilespmem:s23], [sflag:$0x6] =	stream.linear.gather @!p0 [hbm4b:s12+s29], $0x80, $0x38;
	[tilespmem:$0x1E080] =	vst v63  }
0x1a1: {  	_ =	swait.ge [sflag:s16], $0x2800  }
0x1a2: {  	[sflag:s16] =	ssyncset.done $0x0  }
0x1a3: {  	[sflag:s16] =	ssyncadd.s32 $0xFFFFD800  }
0x1a4: {  	_ =	swait.ge [sflag:s17], $0x2800  }
0x1a5: {  	[sflag:s17] =	ssyncset.done $0x0  }
0x1a6: {  	s29 =	simm.s32 $0x500;
	[sflag:s17] =	ssyncadd.s32 $0xFFFFD800  }
0x1a7: {  	v9 =	vld [tilespmem:s29+$0x80]  }
0x1a8: {  	v10 =	vld [tilespmem:s22+$0x80]  }
0x1a9: {  	v11 =	vld [tilespmem:s29+$0x90]  }
0x1aa: {  	v12 =	vld [tilespmem:s22+$0x90]  }
0x1ab: {  	v13 =	vld [tilespmem:s29+$0xA0]  }
0x1ac: {  	v14 =	vld [tilespmem:s22+$0xA0]  }
0x1ad: {  	v15 =	vld [tilespmem:s29+$0xB0]  }
0x1ae: {  	v16 =	vld [tilespmem:s22+$0xB0]  }
0x1af: {  	v17 =	vld [tilespmem:s22+$0xFFFFFF00]  }
0x1b0: {  	v18 =	vld [tilespmem:s29+$0xFFFFFF10]  }
0x1b1: {  	v19 =	vld [tilespmem:s22+$0xFFFFFF10]  }
0x1b2: {  	v20 =	vld [tilespmem:s29+$0xFFFFFF20]  }
0x1b3: {  	v21 =	vld [tilespmem:s22+$0xFFFFFF20]  }
0x1b4: {  	v22 =	vld [tilespmem:s29+$0xFFFFFF90]  }
0x1b5: {  	v23 =	vld [tilespmem:s22+$0xFFFFFF90];
	v9 =	vadd.f32 v10, v9  }
0x1b6: {  	v24 =	vld [tilespmem:s29+$0xFFFFFFA0];
	v11 =	vadd.f32 v12, v11;
	v12 =	vadd.f32 v14, v13  }
0x1b7: {  	v26 =	vld [tilespmem:s22+$0x0];
	v14 =	vadd.f32 v16, v15  }
0x1b8: {  	v27 =	vld [tilespmem:s29+$0xFFFFFF00];
	v9 =	vmax.f32 v9, $0.0e+00;
	v11 =	vmax.f32 v11, $0.0e+00;
	v12 =	vmax.f32 v12, $0.0e+00  }
0x1b9: {  	v10 =	vld [tilespmem:s29+$0xFFFFFF30];
	v14 =	vmax.f32 v14, $0.0e+00;
	v9 =	vmul.f32 v9, v5;
	v11 =	vmul.f32 v11, v6  }
0x1ba: {  	v13 =	vld [tilespmem:s22+$0xFFFFFF30];
	v12 =	vmul.f32 v12, v7;
	v14 =	vmul.f32 v14, v8  }
0x1bb: {  	v15 =	vld [tilespmem:s29+$0xFFFFFF80]  }
0x1bc: {  	v16 =	vld [tilespmem:s22+$0xFFFFFF80];
	v9 =	vadd.f32 v11, v9;
	v11 =	vadd.f32 v14, v12  }
0x1bd: {  	v12 =	vld [tilespmem:s22+$0xFFFFFFA0]  }
0x1be: {  	v14 =	vld [tilespmem:s29+$0xFFFFFFB0];
	v9 =	vadd.f32 v11, v9  }
0x1bf: {  	v18 =	vadd.f32 v19, v18;
	v11 =	vld [tilespmem:s22+$0xFFFFFFB0]  }
0x1c0: {  	v19 =	vld [tilespmem:s29+$0x0];
	v25 =	vperm.xlane v9, v0  }
0x1c1: {  	v18 =	vmax.f32 v18, $0.0e+00;
	v15 =	vadd.f32 v16, v15;
	v16 =	vadd.f32 v23, v22;
	v22 =	vld [tilespmem:s29+$0x10]  }
0x1c2: {  	v23 =	vmul.f32 v18, v6;
	v18 =	vadd.f32 v21, v20;
	v20 =	vld [tilespmem:s22+$0x10];
	v9 =	vadd.f32 v9, v25  }
0x1c3: {  	v10 =	vadd.f32 v13, v10;
	v13 =	vmax.f32 v15, $0.0e+00;
	v15 =	vmax.f32 v16, $0.0e+00;
	v16 =	vld [tilespmem:s29+$0x20]  }
0x1c4: {  	v12 =	vadd.f32 v12, v24;
	v24 =	vld [tilespmem:s29+$0x30];
	v11 =	vadd.f32 v11, v14;
	v21 =	vperm.xlane v9, v1  }
0x1c5: {  	v17 =	vadd.f32 v17, v27;
	v13 =	vmul.f32 v13, v5;
	v15 =	vmul.f32 v15, v6;
	v14 =	vld [tilespmem:s22+$0x20]  }
0x1c6: {  	v12 =	vmax.f32 v12, $0.0e+00;
	v11 =	vmax.f32 v11, $0.0e+00;
	v9 =	vadd.f32 v9, v21;
	v21 =	vld [tilespmem:s22+$0x30]  }
0x1c7: {  	v25 =	vmax.f32 v10, $0.0e+00;
	v10 =	vmul.f32 v12, v7;
	v11 =	vmul.f32 v11, v8  }
0x1c8: {  	v18 =	vmax.f32 v18, $0.0e+00;
	v13 =	vadd.f32 v15, v13;
	v15 =	vadd.f32 v26, v19  }
0x1c9: {  	v26 =	vmul.f32 v18, v7;
	v18 =	vadd.f32 v20, v22;
	v20 =	vadd.f32 v11, v10  }
0x1ca: {  	v19 =	vperm.xlane v9, v2;
	v14 =	vadd.f32 v14, v16  }
0x1cb: {  	v17 =	vmax.f32 v17, $0.0e+00;
	v13 =	vadd.f32 v20, v13;
	v20 =	vadd.f32 v21, v24  }
0x1cc: {  	v27 =	vmul.f32 v17, v5;
	v22 =	vadd.f32 v9, v19  }
0x1cd: {  	v14 =	vmax.f32 v14, $0.0e+00;
	v21 =	vperm.xlane v13, v0;
	v24 =	vmax.f32 v20, $0.0e+00  }
0x1ce: {  	v17 =	vld [tilespmem:s29+$0xFFFFFFF0];
	v14 =	vmul.f32 v14, v7;
	v24 =	vmul.f32 v24, v8  }
0x1cf: {  	v25 =	vmul.f32 v25, v8;
	v12 =	vld [tilespmem:s29+$0xFFFFFF40];
	v21 =	vadd.f32 v13, v21;
	v13 =	vperm.xlane v22, v3  }
0x1d0: {  	v15 =	vmax.f32 v15, $0.0e+00;
	v11 =	vld [tilespmem:s29+$0xFFFFFF50];
	v14 =	vadd.f32 v24, v14  }
0x1d1: {  	v10 =	vld [tilespmem:s29+$0xFFFFFF60];
	v24 =	vadd.f32 v25, v26;
	v25 =	vperm.xlane v21, v1;
	v22 =	vadd.f32 v22, v13  }
0x1d2: {  	v15 =	vmul.f32 v15, v5;
	v16 =	vmax.f32 v18, $0.0e+00;
	v18 =	vld [tilespmem:s29+$0xFFFFFFC0]  }
0x1d3: {  	v16 =	vmul.f32 v16, v6;
	v9 =	vld [tilespmem:s29+$0xFFFFFF70];
	v21 =	vadd.f32 v21, v25;
	v25 =	vmul.f32 $1.442695020e+00, v22  }
0x1d4: {  	v19 =	vld [tilespmem:s29+$0xFFFFFFD0]  }
0x1d5: {  	v28 =	vadd.f32 v16, v15;
	v16 =	vld [tilespmem:s29+$0x40];
	(erf) = vpow2.f32 v25  }
0x1d6: {  	v15 =	vld [tilespmem:s29+$0x50]  }
0x1d7: {  	v23 =	vadd.f32 v23, v27;
	v20 =	vld [tilespmem:s29+$0xFFFFFFE0]  }
0x1d8: {  	v13 =	vld [tilespmem:s29+$0x60];
	v26 =	vadd.f32 v14, v28  }
0x1d9: {  	v27 =	vadd.f32 v24, v23;
	v14 =	vld [tilespmem:s29+$0x70]  }
0x1da: {  	v24 =	vld [tilespmem:s29+$0xF0];
	v22 =	vperm.xlane v26, v0  }
0x1db: {  	v23 =	vld [tilespmem:s29+$0xC0];
	v28 =	vperm.xlane v27, v0;
	v29 =	vperm.xlane v21, v2  }
0x1dc: {  	v26 =	vadd.f32 v26, v22;
	v22 =	vld [tilespmem:s29+$0xD0]  }
0x1dd: {  	s31 =	simm.s32 $0x0;
	s12 =	simm.s32 $0x700;
	s23 =	smov.u32 s22;
	v27 =	vadd.f32 v27, v28;
	v25 =	vadd.f32 v21, v29;
	v21 =	vld [tilespmem:s29+$0xE0]  }
.LBB2_7:
0x1de: {  	v28 =	vld [tilespmem:s12+$0x80];
	v29 =	vperm.xlane v26, v1;
	s23 =	sadd.s32 $0x200, s23;
	v30 =	vpop (erf)  }
0x1df: {  	v31 =	vld [tilespmem:s23+$0x80];
	v32 =	vperm.xlane v27, v1;
	v24 =	vmul.f32 v30, v24;
	v33 =	vsel vm0, v30, v4  }
0x1e0: {  	v35 =	vperm.xlane v25, v3;
	v34 =	vld [tilespmem:s12+$0x90];
	v26 =	vadd.f32 v26, v29;
	v23 =	vmul.f32 v30, v23;
	[tilespmem:s29+$0xC0] =	vst v33  }
0x1e1: {  	v29 =	vld [tilespmem:s23+$0x90];
	v27 =	vadd.f32 v27, v32;
	v22 =	vmul.f32 v30, v22;
	[tilespmem:s29+$0xB0] =	vst v24  }
0x1e2: {  	v25 =	vadd.f32 v25, v35;
	v24 =	vld [tilespmem:s12+$0xA0];
	v32 =	vperm.xlane v26, v2;
	[tilespmem:s29+$0x80] =	vst v23;
	v21 =	vmul.f32 v30, v21  }
0x1e3: {  	v23 =	vld [tilespmem:s23+$0xA0];
	v30 =	vperm.xlane v27, v2;
	[tilespmem:s29+$0x90] =	vst v22  }
0x1e4: {  	v25 =	vmul.f32 $1.442695020e+00, v25;
	v22 =	vld [tilespmem:s12+$0xB0];
	v26 =	vadd.f32 v26, v32;
	[tilespmem:s29+$0xA0] =	vst v21  }
0x1e5: {  	s31 =	sadd.s32 $0x4, s31;
	v32 =	vld [tilespmem:s23+$0xB0];
	v27 =	vadd.f32 v27, v30  }
0x1e6: {  	p1 =	slt.u32 s31, $0x4C;
	v21 =	vld [tilespmem:s23+$0xFFFFFF00];
	v30 =	vperm.xlane v26, v3;
	(erf) = vpow2.f32 v25  }
0x1e7: {  	v25 =	vld [tilespmem:s12+$0xFFFFFF10];
	v33 =	vperm.xlane v27, v3  }
0x1e8: {  	v28 =	vadd.f32 v31, v28;
	v35 =	vld [tilespmem:s23+$0xFFFFFF10];
	v26 =	vadd.f32 v26, v30  }
0x1e9: {  	v29 =	vadd.f32 v29, v34;
	v23 =	vadd.f32 v23, v24;
	v30 =	vld [tilespmem:s12+$0xFFFFFF20]  }
0x1ea: {  	v27 =	vadd.f32 v27, v33;
	v24 =	vld [tilespmem:s23+$0xFFFFFF20];
	v22 =	vadd.f32 v32, v22;
	v26 =	vmul.f32 $1.442695020e+00, v26  }
0x1eb: {  	v28 =	vmax.f32 v28, $0.0e+00;
	v29 =	vmax.f32 v29, $0.0e+00;
	v23 =	vmax.f32 v23, $0.0e+00;
	v31 =	vld [tilespmem:s12+$0xFFFFFF30]  }
0x1ec: {  	v28 =	vmul.f32 v28, v5;
	v36 =	vmul.f32 v29, v6;
	v32 =	vld [tilespmem:s23+$0xFFFFFF30];
	v22 =	vmax.f32 v22, $0.0e+00  }
0x1ed: {  	v23 =	vmul.f32 v23, v7;
	v25 =	vadd.f32 v35, v25;
	v33 =	vld [tilespmem:s12+$0xFFFFFF80];
	v22 =	vmul.f32 v22, v8  }
0x1ee: {  	v27 =	vmul.f32 $1.442695020e+00, v27;
	v34 =	vld [tilespmem:s23+$0xFFFFFF80];
	(erf) = vpow2.f32 v26  }
0x1ef: {  	v28 =	vadd.f32 v36, v28;
	v25 =	vmax.f32 v25, $0.0e+00;
	v26 =	vld [tilespmem:s12+$0xFFFFFF90];
	v23 =	vadd.f32 v22, v23;
	v29 =	vpop (erf)  }
0x1f0: {  	v24 =	vadd.f32 v24, v30;
	v22 =	vmul.f32 v25, v6;
	v25 =	vld [tilespmem:s23+$0xFFFFFF90];
	(erf) = vpow2.f32 v27  }
0x1f1: {  	v18 =	vmul.f32 v29, v18;
	v27 =	vadd.f32 v32, v31;
	v30 =	vld [tilespmem:s12+$0xFFFFFFA0];
	v23 =	vadd.f32 v23, v28  }
0x1f2: {  	v19 =	vmul.f32 v29, v19;
	v20 =	vmul.f32 v29, v20;
	v24 =	vmax.f32 v24, $0.0e+00;
	v28 =	vld [tilespmem:s23+$0xFFFFFFA0]  }
0x1f3: {  	v27 =	vmax.f32 v27, $0.0e+00;
	v31 =	vadd.f32 v34, v33;
	v32 =	vld [tilespmem:s12+$0xFFFFFFB0];
	v33 =	vperm.xlane v23, v0;
	[tilespmem:s29+$0xFFFFFF80] =	vst v18  }
0x1f4: {  	v18 =	vmul.f32 v24, v7;
	v24 =	vmul.f32 v27, v8;
	v27 =	vld [tilespmem:s23+$0xFFFFFFB0];
	[tilespmem:s29+$0xFFFFFF90] =	vst v19;
	v19 =	vsel vm0, v29, v4  }
0x1f5: {  	v31 =	vmax.f32 v31, $0.0e+00;
	v25 =	vadd.f32 v25, v26;
	v26 =	vld [tilespmem:s12+$0x0];
	v23 =	vadd.f32 v23, v33;
	[tilespmem:s29+$0xFFFFFFA0] =	vst v20  }
0x1f6: {  	v34 =	vmul.f32 v29, v17;
	v24 =	vadd.f32 v24, v18;
	v18 =	vmul.f32 v31, v5;
	v20 =	vld [tilespmem:s23+$0x0];
	[tilespmem:s29+$0xFFFFFFC0] =	vst v19  }
0x1f7: {  	v19 =	vmax.f32 v25, $0.0e+00;
	v25 =	vadd.f32 v28, v30;
	v28 =	vld [tilespmem:s12+$0x10];
	v29 =	vperm.xlane v23, v1;
	v30 =	vpop (erf)  }
0x1f8: {  	v19 =	vmul.f32 v19, v6;
	v31 =	vld [tilespmem:s23+$0x10];
	[tilespmem:s29+$0xFFFFFFB0] =	vst v34;
	v16 =	vmul.f32 v30, v16;
	v33 =	vsel vm0, v30, v4  }
0x1f9: {  	v25 =	vmax.f32 v25, $0.0e+00;
	v27 =	vadd.f32 v27, v32;
	v32 =	vld [tilespmem:s12+$0x20];
	v23 =	vadd.f32 v23, v29;
	[tilespmem:s29+$0x40] =	vst v33;
	v17 =	vpop (erf)  }
0x1fa: {  	v25 =	vmul.f32 v25, v7;
	v18 =	vadd.f32 v19, v18;
	v19 =	vld [tilespmem:s23+$0x20];
	v12 =	vmul.f32 v17, v12;
	[tilespmem:s29+$0x0] =	vst v16  }
0x1fb: {  	v16 =	vmax.f32 v27, $0.0e+00;
	v20 =	vadd.f32 v20, v26;
	v26 =	vld [tilespmem:s12+$0x30];
	v27 =	vperm.xlane v23, v2  }
0x1fc: {  	v11 =	vmul.f32 v17, v11;
	v16 =	vmul.f32 v16, v8;
	v29 =	vld [tilespmem:s23+$0x30];
	[tilespmem:s29+$0xFFFFFF00] =	vst v12;
	v12 =	vsel vm0, v17, v4  }
0x1fd: {  	v33 =	vld [tilespmem:s12+$0xFFFFFF00];
	v20 =	vmax.f32 v20, $0.0e+00;
	v28 =	vadd.f32 v31, v28;
	v23 =	vadd.f32 v23, v27;
	[tilespmem:s29+$0xFFFFFF40] =	vst v12  }
0x1fe: {  	v12 =	vld [tilespmem:s12+$0xFFFFFF40];
	v16 =	vadd.f32 v16, v25;
	v20 =	vmul.f32 v20, v5;
	[tilespmem:s29+$0xFFFFFF10] =	vst v11;
	v25 =	vmul.f32 v17, v10  }
0x1ff: {  	v11 =	vld [tilespmem:s12+$0xFFFFFF50];
	v27 =	vmax.f32 v28, $0.0e+00;
	v19 =	vadd.f32 v19, v32;
	v28 =	vperm.xlane v23, v3  }
0x200: {  	v17 =	vmul.f32 v17, v9;
	v10 =	vld [tilespmem:s12+$0xFFFFFF60];
	v16 =	vadd.f32 v16, v18;
	v27 =	vmul.f32 v27, v6;
	[tilespmem:s29+$0xFFFFFF20] =	vst v25  }
0x201: {  	v9 =	vld [tilespmem:s12+$0xFFFFFF70];
	v19 =	vmax.f32 v19, $0.0e+00;
	v25 =	vadd.f32 v29, v26;
	v23 =	vadd.f32 v23, v28  }
0x202: {  	v21 =	vadd.f32 v21, v33;
	v18 =	vld [tilespmem:s12+$0xFFFFFFC0];
	v26 =	vmul.f32 v19, v7;
	v27 =	vadd.f32 v27, v20;
	[tilespmem:s29+$0xFFFFFF30] =	vst v17  }
0x203: {  	v17 =	vperm.xlane v16, v0;
	v19 =	vld [tilespmem:s12+$0xFFFFFFD0];
	v25 =	vmax.f32 v25, $0.0e+00;
	v23 =	vmul.f32 $1.442695020e+00, v23  }
0x204: {  	v15 =	vmul.f32 v30, v15;
	v21 =	vmax.f32 v21, $0.0e+00;
	v20 =	vld [tilespmem:s12+$0xFFFFFFE0];
	v25 =	vmul.f32 v25, v8  }
0x205: {  	v28 =	vadd.f32 v16, v17;
	v21 =	vmul.f32 v21, v5;
	v17 =	vld [tilespmem:s12+$0xFFFFFFF0];
	(erf) = vpow2.f32 v23  }
0x206: {  	v23 =	vadd.f32 v25, v26;
	v16 =	vld [tilespmem:s12+$0x40];
	[tilespmem:s29+$0x10] =	vst v15;
	v25 =	vmul.f32 v30, v13;
	v26 =	vmul.f32 v30, v14  }
0x207: {  	v14 =	vadd.f32 v22, v21;
	v21 =	vperm.xlane v28, v1;
	v15 =	vld [tilespmem:s12+$0x50]  }
0x208: {  	v22 =	vadd.f32 v23, v27;
	v13 =	vld [tilespmem:s12+$0x60];
	[tilespmem:s29+$0x20] =	vst v25  }
.Ltmp4:
0x209: {  	v25 =	vadd.f32 v24, v14;
	v21 =	vadd.f32 v28, v21;
	v14 =	vld [tilespmem:s12+$0x70];
	[tilespmem:s29+$0x30] =	vst v26;
	s29 =	smov.u32 s12;
	(pc) =	sbr.rel @p1 .LBB2_7-.Ltmp4, $4  }
0x20a: {  	v26 =	vperm.xlane v22, v0;
	v24 =	vld [tilespmem:s12+$0xF0]  }
0x20b: {  	v27 =	vperm.xlane v25, v0;
	v28 =	vperm.xlane v21, v2;
	v23 =	vld [tilespmem:s12+$0xC0]  }
0x20c: {  	v26 =	vadd.f32 v22, v26;
	v22 =	vld [tilespmem:s12+$0xD0]  }
0x20d: {  	s12 =	sadd.s32 $0x200, s12;
	v27 =	vadd.f32 v25, v27;
	v25 =	vadd.f32 v21, v28;
	v21 =	vld [tilespmem:s29+$0xE0]  }
0x20e: {  	v28 =	vperm.xlane v26, v1  }
0x20f: {  	v29 =	vperm.xlane v27, v1  }
0x210: {  	v30 =	vperm.xlane v25, v3;
	v26 =	vadd.f32 v26, v28  }
0x211: {  	v27 =	vadd.f32 v27, v29  }
0x212: {  	v25 =	vadd.f32 v25, v30;
	v28 =	vperm.xlane v26, v2  }
0x213: {  	v29 =	vperm.xlane v27, v2  }
0x214: {  	v25 =	vmul.f32 $1.442695020e+00, v25;
	v26 =	vadd.f32 v26, v28  }
0x215: {  	v27 =	vadd.f32 v27, v29  }
0x216: {  	(erf) = vpow2.f32 v25;
	v28 =	vperm.xlane v26, v3  }
0x217: {  	v25 =	vperm.xlane v27, v3  }
0x218: {  	v26 =	vadd.f32 v26, v28  }
0x219: {  	v25 =	vadd.f32 v27, v25  }
0x21a: {  	v27 =	vpop (erf);
	v26 =	vmul.f32 $1.442695020e+00, v26  }
0x21b: {  	v24 =	vmul.f32 v27, v24;
	v25 =	vmul.f32 $1.442695020e+00, v25  }
0x21c: {  	v28 =	vsel vm0, v27, v4;
	(erf) = vpow2.f32 v26  }
0x21d: {  	v23 =	vmul.f32 v27, v23;
	[tilespmem:s29+$0xC0] =	vst v28;
	(erf) = vpow2.f32 v25  }
0x21e: {  	v22 =	vmul.f32 v27, v22;
	[tilespmem:s29+$0xB0] =	vst v24  }
0x21f: {  	v21 =	vmul.f32 v27, v21;
	[tilespmem:s29+$0x80] =	vst v23;
	v24 =	vpop (erf)  }
0x220: {  	[tilespmem:s29+$0x90] =	vst v22;
	v18 =	vmul.f32 v24, v18  }
0x221: {  	[tilespmem:s29+$0xA0] =	vst v21;
	v19 =	vmul.f32 v24, v19  }
0x222: {  	v20 =	vmul.f32 v24, v20;
	[tilespmem:s29+$0xFFFFFF80] =	vst v18;
	v18 =	vsel vm0, v24, v4  }
0x223: {  	[tilespmem:s29+$0xFFFFFF90] =	vst v19  }
0x224: {  	v17 =	vmul.f32 v24, v17;
	[tilespmem:s29+$0xFFFFFFA0] =	vst v20  }
0x225: {  	[tilespmem:s29+$0xFFFFFFC0] =	vst v18;
	v18 =	vpop (erf)  }
0x226: {  	[tilespmem:s29+$0xFFFFFFB0] =	vst v17;
	v16 =	vmul.f32 v18, v16;
	v17 =	vsel vm0, v18, v4;
	v19 =	vpop (erf)  }
0x227: {  	[tilespmem:s29+$0x40] =	vst v17;
	v12 =	vmul.f32 v19, v12  }
0x228: {  	v11 =	vmul.f32 v19, v11;
	[tilespmem:s29+$0x0] =	vst v16  }
0x229: {  	v10 =	vmul.f32 v19, v10;
	[tilespmem:s29+$0xFFFFFF00] =	vst v12  }
0x22a: {  	v9 =	vmul.f32 v19, v9;
	[tilespmem:s29+$0xFFFFFF10] =	vst v11  }
0x22b: {  	[tilespmem:s29+$0xFFFFFF20] =	vst v10  }
0x22c: {  	v12 =	vsel vm0, v19, v4;
	v10 =	vmul.f32 v18, v15;
	[tilespmem:s29+$0xFFFFFF30] =	vst v9  }
0x22d: {  	v9 =	vmul.f32 v18, v13;
	[tilespmem:s29+$0xFFFFFF40] =	vst v12  }
0x22e: {  	[tilespmem:s29+$0x10] =	vst v10;
	v10 =	vmul.f32 v18, v14  }
0x22f: {  	[tilespmem:s29+$0x20] =	vst v9  }
0x230: {  	[tilespmem:s29+$0x30] =	vst v10  }
0x231: {  	[spmem:s3] =	stream.indirect.scatter.add.f32 [tilespmem:s10], [sflag:$0x9], $0x80, s0, s8, $0xb8;
	[tilespmem:$0x1E080] =	vst v63  }
0x232: {  	_ =	swait.ge [sflag:s25], $0x2800  }
0x233: {  	[sflag:s25] =	ssyncset.done $0x0  }
0x234: {  	s12 =	simm.s32 @!p0 $0x5;
	[sflag:s25] =	ssyncadd.s32 $0xFFFFD800  }
0x235: {  	_ =	swait.ge @!p0 [sflag:s12], $0x80  }
0x236: {  	[sflag:s12] =	ssyncset.done @!p0 $0x0  }
0x237: {  	[sflag:s12] =	ssyncadd.s32 @!p0 $0xFFFFFF80  }
0x238: {  	_ =	swait.ge @!p0 [sflag:s12], $0x80  }
0x239: {  	s23 =	simm.s32 @!p0 $0x0;
	[sflag:s12] =	ssyncset.done @!p0 $0x0  }
0x23a: {  	s29 =	simm.s32 @!p0 $0x400;
	[sflag:s12] =	ssyncadd.s32 @!p0 $0xFFFFFF80;
	s12 =	simm.s32 @!p0 $0x50  }
0x23b: {  	[tilespmem:s29], [sflag:$0x1] =	stream.indirect.gather @!p0 [hbm4b:s20+s12], $0x80, s23, s12, $0xb8;
	[tilespmem:$0x1E080] =	vst v63  }
0x23c: {  	s31 =	simm.s32 @!p0 $0x5400;
	s29 =	simm.s32 @!p0 $0x200  }
0x23d: {  	[tilespmem:s31], [sflag:$0x3] =	stream.indirect.gather @!p0 [hbm4b:s6+s12], $0x80, s29, s12, $0xb8;
	[tilespmem:$0x1E080] =	vst v63  }
0x23e: {  	s12 =	sadd.s32 @!p0 $0x6, s11  }
0x23f: {  	s29 =	sadd.s32 @!p0 s9, s12  }
0x240: {  	s12 =	sshll.u32 @!p0 s12, $0x4;
	s29 =	sshll.u32 @!p0 s29, $0x4  }
0x241: {  	s12 =	sand.u32 @!p0 $0x60, s12;
	s29 =	sand.u32 @!p0 $0x3FF80, s29  }
0x242: {  	s12 =	sor.u32 @!p0 s12, s29  }
0x243: {  	s31 =	simm.s32 @!p0 $0x100;
	s29 =	sadd.s32 @!p0 s1, s12  }
0x244: {  	[tilespmem:s31], [sflag:$0x7] =	stream.linear.gather @!p0 [hbm4b:s29+s23], $0x80, $0x38;
	[tilespmem:$0x1E080] =	vst v63  }
0x245: {  	s12 =	sadd.s32 @!p0 s7, s12;
	s29 =	simm.s32 @!p0 $0x300  }
0x246: {  	[tilespmem:s29], [sflag:$0x7] =	stream.linear.gather @!p0 [hbm4b:s12+s23], $0x80, $0x38;
	[tilespmem:$0x1E080] =	vst v63  }
0x247: {  	_ =	swait.ge [sflag:s19], $0x2800  }
0x248: {  	[sflag:s19] =	ssyncset.done $0x0  }
0x249: {  	[sflag:s19] =	ssyncadd.s32 $0xFFFFD800  }
0x24a: {  	_ =	swait.ge [sflag:s21], $0x2800  }
0x24b: {  	[sflag:s21] =	ssyncset.done $0x0  }
0x24c: {  	s29 =	simm.s32 $0x2C00;
	[sflag:s21] =	ssyncadd.s32 $0xFFFFD800  }
0x24d: {  	v9 =	vld [tilespmem:s29+$0x180]  }
0x24e: {  	v10 =	vld [tilespmem:s28+$0xFFFFFFD0]  }
0x24f: {  	v11 =	vld [tilespmem:s29+$0x190]  }
0x250: {  	v12 =	vld [tilespmem:s28+$0xFFFFFFE0]  }
0x251: {  	v13 =	vld [tilespmem:s29+$0x1A0]  }
0x252: {  	v14 =	vld [tilespmem:s28+$0xFFFFFFF0]  }
0x253: {  	v15 =	vld [tilespmem:s29+$0x1B0]  }
0x254: {  	v16 =	vld [tilespmem:s28+$0x0]  }
0x255: {  	v17 =	vld [tilespmem:s28+$0xFFFFFE50]  }
0x256: {  	v18 =	vld [tilespmem:s29+$0x10]  }
0x257: {  	v19 =	vld [tilespmem:s28+$0xFFFFFE60]  }
0x258: {  	v20 =	vld [tilespmem:s29+$0x20]  }
0x259: {  	v21 =	vld [tilespmem:s28+$0xFFFFFE70]  }
0x25a: {  	v22 =	vld [tilespmem:s29+$0x90]  }
0x25b: {  	v23 =	vld [tilespmem:s28+$0xFFFFFEE0];
	v9 =	vadd.f32 v10, v9  }
0x25c: {  	v24 =	vld [tilespmem:s29+$0xA0];
	v11 =	vadd.f32 v12, v11;
	v12 =	vadd.f32 v14, v13  }
0x25d: {  	v26 =	vld [tilespmem:s28+$0xFFFFFF50];
	v14 =	vadd.f32 v16, v15  }
0x25e: {  	v27 =	vld [tilespmem:s29+$0x0];
	v9 =	vmax.f32 v9, $0.0e+00;
	v11 =	vmax.f32 v11, $0.0e+00;
	v12 =	vmax.f32 v12, $0.0e+00  }
0x25f: {  	v10 =	vld [tilespmem:s29+$0x30];
	v14 =	vmax.f32 v14, $0.0e+00;
	v9 =	vmul.f32 v9, v5;
	v11 =	vmul.f32 v11, v6  }
0x260: {  	v13 =	vld [tilespmem:s28+$0xFFFFFE80];
	v12 =	vmul.f32 v12, v7;
	v14 =	vmul.f32 v14, v8  }
0x261: {  	v15 =	vld [tilespmem:s29+$0x80]  }
0x262: {  	v16 =	vld [tilespmem:s28+$0xFFFFFED0];
	v9 =	vadd.f32 v11, v9;
	v11 =	vadd.f32 v14, v12  }
0x263: {  	v12 =	vld [tilespmem:s28+$0xFFFFFEF0]  }
0x264: {  	v14 =	vld [tilespmem:s29+$0xB0];
	v9 =	vadd.f32 v11, v9  }
0x265: {  	v18 =	vadd.f32 v19, v18;
	v11 =	vld [tilespmem:s28+$0xFFFFFF00]  }
0x266: {  	v19 =	vld [tilespmem:s29+$0x100];
	v25 =	vperm.xlane v9, v0  }
0x267: {  	v18 =	vmax.f32 v18, $0.0e+00;
	v15 =	vadd.f32 v16, v15;
	v16 =	vadd.f32 v23, v22;
	v22 =	vld [tilespmem:s29+$0x110]  }
0x268: {  	v23 =	vmul.f32 v18, v6;
	v18 =	vadd.f32 v21, v20;
	v20 =	vld [tilespmem:s28+$0xFFFFFF60];
	v9 =	vadd.f32 v9, v25  }
0x269: {  	v10 =	vadd.f32 v13, v10;
	v13 =	vmax.f32 v15, $0.0e+00;
	v15 =	vmax.f32 v16, $0.0e+00;
	v16 =	vld [tilespmem:s29+$0x120]  }
0x26a: {  	v12 =	vadd.f32 v12, v24;
	v24 =	vld [tilespmem:s29+$0x130];
	v11 =	vadd.f32 v11, v14;
	v21 =	vperm.xlane v9, v1  }
0x26b: {  	v17 =	vadd.f32 v17, v27;
	v13 =	vmul.f32 v13, v5;
	v15 =	vmul.f32 v15, v6;
	v14 =	vld [tilespmem:s28+$0xFFFFFF70]  }
0x26c: {  	v12 =	vmax.f32 v12, $0.0e+00;
	v11 =	vmax.f32 v11, $0.0e+00;
	v9 =	vadd.f32 v9, v21;
	v21 =	vld [tilespmem:s28+$0xFFFFFF80]  }
0x26d: {  	v25 =	vmax.f32 v10, $0.0e+00;
	v10 =	vmul.f32 v12, v7;
	v11 =	vmul.f32 v11, v8  }
0x26e: {  	v18 =	vmax.f32 v18, $0.0e+00;
	v13 =	vadd.f32 v15, v13;
	v15 =	vadd.f32 v26, v19  }
0x26f: {  	v26 =	vmul.f32 v18, v7;
	v18 =	vadd.f32 v20, v22;
	v20 =	vadd.f32 v11, v10  }
0x270: {  	v19 =	vperm.xlane v9, v2;
	v14 =	vadd.f32 v14, v16  }
0x271: {  	v17 =	vmax.f32 v17, $0.0e+00;
	v13 =	vadd.f32 v20, v13;
	v20 =	vadd.f32 v21, v24  }
0x272: {  	v27 =	vmul.f32 v17, v5;
	v22 =	vadd.f32 v9, v19  }
0x273: {  	v14 =	vmax.f32 v14, $0.0e+00;
	v21 =	vperm.xlane v13, v0;
	v24 =	vmax.f32 v20, $0.0e+00  }
0x274: {  	v17 =	vld [tilespmem:s29+$0xF0];
	v14 =	vmul.f32 v14, v7;
	v24 =	vmul.f32 v24, v8  }
0x275: {  	v25 =	vmul.f32 v25, v8;
	v12 =	vld [tilespmem:s29+$0x40];
	v21 =	vadd.f32 v13, v21;
	v13 =	vperm.xlane v22, v3  }
0x276: {  	v15 =	vmax.f32 v15, $0.0e+00;
	v11 =	vld [tilespmem:s29+$0x50];
	v14 =	vadd.f32 v24, v14  }
0x277: {  	v10 =	vld [tilespmem:s29+$0x60];
	v24 =	vadd.f32 v25, v26;
	v25 =	vperm.xlane v21, v1;
	v22 =	vadd.f32 v22, v13  }
0x278: {  	v15 =	vmul.f32 v15, v5;
	v16 =	vmax.f32 v18, $0.0e+00;
	v18 =	vld [tilespmem:s29+$0xC0]  }
0x279: {  	v16 =	vmul.f32 v16, v6;
	v9 =	vld [tilespmem:s29+$0x70];
	v21 =	vadd.f32 v21, v25;
	v25 =	vmul.f32 $1.442695020e+00, v22  }
0x27a: {  	v19 =	vld [tilespmem:s29+$0xD0]  }
0x27b: {  	v28 =	vadd.f32 v16, v15;
	v16 =	vld [tilespmem:s29+$0x140];
	(erf) = vpow2.f32 v25  }
0x27c: {  	v15 =	vld [tilespmem:s29+$0x150]  }
0x27d: {  	v23 =	vadd.f32 v23, v27;
	v20 =	vld [tilespmem:s29+$0xE0]  }
0x27e: {  	v13 =	vld [tilespmem:s29+$0x160];
	v26 =	vadd.f32 v14, v28  }
0x27f: {  	v27 =	vadd.f32 v24, v23;
	v14 =	vld [tilespmem:s29+$0x170]  }
0x280: {  	v24 =	vld [tilespmem:s29+$0x1F0];
	v22 =	vperm.xlane v26, v0  }
0x281: {  	v23 =	vld [tilespmem:s29+$0x1C0];
	v28 =	vperm.xlane v27, v0;
	v29 =	vperm.xlane v21, v2  }
0x282: {  	v26 =	vadd.f32 v26, v22;
	v22 =	vld [tilespmem:s29+$0x1D0]  }
0x283: {  	s31 =	simm.s32 $0x0;
	s12 =	simm.s32 $0x2E00;
	s23 =	smov.u32 s28;
	v27 =	vadd.f32 v27, v28;
	v25 =	vadd.f32 v21, v29;
	v21 =	vld [tilespmem:s29+$0x1E0]  }
.LBB2_9:
0x284: {  	v28 =	vld [tilespmem:s12+$0x180];
	v29 =	vperm.xlane v26, v1;
	s23 =	sadd.s32 $0x200, s23;
	v30 =	vpop (erf)  }
0x285: {  	v31 =	vld [tilespmem:s23+$0xFFFFFFD0];
	v32 =	vperm.xlane v27, v1;
	v24 =	vmul.f32 v30, v24;
	v33 =	vsel vm0, v30, v4  }
0x286: {  	v35 =	vperm.xlane v25, v3;
	v34 =	vld [tilespmem:s12+$0x190];
	v26 =	vadd.f32 v26, v29;
	v23 =	vmul.f32 v30, v23;
	[tilespmem:s29+$0x1C0] =	vst v33  }
0x287: {  	v29 =	vld [tilespmem:s23+$0xFFFFFFE0];
	v27 =	vadd.f32 v27, v32;
	v22 =	vmul.f32 v30, v22;
	[tilespmem:s29+$0x1B0] =	vst v24  }
0x288: {  	v25 =	vadd.f32 v25, v35;
	v24 =	vld [tilespmem:s12+$0x1A0];
	v32 =	vperm.xlane v26, v2;
	[tilespmem:s29+$0x180] =	vst v23;
	v21 =	vmul.f32 v30, v21  }
0x289: {  	v23 =	vld [tilespmem:s23+$0xFFFFFFF0];
	v30 =	vperm.xlane v27, v2;
	[tilespmem:s29+$0x190] =	vst v22  }
0x28a: {  	v25 =	vmul.f32 $1.442695020e+00, v25;
	v22 =	vld [tilespmem:s12+$0x1B0];
	v26 =	vadd.f32 v26, v32;
	[tilespmem:s29+$0x1A0] =	vst v21  }
0x28b: {  	s31 =	sadd.s32 $0x4, s31;
	v32 =	vld [tilespmem:s23+$0x0];
	v27 =	vadd.f32 v27, v30  }
0x28c: {  	p1 =	slt.u32 s31, $0x4C;
	v21 =	vld [tilespmem:s23+$0xFFFFFE50];
	v30 =	vperm.xlane v26, v3;
	(erf) = vpow2.f32 v25  }
0x28d: {  	v25 =	vld [tilespmem:s12+$0x10];
	v33 =	vperm.xlane v27, v3  }
0x28e: {  	v28 =	vadd.f32 v31, v28;
	v35 =	vld [tilespmem:s23+$0xFFFFFE60];
	v26 =	vadd.f32 v26, v30  }
0x28f: {  	v29 =	vadd.f32 v29, v34;
	v23 =	vadd.f32 v23, v24;
	v30 =	vld [tilespmem:s12+$0x20]  }
0x290: {  	v27 =	vadd.f32 v27, v33;
	v24 =	vld [tilespmem:s23+$0xFFFFFE70];
	v22 =	vadd.f32 v32, v22;
	v26 =	vmul.f32 $1.442695020e+00, v26  }
0x291: {  	v28 =	vmax.f32 v28, $0.0e+00;
	v29 =	vmax.f32 v29, $0.0e+00;
	v23 =	vmax.f32 v23, $0.0e+00;
	v31 =	vld [tilespmem:s12+$0x30]  }
0x292: {  	v28 =	vmul.f32 v28, v5;
	v36 =	vmul.f32 v29, v6;
	v32 =	vld [tilespmem:s23+$0xFFFFFE80];
	v22 =	vmax.f32 v22, $0.0e+00  }
0x293: {  	v23 =	vmul.f32 v23, v7;
	v25 =	vadd.f32 v35, v25;
	v33 =	vld [tilespmem:s12+$0x80];
	v22 =	vmul.f32 v22, v8  }
0x294: {  	v27 =	vmul.f32 $1.442695020e+00, v27;
	v34 =	vld [tilespmem:s23+$0xFFFFFED0];
	(erf) = vpow2.f32 v26  }
0x295: {  	v28 =	vadd.f32 v36, v28;
	v25 =	vmax.f32 v25, $0.0e+00;
	v26 =	vld [tilespmem:s12+$0x90];
	v23 =	vadd.f32 v22, v23;
	v29 =	vpop (erf)  }
0x296: {  	v24 =	vadd.f32 v24, v30;
	v22 =	vmul.f32 v25, v6;
	v25 =	vld [tilespmem:s23+$0xFFFFFEE0];
	(erf) = vpow2.f32 v27  }
0x297: {  	v18 =	vmul.f32 v29, v18;
	v27 =	vadd.f32 v32, v31;
	v30 =	vld [tilespmem:s12+$0xA0];
	v23 =	vadd.f32 v23, v28  }
0x298: {  	v19 =	vmul.f32 v29, v19;
	v20 =	vmul.f32 v29, v20;
	v24 =	vmax.f32 v24, $0.0e+00;
	v28 =	vld [tilespmem:s23+$0xFFFFFEF0]  }
0x299: {  	v27 =	vmax.f32 v27, $0.0e+00;
	v31 =	vadd.f32 v34, v33;
	v32 =	vld [tilespmem:s12+$0xB0];
	v33 =	vperm.xlane v23, v0;
	[tilespmem:s29+$0x80] =	vst v18  }
0x29a: {  	v18 =	vmul.f32 v24, v7;
	v24 =	vmul.f32 v27, v8;
	v27 =	vld [tilespmem:s23+$0xFFFFFF00];
	[tilespmem:s29+$0x90] =	vst v19;
	v19 =	vsel vm0, v29, v4  }
0x29b: {  	v31 =	vmax.f32 v31, $0.0e+00;
	v25 =	vadd.f32 v25, v26;
	v26 =	vld [tilespmem:s12+$0x100];
	v23 =	vadd.f32 v23, v33;
	[tilespmem:s29+$0xA0] =	vst v20  }
0x29c: {  	v34 =	vmul.f32 v29, v17;
	v24 =	vadd.f32 v24, v18;
	v18 =	vmul.f32 v31, v5;
	v20 =	vld [tilespmem:s23+$0xFFFFFF50];
	[tilespmem:s29+$0xC0] =	vst v19  }
0x29d: {  	v19 =	vmax.f32 v25, $0.0e+00;
	v25 =	vadd.f32 v28, v30;
	v28 =	vld [tilespmem:s12+$0x110];
	v29 =	vperm.xlane v23, v1;
	v30 =	vpop (erf)  }
0x29e: {  	v19 =	vmul.f32 v19, v6;
	v31 =	vld [tilespmem:s23+$0xFFFFFF60];
	[tilespmem:s29+$0xB0] =	vst v34;
	v16 =	vmul.f32 v30, v16;
	v33 =	vsel vm0, v30, v4  }
0x29f: {  	v25 =	vmax.f32 v25, $0.0e+00;
	v27 =	vadd.f32 v27, v32;
	v32 =	vld [tilespmem:s12+$0x120];
	v23 =	vadd.f32 v23, v29;
	[tilespmem:s29+$0x140] =	vst v33;
	v17 =	vpop (erf)  }
0x2a0: {  	v25 =	vmul.f32 v25, v7;
	v18 =	vadd.f32 v19, v18;
	v19 =	vld [tilespmem:s23+$0xFFFFFF70];
	v12 =	vmul.f32 v17, v12;
	[tilespmem:s29+$0x100] =	vst v16  }
0x2a1: {  	v16 =	vmax.f32 v27, $0.0e+00;
	v20 =	vadd.f32 v20, v26;
	v26 =	vld [tilespmem:s12+$0x130];
	v27 =	vperm.xlane v23, v2  }
0x2a2: {  	v11 =	vmul.f32 v17, v11;
	v16 =	vmul.f32 v16, v8;
	v29 =	vld [tilespmem:s23+$0xFFFFFF80];
	[tilespmem:s29+$0x0] =	vst v12;
	v12 =	vsel vm0, v17, v4  }
0x2a3: {  	v33 =	vld [tilespmem:s12+$0x0];
	v20 =	vmax.f32 v20, $0.0e+00;
	v28 =	vadd.f32 v31, v28;
	v23 =	vadd.f32 v23, v27;
	[tilespmem:s29+$0x40] =	vst v12  }
0x2a4: {  	v12 =	vld [tilespmem:s12+$0x40];
	v16 =	vadd.f32 v16, v25;
	v20 =	vmul.f32 v20, v5;
	[tilespmem:s29+$0x10] =	vst v11;
	v25 =	vmul.f32 v17, v10  }
0x2a5: {  	v11 =	vld [tilespmem:s12+$0x50];
	v27 =	vmax.f32 v28, $0.0e+00;
	v19 =	vadd.f32 v19, v32;
	v28 =	vperm.xlane v23, v3  }
0x2a6: {  	v17 =	vmul.f32 v17, v9;
	v10 =	vld [tilespmem:s12+$0x60];
	v16 =	vadd.f32 v16, v18;
	v27 =	vmul.f32 v27, v6;
	[tilespmem:s29+$0x20] =	vst v25  }
0x2a7: {  	v9 =	vld [tilespmem:s12+$0x70];
	v19 =	vmax.f32 v19, $0.0e+00;
	v25 =	vadd.f32 v29, v26;
	v23 =	vadd.f32 v23, v28  }
0x2a8: {  	v21 =	vadd.f32 v21, v33;
	v18 =	vld [tilespmem:s12+$0xC0];
	v26 =	vmul.f32 v19, v7;
	v27 =	vadd.f32 v27, v20;
	[tilespmem:s29+$0x30] =	vst v17  }
0x2a9: {  	v17 =	vperm.xlane v16, v0;
	v19 =	vld [tilespmem:s12+$0xD0];
	v25 =	vmax.f32 v25, $0.0e+00;
	v23 =	vmul.f32 $1.442695020e+00, v23  }
0x2aa: {  	v15 =	vmul.f32 v30, v15;
	v21 =	vmax.f32 v21, $0.0e+00;
	v20 =	vld [tilespmem:s12+$0xE0];
	v25 =	vmul.f32 v25, v8  }
0x2ab: {  	v28 =	vadd.f32 v16, v17;
	v21 =	vmul.f32 v21, v5;
	v17 =	vld [tilespmem:s12+$0xF0];
	(erf) = vpow2.f32 v23  }
0x2ac: {  	v23 =	vadd.f32 v25, v26;
	v16 =	vld [tilespmem:s12+$0x140];
	[tilespmem:s29+$0x110] =	vst v15;
	v25 =	vmul.f32 v30, v13;
	v26 =	vmul.f32 v30, v14  }
0x2ad: {  	v14 =	vadd.f32 v22, v21;
	v21 =	vperm.xlane v28, v1;
	v15 =	vld [tilespmem:s12+$0x150]  }
0x2ae: {  	v22 =	vadd.f32 v23, v27;
	v13 =	vld [tilespmem:s12+$0x160];
	[tilespmem:s29+$0x120] =	vst v25  }
.Ltmp5:
0x2af: {  	v25 =	vadd.f32 v24, v14;
	v21 =	vadd.f32 v28, v21;
	v14 =	vld [tilespmem:s12+$0x170];
	[tilespmem:s29+$0x130] =	vst v26;
	s29 =	smov.u32 s12;
	(pc) =	sbr.rel @p1 .LBB2_9-.Ltmp5, $4  }
0x2b0: {  	v26 =	vperm.xlane v22, v0;
	v24 =	vld [tilespmem:s12+$0x1F0]  }
0x2b1: {  	v27 =	vperm.xlane v25, v0;
	v28 =	vperm.xlane v21, v2;
	v23 =	vld [tilespmem:s12+$0x1C0]  }
0x2b2: {  	v26 =	vadd.f32 v22, v26;
	v22 =	vld [tilespmem:s12+$0x1D0]  }
0x2b3: {  	s12 =	sadd.s32 $0x200, s12;
	v27 =	vadd.f32 v25, v27;
	v25 =	vadd.f32 v21, v28;
	v21 =	vld [tilespmem:s29+$0x1E0]  }
0x2b4: {  	v28 =	vperm.xlane v26, v1;
	_ =	sdelay $0x1  }
0x2b5: {  	v29 =	vperm.xlane v27, v1;
	v26 =	vadd.f32 v26, v28  }
0x2b6: {  	v30 =	vperm.xlane v25, v3  }
0x2b7: {  	v27 =	vadd.f32 v27, v29;
	v28 =	vperm.xlane v26, v2  }
0x2b8: {  	v25 =	vadd.f32 v25, v30  }
0x2b9: {  	v29 =	vperm.xlane v27, v2;
	v26 =	vadd.f32 v26, v28  }
0x2ba: {  	v25 =	vmul.f32 $1.442695020e+00, v25  }
0x2bb: {  	v27 =	vadd.f32 v27, v29;
	v28 =	vperm.xlane v26, v3  }
0x2bc: {  	(erf) = vpow2.f32 v25  }
0x2bd: {  	v55 =	vperm.xlane v27, v3;
	v26 =	vadd.f32 v26, v28;
	_ =	sdelay $0x1  }
0x2be: {  	v56 =	vpop (erf);
	v25 =	vadd.f32 v27, v55;
	v26 =	vmul.f32 $1.442695020e+00, v26  }
0x2bf: {  	v24 =	vmul.f32 v56, v24  }
0x2c0: {  	v57 =	vsel vm0, v56, v4;
	v25 =	vmul.f32 $1.442695020e+00, v25;
	(erf) = vpow2.f32 v26  }
0x2c1: {  	v23 =	vmul.f32 v56, v23;
	[tilespmem:s29+$0x1C0] =	vst v57  }
0x2c2: {  	v22 =	vmul.f32 v56, v22;
	[tilespmem:s29+$0x1B0] =	vst v24;
	(erf) = vpow2.f32 v25  }
0x2c3: {  	[tilespmem:s29+$0x180] =	vst v23;
	v21 =	vmul.f32 v56, v21  }
0x2c4: {  	[tilespmem:s29+$0x190] =	vst v22;
	v58 =	vpop (erf)  }
0x2c5: {  	[tilespmem:s29+$0x1A0] =	vst v21;
	v18 =	vmul.f32 v58, v18;
	v59 =	vsel vm0, v58, v4  }
0x2c6: {  	v19 =	vmul.f32 v58, v19;
	[tilespmem:s29+$0xC0] =	vst v59  }
0x2c7: {  	v20 =	vmul.f32 v58, v20;
	[tilespmem:s29+$0x80] =	vst v18  }
0x2c8: {  	v17 =	vmul.f32 v58, v17;
	[tilespmem:s29+$0x90] =	vst v19  }
0x2c9: {  	[tilespmem:s29+$0xA0] =	vst v20;
	v60 =	vpop (erf)  }
0x2ca: {  	[tilespmem:s29+$0xB0] =	vst v17;
	v16 =	vmul.f32 v60, v16;
	v61 =	vsel vm0, v60, v4  }
0x2cb: {  	v62 =	vpop (erf);
	[tilespmem:s29+$0x140] =	vst v61  }
0x2cc: {  	v12 =	vmul.f32 v62, v12;
	v63 =	vsel vm0, v62, v4;
	[tilespmem:s29+$0x100] =	vst v16  }
0x2cd: {  	v11 =	vmul.f32 v62, v11;
	[tilespmem:s29+$0x40] =	vst v63  }
0x2ce: {  	v10 =	vmul.f32 v62, v10;
	[tilespmem:s29+$0x0] =	vst v12  }
0x2cf: {  	v9 =	vmul.f32 v62, v9;
	[tilespmem:s29+$0x10] =	vst v11  }
0x2d0: {  	[tilespmem:s29+$0x20] =	vst v10;
	v10 =	vmul.f32 v60, v15  }
0x2d1: {  	[tilespmem:s29+$0x30] =	vst v9;
	v9 =	vmul.f32 v60, v13  }
0x2d2: {  	[tilespmem:s29+$0x110] =	vst v10;
	v10 =	vmul.f32 v60, v14  }
0x2d3: {  	[tilespmem:s29+$0x120] =	vst v9  }
.Ltmp6:
0x2d4: {  	[tilespmem:s29+$0x130] =	vst v10;
	(pc) =	sbr.rel @p0 .LBB2_12-.Ltmp6, $4  }
0x2d5: {  	[spmem:s3] =	stream.indirect.scatter.add.f32 [tilespmem:s14], [sflag:$0x9], $0x80, s2, s8, $0xb8;
	[tilespmem:$0x1E080] =	vst v63  }
0x2d6: {  	_ =	swait.ge [sflag:s25], $0x2800  }
0x2d7: {  	[sflag:s25] =	ssyncset.done $0x0  }
0x2d8: {  	[sflag:s25] =	ssyncadd.s32 $0xFFFFD800  }
0x2d9: {  	_ =	swait.ge [sflag:s13], $0x80  }
0x2da: {  	[sflag:s13] =	ssyncset.done $0x0  }
0x2db: {  	[sflag:s13] =	ssyncadd.s32 $0xFFFFFF80  }
0x2dc: {  	_ =	swait.ge [sflag:s13], $0x80  }
0x2dd: {  	s11 =	sadd.s32 $0x7, s11;
	[sflag:s13] =	ssyncset.done $0x0  }
0x2de: {  	s12 =	simm.s32 $0x80;
	s31 =	sadd.s32 s9, s11;
	[sflag:s13] =	ssyncadd.s32 $0xFFFFFF80  }
0x2df: {  	[tilespmem:s14], [sflag:$0x2] =	stream.indirect.gather [hbm4b:s20+s8], $0x80, s12, s8, $0xb8;
	[tilespmem:$0x1E080] =	vst v63  }
0x2e0: {  	s11 =	sshll.u32 s11, $0x4;
	s12 =	sshll.u32 s31, $0x4  }
0x2e1: {  	s11 =	sand.u32 $0x70, s11;
	s12 =	sand.u32 $0x3FF80, s12  }
0x2e2: {  	[tilespmem:s15], [sflag:$0x4] =	stream.indirect.gather [hbm4b:s6+s8], $0x80, s30, s8, $0xb8;
	[tilespmem:$0x1E080] =	vst v63  }
.Ltmp7:
0x2e3: {  	s11 =	sor.u32 s11, s12;
	(pc) =	sbr.rel .LBB2_2-.Ltmp7, $4  }
0x2e4: {  	s12 =	sadd.s32 s1, s11  }
0x2e5: {  	[tilespmem:s4], [sflag:$0x8] =	stream.linear.gather [hbm4b:s12+s5], $0x80, $0x38;
	[tilespmem:$0x1E080] =	vst v63  }
0x2e6: {  	s26 =	sadd.s32 $0x1, s26;
	s11 =	sadd.s32 s7, s11  }
0x2e7: {  	[tilespmem:s2], [sflag:$0x8] =	stream.linear.gather [hbm4b:s11+s5], $0x80, $0x38;
	[tilespmem:$0x1E080] =	vst v63  }
.LBB2_13:
0x2e8: {  	_ =	sfence.sel $0x180000  }
0x2e9: {  	[bflag:$0x0] =	sbarrier.arrive $0xFFFF  }
0x2ea: {  	_ =	strace $0x90000047  }
0x2eb: {  	s0 =	stileid.u32;
	[bflag:$0x2] =	sbarrier.arrive $0xFFFF  }
0x2ec: {  	p0 =	sne.s32 s0, $0x0;
	s0 =	rddreg [dreg:$0x4]  }
0x2ed: {  	s0 =	sadd.s32 @!p0 $0x100000, s0  }
0x2ee: {  	[sflag:s0] =	ssyncadd.tile.s32 @!p0 $0x1;
	_ =	shalt  }
.Lfunc_end2:
_tile_overlayer_lowered:
.L_overlay_start_2:
0x2ef: {  	(tag) =	ssettag $0x2  }
0x2f0: {  	s0 =	rddreg [dreg:$0x0];
	s2 =	stileid.u32  }
0x2f1: {  	s1 =	rddreg [dreg:$0x1];
	p0 =	sne.s32 s2, $0x0  }
0x2f2: {  	s3 =	rddreg [dreg:$0x2];
	[bflag:$0x3] =	sbarrier.arrive $0xFFFF;
	s2 =	simm.s32 @!p0 $0x1C09  }
0x2f3: {  	[timem:s3], [sflag:s2] =	dma.local @!p0 [hbm:s0], s1  }
0x2f4: {  	s0 =	simm.s32 @!p0 $0x9  }
0x2f5: {  	_ =	swait.ge @!p0 [sflag:s0], s1  }
0x2f6: {  	s1 =	ssub.s32 @!p0 $0x0, s1;
	[sflag:s0] =	ssyncset.done @!p0 $0x0  }
0x2f7: {  	[sflag:s0] =	ssyncadd.s32 @!p0 s1  }
0x2f8: {  	[bflag:$0x3] =	sbarrier.arrive $0xFFFF  }
0x2f9: {  	_ =	shalt  }

</sc_bundles>
